<compile_context>
chip_gen: v7x
topology: tpu7x:2x2x1
jax: 0.10.2.dev20260603
libtpu: 0.0.44.dev20260713+nightly
codegen_flags: <defaults>
</compile_context>

<pallas_src>
import jax
import jax.numpy as jnp
from jax import lax
from jax.experimental import pallas as pl
from jax.experimental.pallas import tpu as pltpu
from jax.experimental.pallas import tpu_sc as plsc

N = 128 * 32768
NTOP = 64 * 128
NC, NS, L = 2, 16, 16
NW = NC * NS
PER_W = N // NW
CHUNK = 8192
VECS = CHUNK // L
NCHUNK = PER_W // CHUNK

NB1, NB2, NB3 = 2048, 1024, 1024
SH1, SH2 = 20, 10

_MESH = plsc.VectorSubcoreMesh(
    core_axis_name="c", subcore_axis_name="s", num_cores=NC, num_subcores=NS)


def _iota():
    return lax.iota(jnp.int32, L)


def _at_lane(vec, lane):
    return jnp.sum(jnp.where(_iota() == lane, vec, jnp.zeros((L,), vec.dtype)))


def _worker_id():
    return lax.axis_index("s") * NC + lax.axis_index("c")


def _zero_hist(ref, nb):
    z = jnp.zeros((L,), jnp.int32)

    @plsc.parallel_loop(0, nb // L, unroll=8)
    def _(j):
        ref[pl.ds(j * L, L)] = z


def _merge_rows(all_ref, hm_ref, nb):

    @plsc.parallel_loop(0, nb // L, unroll=2)
    def _(jb):
        acc = jnp.zeros((L,), jnp.int32)
        for w in range(NW):
            acc = acc + all_ref[w, pl.ds(jb * L, L)]
        hm_ref[pl.ds(jb * L, L)] = acc


def _find_cross(hm_ref, nb, r):
    iot = _iota()

    def body(i, car):
        b, g, cum = car
        j = nb // L - 1 - i
        v = hm_ref[pl.ds(j * L, L)]
        rv = lax.rev(v, dimensions=(0,))
        cs = plsc.cumsum(rv)
        total = jnp.sum(v)
        cross = (cs + cum) >= r
        anyc = jnp.any(cross)
        lane = jnp.min(jnp.where(cross, iot, jnp.full((L,), L, jnp.int32)))
        csl = _at_lane(cs, lane)
        rvl = _at_lane(rv, lane)
        newly = jnp.logical_and(anyc, b < 0)
        b = jnp.where(newly, j * L + (L - 1) - lane, b)
        g = jnp.where(newly, cum + csl - rvl, g)
        return (b, g, cum + total)

    b, g, _ = lax.fori_loop(
        0, nb // L, body,
        (jnp.int32(-1), jnp.int32(0), jnp.int32(0)))
    return b, g


def _hist_pass(x_ref, dbuf, hist_ref, base, bucket_fn):
    ones = jnp.ones((L,), jnp.int32)

    def cbody(i, _):
        pltpu.sync_copy(x_ref.at[pl.ds(base + i * CHUNK, CHUNK)], dbuf)

        @plsc.parallel_loop(0, VECS, unroll=8)
        def _(t):
            v = dbuf[pl.ds(t * L, L)]
            k = lax.bitcast_convert_type(v, jnp.int32)
            idx, m = bucket_fn(k)
            plsc.addupdate_scatter(hist_ref, [idx], ones, mask=m)

        return 0

    lax.fori_loop(0, NCHUNK, cbody, 0)


def _scalars_to_vec(vals):
    iot = _iota()
    out = jnp.zeros((L,), jnp.int32)
    for i, v in enumerate(vals):
        out = jnp.where(iot == i, v, out)
    return out


def _l1_body(x_ref, h1_ref, dbuf, hist):
    wid = _worker_id()
    _zero_hist(hist, NB1)

    def bucket(k):
        uk = jnp.maximum(k, 0)
        return uk >> SH1, k > 0

    _hist_pass(x_ref, dbuf, hist, wid * PER_W, bucket)
    pltpu.sync_copy(hist, h1_ref.at[wid])


def _l2_body(x_ref, h1_ref, h2_ref, s1_ref, dbuf, allbuf, hm, hist, svec):
    wid = _worker_id()
    pltpu.sync_copy(h1_ref, allbuf)
    _merge_rows(allbuf, hm, NB1)
    b1, g1 = _find_cross(hm, NB1, jnp.int32(NTOP))

    _zero_hist(hist, NB2)

    def bucket(k):
        uk = jnp.maximum(k, 0)
        m = jnp.logical_and(uk >> SH1 == b1, k > 0)
        return (uk >> SH2) & (NB2 - 1), m

    _hist_pass(x_ref, dbuf, hist, wid * PER_W, bucket)
    pltpu.sync_copy(hist, h2_ref.at[wid])

    svec[...] = _scalars_to_vec([b1, g1])

    @pl.when(wid == 0)
    def _():
        pltpu.sync_copy(svec, s1_ref)


def _l3_body(x_ref, h2_ref, s1_ref, h3_ref, s2_ref, dbuf, allbuf, hm, hist,
             svec):
    wid = _worker_id()
    pltpu.sync_copy(s1_ref, svec)
    sv = svec[...]
    b1, g1 = _at_lane(sv, 0), _at_lane(sv, 1)

    pltpu.sync_copy(h2_ref, allbuf)
    _merge_rows(allbuf, hm, NB2)
    b2, g2i = _find_cross(hm, NB2, NTOP - g1)
    g2 = g1 + g2i

    _zero_hist(hist, NB3)
    pref = (b1 << (SH1 - SH2)) | b2

    def bucket(k):
        uk = jnp.maximum(k, 0)
        m = jnp.logical_and(uk >> SH2 == pref, k > 0)
        return uk & (NB3 - 1), m

    _hist_pass(x_ref, dbuf, hist, wid * PER_W, bucket)
    pltpu.sync_copy(hist, h3_ref.at[wid])

    svec[...] = _scalars_to_vec([b2, g2])

    @pl.when(wid == 0)
    def _():
        pltpu.sync_copy(svec, s2_ref)


def _l4_body(x_ref, s1_ref, s2_ref, h3_ref, out_ref, dbuf, obuf, allbuf, hm,
             svec):
    wid = _worker_id()
    base = wid * PER_W

    pltpu.sync_copy(s1_ref, svec)
    sv = svec[...]
    b1 = _at_lane(sv, 0)
    pltpu.sync_copy(s2_ref, svec)
    sv = svec[...]
    b2, g2 = _at_lane(sv, 0), _at_lane(sv, 1)

    pltpu.sync_copy(h3_ref, allbuf)
    _merge_rows(allbuf, hm, NB3)
    b3, g3i = _find_cross(hm, NB3, NTOP - g2)
    g = g2 + g3i

    t_key = (b1 << SH1) | (b2 << SH2) | b3
    vb3 = hm[pl.ds((b3 >> 4) << 4, L)]
    e_cnt = _at_lane(vb3, b3 & (L - 1))
    quota = NTOP - g

    def bbody(w, acc):
        vw = allbuf[w, pl.ds((b3 >> 4) << 4, L)]
        ew = _at_lane(vw, b3 & (L - 1))
        return acc + jnp.where(w < wid, ew, 0)

    tie_base = lax.fori_loop(0, NW, bbody, jnp.int32(0))

    simple = jnp.logical_or(b1 < 0, e_cnt == quota)
    t_eff = jnp.where(b1 < 0, jnp.int32(1), t_key)

    @pl.when(simple)
    def _():
        def cbody(i, _):
            off = base + i * CHUNK
            pltpu.sync_copy(x_ref.at[pl.ds(off, CHUNK)], dbuf)

            @plsc.parallel_loop(0, VECS, unroll=8)
            def _(t):
                v = dbuf[pl.ds(t * L, L)]
                k = lax.bitcast_convert_type(v, jnp.int32)
                obuf[pl.ds(t * L, L)] = jnp.where(
                    k >= t_eff, v, jnp.zeros((L,), jnp.float32))

            pltpu.sync_copy(obuf, out_ref.at[pl.ds(off, CHUNK)])
            return 0

        lax.fori_loop(0, NCHUNK, cbody, 0)

    @pl.when(jnp.logical_not(simple))
    def _():
        def cbody(i, cnt):
            off = base + i * CHUNK
            pltpu.sync_copy(x_ref.at[pl.ds(off, CHUNK)], dbuf)

            def vbody(t, c):
                v = dbuf[pl.ds(t * L, L)]
                k = lax.bitcast_convert_type(v, jnp.int32)
                gt = k > t_key
                eq = k == t_key
                cs = plsc.cumsum(eq.astype(jnp.int32))
                keep_t = jnp.logical_and(eq, (tie_base + c + cs) <= quota)
                obuf[pl.ds(t * L, L)] = jnp.where(
                    jnp.logical_or(gt, keep_t), v, jnp.zeros((L,), jnp.float32))
                return c + _at_lane(cs, L - 1)

            cnt = lax.fori_loop(0, VECS, vbody, cnt)
            pltpu.sync_copy(obuf, out_ref.at[pl.ds(off, CHUNK)])
            return cnt

        lax.fori_loop(0, NCHUNK, cbody, jnp.int32(0))


def _i32(*shape):
    return jax.ShapeDtypeStruct(shape, jnp.int32)


_PARAMS = pltpu.CompilerParams(needs_layout_passes=False)

_l1 = pl.kernel(
    _l1_body, out_type=_i32(NW, NB1), mesh=_MESH,
    compiler_params=_PARAMS,
    scratch_types=[pltpu.VMEM((CHUNK,), jnp.float32),
                   pltpu.VMEM((NB1,), jnp.int32)])

_l2 = pl.kernel(
    _l2_body, compiler_params=_PARAMS, out_type=(_i32(NW, NB2), _i32(L)), mesh=_MESH,
    scratch_types=[pltpu.VMEM((CHUNK,), jnp.float32),
                   pltpu.VMEM((NW, NB1), jnp.int32),
                   pltpu.VMEM((NB1,), jnp.int32),
                   pltpu.VMEM((NB2,), jnp.int32),
                   pltpu.VMEM((L,), jnp.int32)])

_l3 = pl.kernel(
    _l3_body, compiler_params=_PARAMS, out_type=(_i32(NW, NB3), _i32(L)), mesh=_MESH,
    scratch_types=[pltpu.VMEM((CHUNK,), jnp.float32),
                   pltpu.VMEM((NW, NB2), jnp.int32),
                   pltpu.VMEM((NB2,), jnp.int32),
                   pltpu.VMEM((NB3,), jnp.int32),
                   pltpu.VMEM((L,), jnp.int32)])

_l4 = pl.kernel(
    _l4_body, compiler_params=_PARAMS,
    out_type=jax.ShapeDtypeStruct((N,), jnp.float32), mesh=_MESH,
    scratch_types=[pltpu.VMEM((CHUNK,), jnp.float32),
                   pltpu.VMEM((CHUNK,), jnp.float32),
                   pltpu.VMEM((NW, NB3), jnp.int32),
                   pltpu.VMEM((NB3,), jnp.int32),
                   pltpu.VMEM((L,), jnp.int32)])


def kernel(x):
    xf = x.reshape(N)
    h1 = _l1(xf)
    h2, s1 = _l2(xf, h1)
    h3, s2 = _l3(xf, h2, s1)
    out = _l4(xf, s1, s2, h3)
    return out.reshape(x.shape)

# --- scband reference (transcript-rebuilt; emitter-appended) ---
"""Pipeline reference for scband-batch-top-k-111669149796 (READ-ONLY COPY).

The authoritative reference and input builder live on the scoring server;
editing this copy changes nothing except your own understanding.
"""

import jax, jax.numpy as jnp
import numpy as np

K = 64

def setup_inputs(seed: int = 0) -> dict:
    key = jax.random.key(seed)
    x = jax.random.normal(key, (128, 32768), dtype=jnp.float32)
    return {"x": x}

def reference(x):
    acts = jax.nn.relu(x)
    flat_acts = acts.flatten()
    n_top = K * acts.shape[0]
    vals, idx = jax.lax.top_k(flat_acts, n_top)
    out = jnp.zeros_like(flat_acts).at[idx].set(vals)
    return out.reshape(acts.shape)

if __name__ == "__main__":
    import jax
    _d = setup_inputs()
    print(jax.jit(kernel)(*tuple(_d.values())))

</pallas_src>

<mosaic_0001>
#map = affine_map<(d0, d1) -> (0)>
#map1 = affine_map<(d0, d1) -> (0, 0)>
module attributes {stable_mosaic.version = 14 : i64} {
  func.func @_l2_body(%arg0: i32, %arg1: i32, %arg2: memref<4194304xf32, #tpu.memory_space<hbm>>, %arg3: memref<32x2048xi32, #tpu.memory_space<hbm>>, %arg4: memref<32x1024xi32, #tpu.memory_space<hbm>>, %arg5: memref<16xi32, #tpu.memory_space<hbm>>, %arg6: memref<8192xf32, #tpu.memory_space<vmem>>, %arg7: memref<32x2048xi32, #tpu.memory_space<vmem>>, %arg8: memref<2048xi32, #tpu.memory_space<vmem>>, %arg9: memref<1024xi32, #tpu.memory_space<vmem>>, %arg10: memref<16xi32, #tpu.memory_space<vmem>>) attributes {dimension_semantics = [#tpu.dimension_semantics<core_parallel>, #tpu.dimension_semantics<subcore_parallel>], iteration_bounds = array<i64: 2, 16>, scalar_prefetch = 0 : i64, scratch_operands = 5 : i64, tpu.core_type = #tpu.core_type<sc_vector_subcore>, window_params = [{transform_indices = #map}, {transform_indices = #map1}, {transform_indices = #map1}, {transform_indices = #map}]} {
    %mul3A = arith.constant 2 : i32
    %mul3A_0 = arith.muli %arg1, %mul3A : i32
    %add3A = arith.addi %mul3A_0, %arg0 : i32
    "tpu.region"() ({
      %run_scoped3A = tpu.sem_alloc : memref<!tpu.dma_semaphore, #tpu.memory_space<semaphore_mem>>
      tpu.enqueue_dma source(%arg3 : memref<32x2048xi32, #tpu.memory_space<hbm>>) target(%arg7 : memref<32x2048xi32, #tpu.memory_space<vmem>>) target_semaphore(%run_scoped3A : memref<!tpu.dma_semaphore, #tpu.memory_space<semaphore_mem>>)
      tpu.wait_dma2 semaphore(%run_scoped3A : memref<!tpu.dma_semaphore, #tpu.memory_space<semaphore_mem>>) src(%arg3 : memref<32x2048xi32, #tpu.memory_space<hbm>>) dst(%arg7 : memref<32x2048xi32, #tpu.memory_space<vmem>>)
      tpu.yield
    }) : () -> ()
    %parallel_loop3A = arith.constant 0 : i32
    %parallel_loop3A_1 = arith.constant 128 : i32
    %parallel_loop3A_2 = arith.constant 1 : i32
    scf.for %parallel_loop3A_42 = %parallel_loop3A to %parallel_loop3A_1 step %parallel_loop3A_2  : i32 {
      %parallel_loop3A_43 = arith.constant 0 : i32
      %parallel_loop3A_44 = vector.broadcast %parallel_loop3A_43 : i32 to vector<16xi32>
      %parallel_loop3A_45 = arith.constant 16 : i32
      %parallel_loop3A_46 = arith.muli %parallel_loop3A_42, %parallel_loop3A_45 : i32
      %parallel_loop3A_47 = arith.constant 0 : i32
      %parallel_loop3A_48 = arith.index_cast %parallel_loop3A_47 : i32 to index
      %parallel_loop3A_49 = arith.index_cast %parallel_loop3A_46 : i32 to index
      %parallel_loop3A_50 = tpu.vector_load %arg7[%parallel_loop3A_48, %parallel_loop3A_49] {strides = array<i32>} : memref<32x2048xi32, #tpu.memory_space<vmem>>, vector<16xi32>,
      %parallel_loop3A_51 = arith.addi %parallel_loop3A_44, %parallel_loop3A_50 : vector<16xi32>
      %parallel_loop3A_52 = arith.constant 16 : i32
      %parallel_loop3A_53 = arith.muli %parallel_loop3A_42, %parallel_loop3A_52 : i32
      %parallel_loop3A_54 = arith.constant 1 : i32
      %parallel_loop3A_55 = arith.index_cast %parallel_loop3A_54 : i32 to index
      %parallel_loop3A_56 = arith.index_cast %parallel_loop3A_53 : i32 to index
      %parallel_loop3A_57 = tpu.vector_load %arg7[%parallel_loop3A_55, %parallel_loop3A_56] {strides = array<i32>} : memref<32x2048xi32, #tpu.memory_space<vmem>>, vector<16xi32>,
      %parallel_loop3A_58 = arith.addi %parallel_loop3A_51, %parallel_loop3A_57 : vector<16xi32>
      %parallel_loop3A_59 = arith.constant 16 : i32
      %parallel_loop3A_60 = arith.muli %parallel_loop3A_42, %parallel_loop3A_59 : i32
      %parallel_loop3A_61 = arith.constant 2 : i32
      %parallel_loop3A_62 = arith.index_cast %parallel_loop3A_61 : i32 to index
      %parallel_loop3A_63 = arith.index_cast %parallel_loop3A_60 : i32 to index
      %parallel_loop3A_64 = tpu.vector_load %arg7[%parallel_loop3A_62, %parallel_loop3A_63] {strides = array<i32>} : memref<32x2048xi32, #tpu.memory_space<vmem>>, vector<16xi32>,
      %parallel_loop3A_65 = arith.addi %parallel_loop3A_58, %parallel_loop3A_64 : vector<16xi32>
      %parallel_loop3A_66 = arith.constant 16 : i32
      %parallel_loop3A_67 = arith.muli %parallel_loop3A_42, %parallel_loop3A_66 : i32
      %parallel_loop3A_68 = arith.constant 3 : i32
      %parallel_loop3A_69 = arith.index_cast %parallel_loop3A_68 : i32 to index
      %parallel_loop3A_70 = arith.index_cast %parallel_loop3A_67 : i32 to index
      %parallel_loop3A_71 = tpu.vector_load %arg7[%parallel_loop3A_69, %parallel_loop3A_70] {strides = array<i32>} : memref<32x2048xi32, #tpu.memory_space<vmem>>, vector<16xi32>,
      %parallel_loop3A_72 = arith.addi %parallel_loop3A_65, %parallel_loop3A_71 : vector<16xi32>
      %parallel_loop3A_73 = arith.constant 16 : i32
      %parallel_loop3A_74 = arith.muli %parallel_loop3A_42, %parallel_loop3A_73 : i32
      %parallel_loop3A_75 = arith.constant 4 : i32
      %parallel_loop3A_76 = arith.index_cast %parallel_loop3A_75 : i32 to index
      %parallel_loop3A_77 = arith.index_cast %parallel_loop3A_74 : i32 to index
      %parallel_loop3A_78 = tpu.vector_load %arg7[%parallel_loop3A_76, %parallel_loop3A_77] {strides = array<i32>} : memref<32x2048xi32, #tpu.memory_space<vmem>>, vector<16xi32>,
      %parallel_loop3A_79 = arith.addi %parallel_loop3A_72, %parallel_loop3A_78 : vector<16xi32>
      %parallel_loop3A_80 = arith.constant 16 : i32
      %parallel_loop3A_81 = arith.muli %parallel_loop3A_42, %parallel_loop3A_80 : i32
      %parallel_loop3A_82 = arith.constant 5 : i32
      %parallel_loop3A_83 = arith.index_cast %parallel_loop3A_82 : i32 to index
      %parallel_loop3A_84 = arith.index_cast %parallel_loop3A_81 : i32 to index
      %parallel_loop3A_85 = tpu.vector_load %arg7[%parallel_loop3A_83, %parallel_loop3A_84] {strides = array<i32>} : memref<32x2048xi32, #tpu.memory_space<vmem>>, vector<16xi32>,
      %parallel_loop3A_86 = arith.addi %parallel_loop3A_79, %parallel_loop3A_85 : vector<16xi32>
      %parallel_loop3A_87 = arith.constant 16 : i32
      %parallel_loop3A_88 = arith.muli %parallel_loop3A_42, %parallel_loop3A_87 : i32
      %parallel_loop3A_89 = arith.constant 6 : i32
      %parallel_loop3A_90 = arith.index_cast %parallel_loop3A_89 : i32 to index
      %parallel_loop3A_91 = arith.index_cast %parallel_loop3A_88 : i32 to index
      %parallel_loop3A_92 = tpu.vector_load %arg7[%parallel_loop3A_90, %parallel_loop3A_91] {strides = array<i32>} : memref<32x2048xi32, #tpu.memory_space<vmem>>, vector<16xi32>,
      %parallel_loop3A_93 = arith.addi %parallel_loop3A_86, %parallel_loop3A_92 : vector<16xi32>
      %parallel_loop3A_94 = arith.constant 16 : i32
      %parallel_loop3A_95 = arith.muli %parallel_loop3A_42, %parallel_loop3A_94 : i32
      %parallel_loop3A_96 = arith.constant 7 : i32
      %parallel_loop3A_97 = arith.index_cast %parallel_loop3A_96 : i32 to index
      %parallel_loop3A_98 = arith.index_cast %parallel_loop3A_95 : i32 to index
      %parallel_loop3A_99 = tpu.vector_load %arg7[%parallel_loop3A_97, %parallel_loop3A_98] {strides = array<i32>} : memref<32x2048xi32, #tpu.memory_space<vmem>>, vector<16xi32>,
      %parallel_loop3A_100 = arith.addi %parallel_loop3A_93, %parallel_loop3A_99 : vector<16xi32>
      %parallel_loop3A_101 = arith.constant 16 : i32
      %parallel_loop3A_102 = arith.muli %parallel_loop3A_42, %parallel_loop3A_101 : i32
      %parallel_loop3A_103 = arith.constant 8 : i32
      %parallel_loop3A_104 = arith.index_cast %parallel_loop3A_103 : i32 to index
      %parallel_loop3A_105 = arith.index_cast %parallel_loop3A_102 : i32 to index
      %parallel_loop3A_106 = tpu.vector_load %arg7[%parallel_loop3A_104, %parallel_loop3A_105] {strides = array<i32>} : memref<32x2048xi32, #tpu.memory_space<vmem>>, vector<16xi32>,
      %parallel_loop3A_107 = arith.addi %parallel_loop3A_100, %parallel_loop3A_106 : vector<16xi32>
      %parallel_loop3A_108 = arith.constant 16 : i32
      %parallel_loop3A_109 = arith.muli %parallel_loop3A_42, %parallel_loop3A_108 : i32
      %parallel_loop3A_110 = arith.constant 9 : i32
      %parallel_loop3A_111 = arith.index_cast %parallel_loop3A_110 : i32 to index
      %parallel_loop3A_112 = arith.index_cast %parallel_loop3A_109 : i32 to index
      %parallel_loop3A_113 = tpu.vector_load %arg7[%parallel_loop3A_111, %parallel_loop3A_112] {strides = array<i32>} : memref<32x2048xi32, #tpu.memory_space<vmem>>, vector<16xi32>,
      %parallel_loop3A_114 = arith.addi %parallel_loop3A_107, %parallel_loop3A_113 : vector<16xi32>
      %parallel_loop3A_115 = arith.constant 16 : i32
      %parallel_loop3A_116 = arith.muli %parallel_loop3A_42, %parallel_loop3A_115 : i32
      %parallel_loop3A_117 = arith.constant 10 : i32
      %parallel_loop3A_118 = arith.index_cast %parallel_loop3A_117 : i32 to index
      %parallel_loop3A_119 = arith.index_cast %parallel_loop3A_116 : i32 to index
      %parallel_loop3A_120 = tpu.vector_load %arg7[%parallel_loop3A_118, %parallel_loop3A_119] {strides = array<i32>} : memref<32x2048xi32, #tpu.memory_space<vmem>>, vector<16xi32>,
      %parallel_loop3A_121 = arith.addi %parallel_loop3A_114, %parallel_loop3A_120 : vector<16xi32>
      %parallel_loop3A_122 = arith.constant 16 : i32
      %parallel_loop3A_123 = arith.muli %parallel_loop3A_42, %parallel_loop3A_122 : i32
      %parallel_loop3A_124 = arith.constant 11 : i32
      %parallel_loop3A_125 = arith.index_cast %parallel_loop3A_124 : i32 to index
      %parallel_loop3A_126 = arith.index_cast %parallel_loop3A_123 : i32 to index
      %parallel_loop3A_127 = tpu.vector_load %arg7[%parallel_loop3A_125, %parallel_loop3A_126] {strides = array<i32>} : memref<32x2048xi32, #tpu.memory_space<vmem>>, vector<16xi32>,
      %parallel_loop3A_128 = arith.addi %parallel_loop3A_121, %parallel_loop3A_127 : vector<16xi32>
      %parallel_loop3A_129 = arith.constant 16 : i32
      %parallel_loop3A_130 = arith.muli %parallel_loop3A_42, %parallel_loop3A_129 : i32
      %parallel_loop3A_131 = arith.constant 12 : i32
      %parallel_loop3A_132 = arith.index_cast %parallel_loop3A_131 : i32 to index
      %parallel_loop3A_133 = arith.index_cast %parallel_loop3A_130 : i32 to index
      %parallel_loop3A_134 = tpu.vector_load %arg7[%parallel_loop3A_132, %parallel_loop3A_133] {strides = array<i32>} : memref<32x2048xi32, #tpu.memory_space<vmem>>, vector<16xi32>,
      %parallel_loop3A_135 = arith.addi %parallel_loop3A_128, %parallel_loop3A_134 : vector<16xi32>
      %parallel_loop3A_136 = arith.constant 16 : i32
      %parallel_loop3A_137 = arith.muli %parallel_loop3A_42, %parallel_loop3A_136 : i32
      %parallel_loop3A_138 = arith.constant 13 : i32
      %parallel_loop3A_139 = arith.index_cast %parallel_loop3A_138 : i32 to index
      %parallel_loop3A_140 = arith.index_cast %parallel_loop3A_137 : i32 to index
      %parallel_loop3A_141 = tpu.vector_load %arg7[%parallel_loop3A_139, %parallel_loop3A_140] {strides = array<i32>} : memref<32x2048xi32, #tpu.memory_space<vmem>>, vector<16xi32>,
      %parallel_loop3A_142 = arith.addi %parallel_loop3A_135, %parallel_loop3A_141 : vector<16xi32>
      %parallel_loop3A_143 = arith.constant 16 : i32
      %parallel_loop3A_144 = arith.muli %parallel_loop3A_42, %parallel_loop3A_143 : i32
      %parallel_loop3A_145 = arith.constant 14 : i32
      %parallel_loop3A_146 = arith.index_cast %parallel_loop3A_145 : i32 to index
      %parallel_loop3A_147 = arith.index_cast %parallel_loop3A_144 : i32 to index
      %parallel_loop3A_148 = tpu.vector_load %arg7[%parallel_loop3A_146, %parallel_loop3A_147] {strides = array<i32>} : memref<32x2048xi32, #tpu.memory_space<vmem>>, vector<16xi32>,
      %parallel_loop3A_149 = arith.addi %parallel_loop3A_142, %parallel_loop3A_148 : vector<16xi32>
      %parallel_loop3A_150 = arith.constant 16 : i32
      %parallel_loop3A_151 = arith.muli %parallel_loop3A_42, %parallel_loop3A_150 : i32
      %parallel_loop3A_152 = arith.constant 15 : i32
      %parallel_loop3A_153 = arith.index_cast %parallel_loop3A_152 : i32 to index
      %parallel_loop3A_154 = arith.index_cast %parallel_loop3A_151 : i32 to index
      %parallel_loop3A_155 = tpu.vector_load %arg7[%parallel_loop3A_153, %parallel_loop3A_154] {strides = array<i32>} : memref<32x2048xi32, #tpu.memory_space<vmem>>, vector<16xi32>,
      %parallel_loop3A_156 = arith.addi %parallel_loop3A_149, %parallel_loop3A_155 : vector<16xi32>
      %parallel_loop3A_157 = arith.constant 16 : i32
      %parallel_loop3A_158 = arith.muli %parallel_loop3A_42, %parallel_loop3A_157 : i32
      %parallel_loop3A_159 = arith.constant 16 : i32
      %parallel_loop3A_160 = arith.index_cast %parallel_loop3A_159 : i32 to index
      %parallel_loop3A_161 = arith.index_cast %parallel_loop3A_158 : i32 to index
      %parallel_loop3A_162 = tpu.vector_load %arg7[%parallel_loop3A_160, %parallel_loop3A_161] {strides = array<i32>} : memref<32x2048xi32, #tpu.memory_space<vmem>>, vector<16xi32>,
      %parallel_loop3A_163 = arith.addi %parallel_loop3A_156, %parallel_loop3A_162 : vector<16xi32>
      %parallel_loop3A_164 = arith.constant 16 : i32
      %parallel_loop3A_165 = arith.muli %parallel_loop3A_42, %parallel_loop3A_164 : i32
      %parallel_loop3A_166 = arith.constant 17 : i32
      %parallel_loop3A_167 = arith.index_cast %parallel_loop3A_166 : i32 to index
      %parallel_loop3A_168 = arith.index_cast %parallel_loop3A_165 : i32 to index
      %parallel_loop3A_169 = tpu.vector_load %arg7[%parallel_loop3A_167, %parallel_loop3A_168] {strides = array<i32>} : memref<32x2048xi32, #tpu.memory_space<vmem>>, vector<16xi32>,
      %parallel_loop3A_170 = arith.addi %parallel_loop3A_163, %parallel_loop3A_169 : vector<16xi32>
      %parallel_loop3A_171 = arith.constant 16 : i32
      %parallel_loop3A_172 = arith.muli %parallel_loop3A_42, %parallel_loop3A_171 : i32
      %parallel_loop3A_173 = arith.constant 18 : i32
      %parallel_loop3A_174 = arith.index_cast %parallel_loop3A_173 : i32 to index
      %parallel_loop3A_175 = arith.index_cast %parallel_loop3A_172 : i32 to index
      %parallel_loop3A_176 = tpu.vector_load %arg7[%parallel_loop3A_174, %parallel_loop3A_175] {strides = array<i32>} : memref<32x2048xi32, #tpu.memory_space<vmem>>, vector<16xi32>,
      %parallel_loop3A_177 = arith.addi %parallel_loop3A_170, %parallel_loop3A_176 : vector<16xi32>
      %parallel_loop3A_178 = arith.constant 16 : i32
      %parallel_loop3A_179 = arith.muli %parallel_loop3A_42, %parallel_loop3A_178 : i32
      %parallel_loop3A_180 = arith.constant 19 : i32
      %parallel_loop3A_181 = arith.index_cast %parallel_loop3A_180 : i32 to index
      %parallel_loop3A_182 = arith.index_cast %parallel_loop3A_179 : i32 to index
      %parallel_loop3A_183 = tpu.vector_load %arg7[%parallel_loop3A_181, %parallel_loop3A_182] {strides = array<i32>} : memref<32x2048xi32, #tpu.memory_space<vmem>>, vector<16xi32>,
      %parallel_loop3A_184 = arith.addi %parallel_loop3A_177, %parallel_loop3A_183 : vector<16xi32>
      %parallel_loop3A_185 = arith.constant 16 : i32
      %parallel_loop3A_186 = arith.muli %parallel_loop3A_42, %parallel_loop3A_185 : i32
      %parallel_loop3A_187 = arith.constant 20 : i32
      %parallel_loop3A_188 = arith.index_cast %parallel_loop3A_187 : i32 to index
      %parallel_loop3A_189 = arith.index_cast %parallel_loop3A_186 : i32 to index
      %parallel_loop3A_190 = tpu.vector_load %arg7[%parallel_loop3A_188, %parallel_loop3A_189] {strides = array<i32>} : memref<32x2048xi32, #tpu.memory_space<vmem>>, vector<16xi32>,
      %parallel_loop3A_191 = arith.addi %parallel_loop3A_184, %parallel_loop3A_190 : vector<16xi32>
      %parallel_loop3A_192 = arith.constant 16 : i32
      %parallel_loop3A_193 = arith.muli %parallel_loop3A_42, %parallel_loop3A_192 : i32
      %parallel_loop3A_194 = arith.constant 21 : i32
      %parallel_loop3A_195 = arith.index_cast %parallel_loop3A_194 : i32 to index
      %parallel_loop3A_196 = arith.index_cast %parallel_loop3A_193 : i32 to index
      %parallel_loop3A_197 = tpu.vector_load %arg7[%parallel_loop3A_195, %parallel_loop3A_196] {strides = array<i32>} : memref<32x2048xi32, #tpu.memory_space<vmem>>, vector<16xi32>,
      %parallel_loop3A_198 = arith.addi %parallel_loop3A_191, %parallel_loop3A_197 : vector<16xi32>
      %parallel_loop3A_199 = arith.constant 16 : i32
      %parallel_loop3A_200 = arith.muli %parallel_loop3A_42, %parallel_loop3A_199 : i32
      %parallel_loop3A_201 = arith.constant 22 : i32
      %parallel_loop3A_202 = arith.index_cast %parallel_loop3A_201 : i32 to index
      %parallel_loop3A_203 = arith.index_cast %parallel_loop3A_200 : i32 to index
      %parallel_loop3A_204 = tpu.vector_load %arg7[%parallel_loop3A_202, %parallel_loop3A_203] {strides = array<i32>} : memref<32x2048xi32, #tpu.memory_space<vmem>>, vector<16xi32>,
      %parallel_loop3A_205 = arith.addi %parallel_loop3A_198, %parallel_loop3A_204 : vector<16xi32>
      %parallel_loop3A_206 = arith.constant 16 : i32
      %parallel_loop3A_207 = arith.muli %parallel_loop3A_42, %parallel_loop3A_206 : i32
      %parallel_loop3A_208 = arith.constant 23 : i32
      %parallel_loop3A_209 = arith.index_cast %parallel_loop3A_208 : i32 to index
      %parallel_loop3A_210 = arith.index_cast %parallel_loop3A_207 : i32 to index
      %parallel_loop3A_211 = tpu.vector_load %arg7[%parallel_loop3A_209, %parallel_loop3A_210] {strides = array<i32>} : memref<32x2048xi32, #tpu.memory_space<vmem>>, vector<16xi32>,
      %parallel_loop3A_212 = arith.addi %parallel_loop3A_205, %parallel_loop3A_211 : vector<16xi32>
      %parallel_loop3A_213 = arith.constant 16 : i32
      %parallel_loop3A_214 = arith.muli %parallel_loop3A_42, %parallel_loop3A_213 : i32
      %parallel_loop3A_215 = arith.constant 24 : i32
      %parallel_loop3A_216 = arith.index_cast %parallel_loop3A_215 : i32 to index
      %parallel_loop3A_217 = arith.index_cast %parallel_loop3A_214 : i32 to index
      %parallel_loop3A_218 = tpu.vector_load %arg7[%parallel_loop3A_216, %parallel_loop3A_217] {strides = array<i32>} : memref<32x2048xi32, #tpu.memory_space<vmem>>, vector<16xi32>,
      %parallel_loop3A_219 = arith.addi %parallel_loop3A_212, %parallel_loop3A_218 : vector<16xi32>
      %parallel_loop3A_220 = arith.constant 16 : i32
      %parallel_loop3A_221 = arith.muli %parallel_loop3A_42, %parallel_loop3A_220 : i32
      %parallel_loop3A_222 = arith.constant 25 : i32
      %parallel_loop3A_223 = arith.index_cast %parallel_loop3A_222 : i32 to index
      %parallel_loop3A_224 = arith.index_cast %parallel_loop3A_221 : i32 to index
      %parallel_loop3A_225 = tpu.vector_load %arg7[%parallel_loop3A_223, %parallel_loop3A_224] {strides = array<i32>} : memref<32x2048xi32, #tpu.memory_space<vmem>>, vector<16xi32>,
      %parallel_loop3A_226 = arith.addi %parallel_loop3A_219, %parallel_loop3A_225 : vector<16xi32>
      %parallel_loop3A_227 = arith.constant 16 : i32
      %parallel_loop3A_228 = arith.muli %parallel_loop3A_42, %parallel_loop3A_227 : i32
      %parallel_loop3A_229 = arith.constant 26 : i32
      %parallel_loop3A_230 = arith.index_cast %parallel_loop3A_229 : i32 to index
      %parallel_loop3A_231 = arith.index_cast %parallel_loop3A_228 : i32 to index
      %parallel_loop3A_232 = tpu.vector_load %arg7[%parallel_loop3A_230, %parallel_loop3A_231] {strides = array<i32>} : memref<32x2048xi32, #tpu.memory_space<vmem>>, vector<16xi32>,
      %parallel_loop3A_233 = arith.addi %parallel_loop3A_226, %parallel_loop3A_232 : vector<16xi32>
      %parallel_loop3A_234 = arith.constant 16 : i32
      %parallel_loop3A_235 = arith.muli %parallel_loop3A_42, %parallel_loop3A_234 : i32
      %parallel_loop3A_236 = arith.constant 27 : i32
      %parallel_loop3A_237 = arith.index_cast %parallel_loop3A_236 : i32 to index
      %parallel_loop3A_238 = arith.index_cast %parallel_loop3A_235 : i32 to index
      %parallel_loop3A_239 = tpu.vector_load %arg7[%parallel_loop3A_237, %parallel_loop3A_238] {strides = array<i32>} : memref<32x2048xi32, #tpu.memory_space<vmem>>, vector<16xi32>,
      %parallel_loop3A_240 = arith.addi %parallel_loop3A_233, %parallel_loop3A_239 : vector<16xi32>
      %parallel_loop3A_241 = arith.constant 16 : i32
      %parallel_loop3A_242 = arith.muli %parallel_loop3A_42, %parallel_loop3A_241 : i32
      %parallel_loop3A_243 = arith.constant 28 : i32
      %parallel_loop3A_244 = arith.index_cast %parallel_loop3A_243 : i32 to index
      %parallel_loop3A_245 = arith.index_cast %parallel_loop3A_242 : i32 to index
      %parallel_loop3A_246 = tpu.vector_load %arg7[%parallel_loop3A_244, %parallel_loop3A_245] {strides = array<i32>} : memref<32x2048xi32, #tpu.memory_space<vmem>>, vector<16xi32>,
      %parallel_loop3A_247 = arith.addi %parallel_loop3A_240, %parallel_loop3A_246 : vector<16xi32>
      %parallel_loop3A_248 = arith.constant 16 : i32
      %parallel_loop3A_249 = arith.muli %parallel_loop3A_42, %parallel_loop3A_248 : i32
      %parallel_loop3A_250 = arith.constant 29 : i32
      %parallel_loop3A_251 = arith.index_cast %parallel_loop3A_250 : i32 to index
      %parallel_loop3A_252 = arith.index_cast %parallel_loop3A_249 : i32 to index
      %parallel_loop3A_253 = tpu.vector_load %arg7[%parallel_loop3A_251, %parallel_loop3A_252] {strides = array<i32>} : memref<32x2048xi32, #tpu.memory_space<vmem>>, vector<16xi32>,
      %parallel_loop3A_254 = arith.addi %parallel_loop3A_247, %parallel_loop3A_253 : vector<16xi32>
      %parallel_loop3A_255 = arith.constant 16 : i32
      %parallel_loop3A_256 = arith.muli %parallel_loop3A_42, %parallel_loop3A_255 : i32
      %parallel_loop3A_257 = arith.constant 30 : i32
      %parallel_loop3A_258 = arith.index_cast %parallel_loop3A_257 : i32 to index
      %parallel_loop3A_259 = arith.index_cast %parallel_loop3A_256 : i32 to index
      %parallel_loop3A_260 = tpu.vector_load %arg7[%parallel_loop3A_258, %parallel_loop3A_259] {strides = array<i32>} : memref<32x2048xi32, #tpu.memory_space<vmem>>, vector<16xi32>,
      %parallel_loop3A_261 = arith.addi %parallel_loop3A_254, %parallel_loop3A_260 : vector<16xi32>
      %parallel_loop3A_262 = arith.constant 16 : i32
      %parallel_loop3A_263 = arith.muli %parallel_loop3A_42, %parallel_loop3A_262 : i32
      %parallel_loop3A_264 = arith.constant 31 : i32
      %parallel_loop3A_265 = arith.index_cast %parallel_loop3A_264 : i32 to index
      %parallel_loop3A_266 = arith.index_cast %parallel_loop3A_263 : i32 to index
      %parallel_loop3A_267 = tpu.vector_load %arg7[%parallel_loop3A_265, %parallel_loop3A_266] {strides = array<i32>} : memref<32x2048xi32, #tpu.memory_space<vmem>>, vector<16xi32>,
      %parallel_loop3A_268 = arith.addi %parallel_loop3A_261, %parallel_loop3A_267 : vector<16xi32>
      %parallel_loop3A_269 = arith.constant 16 : i32
      %parallel_loop3A_270 = arith.muli %parallel_loop3A_42, %parallel_loop3A_269 : i32
      %parallel_loop3A_271 = arith.index_cast %parallel_loop3A_270 : i32 to index
      %parallel_loop3A_272 = tpu.vector_load %arg8[%parallel_loop3A_271] {strides = array<i32>} : memref<2048xi32, #tpu.memory_space<vmem>>, vector<16xi32>,
      tpu.vector_store %arg8[%parallel_loop3A_271], %parallel_loop3A_268 {strides = array<i32>} : memref<2048xi32, #tpu.memory_space<vmem>>, vector<16xi32>,
    } {sc.loop_unroll_factor = 2 : i64, sc.parallel_access}
    %iota3A = tpu.iota {dimensions = array<i32: 0>} : vector<16xi32>
    %scan3A = arith.constant 8192 : i32
    %scan3A_3 = arith.constant -1 : i32
    %scan3A_4 = arith.constant 0 : i32
    %scan3A_5 = arith.constant 0 : i32
    %scan3A_6 = arith.constant 0 : i32
    %scan3A_7 = arith.constant 128 : i32
    %scan3A_8 = arith.addi %scan3A_6, %scan3A_7 : i32
    %scan3A_9 = arith.constant 1 : i32
    %scan3A_10:3 = scf.for %scan3A_42 = %scan3A_6 to %scan3A_8 step %scan3A_9 iter_args(%scan3A_43 = %scan3A_3, %scan3A_44 = %scan3A_4, %scan3A_45 = %scan3A_5) -> (i32, i32, i32)  : i32 {
      %sub3A = arith.constant 127 : i32
      %sub3A_46 = arith.subi %sub3A, %scan3A_42 : i32
      %mul3A_47 = arith.constant 16 : i32
      %mul3A_48 = arith.muli %sub3A_46, %mul3A_47 : i32
      %get3A = arith.index_cast %mul3A_48 : i32 to index
      %get3A_49 = tpu.vector_load %arg8[%get3A] {strides = array<i32>} : memref<2048xi32, #tpu.memory_space<vmem>>, vector<16xi32>,
      %rev3A = arith.constant 15 : i32
      %rev3A_50 = vector.broadcast %rev3A : i32 to vector<16xi32>
      %rev3A_51 = tpu.iota {dimensions = array<i32: 0>} : vector<16xi32>
      %rev3A_52 = arith.subi %rev3A_50, %rev3A_51 : vector<16xi32>
      %rev3A_53 = tpu.dynamic_gather %get3A_49[%rev3A_52] in [0] : vector<16xi32>, vector<16xi32> -> vector<16xi32>
      %broadcast_in_dim3A_54 = arith.constant true
      %broadcast_in_dim3A_55 = vector.broadcast %broadcast_in_dim3A_54 : i1 to vector<16xi1>
      %masked_cumsum3A = tpu.scan <sum>, %rev3A_53 masked %broadcast_in_dim3A_55 : vector<16xi32>, vector<16xi1> -> vector<16xi32>
      %reduce_sum3A = arith.constant true
      %reduce_sum3A_56 = vector.broadcast %reduce_sum3A : i1 to vector<16xi1>
      %reduce_sum3A_57 = tpu.scan <sum>, %get3A_49 masked %reduce_sum3A_56 : vector<16xi32>, vector<16xi1> -> vector<16xi32>
      %reduce_sum3A_58 = vector.extract %reduce_sum3A_57[15] : i32 from vector<16xi32>
      %add3A_59 = vector.broadcast %scan3A_45 : i32 to vector<16xi32>
      %add3A_60 = arith.addi %masked_cumsum3A, %add3A_59 : vector<16xi32>
      %ge3A = vector.broadcast %scan3A : i32 to vector<16xi32>
      %ge3A_61 = arith.cmpi sge, %add3A_60, %ge3A : vector<16xi32>
      %reduce_or3A = arith.constant 1.000000e+00 : f32
      %reduce_or3A_62 = arith.constant 0.000000e+00 : f32
      %reduce_or3A_63 = vector.broadcast %reduce_or3A : f32 to vector<16xf32>
      %reduce_or3A_64 = vector.broadcast %reduce_or3A_62 : f32 to vector<16xf32>
      %reduce_or3A_65 = arith.select %ge3A_61, %reduce_or3A_63, %reduce_or3A_64 : vector<16xi1>, vector<16xf32>
      %reduce_or3A_66 = arith.constant true
      %reduce_or3A_67 = vector.broadcast %reduce_or3A_66 : i1 to vector<16xi1>
      %reduce_or3A_68 = tpu.scan <max>, %reduce_or3A_65 masked %reduce_or3A_67 : vector<16xf32>, vector<16xi1> -> vector<16xf32>
      %reduce_or3A_69 = vector.extract %reduce_or3A_68[15] : f32 from vector<16xf32>
      %reduce_or3A_70 = arith.constant 0.000000e+00 : f32
      %reduce_or3A_71 = arith.cmpf ogt, %reduce_or3A_69, %reduce_or3A_70 : f32
      %broadcast_in_dim3A_72 = arith.constant 16 : i32
      %broadcast_in_dim3A_73 = vector.broadcast %broadcast_in_dim3A_72 : i32 to vector<16xi32>
      %select_n3A_74 = arith.select %ge3A_61, %iota3A, %broadcast_in_dim3A_73 : vector<16xi1>, vector<16xi32>
      %reduce_min3A = arith.constant true
      %reduce_min3A_75 = vector.broadcast %reduce_min3A : i1 to vector<16xi1>
      %reduce_min3A_76 = arith.constant -2147483648 : i32
      %reduce_min3A_77 = vector.broadcast %reduce_min3A_76 : i32 to vector<16xi32>
      %reduce_min3A_78 = arith.xori %select_n3A_74, %reduce_min3A_77 : vector<16xi32>
      %reduce_min3A_79 = tpu.scan <min>, %reduce_min3A_78 masked %reduce_min3A_75 : vector<16xi32>, vector<16xi1> -> vector<16xi32>
      %reduce_min3A_80 = arith.xori %reduce_min3A_79, %reduce_min3A_77 : vector<16xi32>
      %reduce_min3A_81 = vector.extract %reduce_min3A_80[15] : i32 from vector<16xi32>
      %iota3A_82 = tpu.iota {dimensions = array<i32: 0>} : vector<16xi32>
      %eq3A_83 = vector.broadcast %reduce_min3A_81 : i32 to vector<16xi32>
      %eq3A_84 = arith.cmpi eq, %iota3A_82, %eq3A_83 : vector<16xi32>
      %broadcast_in_dim3A_85 = arith.constant 0 : i32
      %broadcast_in_dim3A_86 = vector.broadcast %broadcast_in_dim3A_85 : i32 to vector<16xi32>
      %select_n3A_87 = arith.select %eq3A_84, %masked_cumsum3A, %broadcast_in_dim3A_86 : vector<16xi1>, vector<16xi32>
      %reduce_sum3A_88 = arith.constant true
      %reduce_sum3A_89 = vector.broadcast %reduce_sum3A_88 : i1 to vector<16xi1>
      %reduce_sum3A_90 = tpu.scan <sum>, %select_n3A_87 masked %reduce_sum3A_89 : vector<16xi32>, vector<16xi1> -> vector<16xi32>
      %reduce_sum3A_91 = vector.extract %reduce_sum3A_90[15] : i32 from vector<16xi32>
      %iota3A_92 = tpu.iota {dimensions = array<i32: 0>} : vector<16xi32>
      %eq3A_93 = vector.broadcast %reduce_min3A_81 : i32 to vector<16xi32>
      %eq3A_94 = arith.cmpi eq, %iota3A_92, %eq3A_93 : vector<16xi32>
      %broadcast_in_dim3A_95 = arith.constant 0 : i32
      %broadcast_in_dim3A_96 = vector.broadcast %broadcast_in_dim3A_95 : i32 to vector<16xi32>
      %select_n3A_97 = arith.select %eq3A_94, %rev3A_53, %broadcast_in_dim3A_96 : vector<16xi1>, vector<16xi32>
      %reduce_sum3A_98 = arith.constant true
      %reduce_sum3A_99 = vector.broadcast %reduce_sum3A_98 : i1 to vector<16xi1>
      %reduce_sum3A_100 = tpu.scan <sum>, %select_n3A_97 masked %reduce_sum3A_99 : vector<16xi32>, vector<16xi1> -> vector<16xi32>
      %reduce_sum3A_101 = vector.extract %reduce_sum3A_100[15] : i32 from vector<16xi32>
      %lt3A = arith.constant 0 : i32
      %lt3A_102 = arith.cmpi slt, %scan3A_43, %lt3A : i32
      %and3A = arith.andi %reduce_or3A_71, %lt3A_102 : i1
      %mul3A_103 = arith.constant 16 : i32
      %mul3A_104 = arith.muli %sub3A_46, %mul3A_103 : i32
      %add3A_105 = arith.constant 15 : i32
      %add3A_106 = arith.addi %mul3A_104, %add3A_105 : i32
      %sub3A_107 = arith.subi %add3A_106, %reduce_min3A_81 : i32
      %select_n3A_108 = arith.select %and3A, %sub3A_107, %scan3A_43 : i32
      %add3A_109 = arith.addi %scan3A_45, %reduce_sum3A_91 : i32
      %sub3A_110 = arith.subi %add3A_109, %reduce_sum3A_101 : i32
      %select_n3A_111 = arith.select %and3A, %sub3A_110, %scan3A_44 : i32
      %add3A_112 = arith.addi %scan3A_45, %reduce_sum3A_58 : i32
      scf.yield %select_n3A_108, %select_n3A_111, %add3A_112 : i32, i32, i32
    }
    %scan3A_11 = arith.constant 128 : i32
    %broadcast_in_dim3A = arith.constant 0 : i32
    %broadcast_in_dim3A_12 = vector.broadcast %broadcast_in_dim3A : i32 to vector<16xi32>
    %parallel_loop3A_13 = arith.constant 0 : i32
    %parallel_loop3A_14 = arith.constant 64 : i32
    %parallel_loop3A_15 = arith.constant 1 : i32
    scf.for %parallel_loop3A_42 = %parallel_loop3A_13 to %parallel_loop3A_14 step %parallel_loop3A_15  : i32 {
      %parallel_loop3A_43 = arith.constant 16 : i32
      %parallel_loop3A_44 = arith.muli %parallel_loop3A_42, %parallel_loop3A_43 : i32
      %parallel_loop3A_45 = arith.index_cast %parallel_loop3A_44 : i32 to index
      %parallel_loop3A_46 = tpu.vector_load %arg9[%parallel_loop3A_45] {strides = array<i32>} : memref<1024xi32, #tpu.memory_space<vmem>>, vector<16xi32>,
      tpu.vector_store %arg9[%parallel_loop3A_45], %broadcast_in_dim3A_12 {strides = array<i32>} : memref<1024xi32, #tpu.memory_space<vmem>>, vector<16xi32>,
    } {sc.loop_unroll_factor = 8 : i64, sc.parallel_access}
    %mul3A_16 = arith.constant 131072 : i32
    %mul3A_17 = arith.muli %add3A, %mul3A_16 : i32
    %broadcast_in_dim3A_18 = arith.constant 1 : i32
    %broadcast_in_dim3A_19 = vector.broadcast %broadcast_in_dim3A_18 : i32 to vector<16xi32>
    %scan3A_20 = arith.constant 0 : i32
    %scan3A_21 = arith.constant 0 : i32
    %scan3A_22 = arith.constant 16 : i32
    %scan3A_23 = arith.addi %scan3A_21, %scan3A_22 : i32
    %scan3A_24 = arith.constant 1 : i32
    %scan3A_25 = scf.for %scan3A_42 = %scan3A_21 to %scan3A_23 step %scan3A_24 iter_args(%scan3A_43 = %scan3A_20) -> (i32)  : i32 {
      %mul3A_44 = arith.constant 8192 : i32
      %mul3A_45 = arith.muli %scan3A_42, %mul3A_44 : i32
      %add3A_46 = arith.addi %mul3A_17, %mul3A_45 : i32
      "tpu.region"() ({
        %run_scoped3A = tpu.sem_alloc : memref<!tpu.dma_semaphore, #tpu.memory_space<semaphore_mem>>
        %dma_start3A = tpu.memref_slice %arg2[%add3A_46] : memref<4194304xf32, #tpu.memory_space<hbm>> -> memref<8192xf32, #tpu.memory_space<hbm>>
        %dma_start3A_51 = tpu.memref_slice %arg2[%add3A_46] : memref<4194304xf32, #tpu.memory_space<hbm>> -> memref<8192xf32, #tpu.memory_space<hbm>>
        tpu.enqueue_dma source(%dma_start3A_51 : memref<8192xf32, #tpu.memory_space<hbm>>) target(%arg6 : memref<8192xf32, #tpu.memory_space<vmem>>) target_semaphore(%run_scoped3A : memref<!tpu.dma_semaphore, #tpu.memory_space<semaphore_mem>>)
        %dma_wait3A = tpu.memref_slice %arg2[%add3A_46] : memref<4194304xf32, #tpu.memory_space<hbm>> -> memref<8192xf32, #tpu.memory_space<hbm>>
        %dma_wait3A_52 = tpu.memref_slice %arg2[%add3A_46] : memref<4194304xf32, #tpu.memory_space<hbm>> -> memref<8192xf32, #tpu.memory_space<hbm>>
        tpu.wait_dma2 semaphore(%run_scoped3A : memref<!tpu.dma_semaphore, #tpu.memory_space<semaphore_mem>>) src(%dma_wait3A_52 : memref<8192xf32, #tpu.memory_space<hbm>>) dst(%arg6 : memref<8192xf32, #tpu.memory_space<vmem>>)
        tpu.yield
      }) : () -> ()
      %parallel_loop3A_47 = arith.constant 0 : i32
      %parallel_loop3A_48 = arith.constant 512 : i32
      %parallel_loop3A_49 = arith.constant 1 : i32
      scf.for %parallel_loop3A_51 = %parallel_loop3A_47 to %parallel_loop3A_48 step %parallel_loop3A_49  : i32 {
        %parallel_loop3A_52 = arith.constant 16 : i32
        %parallel_loop3A_53 = arith.muli %parallel_loop3A_51, %parallel_loop3A_52 : i32
        %parallel_loop3A_54 = arith.index_cast %parallel_loop3A_53 : i32 to index
        %parallel_loop3A_55 = tpu.vector_load %arg6[%parallel_loop3A_54] {strides = array<i32>} : memref<8192xf32, #tpu.memory_space<vmem>>, vector<16xf32>,
        %parallel_loop3A_56 = tpu.bitcast %parallel_loop3A_55 : vector<16xf32> -> vector<16xi32>
        %parallel_loop3A_57 = arith.constant 0 : i32
        %parallel_loop3A_58 = vector.broadcast %parallel_loop3A_57 : i32 to vector<16xi32>
        %parallel_loop3A_59 = arith.maxsi %parallel_loop3A_56, %parallel_loop3A_58 : vector<16xi32>
        %parallel_loop3A_60 = arith.constant 20 : i32
        %parallel_loop3A_61 = vector.broadcast %parallel_loop3A_60 : i32 to vector<16xi32>
        %parallel_loop3A_62 = arith.shrsi %parallel_loop3A_59, %parallel_loop3A_61 : vector<16xi32>
        %parallel_loop3A_63 = vector.broadcast %scan3A_10#0 : i32 to vector<16xi32>
        %parallel_loop3A_64 = arith.cmpi eq, %parallel_loop3A_62, %parallel_loop3A_63 : vector<16xi32>
        %parallel_loop3A_65 = arith.constant 0 : i32
        %parallel_loop3A_66 = vector.broadcast %parallel_loop3A_65 : i32 to vector<16xi32>
        %parallel_loop3A_67 = arith.cmpi sgt, %parallel_loop3A_56, %parallel_loop3A_66 : vector<16xi32>
        %parallel_loop3A_68 = arith.andi %parallel_loop3A_64, %parallel_loop3A_67 : vector<16xi1>
        %parallel_loop3A_69 = arith.constant 10 : i32
        %parallel_loop3A_70 = vector.broadcast %parallel_loop3A_69 : i32 to vector<16xi32>
        %parallel_loop3A_71 = arith.shrsi %parallel_loop3A_59, %parallel_loop3A_70 : vector<16xi32>
        %parallel_loop3A_72 = arith.constant 1023 : i32
        %parallel_loop3A_73 = vector.broadcast %parallel_loop3A_72 : i32 to vector<16xi32>
        %parallel_loop3A_74 = arith.andi %parallel_loop3A_71, %parallel_loop3A_73 : vector<16xi32>
        tpu.vector_store_idx %arg9[%parallel_loop3A_74], %broadcast_in_dim3A_19 masked %parallel_loop3A_68 {add = true} : memref<1024xi32, #tpu.memory_space<vmem>>[vector<16xi32>], vector<16xi32>, vector<16xi1>
      } {sc.loop_unroll_factor = 8 : i64, sc.parallel_access}
      %scan3A_50 = arith.constant 0 : i32
      scf.yield %scan3A_50 : i32
    }
    %scan3A_26 = arith.constant 16 : i32
    "tpu.region"() ({
      %run_scoped3A = tpu.sem_alloc : memref<!tpu.dma_semaphore, #tpu.memory_space<semaphore_mem>>
      %dma_start3A = arith.constant 0 : i32
      %dma_start3A_42 = tpu.memref_slice %arg4[%add3A, %dma_start3A] : memref<32x1024xi32, #tpu.memory_space<hbm>> -> memref<1x1024xi32, #tpu.memory_space<hbm>>
      %dma_start3A_43 = tpu.memref_squeeze %dma_start3A_42 : memref<1x1024xi32, #tpu.memory_space<hbm>> -> memref<1024xi32, #tpu.memory_space<hbm>>
      %dma_start3A_44 = arith.constant 0 : i32
      %dma_start3A_45 = tpu.memref_slice %arg4[%add3A, %dma_start3A_44] : memref<32x1024xi32, #tpu.memory_space<hbm>> -> memref<1x1024xi32, #tpu.memory_space<hbm>>
      %dma_start3A_46 = tpu.memref_squeeze %dma_start3A_45 : memref<1x1024xi32, #tpu.memory_space<hbm>> -> memref<1024xi32, #tpu.memory_space<hbm>>
      tpu.enqueue_dma source(%arg9 : memref<1024xi32, #tpu.memory_space<vmem>>) target(%dma_start3A_46 : memref<1024xi32, #tpu.memory_space<hbm>>) target_semaphore(%run_scoped3A : memref<!tpu.dma_semaphore, #tpu.memory_space<semaphore_mem>>)
      %dma_wait3A = arith.constant 0 : i32
      %dma_wait3A_47 = tpu.memref_slice %arg4[%add3A, %dma_wait3A] : memref<32x1024xi32, #tpu.memory_space<hbm>> -> memref<1x1024xi32, #tpu.memory_space<hbm>>
      %dma_wait3A_48 = tpu.memref_squeeze %dma_wait3A_47 : memref<1x1024xi32, #tpu.memory_space<hbm>> -> memref<1024xi32, #tpu.memory_space<hbm>>
      %dma_wait3A_49 = arith.constant 0 : i32
      %dma_wait3A_50 = tpu.memref_slice %arg4[%add3A, %dma_wait3A_49] : memref<32x1024xi32, #tpu.memory_space<hbm>> -> memref<1x1024xi32, #tpu.memory_space<hbm>>
      %dma_wait3A_51 = tpu.memref_squeeze %dma_wait3A_50 : memref<1x1024xi32, #tpu.memory_space<hbm>> -> memref<1024xi32, #tpu.memory_space<hbm>>
      tpu.wait_dma2 semaphore(%run_scoped3A : memref<!tpu.dma_semaphore, #tpu.memory_space<semaphore_mem>>) src(%arg9 : memref<1024xi32, #tpu.memory_space<vmem>>) dst(%dma_wait3A_51 : memref<1024xi32, #tpu.memory_space<hbm>>)
      tpu.yield
    }) : () -> ()
    %iota3A_27 = tpu.iota {dimensions = array<i32: 0>} : vector<16xi32>
    %broadcast_in_dim3A_28 = arith.constant 0 : i32
    %broadcast_in_dim3A_29 = vector.broadcast %broadcast_in_dim3A_28 : i32 to vector<16xi32>
    %eq3A = arith.constant 0 : i32
    %eq3A_30 = vector.broadcast %eq3A : i32 to vector<16xi32>
    %eq3A_31 = arith.cmpi eq, %iota3A_27, %eq3A_30 : vector<16xi32>
    %broadcast_in_dim3A_32 = vector.broadcast %scan3A_10#0 : i32 to vector<16xi32>
    %select_n3A = arith.select %eq3A_31, %broadcast_in_dim3A_32, %broadcast_in_dim3A_29 : vector<16xi1>, vector<16xi32>
    %eq3A_33 = arith.constant 1 : i32
    %eq3A_34 = vector.broadcast %eq3A_33 : i32 to vector<16xi32>
    %eq3A_35 = arith.cmpi eq, %iota3A_27, %eq3A_34 : vector<16xi32>
    %broadcast_in_dim3A_36 = vector.broadcast %scan3A_10#1 : i32 to vector<16xi32>
    %select_n3A_37 = arith.select %eq3A_35, %broadcast_in_dim3A_36, %select_n3A : vector<16xi1>, vector<16xi32>
    %swap3A = arith.constant 0 : index
    %swap3A_38 = tpu.vector_load %arg10[%swap3A] {strides = array<i32>} : memref<16xi32, #tpu.memory_space<vmem>>, vector<16xi32>,
    tpu.vector_store %arg10[%swap3A], %select_n3A_37 {strides = array<i32>} : memref<16xi32, #tpu.memory_space<vmem>>, vector<16xi32>,
    %eq3A_39 = arith.constant 0 : i32
    %eq3A_40 = arith.cmpi eq, %add3A, %eq3A_39 : i32
    %convert_element_type3A = arith.extui %eq3A_40 : i1 to i32
    %cond3A = arith.constant 0 : i32
    %cond3A_41 = arith.cmpi ne, %convert_element_type3A, %cond3A : i32
    scf.if %cond3A_41 {
      "tpu.region"() ({
        %run_scoped3A = tpu.sem_alloc : memref<!tpu.dma_semaphore, #tpu.memory_space<semaphore_mem>>
        tpu.enqueue_dma source(%arg10 : memref<16xi32, #tpu.memory_space<vmem>>) target(%arg5 : memref<16xi32, #tpu.memory_space<hbm>>) target_semaphore(%run_scoped3A : memref<!tpu.dma_semaphore, #tpu.memory_space<semaphore_mem>>)
        tpu.wait_dma2 semaphore(%run_scoped3A : memref<!tpu.dma_semaphore, #tpu.memory_space<semaphore_mem>>) src(%arg10 : memref<16xi32, #tpu.memory_space<vmem>>) dst(%arg5 : memref<16xi32, #tpu.memory_space<hbm>>)
        tpu.yield
      }) : () -> ()
    } else {
    }
    return
  }
}

#map = affine_map<(d0, d1) -> (0)>
#map1 = affine_map<(d0, d1) -> (0, 0)>
module attributes {stable_mosaic.version = 14 : i64} {
  func.func @_l1_body(%arg0: i32, %arg1: i32, %arg2: memref<4194304xf32, #tpu.memory_space<hbm>>, %arg3: memref<32x2048xi32, #tpu.memory_space<hbm>>, %arg4: memref<8192xf32, #tpu.memory_space<vmem>>, %arg5: memref<2048xi32, #tpu.memory_space<vmem>>) attributes {dimension_semantics = [#tpu.dimension_semantics<core_parallel>, #tpu.dimension_semantics<subcore_parallel>], iteration_bounds = array<i64: 2, 16>, scalar_prefetch = 0 : i64, scratch_operands = 2 : i64, tpu.core_type = #tpu.core_type<sc_vector_subcore>, window_params = [{transform_indices = #map}, {transform_indices = #map1}]} {
    %mul3A = arith.constant 2 : i32
    %mul3A_0 = arith.muli %arg1, %mul3A : i32
    %add3A = arith.addi %mul3A_0, %arg0 : i32
    %broadcast_in_dim3A = arith.constant 0 : i32
    %broadcast_in_dim3A_1 = vector.broadcast %broadcast_in_dim3A : i32 to vector<16xi32>
    %parallel_loop3A = arith.constant 0 : i32
    %parallel_loop3A_2 = arith.constant 128 : i32
    %parallel_loop3A_3 = arith.constant 1 : i32
    scf.for %parallel_loop3A_14 = %parallel_loop3A to %parallel_loop3A_2 step %parallel_loop3A_3  : i32 {
      %parallel_loop3A_15 = arith.constant 16 : i32
      %parallel_loop3A_16 = arith.muli %parallel_loop3A_14, %parallel_loop3A_15 : i32
      %parallel_loop3A_17 = arith.index_cast %parallel_loop3A_16 : i32 to index
      %parallel_loop3A_18 = tpu.vector_load %arg5[%parallel_loop3A_17] {strides = array<i32>} : memref<2048xi32, #tpu.memory_space<vmem>>, vector<16xi32>,
      tpu.vector_store %arg5[%parallel_loop3A_17], %broadcast_in_dim3A_1 {strides = array<i32>} : memref<2048xi32, #tpu.memory_space<vmem>>, vector<16xi32>,
    } {sc.loop_unroll_factor = 8 : i64, sc.parallel_access}
    %mul3A_4 = arith.constant 131072 : i32
    %mul3A_5 = arith.muli %add3A, %mul3A_4 : i32
    %broadcast_in_dim3A_6 = arith.constant 1 : i32
    %broadcast_in_dim3A_7 = vector.broadcast %broadcast_in_dim3A_6 : i32 to vector<16xi32>
    %scan3A = arith.constant 0 : i32
    %scan3A_8 = arith.constant 0 : i32
    %scan3A_9 = arith.constant 16 : i32
    %scan3A_10 = arith.addi %scan3A_8, %scan3A_9 : i32
    %scan3A_11 = arith.constant 1 : i32
    %scan3A_12 = scf.for %scan3A_14 = %scan3A_8 to %scan3A_10 step %scan3A_11 iter_args(%scan3A_15 = %scan3A) -> (i32)  : i32 {
      %mul3A_16 = arith.constant 8192 : i32
      %mul3A_17 = arith.muli %scan3A_14, %mul3A_16 : i32
      %add3A_18 = arith.addi %mul3A_5, %mul3A_17 : i32
      "tpu.region"() ({
        %run_scoped3A = tpu.sem_alloc : memref<!tpu.dma_semaphore, #tpu.memory_space<semaphore_mem>>
        %dma_start3A = tpu.memref_slice %arg2[%add3A_18] : memref<4194304xf32, #tpu.memory_space<hbm>> -> memref<8192xf32, #tpu.memory_space<hbm>>
        %dma_start3A_23 = tpu.memref_slice %arg2[%add3A_18] : memref<4194304xf32, #tpu.memory_space<hbm>> -> memref<8192xf32, #tpu.memory_space<hbm>>
        tpu.enqueue_dma source(%dma_start3A_23 : memref<8192xf32, #tpu.memory_space<hbm>>) target(%arg4 : memref<8192xf32, #tpu.memory_space<vmem>>) target_semaphore(%run_scoped3A : memref<!tpu.dma_semaphore, #tpu.memory_space<semaphore_mem>>)
        %dma_wait3A = tpu.memref_slice %arg2[%add3A_18] : memref<4194304xf32, #tpu.memory_space<hbm>> -> memref<8192xf32, #tpu.memory_space<hbm>>
        %dma_wait3A_24 = tpu.memref_slice %arg2[%add3A_18] : memref<4194304xf32, #tpu.memory_space<hbm>> -> memref<8192xf32, #tpu.memory_space<hbm>>
        tpu.wait_dma2 semaphore(%run_scoped3A : memref<!tpu.dma_semaphore, #tpu.memory_space<semaphore_mem>>) src(%dma_wait3A_24 : memref<8192xf32, #tpu.memory_space<hbm>>) dst(%arg4 : memref<8192xf32, #tpu.memory_space<vmem>>)
        tpu.yield
      }) : () -> ()
      %parallel_loop3A_19 = arith.constant 0 : i32
      %parallel_loop3A_20 = arith.constant 512 : i32
      %parallel_loop3A_21 = arith.constant 1 : i32
      scf.for %parallel_loop3A_23 = %parallel_loop3A_19 to %parallel_loop3A_20 step %parallel_loop3A_21  : i32 {
        %parallel_loop3A_24 = arith.constant 16 : i32
        %parallel_loop3A_25 = arith.muli %parallel_loop3A_23, %parallel_loop3A_24 : i32
        %parallel_loop3A_26 = arith.index_cast %parallel_loop3A_25 : i32 to index
        %parallel_loop3A_27 = tpu.vector_load %arg4[%parallel_loop3A_26] {strides = array<i32>} : memref<8192xf32, #tpu.memory_space<vmem>>, vector<16xf32>,
        %parallel_loop3A_28 = tpu.bitcast %parallel_loop3A_27 : vector<16xf32> -> vector<16xi32>
        %parallel_loop3A_29 = arith.constant 0 : i32
        %parallel_loop3A_30 = vector.broadcast %parallel_loop3A_29 : i32 to vector<16xi32>
        %parallel_loop3A_31 = arith.maxsi %parallel_loop3A_28, %parallel_loop3A_30 : vector<16xi32>
        %parallel_loop3A_32 = arith.constant 20 : i32
        %parallel_loop3A_33 = vector.broadcast %parallel_loop3A_32 : i32 to vector<16xi32>
        %parallel_loop3A_34 = arith.shrsi %parallel_loop3A_31, %parallel_loop3A_33 : vector<16xi32>
        %parallel_loop3A_35 = arith.constant 0 : i32
        %parallel_loop3A_36 = vector.broadcast %parallel_loop3A_35 : i32 to vector<16xi32>
        %parallel_loop3A_37 = arith.cmpi sgt, %parallel_loop3A_28, %parallel_loop3A_36 : vector<16xi32>
        tpu.vector_store_idx %arg5[%parallel_loop3A_34], %broadcast_in_dim3A_7 masked %parallel_loop3A_37 {add = true} : memref<2048xi32, #tpu.memory_space<vmem>>[vector<16xi32>], vector<16xi32>, vector<16xi1>
      } {sc.loop_unroll_factor = 8 : i64, sc.parallel_access}
      %scan3A_22 = arith.constant 0 : i32
      scf.yield %scan3A_22 : i32
    }
    %scan3A_13 = arith.constant 16 : i32
    "tpu.region"() ({
      %run_scoped3A = tpu.sem_alloc : memref<!tpu.dma_semaphore, #tpu.memory_space<semaphore_mem>>
      %dma_start3A = arith.constant 0 : i32
      %dma_start3A_14 = tpu.memref_slice %arg3[%add3A, %dma_start3A] : memref<32x2048xi32, #tpu.memory_space<hbm>> -> memref<1x2048xi32, #tpu.memory_space<hbm>>
      %dma_start3A_15 = tpu.memref_squeeze %dma_start3A_14 : memref<1x2048xi32, #tpu.memory_space<hbm>> -> memref<2048xi32, #tpu.memory_space<hbm>>
      %dma_start3A_16 = arith.constant 0 : i32
      %dma_start3A_17 = tpu.memref_slice %arg3[%add3A, %dma_start3A_16] : memref<32x2048xi32, #tpu.memory_space<hbm>> -> memref<1x2048xi32, #tpu.memory_space<hbm>>
      %dma_start3A_18 = tpu.memref_squeeze %dma_start3A_17 : memref<1x2048xi32, #tpu.memory_space<hbm>> -> memref<2048xi32, #tpu.memory_space<hbm>>
      tpu.enqueue_dma source(%arg5 : memref<2048xi32, #tpu.memory_space<vmem>>) target(%dma_start3A_18 : memref<2048xi32, #tpu.memory_space<hbm>>) target_semaphore(%run_scoped3A : memref<!tpu.dma_semaphore, #tpu.memory_space<semaphore_mem>>)
      %dma_wait3A = arith.constant 0 : i32
      %dma_wait3A_19 = tpu.memref_slice %arg3[%add3A, %dma_wait3A] : memref<32x2048xi32, #tpu.memory_space<hbm>> -> memref<1x2048xi32, #tpu.memory_space<hbm>>
      %dma_wait3A_20 = tpu.memref_squeeze %dma_wait3A_19 : memref<1x2048xi32, #tpu.memory_space<hbm>> -> memref<2048xi32, #tpu.memory_space<hbm>>
      %dma_wait3A_21 = arith.constant 0 : i32
      %dma_wait3A_22 = tpu.memref_slice %arg3[%add3A, %dma_wait3A_21] : memref<32x2048xi32, #tpu.memory_space<hbm>> -> memref<1x2048xi32, #tpu.memory_space<hbm>>
      %dma_wait3A_23 = tpu.memref_squeeze %dma_wait3A_22 : memref<1x2048xi32, #tpu.memory_space<hbm>> -> memref<2048xi32, #tpu.memory_space<hbm>>
      tpu.wait_dma2 semaphore(%run_scoped3A : memref<!tpu.dma_semaphore, #tpu.memory_space<semaphore_mem>>) src(%arg5 : memref<2048xi32, #tpu.memory_space<vmem>>) dst(%dma_wait3A_23 : memref<2048xi32, #tpu.memory_space<hbm>>)
      tpu.yield
    }) : () -> ()
    return
  }
}

#map = affine_map<(d0, d1) -> (0)>
#map1 = affine_map<(d0, d1) -> (0, 0)>
module attributes {stable_mosaic.version = 14 : i64} {
  func.func @_l4_body(%arg0: i32, %arg1: i32, %arg2: memref<4194304xf32, #tpu.memory_space<hbm>>, %arg3: memref<16xi32, #tpu.memory_space<hbm>>, %arg4: memref<16xi32, #tpu.memory_space<hbm>>, %arg5: memref<32x1024xi32, #tpu.memory_space<hbm>>, %arg6: memref<4194304xf32, #tpu.memory_space<hbm>>, %arg7: memref<8192xf32, #tpu.memory_space<vmem>>, %arg8: memref<8192xf32, #tpu.memory_space<vmem>>, %arg9: memref<32x1024xi32, #tpu.memory_space<vmem>>, %arg10: memref<1024xi32, #tpu.memory_space<vmem>>, %arg11: memref<16xi32, #tpu.memory_space<vmem>>) attributes {dimension_semantics = [#tpu.dimension_semantics<core_parallel>, #tpu.dimension_semantics<subcore_parallel>], iteration_bounds = array<i64: 2, 16>, scalar_prefetch = 0 : i64, scratch_operands = 5 : i64, tpu.core_type = #tpu.core_type<sc_vector_subcore>, window_params = [{transform_indices = #map}, {transform_indices = #map}, {transform_indices = #map}, {transform_indices = #map1}, {transform_indices = #map}]} {
    %mul3A = arith.constant 2 : i32
    %mul3A_0 = arith.muli %arg1, %mul3A : i32
    %add3A = arith.addi %mul3A_0, %arg0 : i32
    %mul3A_1 = arith.constant 131072 : i32
    %mul3A_2 = arith.muli %add3A, %mul3A_1 : i32
    "tpu.region"() ({
      %run_scoped3A = tpu.sem_alloc : memref<!tpu.dma_semaphore, #tpu.memory_space<semaphore_mem>>
      tpu.enqueue_dma source(%arg3 : memref<16xi32, #tpu.memory_space<hbm>>) target(%arg11 : memref<16xi32, #tpu.memory_space<vmem>>) target_semaphore(%run_scoped3A : memref<!tpu.dma_semaphore, #tpu.memory_space<semaphore_mem>>)
      tpu.wait_dma2 semaphore(%run_scoped3A : memref<!tpu.dma_semaphore, #tpu.memory_space<semaphore_mem>>) src(%arg3 : memref<16xi32, #tpu.memory_space<hbm>>) dst(%arg11 : memref<16xi32, #tpu.memory_space<vmem>>)
      tpu.yield
    }) : () -> ()
    %get3A = arith.constant 0 : index
    %get3A_3 = tpu.vector_load %arg11[%get3A] {strides = array<i32>} : memref<16xi32, #tpu.memory_space<vmem>>, vector<16xi32>,
    %iota3A = tpu.iota {dimensions = array<i32: 0>} : vector<16xi32>
    %eq3A = arith.constant 0 : i32
    %eq3A_4 = vector.broadcast %eq3A : i32 to vector<16xi32>
    %eq3A_5 = arith.cmpi eq, %iota3A, %eq3A_4 : vector<16xi32>
    %broadcast_in_dim3A = arith.constant 0 : i32
    %broadcast_in_dim3A_6 = vector.broadcast %broadcast_in_dim3A : i32 to vector<16xi32>
    %select_n3A = arith.select %eq3A_5, %get3A_3, %broadcast_in_dim3A_6 : vector<16xi1>, vector<16xi32>
    %reduce_sum3A = arith.constant true
    %reduce_sum3A_7 = vector.broadcast %reduce_sum3A : i1 to vector<16xi1>
    %reduce_sum3A_8 = tpu.scan <sum>, %select_n3A masked %reduce_sum3A_7 : vector<16xi32>, vector<16xi1> -> vector<16xi32>
    %reduce_sum3A_9 = vector.extract %reduce_sum3A_8[15] : i32 from vector<16xi32>
    "tpu.region"() ({
      %run_scoped3A = tpu.sem_alloc : memref<!tpu.dma_semaphore, #tpu.memory_space<semaphore_mem>>
      tpu.enqueue_dma source(%arg4 : memref<16xi32, #tpu.memory_space<hbm>>) target(%arg11 : memref<16xi32, #tpu.memory_space<vmem>>) target_semaphore(%run_scoped3A : memref<!tpu.dma_semaphore, #tpu.memory_space<semaphore_mem>>)
      tpu.wait_dma2 semaphore(%run_scoped3A : memref<!tpu.dma_semaphore, #tpu.memory_space<semaphore_mem>>) src(%arg4 : memref<16xi32, #tpu.memory_space<hbm>>) dst(%arg11 : memref<16xi32, #tpu.memory_space<vmem>>)
      tpu.yield
    }) : () -> ()
    %get3A_10 = arith.constant 0 : index
    %get3A_11 = tpu.vector_load %arg11[%get3A_10] {strides = array<i32>} : memref<16xi32, #tpu.memory_space<vmem>>, vector<16xi32>,
    %iota3A_12 = tpu.iota {dimensions = array<i32: 0>} : vector<16xi32>
    %eq3A_13 = arith.constant 0 : i32
    %eq3A_14 = vector.broadcast %eq3A_13 : i32 to vector<16xi32>
    %eq3A_15 = arith.cmpi eq, %iota3A_12, %eq3A_14 : vector<16xi32>
    %broadcast_in_dim3A_16 = arith.constant 0 : i32
    %broadcast_in_dim3A_17 = vector.broadcast %broadcast_in_dim3A_16 : i32 to vector<16xi32>
    %select_n3A_18 = arith.select %eq3A_15, %get3A_11, %broadcast_in_dim3A_17 : vector<16xi1>, vector<16xi32>
    %reduce_sum3A_19 = arith.constant true
    %reduce_sum3A_20 = vector.broadcast %reduce_sum3A_19 : i1 to vector<16xi1>
    %reduce_sum3A_21 = tpu.scan <sum>, %select_n3A_18 masked %reduce_sum3A_20 : vector<16xi32>, vector<16xi1> -> vector<16xi32>
    %reduce_sum3A_22 = vector.extract %reduce_sum3A_21[15] : i32 from vector<16xi32>
    %iota3A_23 = tpu.iota {dimensions = array<i32: 0>} : vector<16xi32>
    %eq3A_24 = arith.constant 1 : i32
    %eq3A_25 = vector.broadcast %eq3A_24 : i32 to vector<16xi32>
    %eq3A_26 = arith.cmpi eq, %iota3A_23, %eq3A_25 : vector<16xi32>
    %broadcast_in_dim3A_27 = arith.constant 0 : i32
    %broadcast_in_dim3A_28 = vector.broadcast %broadcast_in_dim3A_27 : i32 to vector<16xi32>
    %select_n3A_29 = arith.select %eq3A_26, %get3A_11, %broadcast_in_dim3A_28 : vector<16xi1>, vector<16xi32>
    %reduce_sum3A_30 = arith.constant true
    %reduce_sum3A_31 = vector.broadcast %reduce_sum3A_30 : i1 to vector<16xi1>
    %reduce_sum3A_32 = tpu.scan <sum>, %select_n3A_29 masked %reduce_sum3A_31 : vector<16xi32>, vector<16xi1> -> vector<16xi32>
    %reduce_sum3A_33 = vector.extract %reduce_sum3A_32[15] : i32 from vector<16xi32>
    "tpu.region"() ({
      %run_scoped3A = tpu.sem_alloc : memref<!tpu.dma_semaphore, #tpu.memory_space<semaphore_mem>>
      tpu.enqueue_dma source(%arg5 : memref<32x1024xi32, #tpu.memory_space<hbm>>) target(%arg9 : memref<32x1024xi32, #tpu.memory_space<vmem>>) target_semaphore(%run_scoped3A : memref<!tpu.dma_semaphore, #tpu.memory_space<semaphore_mem>>)
      tpu.wait_dma2 semaphore(%run_scoped3A : memref<!tpu.dma_semaphore, #tpu.memory_space<semaphore_mem>>) src(%arg5 : memref<32x1024xi32, #tpu.memory_space<hbm>>) dst(%arg9 : memref<32x1024xi32, #tpu.memory_space<vmem>>)
      tpu.yield
    }) : () -> ()
    %parallel_loop3A = arith.constant 0 : i32
    %parallel_loop3A_34 = arith.constant 64 : i32
    %parallel_loop3A_35 = arith.constant 1 : i32
    scf.for %parallel_loop3A_87 = %parallel_loop3A to %parallel_loop3A_34 step %parallel_loop3A_35  : i32 {
      %parallel_loop3A_88 = arith.constant 0 : i32
      %parallel_loop3A_89 = vector.broadcast %parallel_loop3A_88 : i32 to vector<16xi32>
      %parallel_loop3A_90 = arith.constant 16 : i32
      %parallel_loop3A_91 = arith.muli %parallel_loop3A_87, %parallel_loop3A_90 : i32
      %parallel_loop3A_92 = arith.constant 0 : i32
      %parallel_loop3A_93 = arith.index_cast %parallel_loop3A_92 : i32 to index
      %parallel_loop3A_94 = arith.index_cast %parallel_loop3A_91 : i32 to index
      %parallel_loop3A_95 = tpu.vector_load %arg9[%parallel_loop3A_93, %parallel_loop3A_94] {strides = array<i32>} : memref<32x1024xi32, #tpu.memory_space<vmem>>, vector<16xi32>,
      %parallel_loop3A_96 = arith.addi %parallel_loop3A_89, %parallel_loop3A_95 : vector<16xi32>
      %parallel_loop3A_97 = arith.constant 16 : i32
      %parallel_loop3A_98 = arith.muli %parallel_loop3A_87, %parallel_loop3A_97 : i32
      %parallel_loop3A_99 = arith.constant 1 : i32
      %parallel_loop3A_100 = arith.index_cast %parallel_loop3A_99 : i32 to index
      %parallel_loop3A_101 = arith.index_cast %parallel_loop3A_98 : i32 to index
      %parallel_loop3A_102 = tpu.vector_load %arg9[%parallel_loop3A_100, %parallel_loop3A_101] {strides = array<i32>} : memref<32x1024xi32, #tpu.memory_space<vmem>>, vector<16xi32>,
      %parallel_loop3A_103 = arith.addi %parallel_loop3A_96, %parallel_loop3A_102 : vector<16xi32>
      %parallel_loop3A_104 = arith.constant 16 : i32
      %parallel_loop3A_105 = arith.muli %parallel_loop3A_87, %parallel_loop3A_104 : i32
      %parallel_loop3A_106 = arith.constant 2 : i32
      %parallel_loop3A_107 = arith.index_cast %parallel_loop3A_106 : i32 to index
      %parallel_loop3A_108 = arith.index_cast %parallel_loop3A_105 : i32 to index
      %parallel_loop3A_109 = tpu.vector_load %arg9[%parallel_loop3A_107, %parallel_loop3A_108] {strides = array<i32>} : memref<32x1024xi32, #tpu.memory_space<vmem>>, vector<16xi32>,
      %parallel_loop3A_110 = arith.addi %parallel_loop3A_103, %parallel_loop3A_109 : vector<16xi32>
      %parallel_loop3A_111 = arith.constant 16 : i32
      %parallel_loop3A_112 = arith.muli %parallel_loop3A_87, %parallel_loop3A_111 : i32
      %parallel_loop3A_113 = arith.constant 3 : i32
      %parallel_loop3A_114 = arith.index_cast %parallel_loop3A_113 : i32 to index
      %parallel_loop3A_115 = arith.index_cast %parallel_loop3A_112 : i32 to index
      %parallel_loop3A_116 = tpu.vector_load %arg9[%parallel_loop3A_114, %parallel_loop3A_115] {strides = array<i32>} : memref<32x1024xi32, #tpu.memory_space<vmem>>, vector<16xi32>,
      %parallel_loop3A_117 = arith.addi %parallel_loop3A_110, %parallel_loop3A_116 : vector<16xi32>
      %parallel_loop3A_118 = arith.constant 16 : i32
      %parallel_loop3A_119 = arith.muli %parallel_loop3A_87, %parallel_loop3A_118 : i32
      %parallel_loop3A_120 = arith.constant 4 : i32
      %parallel_loop3A_121 = arith.index_cast %parallel_loop3A_120 : i32 to index
      %parallel_loop3A_122 = arith.index_cast %parallel_loop3A_119 : i32 to index
      %parallel_loop3A_123 = tpu.vector_load %arg9[%parallel_loop3A_121, %parallel_loop3A_122] {strides = array<i32>} : memref<32x1024xi32, #tpu.memory_space<vmem>>, vector<16xi32>,
      %parallel_loop3A_124 = arith.addi %parallel_loop3A_117, %parallel_loop3A_123 : vector<16xi32>
      %parallel_loop3A_125 = arith.constant 16 : i32
      %parallel_loop3A_126 = arith.muli %parallel_loop3A_87, %parallel_loop3A_125 : i32
      %parallel_loop3A_127 = arith.constant 5 : i32
      %parallel_loop3A_128 = arith.index_cast %parallel_loop3A_127 : i32 to index
      %parallel_loop3A_129 = arith.index_cast %parallel_loop3A_126 : i32 to index
      %parallel_loop3A_130 = tpu.vector_load %arg9[%parallel_loop3A_128, %parallel_loop3A_129] {strides = array<i32>} : memref<32x1024xi32, #tpu.memory_space<vmem>>, vector<16xi32>,
      %parallel_loop3A_131 = arith.addi %parallel_loop3A_124, %parallel_loop3A_130 : vector<16xi32>
      %parallel_loop3A_132 = arith.constant 16 : i32
      %parallel_loop3A_133 = arith.muli %parallel_loop3A_87, %parallel_loop3A_132 : i32
      %parallel_loop3A_134 = arith.constant 6 : i32
      %parallel_loop3A_135 = arith.index_cast %parallel_loop3A_134 : i32 to index
      %parallel_loop3A_136 = arith.index_cast %parallel_loop3A_133 : i32 to index
      %parallel_loop3A_137 = tpu.vector_load %arg9[%parallel_loop3A_135, %parallel_loop3A_136] {strides = array<i32>} : memref<32x1024xi32, #tpu.memory_space<vmem>>, vector<16xi32>,
      %parallel_loop3A_138 = arith.addi %parallel_loop3A_131, %parallel_loop3A_137 : vector<16xi32>
      %parallel_loop3A_139 = arith.constant 16 : i32
      %parallel_loop3A_140 = arith.muli %parallel_loop3A_87, %parallel_loop3A_139 : i32
      %parallel_loop3A_141 = arith.constant 7 : i32
      %parallel_loop3A_142 = arith.index_cast %parallel_loop3A_141 : i32 to index
      %parallel_loop3A_143 = arith.index_cast %parallel_loop3A_140 : i32 to index
      %parallel_loop3A_144 = tpu.vector_load %arg9[%parallel_loop3A_142, %parallel_loop3A_143] {strides = array<i32>} : memref<32x1024xi32, #tpu.memory_space<vmem>>, vector<16xi32>,
      %parallel_loop3A_145 = arith.addi %parallel_loop3A_138, %parallel_loop3A_144 : vector<16xi32>
      %parallel_loop3A_146 = arith.constant 16 : i32
      %parallel_loop3A_147 = arith.muli %parallel_loop3A_87, %parallel_loop3A_146 : i32
      %parallel_loop3A_148 = arith.constant 8 : i32
      %parallel_loop3A_149 = arith.index_cast %parallel_loop3A_148 : i32 to index
      %parallel_loop3A_150 = arith.index_cast %parallel_loop3A_147 : i32 to index
      %parallel_loop3A_151 = tpu.vector_load %arg9[%parallel_loop3A_149, %parallel_loop3A_150] {strides = array<i32>} : memref<32x1024xi32, #tpu.memory_space<vmem>>, vector<16xi32>,
      %parallel_loop3A_152 = arith.addi %parallel_loop3A_145, %parallel_loop3A_151 : vector<16xi32>
      %parallel_loop3A_153 = arith.constant 16 : i32
      %parallel_loop3A_154 = arith.muli %parallel_loop3A_87, %parallel_loop3A_153 : i32
      %parallel_loop3A_155 = arith.constant 9 : i32
      %parallel_loop3A_156 = arith.index_cast %parallel_loop3A_155 : i32 to index
      %parallel_loop3A_157 = arith.index_cast %parallel_loop3A_154 : i32 to index
      %parallel_loop3A_158 = tpu.vector_load %arg9[%parallel_loop3A_156, %parallel_loop3A_157] {strides = array<i32>} : memref<32x1024xi32, #tpu.memory_space<vmem>>, vector<16xi32>,
      %parallel_loop3A_159 = arith.addi %parallel_loop3A_152, %parallel_loop3A_158 : vector<16xi32>
      %parallel_loop3A_160 = arith.constant 16 : i32
      %parallel_loop3A_161 = arith.muli %parallel_loop3A_87, %parallel_loop3A_160 : i32
      %parallel_loop3A_162 = arith.constant 10 : i32
      %parallel_loop3A_163 = arith.index_cast %parallel_loop3A_162 : i32 to index
      %parallel_loop3A_164 = arith.index_cast %parallel_loop3A_161 : i32 to index
      %parallel_loop3A_165 = tpu.vector_load %arg9[%parallel_loop3A_163, %parallel_loop3A_164] {strides = array<i32>} : memref<32x1024xi32, #tpu.memory_space<vmem>>, vector<16xi32>,
      %parallel_loop3A_166 = arith.addi %parallel_loop3A_159, %parallel_loop3A_165 : vector<16xi32>
      %parallel_loop3A_167 = arith.constant 16 : i32
      %parallel_loop3A_168 = arith.muli %parallel_loop3A_87, %parallel_loop3A_167 : i32
      %parallel_loop3A_169 = arith.constant 11 : i32
      %parallel_loop3A_170 = arith.index_cast %parallel_loop3A_169 : i32 to index
      %parallel_loop3A_171 = arith.index_cast %parallel_loop3A_168 : i32 to index
      %parallel_loop3A_172 = tpu.vector_load %arg9[%parallel_loop3A_170, %parallel_loop3A_171] {strides = array<i32>} : memref<32x1024xi32, #tpu.memory_space<vmem>>, vector<16xi32>,
      %parallel_loop3A_173 = arith.addi %parallel_loop3A_166, %parallel_loop3A_172 : vector<16xi32>
      %parallel_loop3A_174 = arith.constant 16 : i32
      %parallel_loop3A_175 = arith.muli %parallel_loop3A_87, %parallel_loop3A_174 : i32
      %parallel_loop3A_176 = arith.constant 12 : i32
      %parallel_loop3A_177 = arith.index_cast %parallel_loop3A_176 : i32 to index
      %parallel_loop3A_178 = arith.index_cast %parallel_loop3A_175 : i32 to index
      %parallel_loop3A_179 = tpu.vector_load %arg9[%parallel_loop3A_177, %parallel_loop3A_178] {strides = array<i32>} : memref<32x1024xi32, #tpu.memory_space<vmem>>, vector<16xi32>,
      %parallel_loop3A_180 = arith.addi %parallel_loop3A_173, %parallel_loop3A_179 : vector<16xi32>
      %parallel_loop3A_181 = arith.constant 16 : i32
      %parallel_loop3A_182 = arith.muli %parallel_loop3A_87, %parallel_loop3A_181 : i32
      %parallel_loop3A_183 = arith.constant 13 : i32
      %parallel_loop3A_184 = arith.index_cast %parallel_loop3A_183 : i32 to index
      %parallel_loop3A_185 = arith.index_cast %parallel_loop3A_182 : i32 to index
      %parallel_loop3A_186 = tpu.vector_load %arg9[%parallel_loop3A_184, %parallel_loop3A_185] {strides = array<i32>} : memref<32x1024xi32, #tpu.memory_space<vmem>>, vector<16xi32>,
      %parallel_loop3A_187 = arith.addi %parallel_loop3A_180, %parallel_loop3A_186 : vector<16xi32>
      %parallel_loop3A_188 = arith.constant 16 : i32
      %parallel_loop3A_189 = arith.muli %parallel_loop3A_87, %parallel_loop3A_188 : i32
      %parallel_loop3A_190 = arith.constant 14 : i32
      %parallel_loop3A_191 = arith.index_cast %parallel_loop3A_190 : i32 to index
      %parallel_loop3A_192 = arith.index_cast %parallel_loop3A_189 : i32 to index
      %parallel_loop3A_193 = tpu.vector_load %arg9[%parallel_loop3A_191, %parallel_loop3A_192] {strides = array<i32>} : memref<32x1024xi32, #tpu.memory_space<vmem>>, vector<16xi32>,
      %parallel_loop3A_194 = arith.addi %parallel_loop3A_187, %parallel_loop3A_193 : vector<16xi32>
      %parallel_loop3A_195 = arith.constant 16 : i32
      %parallel_loop3A_196 = arith.muli %parallel_loop3A_87, %parallel_loop3A_195 : i32
      %parallel_loop3A_197 = arith.constant 15 : i32
      %parallel_loop3A_198 = arith.index_cast %parallel_loop3A_197 : i32 to index
      %parallel_loop3A_199 = arith.index_cast %parallel_loop3A_196 : i32 to index
      %parallel_loop3A_200 = tpu.vector_load %arg9[%parallel_loop3A_198, %parallel_loop3A_199] {strides = array<i32>} : memref<32x1024xi32, #tpu.memory_space<vmem>>, vector<16xi32>,
      %parallel_loop3A_201 = arith.addi %parallel_loop3A_194, %parallel_loop3A_200 : vector<16xi32>
      %parallel_loop3A_202 = arith.constant 16 : i32
      %parallel_loop3A_203 = arith.muli %parallel_loop3A_87, %parallel_loop3A_202 : i32
      %parallel_loop3A_204 = arith.constant 16 : i32
      %parallel_loop3A_205 = arith.index_cast %parallel_loop3A_204 : i32 to index
      %parallel_loop3A_206 = arith.index_cast %parallel_loop3A_203 : i32 to index
      %parallel_loop3A_207 = tpu.vector_load %arg9[%parallel_loop3A_205, %parallel_loop3A_206] {strides = array<i32>} : memref<32x1024xi32, #tpu.memory_space<vmem>>, vector<16xi32>,
      %parallel_loop3A_208 = arith.addi %parallel_loop3A_201, %parallel_loop3A_207 : vector<16xi32>
      %parallel_loop3A_209 = arith.constant 16 : i32
      %parallel_loop3A_210 = arith.muli %parallel_loop3A_87, %parallel_loop3A_209 : i32
      %parallel_loop3A_211 = arith.constant 17 : i32
      %parallel_loop3A_212 = arith.index_cast %parallel_loop3A_211 : i32 to index
      %parallel_loop3A_213 = arith.index_cast %parallel_loop3A_210 : i32 to index
      %parallel_loop3A_214 = tpu.vector_load %arg9[%parallel_loop3A_212, %parallel_loop3A_213] {strides = array<i32>} : memref<32x1024xi32, #tpu.memory_space<vmem>>, vector<16xi32>,
      %parallel_loop3A_215 = arith.addi %parallel_loop3A_208, %parallel_loop3A_214 : vector<16xi32>
      %parallel_loop3A_216 = arith.constant 16 : i32
      %parallel_loop3A_217 = arith.muli %parallel_loop3A_87, %parallel_loop3A_216 : i32
      %parallel_loop3A_218 = arith.constant 18 : i32
      %parallel_loop3A_219 = arith.index_cast %parallel_loop3A_218 : i32 to index
      %parallel_loop3A_220 = arith.index_cast %parallel_loop3A_217 : i32 to index
      %parallel_loop3A_221 = tpu.vector_load %arg9[%parallel_loop3A_219, %parallel_loop3A_220] {strides = array<i32>} : memref<32x1024xi32, #tpu.memory_space<vmem>>, vector<16xi32>,
      %parallel_loop3A_222 = arith.addi %parallel_loop3A_215, %parallel_loop3A_221 : vector<16xi32>
      %parallel_loop3A_223 = arith.constant 16 : i32
      %parallel_loop3A_224 = arith.muli %parallel_loop3A_87, %parallel_loop3A_223 : i32
      %parallel_loop3A_225 = arith.constant 19 : i32
      %parallel_loop3A_226 = arith.index_cast %parallel_loop3A_225 : i32 to index
      %parallel_loop3A_227 = arith.index_cast %parallel_loop3A_224 : i32 to index
      %parallel_loop3A_228 = tpu.vector_load %arg9[%parallel_loop3A_226, %parallel_loop3A_227] {strides = array<i32>} : memref<32x1024xi32, #tpu.memory_space<vmem>>, vector<16xi32>,
      %parallel_loop3A_229 = arith.addi %parallel_loop3A_222, %parallel_loop3A_228 : vector<16xi32>
      %parallel_loop3A_230 = arith.constant 16 : i32
      %parallel_loop3A_231 = arith.muli %parallel_loop3A_87, %parallel_loop3A_230 : i32
      %parallel_loop3A_232 = arith.constant 20 : i32
      %parallel_loop3A_233 = arith.index_cast %parallel_loop3A_232 : i32 to index
      %parallel_loop3A_234 = arith.index_cast %parallel_loop3A_231 : i32 to index
      %parallel_loop3A_235 = tpu.vector_load %arg9[%parallel_loop3A_233, %parallel_loop3A_234] {strides = array<i32>} : memref<32x1024xi32, #tpu.memory_space<vmem>>, vector<16xi32>,
      %parallel_loop3A_236 = arith.addi %parallel_loop3A_229, %parallel_loop3A_235 : vector<16xi32>
      %parallel_loop3A_237 = arith.constant 16 : i32
      %parallel_loop3A_238 = arith.muli %parallel_loop3A_87, %parallel_loop3A_237 : i32
      %parallel_loop3A_239 = arith.constant 21 : i32
      %parallel_loop3A_240 = arith.index_cast %parallel_loop3A_239 : i32 to index
      %parallel_loop3A_241 = arith.index_cast %parallel_loop3A_238 : i32 to index
      %parallel_loop3A_242 = tpu.vector_load %arg9[%parallel_loop3A_240, %parallel_loop3A_241] {strides = array<i32>} : memref<32x1024xi32, #tpu.memory_space<vmem>>, vector<16xi32>,
      %parallel_loop3A_243 = arith.addi %parallel_loop3A_236, %parallel_loop3A_242 : vector<16xi32>
      %parallel_loop3A_244 = arith.constant 16 : i32
      %parallel_loop3A_245 = arith.muli %parallel_loop3A_87, %parallel_loop3A_244 : i32
      %parallel_loop3A_246 = arith.constant 22 : i32
      %parallel_loop3A_247 = arith.index_cast %parallel_loop3A_246 : i32 to index
      %parallel_loop3A_248 = arith.index_cast %parallel_loop3A_245 : i32 to index
      %parallel_loop3A_249 = tpu.vector_load %arg9[%parallel_loop3A_247, %parallel_loop3A_248] {strides = array<i32>} : memref<32x1024xi32, #tpu.memory_space<vmem>>, vector<16xi32>,
      %parallel_loop3A_250 = arith.addi %parallel_loop3A_243, %parallel_loop3A_249 : vector<16xi32>
      %parallel_loop3A_251 = arith.constant 16 : i32
      %parallel_loop3A_252 = arith.muli %parallel_loop3A_87, %parallel_loop3A_251 : i32
      %parallel_loop3A_253 = arith.constant 23 : i32
      %parallel_loop3A_254 = arith.index_cast %parallel_loop3A_253 : i32 to index
      %parallel_loop3A_255 = arith.index_cast %parallel_loop3A_252 : i32 to index
      %parallel_loop3A_256 = tpu.vector_load %arg9[%parallel_loop3A_254, %parallel_loop3A_255] {strides = array<i32>} : memref<32x1024xi32, #tpu.memory_space<vmem>>, vector<16xi32>,
      %parallel_loop3A_257 = arith.addi %parallel_loop3A_250, %parallel_loop3A_256 : vector<16xi32>
      %parallel_loop3A_258 = arith.constant 16 : i32
      %parallel_loop3A_259 = arith.muli %parallel_loop3A_87, %parallel_loop3A_258 : i32
      %parallel_loop3A_260 = arith.constant 24 : i32
      %parallel_loop3A_261 = arith.index_cast %parallel_loop3A_260 : i32 to index
      %parallel_loop3A_262 = arith.index_cast %parallel_loop3A_259 : i32 to index
      %parallel_loop3A_263 = tpu.vector_load %arg9[%parallel_loop3A_261, %parallel_loop3A_262] {strides = array<i32>} : memref<32x1024xi32, #tpu.memory_space<vmem>>, vector<16xi32>,
      %parallel_loop3A_264 = arith.addi %parallel_loop3A_257, %parallel_loop3A_263 : vector<16xi32>
      %parallel_loop3A_265 = arith.constant 16 : i32
      %parallel_loop3A_266 = arith.muli %parallel_loop3A_87, %parallel_loop3A_265 : i32
      %parallel_loop3A_267 = arith.constant 25 : i32
      %parallel_loop3A_268 = arith.index_cast %parallel_loop3A_267 : i32 to index
      %parallel_loop3A_269 = arith.index_cast %parallel_loop3A_266 : i32 to index
      %parallel_loop3A_270 = tpu.vector_load %arg9[%parallel_loop3A_268, %parallel_loop3A_269] {strides = array<i32>} : memref<32x1024xi32, #tpu.memory_space<vmem>>, vector<16xi32>,
      %parallel_loop3A_271 = arith.addi %parallel_loop3A_264, %parallel_loop3A_270 : vector<16xi32>
      %parallel_loop3A_272 = arith.constant 16 : i32
      %parallel_loop3A_273 = arith.muli %parallel_loop3A_87, %parallel_loop3A_272 : i32
      %parallel_loop3A_274 = arith.constant 26 : i32
      %parallel_loop3A_275 = arith.index_cast %parallel_loop3A_274 : i32 to index
      %parallel_loop3A_276 = arith.index_cast %parallel_loop3A_273 : i32 to index
      %parallel_loop3A_277 = tpu.vector_load %arg9[%parallel_loop3A_275, %parallel_loop3A_276] {strides = array<i32>} : memref<32x1024xi32, #tpu.memory_space<vmem>>, vector<16xi32>,
      %parallel_loop3A_278 = arith.addi %parallel_loop3A_271, %parallel_loop3A_277 : vector<16xi32>
      %parallel_loop3A_279 = arith.constant 16 : i32
      %parallel_loop3A_280 = arith.muli %parallel_loop3A_87, %parallel_loop3A_279 : i32
      %parallel_loop3A_281 = arith.constant 27 : i32
      %parallel_loop3A_282 = arith.index_cast %parallel_loop3A_281 : i32 to index
      %parallel_loop3A_283 = arith.index_cast %parallel_loop3A_280 : i32 to index
      %parallel_loop3A_284 = tpu.vector_load %arg9[%parallel_loop3A_282, %parallel_loop3A_283] {strides = array<i32>} : memref<32x1024xi32, #tpu.memory_space<vmem>>, vector<16xi32>,
      %parallel_loop3A_285 = arith.addi %parallel_loop3A_278, %parallel_loop3A_284 : vector<16xi32>
      %parallel_loop3A_286 = arith.constant 16 : i32
      %parallel_loop3A_287 = arith.muli %parallel_loop3A_87, %parallel_loop3A_286 : i32
      %parallel_loop3A_288 = arith.constant 28 : i32
      %parallel_loop3A_289 = arith.index_cast %parallel_loop3A_288 : i32 to index
      %parallel_loop3A_290 = arith.index_cast %parallel_loop3A_287 : i32 to index
      %parallel_loop3A_291 = tpu.vector_load %arg9[%parallel_loop3A_289, %parallel_loop3A_290] {strides = array<i32>} : memref<32x1024xi32, #tpu.memory_space<vmem>>, vector<16xi32>,
      %parallel_loop3A_292 = arith.addi %parallel_loop3A_285, %parallel_loop3A_291 : vector<16xi32>
      %parallel_loop3A_293 = arith.constant 16 : i32
      %parallel_loop3A_294 = arith.muli %parallel_loop3A_87, %parallel_loop3A_293 : i32
      %parallel_loop3A_295 = arith.constant 29 : i32
      %parallel_loop3A_296 = arith.index_cast %parallel_loop3A_295 : i32 to index
      %parallel_loop3A_297 = arith.index_cast %parallel_loop3A_294 : i32 to index
      %parallel_loop3A_298 = tpu.vector_load %arg9[%parallel_loop3A_296, %parallel_loop3A_297] {strides = array<i32>} : memref<32x1024xi32, #tpu.memory_space<vmem>>, vector<16xi32>,
      %parallel_loop3A_299 = arith.addi %parallel_loop3A_292, %parallel_loop3A_298 : vector<16xi32>
      %parallel_loop3A_300 = arith.constant 16 : i32
      %parallel_loop3A_301 = arith.muli %parallel_loop3A_87, %parallel_loop3A_300 : i32
      %parallel_loop3A_302 = arith.constant 30 : i32
      %parallel_loop3A_303 = arith.index_cast %parallel_loop3A_302 : i32 to index
      %parallel_loop3A_304 = arith.index_cast %parallel_loop3A_301 : i32 to index
      %parallel_loop3A_305 = tpu.vector_load %arg9[%parallel_loop3A_303, %parallel_loop3A_304] {strides = array<i32>} : memref<32x1024xi32, #tpu.memory_space<vmem>>, vector<16xi32>,
      %parallel_loop3A_306 = arith.addi %parallel_loop3A_299, %parallel_loop3A_305 : vector<16xi32>
      %parallel_loop3A_307 = arith.constant 16 : i32
      %parallel_loop3A_308 = arith.muli %parallel_loop3A_87, %parallel_loop3A_307 : i32
      %parallel_loop3A_309 = arith.constant 31 : i32
      %parallel_loop3A_310 = arith.index_cast %parallel_loop3A_309 : i32 to index
      %parallel_loop3A_311 = arith.index_cast %parallel_loop3A_308 : i32 to index
      %parallel_loop3A_312 = tpu.vector_load %arg9[%parallel_loop3A_310, %parallel_loop3A_311] {strides = array<i32>} : memref<32x1024xi32, #tpu.memory_space<vmem>>, vector<16xi32>,
      %parallel_loop3A_313 = arith.addi %parallel_loop3A_306, %parallel_loop3A_312 : vector<16xi32>
      %parallel_loop3A_314 = arith.constant 16 : i32
      %parallel_loop3A_315 = arith.muli %parallel_loop3A_87, %parallel_loop3A_314 : i32
      %parallel_loop3A_316 = arith.index_cast %parallel_loop3A_315 : i32 to index
      %parallel_loop3A_317 = tpu.vector_load %arg10[%parallel_loop3A_316] {strides = array<i32>} : memref<1024xi32, #tpu.memory_space<vmem>>, vector<16xi32>,
      tpu.vector_store %arg10[%parallel_loop3A_316], %parallel_loop3A_313 {strides = array<i32>} : memref<1024xi32, #tpu.memory_space<vmem>>, vector<16xi32>,
    } {sc.loop_unroll_factor = 2 : i64, sc.parallel_access}
    %sub3A = arith.constant 8192 : i32
    %sub3A_36 = arith.subi %sub3A, %reduce_sum3A_33 : i32
    %iota3A_37 = tpu.iota {dimensions = array<i32: 0>} : vector<16xi32>
    %scan3A = arith.constant -1 : i32
    %scan3A_38 = arith.constant 0 : i32
    %scan3A_39 = arith.constant 0 : i32
    %scan3A_40 = arith.constant 0 : i32
    %scan3A_41 = arith.constant 64 : i32
    %scan3A_42 = arith.addi %scan3A_40, %scan3A_41 : i32
    %scan3A_43 = arith.constant 1 : i32
    %scan3A_44:3 = scf.for %scan3A_87 = %scan3A_40 to %scan3A_42 step %scan3A_43 iter_args(%scan3A_88 = %scan3A, %scan3A_89 = %scan3A_38, %scan3A_90 = %scan3A_39) -> (i32, i32, i32)  : i32 {
      %sub3A_91 = arith.constant 63 : i32
      %sub3A_92 = arith.subi %sub3A_91, %scan3A_87 : i32
      %mul3A_93 = arith.constant 16 : i32
      %mul3A_94 = arith.muli %sub3A_92, %mul3A_93 : i32
      %get3A_95 = arith.index_cast %mul3A_94 : i32 to index
      %get3A_96 = tpu.vector_load %arg10[%get3A_95] {strides = array<i32>} : memref<1024xi32, #tpu.memory_space<vmem>>, vector<16xi32>,
      %rev3A = arith.constant 15 : i32
      %rev3A_97 = vector.broadcast %rev3A : i32 to vector<16xi32>
      %rev3A_98 = tpu.iota {dimensions = array<i32: 0>} : vector<16xi32>
      %rev3A_99 = arith.subi %rev3A_97, %rev3A_98 : vector<16xi32>
      %rev3A_100 = tpu.dynamic_gather %get3A_96[%rev3A_99] in [0] : vector<16xi32>, vector<16xi32> -> vector<16xi32>
      %broadcast_in_dim3A_101 = arith.constant true
      %broadcast_in_dim3A_102 = vector.broadcast %broadcast_in_dim3A_101 : i1 to vector<16xi1>
      %masked_cumsum3A = tpu.scan <sum>, %rev3A_100 masked %broadcast_in_dim3A_102 : vector<16xi32>, vector<16xi1> -> vector<16xi32>
      %reduce_sum3A_103 = arith.constant true
      %reduce_sum3A_104 = vector.broadcast %reduce_sum3A_103 : i1 to vector<16xi1>
      %reduce_sum3A_105 = tpu.scan <sum>, %get3A_96 masked %reduce_sum3A_104 : vector<16xi32>, vector<16xi1> -> vector<16xi32>
      %reduce_sum3A_106 = vector.extract %reduce_sum3A_105[15] : i32 from vector<16xi32>
      %add3A_107 = vector.broadcast %scan3A_90 : i32 to vector<16xi32>
      %add3A_108 = arith.addi %masked_cumsum3A, %add3A_107 : vector<16xi32>
      %ge3A = vector.broadcast %sub3A_36 : i32 to vector<16xi32>
      %ge3A_109 = arith.cmpi sge, %add3A_108, %ge3A : vector<16xi32>
      %reduce_or3A = arith.constant 1.000000e+00 : f32
      %reduce_or3A_110 = arith.constant 0.000000e+00 : f32
      %reduce_or3A_111 = vector.broadcast %reduce_or3A : f32 to vector<16xf32>
      %reduce_or3A_112 = vector.broadcast %reduce_or3A_110 : f32 to vector<16xf32>
      %reduce_or3A_113 = arith.select %ge3A_109, %reduce_or3A_111, %reduce_or3A_112 : vector<16xi1>, vector<16xf32>
      %reduce_or3A_114 = arith.constant true
      %reduce_or3A_115 = vector.broadcast %reduce_or3A_114 : i1 to vector<16xi1>
      %reduce_or3A_116 = tpu.scan <max>, %reduce_or3A_113 masked %reduce_or3A_115 : vector<16xf32>, vector<16xi1> -> vector<16xf32>
      %reduce_or3A_117 = vector.extract %reduce_or3A_116[15] : f32 from vector<16xf32>
      %reduce_or3A_118 = arith.constant 0.000000e+00 : f32
      %reduce_or3A_119 = arith.cmpf ogt, %reduce_or3A_117, %reduce_or3A_118 : f32
      %broadcast_in_dim3A_120 = arith.constant 16 : i32
      %broadcast_in_dim3A_121 = vector.broadcast %broadcast_in_dim3A_120 : i32 to vector<16xi32>
      %select_n3A_122 = arith.select %ge3A_109, %iota3A_37, %broadcast_in_dim3A_121 : vector<16xi1>, vector<16xi32>
      %reduce_min3A = arith.constant true
      %reduce_min3A_123 = vector.broadcast %reduce_min3A : i1 to vector<16xi1>
      %reduce_min3A_124 = arith.constant -2147483648 : i32
      %reduce_min3A_125 = vector.broadcast %reduce_min3A_124 : i32 to vector<16xi32>
      %reduce_min3A_126 = arith.xori %select_n3A_122, %reduce_min3A_125 : vector<16xi32>
      %reduce_min3A_127 = tpu.scan <min>, %reduce_min3A_126 masked %reduce_min3A_123 : vector<16xi32>, vector<16xi1> -> vector<16xi32>
      %reduce_min3A_128 = arith.xori %reduce_min3A_127, %reduce_min3A_125 : vector<16xi32>
      %reduce_min3A_129 = vector.extract %reduce_min3A_128[15] : i32 from vector<16xi32>
      %iota3A_130 = tpu.iota {dimensions = array<i32: 0>} : vector<16xi32>
      %eq3A_131 = vector.broadcast %reduce_min3A_129 : i32 to vector<16xi32>
      %eq3A_132 = arith.cmpi eq, %iota3A_130, %eq3A_131 : vector<16xi32>
      %broadcast_in_dim3A_133 = arith.constant 0 : i32
      %broadcast_in_dim3A_134 = vector.broadcast %broadcast_in_dim3A_133 : i32 to vector<16xi32>
      %select_n3A_135 = arith.select %eq3A_132, %masked_cumsum3A, %broadcast_in_dim3A_134 : vector<16xi1>, vector<16xi32>
      %reduce_sum3A_136 = arith.constant true
      %reduce_sum3A_137 = vector.broadcast %reduce_sum3A_136 : i1 to vector<16xi1>
      %reduce_sum3A_138 = tpu.scan <sum>, %select_n3A_135 masked %reduce_sum3A_137 : vector<16xi32>, vector<16xi1> -> vector<16xi32>
      %reduce_sum3A_139 = vector.extract %reduce_sum3A_138[15] : i32 from vector<16xi32>
      %iota3A_140 = tpu.iota {dimensions = array<i32: 0>} : vector<16xi32>
      %eq3A_141 = vector.broadcast %reduce_min3A_129 : i32 to vector<16xi32>
      %eq3A_142 = arith.cmpi eq, %iota3A_140, %eq3A_141 : vector<16xi32>
      %broadcast_in_dim3A_143 = arith.constant 0 : i32
      %broadcast_in_dim3A_144 = vector.broadcast %broadcast_in_dim3A_143 : i32 to vector<16xi32>
      %select_n3A_145 = arith.select %eq3A_142, %rev3A_100, %broadcast_in_dim3A_144 : vector<16xi1>, vector<16xi32>
      %reduce_sum3A_146 = arith.constant true
      %reduce_sum3A_147 = vector.broadcast %reduce_sum3A_146 : i1 to vector<16xi1>
      %reduce_sum3A_148 = tpu.scan <sum>, %select_n3A_145 masked %reduce_sum3A_147 : vector<16xi32>, vector<16xi1> -> vector<16xi32>
      %reduce_sum3A_149 = vector.extract %reduce_sum3A_148[15] : i32 from vector<16xi32>
      %lt3A_150 = arith.constant 0 : i32
      %lt3A_151 = arith.cmpi slt, %scan3A_88, %lt3A_150 : i32
      %and3A_152 = arith.andi %reduce_or3A_119, %lt3A_151 : i1
      %mul3A_153 = arith.constant 16 : i32
      %mul3A_154 = arith.muli %sub3A_92, %mul3A_153 : i32
      %add3A_155 = arith.constant 15 : i32
      %add3A_156 = arith.addi %mul3A_154, %add3A_155 : i32
      %sub3A_157 = arith.subi %add3A_156, %reduce_min3A_129 : i32
      %select_n3A_158 = arith.select %and3A_152, %sub3A_157, %scan3A_88 : i32
      %add3A_159 = arith.addi %scan3A_90, %reduce_sum3A_139 : i32
      %sub3A_160 = arith.subi %add3A_159, %reduce_sum3A_149 : i32
      %select_n3A_161 = arith.select %and3A_152, %sub3A_160, %scan3A_89 : i32
      %add3A_162 = arith.addi %scan3A_90, %reduce_sum3A_106 : i32
      scf.yield %select_n3A_158, %select_n3A_161, %add3A_162 : i32, i32, i32
    }
    %scan3A_45 = arith.constant 64 : i32
    %add3A_46 = arith.addi %reduce_sum3A_33, %scan3A_44#1 : i32
    %shift_left3A = arith.constant 20 : i32
    %shift_left3A_47 = arith.shli %reduce_sum3A_9, %shift_left3A : i32
    %shift_left3A_48 = arith.constant 10 : i32
    %shift_left3A_49 = arith.shli %reduce_sum3A_22, %shift_left3A_48 : i32
    %or3A = arith.ori %shift_left3A_47, %shift_left3A_49 : i32
    %or3A_50 = arith.ori %or3A, %scan3A_44#0 : i32
    %shift_right_arithmetic3A = arith.constant 4 : i32
    %shift_right_arithmetic3A_51 = arith.shrsi %scan3A_44#0, %shift_right_arithmetic3A : i32
    %shift_left3A_52 = arith.constant 4 : i32
    %shift_left3A_53 = arith.shli %shift_right_arithmetic3A_51, %shift_left3A_52 : i32
    %get3A_54 = arith.index_cast %shift_left3A_53 : i32 to index
    %get3A_55 = tpu.vector_load %arg10[%get3A_54] {strides = array<i32>} : memref<1024xi32, #tpu.memory_space<vmem>>, vector<16xi32>,
    %and3A = arith.constant 15 : i32
    %and3A_56 = arith.andi %scan3A_44#0, %and3A : i32
    %iota3A_57 = tpu.iota {dimensions = array<i32: 0>} : vector<16xi32>
    %eq3A_58 = vector.broadcast %and3A_56 : i32 to vector<16xi32>
    %eq3A_59 = arith.cmpi eq, %iota3A_57, %eq3A_58 : vector<16xi32>
    %broadcast_in_dim3A_60 = arith.constant 0 : i32
    %broadcast_in_dim3A_61 = vector.broadcast %broadcast_in_dim3A_60 : i32 to vector<16xi32>
    %select_n3A_62 = arith.select %eq3A_59, %get3A_55, %broadcast_in_dim3A_61 : vector<16xi1>, vector<16xi32>
    %reduce_sum3A_63 = arith.constant true
    %reduce_sum3A_64 = vector.broadcast %reduce_sum3A_63 : i1 to vector<16xi1>
    %reduce_sum3A_65 = tpu.scan <sum>, %select_n3A_62 masked %reduce_sum3A_64 : vector<16xi32>, vector<16xi1> -> vector<16xi32>
    %reduce_sum3A_66 = vector.extract %reduce_sum3A_65[15] : i32 from vector<16xi32>
    %sub3A_67 = arith.constant 8192 : i32
    %sub3A_68 = arith.subi %sub3A_67, %add3A_46 : i32
    %scan3A_69 = arith.constant 0 : i32
    %scan3A_70 = arith.constant 0 : i32
    %scan3A_71 = arith.constant 32 : i32
    %scan3A_72 = arith.addi %scan3A_70, %scan3A_71 : i32
    %scan3A_73 = arith.constant 1 : i32
    %scan3A_74 = scf.for %scan3A_87 = %scan3A_70 to %scan3A_72 step %scan3A_73 iter_args(%scan3A_88 = %scan3A_69) -> (i32)  : i32 {
      %shift_right_arithmetic3A_89 = arith.constant 4 : i32
      %shift_right_arithmetic3A_90 = arith.shrsi %scan3A_44#0, %shift_right_arithmetic3A_89 : i32
      %shift_left3A_91 = arith.constant 4 : i32
      %shift_left3A_92 = arith.shli %shift_right_arithmetic3A_90, %shift_left3A_91 : i32
      %get3A_93 = arith.index_cast %scan3A_87 : i32 to index
      %get3A_94 = arith.index_cast %shift_left3A_92 : i32 to index
      %get3A_95 = tpu.vector_load %arg9[%get3A_93, %get3A_94] {strides = array<i32>} : memref<32x1024xi32, #tpu.memory_space<vmem>>, vector<16xi32>,
      %and3A_96 = arith.constant 15 : i32
      %and3A_97 = arith.andi %scan3A_44#0, %and3A_96 : i32
      %iota3A_98 = tpu.iota {dimensions = array<i32: 0>} : vector<16xi32>
      %eq3A_99 = vector.broadcast %and3A_97 : i32 to vector<16xi32>
      %eq3A_100 = arith.cmpi eq, %iota3A_98, %eq3A_99 : vector<16xi32>
      %broadcast_in_dim3A_101 = arith.constant 0 : i32
      %broadcast_in_dim3A_102 = vector.broadcast %broadcast_in_dim3A_101 : i32 to vector<16xi32>
      %select_n3A_103 = arith.select %eq3A_100, %get3A_95, %broadcast_in_dim3A_102 : vector<16xi1>, vector<16xi32>
      %reduce_sum3A_104 = arith.constant true
      %reduce_sum3A_105 = vector.broadcast %reduce_sum3A_104 : i1 to vector<16xi1>
      %reduce_sum3A_106 = tpu.scan <sum>, %select_n3A_103 masked %reduce_sum3A_105 : vector<16xi32>, vector<16xi1> -> vector<16xi32>
      %reduce_sum3A_107 = vector.extract %reduce_sum3A_106[15] : i32 from vector<16xi32>
      %lt3A_108 = arith.cmpi slt, %scan3A_87, %add3A : i32
      %jit3A_109 = arith.constant 0 : i32
      %select_n3A_110 = arith.select %lt3A_108, %reduce_sum3A_107, %jit3A_109 : i32
      %add3A_111 = arith.addi %scan3A_88, %select_n3A_110 : i32
      scf.yield %add3A_111 : i32
    }
    %scan3A_75 = arith.constant 32 : i32
    %lt3A = arith.constant 0 : i32
    %lt3A_76 = arith.cmpi slt, %reduce_sum3A_9, %lt3A : i32
    %eq3A_77 = arith.cmpi eq, %reduce_sum3A_66, %sub3A_68 : i32
    %or3A_78 = arith.ori %lt3A_76, %eq3A_77 : i1
    %lt3A_79 = arith.constant 0 : i32
    %lt3A_80 = arith.cmpi slt, %reduce_sum3A_9, %lt3A_79 : i32
    %jit3A = arith.constant 1 : i32
    %select_n3A_81 = arith.select %lt3A_80, %jit3A, %or3A_50 : i32
    %convert_element_type3A = arith.extui %or3A_78 : i1 to i32
    %cond3A = arith.constant 0 : i32
    %cond3A_82 = arith.cmpi ne, %convert_element_type3A, %cond3A : i32
    scf.if %cond3A_82 {
      %scan3A_87 = arith.constant 0 : i32
      %scan3A_88 = arith.constant 0 : i32
      %scan3A_89 = arith.constant 16 : i32
      %scan3A_90 = arith.addi %scan3A_88, %scan3A_89 : i32
      %scan3A_91 = arith.constant 1 : i32
      %scan3A_92 = scf.for %scan3A_94 = %scan3A_88 to %scan3A_90 step %scan3A_91 iter_args(%scan3A_95 = %scan3A_87) -> (i32)  : i32 {
        %mul3A_96 = arith.constant 8192 : i32
        %mul3A_97 = arith.muli %scan3A_94, %mul3A_96 : i32
        %add3A_98 = arith.addi %mul3A_2, %mul3A_97 : i32
        "tpu.region"() ({
          %run_scoped3A = tpu.sem_alloc : memref<!tpu.dma_semaphore, #tpu.memory_space<semaphore_mem>>
          %dma_start3A = tpu.memref_slice %arg2[%add3A_98] : memref<4194304xf32, #tpu.memory_space<hbm>> -> memref<8192xf32, #tpu.memory_space<hbm>>
          %dma_start3A_103 = tpu.memref_slice %arg2[%add3A_98] : memref<4194304xf32, #tpu.memory_space<hbm>> -> memref<8192xf32, #tpu.memory_space<hbm>>
          tpu.enqueue_dma source(%dma_start3A_103 : memref<8192xf32, #tpu.memory_space<hbm>>) target(%arg7 : memref<8192xf32, #tpu.memory_space<vmem>>) target_semaphore(%run_scoped3A : memref<!tpu.dma_semaphore, #tpu.memory_space<semaphore_mem>>)
          %dma_wait3A = tpu.memref_slice %arg2[%add3A_98] : memref<4194304xf32, #tpu.memory_space<hbm>> -> memref<8192xf32, #tpu.memory_space<hbm>>
          %dma_wait3A_104 = tpu.memref_slice %arg2[%add3A_98] : memref<4194304xf32, #tpu.memory_space<hbm>> -> memref<8192xf32, #tpu.memory_space<hbm>>
          tpu.wait_dma2 semaphore(%run_scoped3A : memref<!tpu.dma_semaphore, #tpu.memory_space<semaphore_mem>>) src(%dma_wait3A_104 : memref<8192xf32, #tpu.memory_space<hbm>>) dst(%arg7 : memref<8192xf32, #tpu.memory_space<vmem>>)
          tpu.yield
        }) : () -> ()
        %parallel_loop3A_99 = arith.constant 0 : i32
        %parallel_loop3A_100 = arith.constant 512 : i32
        %parallel_loop3A_101 = arith.constant 1 : i32
        scf.for %parallel_loop3A_103 = %parallel_loop3A_99 to %parallel_loop3A_100 step %parallel_loop3A_101  : i32 {
          %parallel_loop3A_104 = arith.constant 16 : i32
          %parallel_loop3A_105 = arith.muli %parallel_loop3A_103, %parallel_loop3A_104 : i32
          %parallel_loop3A_106 = arith.index_cast %parallel_loop3A_105 : i32 to index
          %parallel_loop3A_107 = tpu.vector_load %arg7[%parallel_loop3A_106] {strides = array<i32>} : memref<8192xf32, #tpu.memory_space<vmem>>, vector<16xf32>,
          %parallel_loop3A_108 = tpu.bitcast %parallel_loop3A_107 : vector<16xf32> -> vector<16xi32>
          %parallel_loop3A_109 = vector.broadcast %select_n3A_81 : i32 to vector<16xi32>
          %parallel_loop3A_110 = arith.cmpi sge, %parallel_loop3A_108, %parallel_loop3A_109 : vector<16xi32>
          %parallel_loop3A_111 = arith.constant 0.000000e+00 : f32
          %parallel_loop3A_112 = vector.broadcast %parallel_loop3A_111 : f32 to vector<16xf32>
          %parallel_loop3A_113 = arith.select %parallel_loop3A_110, %parallel_loop3A_107, %parallel_loop3A_112 : vector<16xi1>, vector<16xf32>
          %parallel_loop3A_114 = arith.constant 16 : i32
          %parallel_loop3A_115 = arith.muli %parallel_loop3A_103, %parallel_loop3A_114 : i32
          %parallel_loop3A_116 = arith.index_cast %parallel_loop3A_115 : i32 to index
          %parallel_loop3A_117 = tpu.vector_load %arg8[%parallel_loop3A_116] {strides = array<i32>} : memref<8192xf32, #tpu.memory_space<vmem>>, vector<16xf32>,
          tpu.vector_store %arg8[%parallel_loop3A_116], %parallel_loop3A_113 {strides = array<i32>} : memref<8192xf32, #tpu.memory_space<vmem>>, vector<16xf32>,
        } {sc.loop_unroll_factor = 8 : i64, sc.parallel_access}
        "tpu.region"() ({
          %run_scoped3A = tpu.sem_alloc : memref<!tpu.dma_semaphore, #tpu.memory_space<semaphore_mem>>
          %dma_start3A = tpu.memref_slice %arg6[%add3A_98] : memref<4194304xf32, #tpu.memory_space<hbm>> -> memref<8192xf32, #tpu.memory_space<hbm>>
          %dma_start3A_103 = tpu.memref_slice %arg6[%add3A_98] : memref<4194304xf32, #tpu.memory_space<hbm>> -> memref<8192xf32, #tpu.memory_space<hbm>>
          tpu.enqueue_dma source(%arg8 : memref<8192xf32, #tpu.memory_space<vmem>>) target(%dma_start3A_103 : memref<8192xf32, #tpu.memory_space<hbm>>) target_semaphore(%run_scoped3A : memref<!tpu.dma_semaphore, #tpu.memory_space<semaphore_mem>>)
          %dma_wait3A = tpu.memref_slice %arg6[%add3A_98] : memref<4194304xf32, #tpu.memory_space<hbm>> -> memref<8192xf32, #tpu.memory_space<hbm>>
          %dma_wait3A_104 = tpu.memref_slice %arg6[%add3A_98] : memref<4194304xf32, #tpu.memory_space<hbm>> -> memref<8192xf32, #tpu.memory_space<hbm>>
          tpu.wait_dma2 semaphore(%run_scoped3A : memref<!tpu.dma_semaphore, #tpu.memory_space<semaphore_mem>>) src(%arg8 : memref<8192xf32, #tpu.memory_space<vmem>>) dst(%dma_wait3A_104 : memref<8192xf32, #tpu.memory_space<hbm>>)
          tpu.yield
        }) : () -> ()
        %scan3A_102 = arith.constant 0 : i32
        scf.yield %scan3A_102 : i32
      }
      %scan3A_93 = arith.constant 16 : i32
    } else {
    }
    %not3A = arith.constant true
    %not3A_83 = arith.xori %or3A_78, %not3A : i1
    %convert_element_type3A_84 = arith.extui %not3A_83 : i1 to i32
    %cond3A_85 = arith.constant 0 : i32
    %cond3A_86 = arith.cmpi ne, %convert_element_type3A_84, %cond3A_85 : i32
    scf.if %cond3A_86 {
      %scan3A_87 = arith.constant 0 : i32
      %scan3A_88 = arith.constant 0 : i32
      %scan3A_89 = arith.constant 16 : i32
      %scan3A_90 = arith.addi %scan3A_88, %scan3A_89 : i32
      %scan3A_91 = arith.constant 1 : i32
      %scan3A_92 = scf.for %scan3A_94 = %scan3A_88 to %scan3A_90 step %scan3A_91 iter_args(%scan3A_95 = %scan3A_87) -> (i32)  : i32 {
        %mul3A_96 = arith.constant 8192 : i32
        %mul3A_97 = arith.muli %scan3A_94, %mul3A_96 : i32
        %add3A_98 = arith.addi %mul3A_2, %mul3A_97 : i32
        "tpu.region"() ({
          %run_scoped3A = tpu.sem_alloc : memref<!tpu.dma_semaphore, #tpu.memory_space<semaphore_mem>>
          %dma_start3A = tpu.memref_slice %arg2[%add3A_98] : memref<4194304xf32, #tpu.memory_space<hbm>> -> memref<8192xf32, #tpu.memory_space<hbm>>
          %dma_start3A_105 = tpu.memref_slice %arg2[%add3A_98] : memref<4194304xf32, #tpu.memory_space<hbm>> -> memref<8192xf32, #tpu.memory_space<hbm>>
          tpu.enqueue_dma source(%dma_start3A_105 : memref<8192xf32, #tpu.memory_space<hbm>>) target(%arg7 : memref<8192xf32, #tpu.memory_space<vmem>>) target_semaphore(%run_scoped3A : memref<!tpu.dma_semaphore, #tpu.memory_space<semaphore_mem>>)
          %dma_wait3A = tpu.memref_slice %arg2[%add3A_98] : memref<4194304xf32, #tpu.memory_space<hbm>> -> memref<8192xf32, #tpu.memory_space<hbm>>
          %dma_wait3A_106 = tpu.memref_slice %arg2[%add3A_98] : memref<4194304xf32, #tpu.memory_space<hbm>> -> memref<8192xf32, #tpu.memory_space<hbm>>
          tpu.wait_dma2 semaphore(%run_scoped3A : memref<!tpu.dma_semaphore, #tpu.memory_space<semaphore_mem>>) src(%dma_wait3A_106 : memref<8192xf32, #tpu.memory_space<hbm>>) dst(%arg7 : memref<8192xf32, #tpu.memory_space<vmem>>)
          tpu.yield
        }) : () -> ()
        %scan3A_99 = arith.constant 0 : i32
        %scan3A_100 = arith.constant 512 : i32
        %scan3A_101 = arith.addi %scan3A_99, %scan3A_100 : i32
        %scan3A_102 = arith.constant 1 : i32
        %scan3A_103 = scf.for %scan3A_105 = %scan3A_99 to %scan3A_101 step %scan3A_102 iter_args(%scan3A_106 = %scan3A_95) -> (i32)  : i32 {
          %mul3A_107 = arith.constant 16 : i32
          %mul3A_108 = arith.muli %scan3A_105, %mul3A_107 : i32
          %get3A_109 = arith.index_cast %mul3A_108 : i32 to index
          %get3A_110 = tpu.vector_load %arg7[%get3A_109] {strides = array<i32>} : memref<8192xf32, #tpu.memory_space<vmem>>, vector<16xf32>,
          %bitcast_convert_type3A = tpu.bitcast %get3A_110 : vector<16xf32> -> vector<16xi32>
          %gt3A = vector.broadcast %or3A_50 : i32 to vector<16xi32>
          %gt3A_111 = arith.cmpi sgt, %bitcast_convert_type3A, %gt3A : vector<16xi32>
          %eq3A_112 = vector.broadcast %or3A_50 : i32 to vector<16xi32>
          %eq3A_113 = arith.cmpi eq, %bitcast_convert_type3A, %eq3A_112 : vector<16xi32>
          %convert_element_type3A_114 = arith.extui %eq3A_113 : vector<16xi1> to vector<16xi32>
          %broadcast_in_dim3A_115 = arith.constant true
          %broadcast_in_dim3A_116 = vector.broadcast %broadcast_in_dim3A_115 : i1 to vector<16xi1>
          %masked_cumsum3A = tpu.scan <sum>, %convert_element_type3A_114 masked %broadcast_in_dim3A_116 : vector<16xi32>, vector<16xi1> -> vector<16xi32>
          %add3A_117 = arith.addi %scan3A_74, %scan3A_106 : i32
          %add3A_118 = vector.broadcast %add3A_117 : i32 to vector<16xi32>
          %add3A_119 = arith.addi %add3A_118, %masked_cumsum3A : vector<16xi32>
          %le3A = vector.broadcast %sub3A_68 : i32 to vector<16xi32>
          %le3A_120 = arith.cmpi sle, %add3A_119, %le3A : vector<16xi32>
          %and3A_121 = arith.andi %eq3A_113, %le3A_120 : vector<16xi1>
          %or3A_122 = arith.ori %gt3A_111, %and3A_121 : vector<16xi1>
          %broadcast_in_dim3A_123 = arith.constant 0.000000e+00 : f32
          %broadcast_in_dim3A_124 = vector.broadcast %broadcast_in_dim3A_123 : f32 to vector<16xf32>
          %select_n3A_125 = arith.select %or3A_122, %get3A_110, %broadcast_in_dim3A_124 : vector<16xi1>, vector<16xf32>
          %mul3A_126 = arith.constant 16 : i32
          %mul3A_127 = arith.muli %scan3A_105, %mul3A_126 : i32
          %swap3A = arith.index_cast %mul3A_127 : i32 to index
          %swap3A_128 = tpu.vector_load %arg8[%swap3A] {strides = array<i32>} : memref<8192xf32, #tpu.memory_space<vmem>>, vector<16xf32>,
          tpu.vector_store %arg8[%swap3A], %select_n3A_125 {strides = array<i32>} : memref<8192xf32, #tpu.memory_space<vmem>>, vector<16xf32>,
          %iota3A_129 = tpu.iota {dimensions = array<i32: 0>} : vector<16xi32>
          %eq3A_130 = arith.constant 15 : i32
          %eq3A_131 = vector.broadcast %eq3A_130 : i32 to vector<16xi32>
          %eq3A_132 = arith.cmpi eq, %iota3A_129, %eq3A_131 : vector<16xi32>
          %broadcast_in_dim3A_133 = arith.constant 0 : i32
          %broadcast_in_dim3A_134 = vector.broadcast %broadcast_in_dim3A_133 : i32 to vector<16xi32>
          %select_n3A_135 = arith.select %eq3A_132, %masked_cumsum3A, %broadcast_in_dim3A_134 : vector<16xi1>, vector<16xi32>
          %reduce_sum3A_136 = arith.constant true
          %reduce_sum3A_137 = vector.broadcast %reduce_sum3A_136 : i1 to vector<16xi1>
          %reduce_sum3A_138 = tpu.scan <sum>, %select_n3A_135 masked %reduce_sum3A_137 : vector<16xi32>, vector<16xi1> -> vector<16xi32>
          %reduce_sum3A_139 = vector.extract %reduce_sum3A_138[15] : i32 from vector<16xi32>
          %add3A_140 = arith.addi %scan3A_106, %reduce_sum3A_139 : i32
          scf.yield %add3A_140 : i32
        }
        %scan3A_104 = arith.constant 512 : i32
        "tpu.region"() ({
          %run_scoped3A = tpu.sem_alloc : memref<!tpu.dma_semaphore, #tpu.memory_space<semaphore_mem>>
          %dma_start3A = tpu.memref_slice %arg6[%add3A_98] : memref<4194304xf32, #tpu.memory_space<hbm>> -> memref<8192xf32, #tpu.memory_space<hbm>>
          %dma_start3A_105 = tpu.memref_slice %arg6[%add3A_98] : memref<4194304xf32, #tpu.memory_space<hbm>> -> memref<8192xf32, #tpu.memory_space<hbm>>
          tpu.enqueue_dma source(%arg8 : memref<8192xf32, #tpu.memory_space<vmem>>) target(%dma_start3A_105 : memref<8192xf32, #tpu.memory_space<hbm>>) target_semaphore(%run_scoped3A : memref<!tpu.dma_semaphore, #tpu.memory_space<semaphore_mem>>)
          %dma_wait3A = tpu.memref_slice %arg6[%add3A_98] : memref<4194304xf32, #tpu.memory_space<hbm>> -> memref<8192xf32, #tpu.memory_space<hbm>>
          %dma_wait3A_106 = tpu.memref_slice %arg6[%add3A_98] : memref<4194304xf32, #tpu.memory_space<hbm>> -> memref<8192xf32, #tpu.memory_space<hbm>>
          tpu.wait_dma2 semaphore(%run_scoped3A : memref<!tpu.dma_semaphore, #tpu.memory_space<semaphore_mem>>) src(%arg8 : memref<8192xf32, #tpu.memory_space<vmem>>) dst(%dma_wait3A_106 : memref<8192xf32, #tpu.memory_space<hbm>>)
          tpu.yield
        }) : () -> ()
        scf.yield %scan3A_103 : i32
      }
      %scan3A_93 = arith.constant 16 : i32
    } else {
    }
    return
  }
}

#map = affine_map<(d0, d1) -> (0)>
#map1 = affine_map<(d0, d1) -> (0, 0)>
module attributes {stable_mosaic.version = 14 : i64} {
  func.func @_l3_body(%arg0: i32, %arg1: i32, %arg2: memref<4194304xf32, #tpu.memory_space<hbm>>, %arg3: memref<32x1024xi32, #tpu.memory_space<hbm>>, %arg4: memref<16xi32, #tpu.memory_space<hbm>>, %arg5: memref<32x1024xi32, #tpu.memory_space<hbm>>, %arg6: memref<16xi32, #tpu.memory_space<hbm>>, %arg7: memref<8192xf32, #tpu.memory_space<vmem>>, %arg8: memref<32x1024xi32, #tpu.memory_space<vmem>>, %arg9: memref<1024xi32, #tpu.memory_space<vmem>>, %arg10: memref<1024xi32, #tpu.memory_space<vmem>>, %arg11: memref<16xi32, #tpu.memory_space<vmem>>) attributes {dimension_semantics = [#tpu.dimension_semantics<core_parallel>, #tpu.dimension_semantics<subcore_parallel>], iteration_bounds = array<i64: 2, 16>, scalar_prefetch = 0 : i64, scratch_operands = 5 : i64, tpu.core_type = #tpu.core_type<sc_vector_subcore>, window_params = [{transform_indices = #map}, {transform_indices = #map1}, {transform_indices = #map}, {transform_indices = #map1}, {transform_indices = #map}]} {
    %mul3A = arith.constant 2 : i32
    %mul3A_0 = arith.muli %arg1, %mul3A : i32
    %add3A = arith.addi %mul3A_0, %arg0 : i32
    "tpu.region"() ({
      %run_scoped3A = tpu.sem_alloc : memref<!tpu.dma_semaphore, #tpu.memory_space<semaphore_mem>>
      tpu.enqueue_dma source(%arg4 : memref<16xi32, #tpu.memory_space<hbm>>) target(%arg11 : memref<16xi32, #tpu.memory_space<vmem>>) target_semaphore(%run_scoped3A : memref<!tpu.dma_semaphore, #tpu.memory_space<semaphore_mem>>)
      tpu.wait_dma2 semaphore(%run_scoped3A : memref<!tpu.dma_semaphore, #tpu.memory_space<semaphore_mem>>) src(%arg4 : memref<16xi32, #tpu.memory_space<hbm>>) dst(%arg11 : memref<16xi32, #tpu.memory_space<vmem>>)
      tpu.yield
    }) : () -> ()
    %get3A = arith.constant 0 : index
    %get3A_1 = tpu.vector_load %arg11[%get3A] {strides = array<i32>} : memref<16xi32, #tpu.memory_space<vmem>>, vector<16xi32>,
    %iota3A = tpu.iota {dimensions = array<i32: 0>} : vector<16xi32>
    %eq3A = arith.constant 0 : i32
    %eq3A_2 = vector.broadcast %eq3A : i32 to vector<16xi32>
    %eq3A_3 = arith.cmpi eq, %iota3A, %eq3A_2 : vector<16xi32>
    %broadcast_in_dim3A = arith.constant 0 : i32
    %broadcast_in_dim3A_4 = vector.broadcast %broadcast_in_dim3A : i32 to vector<16xi32>
    %select_n3A = arith.select %eq3A_3, %get3A_1, %broadcast_in_dim3A_4 : vector<16xi1>, vector<16xi32>
    %reduce_sum3A = arith.constant true
    %reduce_sum3A_5 = vector.broadcast %reduce_sum3A : i1 to vector<16xi1>
    %reduce_sum3A_6 = tpu.scan <sum>, %select_n3A masked %reduce_sum3A_5 : vector<16xi32>, vector<16xi1> -> vector<16xi32>
    %reduce_sum3A_7 = vector.extract %reduce_sum3A_6[15] : i32 from vector<16xi32>
    %iota3A_8 = tpu.iota {dimensions = array<i32: 0>} : vector<16xi32>
    %eq3A_9 = arith.constant 1 : i32
    %eq3A_10 = vector.broadcast %eq3A_9 : i32 to vector<16xi32>
    %eq3A_11 = arith.cmpi eq, %iota3A_8, %eq3A_10 : vector<16xi32>
    %broadcast_in_dim3A_12 = arith.constant 0 : i32
    %broadcast_in_dim3A_13 = vector.broadcast %broadcast_in_dim3A_12 : i32 to vector<16xi32>
    %select_n3A_14 = arith.select %eq3A_11, %get3A_1, %broadcast_in_dim3A_13 : vector<16xi1>, vector<16xi32>
    %reduce_sum3A_15 = arith.constant true
    %reduce_sum3A_16 = vector.broadcast %reduce_sum3A_15 : i1 to vector<16xi1>
    %reduce_sum3A_17 = tpu.scan <sum>, %select_n3A_14 masked %reduce_sum3A_16 : vector<16xi32>, vector<16xi1> -> vector<16xi32>
    %reduce_sum3A_18 = vector.extract %reduce_sum3A_17[15] : i32 from vector<16xi32>
    "tpu.region"() ({
      %run_scoped3A = tpu.sem_alloc : memref<!tpu.dma_semaphore, #tpu.memory_space<semaphore_mem>>
      tpu.enqueue_dma source(%arg3 : memref<32x1024xi32, #tpu.memory_space<hbm>>) target(%arg8 : memref<32x1024xi32, #tpu.memory_space<vmem>>) target_semaphore(%run_scoped3A : memref<!tpu.dma_semaphore, #tpu.memory_space<semaphore_mem>>)
      tpu.wait_dma2 semaphore(%run_scoped3A : memref<!tpu.dma_semaphore, #tpu.memory_space<semaphore_mem>>) src(%arg3 : memref<32x1024xi32, #tpu.memory_space<hbm>>) dst(%arg8 : memref<32x1024xi32, #tpu.memory_space<vmem>>)
      tpu.yield
    }) : () -> ()
    %parallel_loop3A = arith.constant 0 : i32
    %parallel_loop3A_19 = arith.constant 64 : i32
    %parallel_loop3A_20 = arith.constant 1 : i32
    scf.for %parallel_loop3A_66 = %parallel_loop3A to %parallel_loop3A_19 step %parallel_loop3A_20  : i32 {
      %parallel_loop3A_67 = arith.constant 0 : i32
      %parallel_loop3A_68 = vector.broadcast %parallel_loop3A_67 : i32 to vector<16xi32>
      %parallel_loop3A_69 = arith.constant 16 : i32
      %parallel_loop3A_70 = arith.muli %parallel_loop3A_66, %parallel_loop3A_69 : i32
      %parallel_loop3A_71 = arith.constant 0 : i32
      %parallel_loop3A_72 = arith.index_cast %parallel_loop3A_71 : i32 to index
      %parallel_loop3A_73 = arith.index_cast %parallel_loop3A_70 : i32 to index
      %parallel_loop3A_74 = tpu.vector_load %arg8[%parallel_loop3A_72, %parallel_loop3A_73] {strides = array<i32>} : memref<32x1024xi32, #tpu.memory_space<vmem>>, vector<16xi32>,
      %parallel_loop3A_75 = arith.addi %parallel_loop3A_68, %parallel_loop3A_74 : vector<16xi32>
      %parallel_loop3A_76 = arith.constant 16 : i32
      %parallel_loop3A_77 = arith.muli %parallel_loop3A_66, %parallel_loop3A_76 : i32
      %parallel_loop3A_78 = arith.constant 1 : i32
      %parallel_loop3A_79 = arith.index_cast %parallel_loop3A_78 : i32 to index
      %parallel_loop3A_80 = arith.index_cast %parallel_loop3A_77 : i32 to index
      %parallel_loop3A_81 = tpu.vector_load %arg8[%parallel_loop3A_79, %parallel_loop3A_80] {strides = array<i32>} : memref<32x1024xi32, #tpu.memory_space<vmem>>, vector<16xi32>,
      %parallel_loop3A_82 = arith.addi %parallel_loop3A_75, %parallel_loop3A_81 : vector<16xi32>
      %parallel_loop3A_83 = arith.constant 16 : i32
      %parallel_loop3A_84 = arith.muli %parallel_loop3A_66, %parallel_loop3A_83 : i32
      %parallel_loop3A_85 = arith.constant 2 : i32
      %parallel_loop3A_86 = arith.index_cast %parallel_loop3A_85 : i32 to index
      %parallel_loop3A_87 = arith.index_cast %parallel_loop3A_84 : i32 to index
      %parallel_loop3A_88 = tpu.vector_load %arg8[%parallel_loop3A_86, %parallel_loop3A_87] {strides = array<i32>} : memref<32x1024xi32, #tpu.memory_space<vmem>>, vector<16xi32>,
      %parallel_loop3A_89 = arith.addi %parallel_loop3A_82, %parallel_loop3A_88 : vector<16xi32>
      %parallel_loop3A_90 = arith.constant 16 : i32
      %parallel_loop3A_91 = arith.muli %parallel_loop3A_66, %parallel_loop3A_90 : i32
      %parallel_loop3A_92 = arith.constant 3 : i32
      %parallel_loop3A_93 = arith.index_cast %parallel_loop3A_92 : i32 to index
      %parallel_loop3A_94 = arith.index_cast %parallel_loop3A_91 : i32 to index
      %parallel_loop3A_95 = tpu.vector_load %arg8[%parallel_loop3A_93, %parallel_loop3A_94] {strides = array<i32>} : memref<32x1024xi32, #tpu.memory_space<vmem>>, vector<16xi32>,
      %parallel_loop3A_96 = arith.addi %parallel_loop3A_89, %parallel_loop3A_95 : vector<16xi32>
      %parallel_loop3A_97 = arith.constant 16 : i32
      %parallel_loop3A_98 = arith.muli %parallel_loop3A_66, %parallel_loop3A_97 : i32
      %parallel_loop3A_99 = arith.constant 4 : i32
      %parallel_loop3A_100 = arith.index_cast %parallel_loop3A_99 : i32 to index
      %parallel_loop3A_101 = arith.index_cast %parallel_loop3A_98 : i32 to index
      %parallel_loop3A_102 = tpu.vector_load %arg8[%parallel_loop3A_100, %parallel_loop3A_101] {strides = array<i32>} : memref<32x1024xi32, #tpu.memory_space<vmem>>, vector<16xi32>,
      %parallel_loop3A_103 = arith.addi %parallel_loop3A_96, %parallel_loop3A_102 : vector<16xi32>
      %parallel_loop3A_104 = arith.constant 16 : i32
      %parallel_loop3A_105 = arith.muli %parallel_loop3A_66, %parallel_loop3A_104 : i32
      %parallel_loop3A_106 = arith.constant 5 : i32
      %parallel_loop3A_107 = arith.index_cast %parallel_loop3A_106 : i32 to index
      %parallel_loop3A_108 = arith.index_cast %parallel_loop3A_105 : i32 to index
      %parallel_loop3A_109 = tpu.vector_load %arg8[%parallel_loop3A_107, %parallel_loop3A_108] {strides = array<i32>} : memref<32x1024xi32, #tpu.memory_space<vmem>>, vector<16xi32>,
      %parallel_loop3A_110 = arith.addi %parallel_loop3A_103, %parallel_loop3A_109 : vector<16xi32>
      %parallel_loop3A_111 = arith.constant 16 : i32
      %parallel_loop3A_112 = arith.muli %parallel_loop3A_66, %parallel_loop3A_111 : i32
      %parallel_loop3A_113 = arith.constant 6 : i32
      %parallel_loop3A_114 = arith.index_cast %parallel_loop3A_113 : i32 to index
      %parallel_loop3A_115 = arith.index_cast %parallel_loop3A_112 : i32 to index
      %parallel_loop3A_116 = tpu.vector_load %arg8[%parallel_loop3A_114, %parallel_loop3A_115] {strides = array<i32>} : memref<32x1024xi32, #tpu.memory_space<vmem>>, vector<16xi32>,
      %parallel_loop3A_117 = arith.addi %parallel_loop3A_110, %parallel_loop3A_116 : vector<16xi32>
      %parallel_loop3A_118 = arith.constant 16 : i32
      %parallel_loop3A_119 = arith.muli %parallel_loop3A_66, %parallel_loop3A_118 : i32
      %parallel_loop3A_120 = arith.constant 7 : i32
      %parallel_loop3A_121 = arith.index_cast %parallel_loop3A_120 : i32 to index
      %parallel_loop3A_122 = arith.index_cast %parallel_loop3A_119 : i32 to index
      %parallel_loop3A_123 = tpu.vector_load %arg8[%parallel_loop3A_121, %parallel_loop3A_122] {strides = array<i32>} : memref<32x1024xi32, #tpu.memory_space<vmem>>, vector<16xi32>,
      %parallel_loop3A_124 = arith.addi %parallel_loop3A_117, %parallel_loop3A_123 : vector<16xi32>
      %parallel_loop3A_125 = arith.constant 16 : i32
      %parallel_loop3A_126 = arith.muli %parallel_loop3A_66, %parallel_loop3A_125 : i32
      %parallel_loop3A_127 = arith.constant 8 : i32
      %parallel_loop3A_128 = arith.index_cast %parallel_loop3A_127 : i32 to index
      %parallel_loop3A_129 = arith.index_cast %parallel_loop3A_126 : i32 to index
      %parallel_loop3A_130 = tpu.vector_load %arg8[%parallel_loop3A_128, %parallel_loop3A_129] {strides = array<i32>} : memref<32x1024xi32, #tpu.memory_space<vmem>>, vector<16xi32>,
      %parallel_loop3A_131 = arith.addi %parallel_loop3A_124, %parallel_loop3A_130 : vector<16xi32>
      %parallel_loop3A_132 = arith.constant 16 : i32
      %parallel_loop3A_133 = arith.muli %parallel_loop3A_66, %parallel_loop3A_132 : i32
      %parallel_loop3A_134 = arith.constant 9 : i32
      %parallel_loop3A_135 = arith.index_cast %parallel_loop3A_134 : i32 to index
      %parallel_loop3A_136 = arith.index_cast %parallel_loop3A_133 : i32 to index
      %parallel_loop3A_137 = tpu.vector_load %arg8[%parallel_loop3A_135, %parallel_loop3A_136] {strides = array<i32>} : memref<32x1024xi32, #tpu.memory_space<vmem>>, vector<16xi32>,
      %parallel_loop3A_138 = arith.addi %parallel_loop3A_131, %parallel_loop3A_137 : vector<16xi32>
      %parallel_loop3A_139 = arith.constant 16 : i32
      %parallel_loop3A_140 = arith.muli %parallel_loop3A_66, %parallel_loop3A_139 : i32
      %parallel_loop3A_141 = arith.constant 10 : i32
      %parallel_loop3A_142 = arith.index_cast %parallel_loop3A_141 : i32 to index
      %parallel_loop3A_143 = arith.index_cast %parallel_loop3A_140 : i32 to index
      %parallel_loop3A_144 = tpu.vector_load %arg8[%parallel_loop3A_142, %parallel_loop3A_143] {strides = array<i32>} : memref<32x1024xi32, #tpu.memory_space<vmem>>, vector<16xi32>,
      %parallel_loop3A_145 = arith.addi %parallel_loop3A_138, %parallel_loop3A_144 : vector<16xi32>
      %parallel_loop3A_146 = arith.constant 16 : i32
      %parallel_loop3A_147 = arith.muli %parallel_loop3A_66, %parallel_loop3A_146 : i32
      %parallel_loop3A_148 = arith.constant 11 : i32
      %parallel_loop3A_149 = arith.index_cast %parallel_loop3A_148 : i32 to index
      %parallel_loop3A_150 = arith.index_cast %parallel_loop3A_147 : i32 to index
      %parallel_loop3A_151 = tpu.vector_load %arg8[%parallel_loop3A_149, %parallel_loop3A_150] {strides = array<i32>} : memref<32x1024xi32, #tpu.memory_space<vmem>>, vector<16xi32>,
      %parallel_loop3A_152 = arith.addi %parallel_loop3A_145, %parallel_loop3A_151 : vector<16xi32>
      %parallel_loop3A_153 = arith.constant 16 : i32
      %parallel_loop3A_154 = arith.muli %parallel_loop3A_66, %parallel_loop3A_153 : i32
      %parallel_loop3A_155 = arith.constant 12 : i32
      %parallel_loop3A_156 = arith.index_cast %parallel_loop3A_155 : i32 to index
      %parallel_loop3A_157 = arith.index_cast %parallel_loop3A_154 : i32 to index
      %parallel_loop3A_158 = tpu.vector_load %arg8[%parallel_loop3A_156, %parallel_loop3A_157] {strides = array<i32>} : memref<32x1024xi32, #tpu.memory_space<vmem>>, vector<16xi32>,
      %parallel_loop3A_159 = arith.addi %parallel_loop3A_152, %parallel_loop3A_158 : vector<16xi32>
      %parallel_loop3A_160 = arith.constant 16 : i32
      %parallel_loop3A_161 = arith.muli %parallel_loop3A_66, %parallel_loop3A_160 : i32
      %parallel_loop3A_162 = arith.constant 13 : i32
      %parallel_loop3A_163 = arith.index_cast %parallel_loop3A_162 : i32 to index
      %parallel_loop3A_164 = arith.index_cast %parallel_loop3A_161 : i32 to index
      %parallel_loop3A_165 = tpu.vector_load %arg8[%parallel_loop3A_163, %parallel_loop3A_164] {strides = array<i32>} : memref<32x1024xi32, #tpu.memory_space<vmem>>, vector<16xi32>,
      %parallel_loop3A_166 = arith.addi %parallel_loop3A_159, %parallel_loop3A_165 : vector<16xi32>
      %parallel_loop3A_167 = arith.constant 16 : i32
      %parallel_loop3A_168 = arith.muli %parallel_loop3A_66, %parallel_loop3A_167 : i32
      %parallel_loop3A_169 = arith.constant 14 : i32
      %parallel_loop3A_170 = arith.index_cast %parallel_loop3A_169 : i32 to index
      %parallel_loop3A_171 = arith.index_cast %parallel_loop3A_168 : i32 to index
      %parallel_loop3A_172 = tpu.vector_load %arg8[%parallel_loop3A_170, %parallel_loop3A_171] {strides = array<i32>} : memref<32x1024xi32, #tpu.memory_space<vmem>>, vector<16xi32>,
      %parallel_loop3A_173 = arith.addi %parallel_loop3A_166, %parallel_loop3A_172 : vector<16xi32>
      %parallel_loop3A_174 = arith.constant 16 : i32
      %parallel_loop3A_175 = arith.muli %parallel_loop3A_66, %parallel_loop3A_174 : i32
      %parallel_loop3A_176 = arith.constant 15 : i32
      %parallel_loop3A_177 = arith.index_cast %parallel_loop3A_176 : i32 to index
      %parallel_loop3A_178 = arith.index_cast %parallel_loop3A_175 : i32 to index
      %parallel_loop3A_179 = tpu.vector_load %arg8[%parallel_loop3A_177, %parallel_loop3A_178] {strides = array<i32>} : memref<32x1024xi32, #tpu.memory_space<vmem>>, vector<16xi32>,
      %parallel_loop3A_180 = arith.addi %parallel_loop3A_173, %parallel_loop3A_179 : vector<16xi32>
      %parallel_loop3A_181 = arith.constant 16 : i32
      %parallel_loop3A_182 = arith.muli %parallel_loop3A_66, %parallel_loop3A_181 : i32
      %parallel_loop3A_183 = arith.constant 16 : i32
      %parallel_loop3A_184 = arith.index_cast %parallel_loop3A_183 : i32 to index
      %parallel_loop3A_185 = arith.index_cast %parallel_loop3A_182 : i32 to index
      %parallel_loop3A_186 = tpu.vector_load %arg8[%parallel_loop3A_184, %parallel_loop3A_185] {strides = array<i32>} : memref<32x1024xi32, #tpu.memory_space<vmem>>, vector<16xi32>,
      %parallel_loop3A_187 = arith.addi %parallel_loop3A_180, %parallel_loop3A_186 : vector<16xi32>
      %parallel_loop3A_188 = arith.constant 16 : i32
      %parallel_loop3A_189 = arith.muli %parallel_loop3A_66, %parallel_loop3A_188 : i32
      %parallel_loop3A_190 = arith.constant 17 : i32
      %parallel_loop3A_191 = arith.index_cast %parallel_loop3A_190 : i32 to index
      %parallel_loop3A_192 = arith.index_cast %parallel_loop3A_189 : i32 to index
      %parallel_loop3A_193 = tpu.vector_load %arg8[%parallel_loop3A_191, %parallel_loop3A_192] {strides = array<i32>} : memref<32x1024xi32, #tpu.memory_space<vmem>>, vector<16xi32>,
      %parallel_loop3A_194 = arith.addi %parallel_loop3A_187, %parallel_loop3A_193 : vector<16xi32>
      %parallel_loop3A_195 = arith.constant 16 : i32
      %parallel_loop3A_196 = arith.muli %parallel_loop3A_66, %parallel_loop3A_195 : i32
      %parallel_loop3A_197 = arith.constant 18 : i32
      %parallel_loop3A_198 = arith.index_cast %parallel_loop3A_197 : i32 to index
      %parallel_loop3A_199 = arith.index_cast %parallel_loop3A_196 : i32 to index
      %parallel_loop3A_200 = tpu.vector_load %arg8[%parallel_loop3A_198, %parallel_loop3A_199] {strides = array<i32>} : memref<32x1024xi32, #tpu.memory_space<vmem>>, vector<16xi32>,
      %parallel_loop3A_201 = arith.addi %parallel_loop3A_194, %parallel_loop3A_200 : vector<16xi32>
      %parallel_loop3A_202 = arith.constant 16 : i32
      %parallel_loop3A_203 = arith.muli %parallel_loop3A_66, %parallel_loop3A_202 : i32
      %parallel_loop3A_204 = arith.constant 19 : i32
      %parallel_loop3A_205 = arith.index_cast %parallel_loop3A_204 : i32 to index
      %parallel_loop3A_206 = arith.index_cast %parallel_loop3A_203 : i32 to index
      %parallel_loop3A_207 = tpu.vector_load %arg8[%parallel_loop3A_205, %parallel_loop3A_206] {strides = array<i32>} : memref<32x1024xi32, #tpu.memory_space<vmem>>, vector<16xi32>,
      %parallel_loop3A_208 = arith.addi %parallel_loop3A_201, %parallel_loop3A_207 : vector<16xi32>
      %parallel_loop3A_209 = arith.constant 16 : i32
      %parallel_loop3A_210 = arith.muli %parallel_loop3A_66, %parallel_loop3A_209 : i32
      %parallel_loop3A_211 = arith.constant 20 : i32
      %parallel_loop3A_212 = arith.index_cast %parallel_loop3A_211 : i32 to index
      %parallel_loop3A_213 = arith.index_cast %parallel_loop3A_210 : i32 to index
      %parallel_loop3A_214 = tpu.vector_load %arg8[%parallel_loop3A_212, %parallel_loop3A_213] {strides = array<i32>} : memref<32x1024xi32, #tpu.memory_space<vmem>>, vector<16xi32>,
      %parallel_loop3A_215 = arith.addi %parallel_loop3A_208, %parallel_loop3A_214 : vector<16xi32>
      %parallel_loop3A_216 = arith.constant 16 : i32
      %parallel_loop3A_217 = arith.muli %parallel_loop3A_66, %parallel_loop3A_216 : i32
      %parallel_loop3A_218 = arith.constant 21 : i32
      %parallel_loop3A_219 = arith.index_cast %parallel_loop3A_218 : i32 to index
      %parallel_loop3A_220 = arith.index_cast %parallel_loop3A_217 : i32 to index
      %parallel_loop3A_221 = tpu.vector_load %arg8[%parallel_loop3A_219, %parallel_loop3A_220] {strides = array<i32>} : memref<32x1024xi32, #tpu.memory_space<vmem>>, vector<16xi32>,
      %parallel_loop3A_222 = arith.addi %parallel_loop3A_215, %parallel_loop3A_221 : vector<16xi32>
      %parallel_loop3A_223 = arith.constant 16 : i32
      %parallel_loop3A_224 = arith.muli %parallel_loop3A_66, %parallel_loop3A_223 : i32
      %parallel_loop3A_225 = arith.constant 22 : i32
      %parallel_loop3A_226 = arith.index_cast %parallel_loop3A_225 : i32 to index
      %parallel_loop3A_227 = arith.index_cast %parallel_loop3A_224 : i32 to index
      %parallel_loop3A_228 = tpu.vector_load %arg8[%parallel_loop3A_226, %parallel_loop3A_227] {strides = array<i32>} : memref<32x1024xi32, #tpu.memory_space<vmem>>, vector<16xi32>,
      %parallel_loop3A_229 = arith.addi %parallel_loop3A_222, %parallel_loop3A_228 : vector<16xi32>
      %parallel_loop3A_230 = arith.constant 16 : i32
      %parallel_loop3A_231 = arith.muli %parallel_loop3A_66, %parallel_loop3A_230 : i32
      %parallel_loop3A_232 = arith.constant 23 : i32
      %parallel_loop3A_233 = arith.index_cast %parallel_loop3A_232 : i32 to index
      %parallel_loop3A_234 = arith.index_cast %parallel_loop3A_231 : i32 to index
      %parallel_loop3A_235 = tpu.vector_load %arg8[%parallel_loop3A_233, %parallel_loop3A_234] {strides = array<i32>} : memref<32x1024xi32, #tpu.memory_space<vmem>>, vector<16xi32>,
      %parallel_loop3A_236 = arith.addi %parallel_loop3A_229, %parallel_loop3A_235 : vector<16xi32>
      %parallel_loop3A_237 = arith.constant 16 : i32
      %parallel_loop3A_238 = arith.muli %parallel_loop3A_66, %parallel_loop3A_237 : i32
      %parallel_loop3A_239 = arith.constant 24 : i32
      %parallel_loop3A_240 = arith.index_cast %parallel_loop3A_239 : i32 to index
      %parallel_loop3A_241 = arith.index_cast %parallel_loop3A_238 : i32 to index
      %parallel_loop3A_242 = tpu.vector_load %arg8[%parallel_loop3A_240, %parallel_loop3A_241] {strides = array<i32>} : memref<32x1024xi32, #tpu.memory_space<vmem>>, vector<16xi32>,
      %parallel_loop3A_243 = arith.addi %parallel_loop3A_236, %parallel_loop3A_242 : vector<16xi32>
      %parallel_loop3A_244 = arith.constant 16 : i32
      %parallel_loop3A_245 = arith.muli %parallel_loop3A_66, %parallel_loop3A_244 : i32
      %parallel_loop3A_246 = arith.constant 25 : i32
      %parallel_loop3A_247 = arith.index_cast %parallel_loop3A_246 : i32 to index
      %parallel_loop3A_248 = arith.index_cast %parallel_loop3A_245 : i32 to index
      %parallel_loop3A_249 = tpu.vector_load %arg8[%parallel_loop3A_247, %parallel_loop3A_248] {strides = array<i32>} : memref<32x1024xi32, #tpu.memory_space<vmem>>, vector<16xi32>,
      %parallel_loop3A_250 = arith.addi %parallel_loop3A_243, %parallel_loop3A_249 : vector<16xi32>
      %parallel_loop3A_251 = arith.constant 16 : i32
      %parallel_loop3A_252 = arith.muli %parallel_loop3A_66, %parallel_loop3A_251 : i32
      %parallel_loop3A_253 = arith.constant 26 : i32
      %parallel_loop3A_254 = arith.index_cast %parallel_loop3A_253 : i32 to index
      %parallel_loop3A_255 = arith.index_cast %parallel_loop3A_252 : i32 to index
      %parallel_loop3A_256 = tpu.vector_load %arg8[%parallel_loop3A_254, %parallel_loop3A_255] {strides = array<i32>} : memref<32x1024xi32, #tpu.memory_space<vmem>>, vector<16xi32>,
      %parallel_loop3A_257 = arith.addi %parallel_loop3A_250, %parallel_loop3A_256 : vector<16xi32>
      %parallel_loop3A_258 = arith.constant 16 : i32
      %parallel_loop3A_259 = arith.muli %parallel_loop3A_66, %parallel_loop3A_258 : i32
      %parallel_loop3A_260 = arith.constant 27 : i32
      %parallel_loop3A_261 = arith.index_cast %parallel_loop3A_260 : i32 to index
      %parallel_loop3A_262 = arith.index_cast %parallel_loop3A_259 : i32 to index
      %parallel_loop3A_263 = tpu.vector_load %arg8[%parallel_loop3A_261, %parallel_loop3A_262] {strides = array<i32>} : memref<32x1024xi32, #tpu.memory_space<vmem>>, vector<16xi32>,
      %parallel_loop3A_264 = arith.addi %parallel_loop3A_257, %parallel_loop3A_263 : vector<16xi32>
      %parallel_loop3A_265 = arith.constant 16 : i32
      %parallel_loop3A_266 = arith.muli %parallel_loop3A_66, %parallel_loop3A_265 : i32
      %parallel_loop3A_267 = arith.constant 28 : i32
      %parallel_loop3A_268 = arith.index_cast %parallel_loop3A_267 : i32 to index
      %parallel_loop3A_269 = arith.index_cast %parallel_loop3A_266 : i32 to index
      %parallel_loop3A_270 = tpu.vector_load %arg8[%parallel_loop3A_268, %parallel_loop3A_269] {strides = array<i32>} : memref<32x1024xi32, #tpu.memory_space<vmem>>, vector<16xi32>,
      %parallel_loop3A_271 = arith.addi %parallel_loop3A_264, %parallel_loop3A_270 : vector<16xi32>
      %parallel_loop3A_272 = arith.constant 16 : i32
      %parallel_loop3A_273 = arith.muli %parallel_loop3A_66, %parallel_loop3A_272 : i32
      %parallel_loop3A_274 = arith.constant 29 : i32
      %parallel_loop3A_275 = arith.index_cast %parallel_loop3A_274 : i32 to index
      %parallel_loop3A_276 = arith.index_cast %parallel_loop3A_273 : i32 to index
      %parallel_loop3A_277 = tpu.vector_load %arg8[%parallel_loop3A_275, %parallel_loop3A_276] {strides = array<i32>} : memref<32x1024xi32, #tpu.memory_space<vmem>>, vector<16xi32>,
      %parallel_loop3A_278 = arith.addi %parallel_loop3A_271, %parallel_loop3A_277 : vector<16xi32>
      %parallel_loop3A_279 = arith.constant 16 : i32
      %parallel_loop3A_280 = arith.muli %parallel_loop3A_66, %parallel_loop3A_279 : i32
      %parallel_loop3A_281 = arith.constant 30 : i32
      %parallel_loop3A_282 = arith.index_cast %parallel_loop3A_281 : i32 to index
      %parallel_loop3A_283 = arith.index_cast %parallel_loop3A_280 : i32 to index
      %parallel_loop3A_284 = tpu.vector_load %arg8[%parallel_loop3A_282, %parallel_loop3A_283] {strides = array<i32>} : memref<32x1024xi32, #tpu.memory_space<vmem>>, vector<16xi32>,
      %parallel_loop3A_285 = arith.addi %parallel_loop3A_278, %parallel_loop3A_284 : vector<16xi32>
      %parallel_loop3A_286 = arith.constant 16 : i32
      %parallel_loop3A_287 = arith.muli %parallel_loop3A_66, %parallel_loop3A_286 : i32
      %parallel_loop3A_288 = arith.constant 31 : i32
      %parallel_loop3A_289 = arith.index_cast %parallel_loop3A_288 : i32 to index
      %parallel_loop3A_290 = arith.index_cast %parallel_loop3A_287 : i32 to index
      %parallel_loop3A_291 = tpu.vector_load %arg8[%parallel_loop3A_289, %parallel_loop3A_290] {strides = array<i32>} : memref<32x1024xi32, #tpu.memory_space<vmem>>, vector<16xi32>,
      %parallel_loop3A_292 = arith.addi %parallel_loop3A_285, %parallel_loop3A_291 : vector<16xi32>
      %parallel_loop3A_293 = arith.constant 16 : i32
      %parallel_loop3A_294 = arith.muli %parallel_loop3A_66, %parallel_loop3A_293 : i32
      %parallel_loop3A_295 = arith.index_cast %parallel_loop3A_294 : i32 to index
      %parallel_loop3A_296 = tpu.vector_load %arg9[%parallel_loop3A_295] {strides = array<i32>} : memref<1024xi32, #tpu.memory_space<vmem>>, vector<16xi32>,
      tpu.vector_store %arg9[%parallel_loop3A_295], %parallel_loop3A_292 {strides = array<i32>} : memref<1024xi32, #tpu.memory_space<vmem>>, vector<16xi32>,
    } {sc.loop_unroll_factor = 2 : i64, sc.parallel_access}
    %sub3A = arith.constant 8192 : i32
    %sub3A_21 = arith.subi %sub3A, %reduce_sum3A_18 : i32
    %iota3A_22 = tpu.iota {dimensions = array<i32: 0>} : vector<16xi32>
    %scan3A = arith.constant -1 : i32
    %scan3A_23 = arith.constant 0 : i32
    %scan3A_24 = arith.constant 0 : i32
    %scan3A_25 = arith.constant 0 : i32
    %scan3A_26 = arith.constant 64 : i32
    %scan3A_27 = arith.addi %scan3A_25, %scan3A_26 : i32
    %scan3A_28 = arith.constant 1 : i32
    %scan3A_29:3 = scf.for %scan3A_66 = %scan3A_25 to %scan3A_27 step %scan3A_28 iter_args(%scan3A_67 = %scan3A, %scan3A_68 = %scan3A_23, %scan3A_69 = %scan3A_24) -> (i32, i32, i32)  : i32 {
      %sub3A_70 = arith.constant 63 : i32
      %sub3A_71 = arith.subi %sub3A_70, %scan3A_66 : i32
      %mul3A_72 = arith.constant 16 : i32
      %mul3A_73 = arith.muli %sub3A_71, %mul3A_72 : i32
      %get3A_74 = arith.index_cast %mul3A_73 : i32 to index
      %get3A_75 = tpu.vector_load %arg9[%get3A_74] {strides = array<i32>} : memref<1024xi32, #tpu.memory_space<vmem>>, vector<16xi32>,
      %rev3A = arith.constant 15 : i32
      %rev3A_76 = vector.broadcast %rev3A : i32 to vector<16xi32>
      %rev3A_77 = tpu.iota {dimensions = array<i32: 0>} : vector<16xi32>
      %rev3A_78 = arith.subi %rev3A_76, %rev3A_77 : vector<16xi32>
      %rev3A_79 = tpu.dynamic_gather %get3A_75[%rev3A_78] in [0] : vector<16xi32>, vector<16xi32> -> vector<16xi32>
      %broadcast_in_dim3A_80 = arith.constant true
      %broadcast_in_dim3A_81 = vector.broadcast %broadcast_in_dim3A_80 : i1 to vector<16xi1>
      %masked_cumsum3A = tpu.scan <sum>, %rev3A_79 masked %broadcast_in_dim3A_81 : vector<16xi32>, vector<16xi1> -> vector<16xi32>
      %reduce_sum3A_82 = arith.constant true
      %reduce_sum3A_83 = vector.broadcast %reduce_sum3A_82 : i1 to vector<16xi1>
      %reduce_sum3A_84 = tpu.scan <sum>, %get3A_75 masked %reduce_sum3A_83 : vector<16xi32>, vector<16xi1> -> vector<16xi32>
      %reduce_sum3A_85 = vector.extract %reduce_sum3A_84[15] : i32 from vector<16xi32>
      %add3A_86 = vector.broadcast %scan3A_69 : i32 to vector<16xi32>
      %add3A_87 = arith.addi %masked_cumsum3A, %add3A_86 : vector<16xi32>
      %ge3A = vector.broadcast %sub3A_21 : i32 to vector<16xi32>
      %ge3A_88 = arith.cmpi sge, %add3A_87, %ge3A : vector<16xi32>
      %reduce_or3A = arith.constant 1.000000e+00 : f32
      %reduce_or3A_89 = arith.constant 0.000000e+00 : f32
      %reduce_or3A_90 = vector.broadcast %reduce_or3A : f32 to vector<16xf32>
      %reduce_or3A_91 = vector.broadcast %reduce_or3A_89 : f32 to vector<16xf32>
      %reduce_or3A_92 = arith.select %ge3A_88, %reduce_or3A_90, %reduce_or3A_91 : vector<16xi1>, vector<16xf32>
      %reduce_or3A_93 = arith.constant true
      %reduce_or3A_94 = vector.broadcast %reduce_or3A_93 : i1 to vector<16xi1>
      %reduce_or3A_95 = tpu.scan <max>, %reduce_or3A_92 masked %reduce_or3A_94 : vector<16xf32>, vector<16xi1> -> vector<16xf32>
      %reduce_or3A_96 = vector.extract %reduce_or3A_95[15] : f32 from vector<16xf32>
      %reduce_or3A_97 = arith.constant 0.000000e+00 : f32
      %reduce_or3A_98 = arith.cmpf ogt, %reduce_or3A_96, %reduce_or3A_97 : f32
      %broadcast_in_dim3A_99 = arith.constant 16 : i32
      %broadcast_in_dim3A_100 = vector.broadcast %broadcast_in_dim3A_99 : i32 to vector<16xi32>
      %select_n3A_101 = arith.select %ge3A_88, %iota3A_22, %broadcast_in_dim3A_100 : vector<16xi1>, vector<16xi32>
      %reduce_min3A = arith.constant true
      %reduce_min3A_102 = vector.broadcast %reduce_min3A : i1 to vector<16xi1>
      %reduce_min3A_103 = arith.constant -2147483648 : i32
      %reduce_min3A_104 = vector.broadcast %reduce_min3A_103 : i32 to vector<16xi32>
      %reduce_min3A_105 = arith.xori %select_n3A_101, %reduce_min3A_104 : vector<16xi32>
      %reduce_min3A_106 = tpu.scan <min>, %reduce_min3A_105 masked %reduce_min3A_102 : vector<16xi32>, vector<16xi1> -> vector<16xi32>
      %reduce_min3A_107 = arith.xori %reduce_min3A_106, %reduce_min3A_104 : vector<16xi32>
      %reduce_min3A_108 = vector.extract %reduce_min3A_107[15] : i32 from vector<16xi32>
      %iota3A_109 = tpu.iota {dimensions = array<i32: 0>} : vector<16xi32>
      %eq3A_110 = vector.broadcast %reduce_min3A_108 : i32 to vector<16xi32>
      %eq3A_111 = arith.cmpi eq, %iota3A_109, %eq3A_110 : vector<16xi32>
      %broadcast_in_dim3A_112 = arith.constant 0 : i32
      %broadcast_in_dim3A_113 = vector.broadcast %broadcast_in_dim3A_112 : i32 to vector<16xi32>
      %select_n3A_114 = arith.select %eq3A_111, %masked_cumsum3A, %broadcast_in_dim3A_113 : vector<16xi1>, vector<16xi32>
      %reduce_sum3A_115 = arith.constant true
      %reduce_sum3A_116 = vector.broadcast %reduce_sum3A_115 : i1 to vector<16xi1>
      %reduce_sum3A_117 = tpu.scan <sum>, %select_n3A_114 masked %reduce_sum3A_116 : vector<16xi32>, vector<16xi1> -> vector<16xi32>
      %reduce_sum3A_118 = vector.extract %reduce_sum3A_117[15] : i32 from vector<16xi32>
      %iota3A_119 = tpu.iota {dimensions = array<i32: 0>} : vector<16xi32>
      %eq3A_120 = vector.broadcast %reduce_min3A_108 : i32 to vector<16xi32>
      %eq3A_121 = arith.cmpi eq, %iota3A_119, %eq3A_120 : vector<16xi32>
      %broadcast_in_dim3A_122 = arith.constant 0 : i32
      %broadcast_in_dim3A_123 = vector.broadcast %broadcast_in_dim3A_122 : i32 to vector<16xi32>
      %select_n3A_124 = arith.select %eq3A_121, %rev3A_79, %broadcast_in_dim3A_123 : vector<16xi1>, vector<16xi32>
      %reduce_sum3A_125 = arith.constant true
      %reduce_sum3A_126 = vector.broadcast %reduce_sum3A_125 : i1 to vector<16xi1>
      %reduce_sum3A_127 = tpu.scan <sum>, %select_n3A_124 masked %reduce_sum3A_126 : vector<16xi32>, vector<16xi1> -> vector<16xi32>
      %reduce_sum3A_128 = vector.extract %reduce_sum3A_127[15] : i32 from vector<16xi32>
      %lt3A = arith.constant 0 : i32
      %lt3A_129 = arith.cmpi slt, %scan3A_67, %lt3A : i32
      %and3A = arith.andi %reduce_or3A_98, %lt3A_129 : i1
      %mul3A_130 = arith.constant 16 : i32
      %mul3A_131 = arith.muli %sub3A_71, %mul3A_130 : i32
      %add3A_132 = arith.constant 15 : i32
      %add3A_133 = arith.addi %mul3A_131, %add3A_132 : i32
      %sub3A_134 = arith.subi %add3A_133, %reduce_min3A_108 : i32
      %select_n3A_135 = arith.select %and3A, %sub3A_134, %scan3A_67 : i32
      %add3A_136 = arith.addi %scan3A_69, %reduce_sum3A_118 : i32
      %sub3A_137 = arith.subi %add3A_136, %reduce_sum3A_128 : i32
      %select_n3A_138 = arith.select %and3A, %sub3A_137, %scan3A_68 : i32
      %add3A_139 = arith.addi %scan3A_69, %reduce_sum3A_85 : i32
      scf.yield %select_n3A_135, %select_n3A_138, %add3A_139 : i32, i32, i32
    }
    %scan3A_30 = arith.constant 64 : i32
    %add3A_31 = arith.addi %reduce_sum3A_18, %scan3A_29#1 : i32
    %broadcast_in_dim3A_32 = arith.constant 0 : i32
    %broadcast_in_dim3A_33 = vector.broadcast %broadcast_in_dim3A_32 : i32 to vector<16xi32>
    %parallel_loop3A_34 = arith.constant 0 : i32
    %parallel_loop3A_35 = arith.constant 64 : i32
    %parallel_loop3A_36 = arith.constant 1 : i32
    scf.for %parallel_loop3A_66 = %parallel_loop3A_34 to %parallel_loop3A_35 step %parallel_loop3A_36  : i32 {
      %parallel_loop3A_67 = arith.constant 16 : i32
      %parallel_loop3A_68 = arith.muli %parallel_loop3A_66, %parallel_loop3A_67 : i32
      %parallel_loop3A_69 = arith.index_cast %parallel_loop3A_68 : i32 to index
      %parallel_loop3A_70 = tpu.vector_load %arg10[%parallel_loop3A_69] {strides = array<i32>} : memref<1024xi32, #tpu.memory_space<vmem>>, vector<16xi32>,
      tpu.vector_store %arg10[%parallel_loop3A_69], %broadcast_in_dim3A_33 {strides = array<i32>} : memref<1024xi32, #tpu.memory_space<vmem>>, vector<16xi32>,
    } {sc.loop_unroll_factor = 8 : i64, sc.parallel_access}
    %shift_left3A = arith.constant 10 : i32
    %shift_left3A_37 = arith.shli %reduce_sum3A_7, %shift_left3A : i32
    %or3A = arith.ori %shift_left3A_37, %scan3A_29#0 : i32
    %mul3A_38 = arith.constant 131072 : i32
    %mul3A_39 = arith.muli %add3A, %mul3A_38 : i32
    %broadcast_in_dim3A_40 = arith.constant 1 : i32
    %broadcast_in_dim3A_41 = vector.broadcast %broadcast_in_dim3A_40 : i32 to vector<16xi32>
    %scan3A_42 = arith.constant 0 : i32
    %scan3A_43 = arith.constant 0 : i32
    %scan3A_44 = arith.constant 16 : i32
    %scan3A_45 = arith.addi %scan3A_43, %scan3A_44 : i32
    %scan3A_46 = arith.constant 1 : i32
    %scan3A_47 = scf.for %scan3A_66 = %scan3A_43 to %scan3A_45 step %scan3A_46 iter_args(%scan3A_67 = %scan3A_42) -> (i32)  : i32 {
      %mul3A_68 = arith.constant 8192 : i32
      %mul3A_69 = arith.muli %scan3A_66, %mul3A_68 : i32
      %add3A_70 = arith.addi %mul3A_39, %mul3A_69 : i32
      "tpu.region"() ({
        %run_scoped3A = tpu.sem_alloc : memref<!tpu.dma_semaphore, #tpu.memory_space<semaphore_mem>>
        %dma_start3A = tpu.memref_slice %arg2[%add3A_70] : memref<4194304xf32, #tpu.memory_space<hbm>> -> memref<8192xf32, #tpu.memory_space<hbm>>
        %dma_start3A_75 = tpu.memref_slice %arg2[%add3A_70] : memref<4194304xf32, #tpu.memory_space<hbm>> -> memref<8192xf32, #tpu.memory_space<hbm>>
        tpu.enqueue_dma source(%dma_start3A_75 : memref<8192xf32, #tpu.memory_space<hbm>>) target(%arg7 : memref<8192xf32, #tpu.memory_space<vmem>>) target_semaphore(%run_scoped3A : memref<!tpu.dma_semaphore, #tpu.memory_space<semaphore_mem>>)
        %dma_wait3A = tpu.memref_slice %arg2[%add3A_70] : memref<4194304xf32, #tpu.memory_space<hbm>> -> memref<8192xf32, #tpu.memory_space<hbm>>
        %dma_wait3A_76 = tpu.memref_slice %arg2[%add3A_70] : memref<4194304xf32, #tpu.memory_space<hbm>> -> memref<8192xf32, #tpu.memory_space<hbm>>
        tpu.wait_dma2 semaphore(%run_scoped3A : memref<!tpu.dma_semaphore, #tpu.memory_space<semaphore_mem>>) src(%dma_wait3A_76 : memref<8192xf32, #tpu.memory_space<hbm>>) dst(%arg7 : memref<8192xf32, #tpu.memory_space<vmem>>)
        tpu.yield
      }) : () -> ()
      %parallel_loop3A_71 = arith.constant 0 : i32
      %parallel_loop3A_72 = arith.constant 512 : i32
      %parallel_loop3A_73 = arith.constant 1 : i32
      scf.for %parallel_loop3A_75 = %parallel_loop3A_71 to %parallel_loop3A_72 step %parallel_loop3A_73  : i32 {
        %parallel_loop3A_76 = arith.constant 16 : i32
        %parallel_loop3A_77 = arith.muli %parallel_loop3A_75, %parallel_loop3A_76 : i32
        %parallel_loop3A_78 = arith.index_cast %parallel_loop3A_77 : i32 to index
        %parallel_loop3A_79 = tpu.vector_load %arg7[%parallel_loop3A_78] {strides = array<i32>} : memref<8192xf32, #tpu.memory_space<vmem>>, vector<16xf32>,
        %parallel_loop3A_80 = tpu.bitcast %parallel_loop3A_79 : vector<16xf32> -> vector<16xi32>
        %parallel_loop3A_81 = arith.constant 0 : i32
        %parallel_loop3A_82 = vector.broadcast %parallel_loop3A_81 : i32 to vector<16xi32>
        %parallel_loop3A_83 = arith.maxsi %parallel_loop3A_80, %parallel_loop3A_82 : vector<16xi32>
        %parallel_loop3A_84 = arith.constant 10 : i32
        %parallel_loop3A_85 = vector.broadcast %parallel_loop3A_84 : i32 to vector<16xi32>
        %parallel_loop3A_86 = arith.shrsi %parallel_loop3A_83, %parallel_loop3A_85 : vector<16xi32>
        %parallel_loop3A_87 = vector.broadcast %or3A : i32 to vector<16xi32>
        %parallel_loop3A_88 = arith.cmpi eq, %parallel_loop3A_86, %parallel_loop3A_87 : vector<16xi32>
        %parallel_loop3A_89 = arith.constant 0 : i32
        %parallel_loop3A_90 = vector.broadcast %parallel_loop3A_89 : i32 to vector<16xi32>
        %parallel_loop3A_91 = arith.cmpi sgt, %parallel_loop3A_80, %parallel_loop3A_90 : vector<16xi32>
        %parallel_loop3A_92 = arith.andi %parallel_loop3A_88, %parallel_loop3A_91 : vector<16xi1>
        %parallel_loop3A_93 = arith.constant 1023 : i32
        %parallel_loop3A_94 = vector.broadcast %parallel_loop3A_93 : i32 to vector<16xi32>
        %parallel_loop3A_95 = arith.andi %parallel_loop3A_83, %parallel_loop3A_94 : vector<16xi32>
        tpu.vector_store_idx %arg10[%parallel_loop3A_95], %broadcast_in_dim3A_41 masked %parallel_loop3A_92 {add = true} : memref<1024xi32, #tpu.memory_space<vmem>>[vector<16xi32>], vector<16xi32>, vector<16xi1>
      } {sc.loop_unroll_factor = 8 : i64, sc.parallel_access}
      %scan3A_74 = arith.constant 0 : i32
      scf.yield %scan3A_74 : i32
    }
    %scan3A_48 = arith.constant 16 : i32
    "tpu.region"() ({
      %run_scoped3A = tpu.sem_alloc : memref<!tpu.dma_semaphore, #tpu.memory_space<semaphore_mem>>
      %dma_start3A = arith.constant 0 : i32
      %dma_start3A_66 = tpu.memref_slice %arg5[%add3A, %dma_start3A] : memref<32x1024xi32, #tpu.memory_space<hbm>> -> memref<1x1024xi32, #tpu.memory_space<hbm>>
      %dma_start3A_67 = tpu.memref_squeeze %dma_start3A_66 : memref<1x1024xi32, #tpu.memory_space<hbm>> -> memref<1024xi32, #tpu.memory_space<hbm>>
      %dma_start3A_68 = arith.constant 0 : i32
      %dma_start3A_69 = tpu.memref_slice %arg5[%add3A, %dma_start3A_68] : memref<32x1024xi32, #tpu.memory_space<hbm>> -> memref<1x1024xi32, #tpu.memory_space<hbm>>
      %dma_start3A_70 = tpu.memref_squeeze %dma_start3A_69 : memref<1x1024xi32, #tpu.memory_space<hbm>> -> memref<1024xi32, #tpu.memory_space<hbm>>
      tpu.enqueue_dma source(%arg10 : memref<1024xi32, #tpu.memory_space<vmem>>) target(%dma_start3A_70 : memref<1024xi32, #tpu.memory_space<hbm>>) target_semaphore(%run_scoped3A : memref<!tpu.dma_semaphore, #tpu.memory_space<semaphore_mem>>)
      %dma_wait3A = arith.constant 0 : i32
      %dma_wait3A_71 = tpu.memref_slice %arg5[%add3A, %dma_wait3A] : memref<32x1024xi32, #tpu.memory_space<hbm>> -> memref<1x1024xi32, #tpu.memory_space<hbm>>
      %dma_wait3A_72 = tpu.memref_squeeze %dma_wait3A_71 : memref<1x1024xi32, #tpu.memory_space<hbm>> -> memref<1024xi32, #tpu.memory_space<hbm>>
      %dma_wait3A_73 = arith.constant 0 : i32
      %dma_wait3A_74 = tpu.memref_slice %arg5[%add3A, %dma_wait3A_73] : memref<32x1024xi32, #tpu.memory_space<hbm>> -> memref<1x1024xi32, #tpu.memory_space<hbm>>
      %dma_wait3A_75 = tpu.memref_squeeze %dma_wait3A_74 : memref<1x1024xi32, #tpu.memory_space<hbm>> -> memref<1024xi32, #tpu.memory_space<hbm>>
      tpu.wait_dma2 semaphore(%run_scoped3A : memref<!tpu.dma_semaphore, #tpu.memory_space<semaphore_mem>>) src(%arg10 : memref<1024xi32, #tpu.memory_space<vmem>>) dst(%dma_wait3A_75 : memref<1024xi32, #tpu.memory_space<hbm>>)
      tpu.yield
    }) : () -> ()
    %iota3A_49 = tpu.iota {dimensions = array<i32: 0>} : vector<16xi32>
    %broadcast_in_dim3A_50 = arith.constant 0 : i32
    %broadcast_in_dim3A_51 = vector.broadcast %broadcast_in_dim3A_50 : i32 to vector<16xi32>
    %eq3A_52 = arith.constant 0 : i32
    %eq3A_53 = vector.broadcast %eq3A_52 : i32 to vector<16xi32>
    %eq3A_54 = arith.cmpi eq, %iota3A_49, %eq3A_53 : vector<16xi32>
    %broadcast_in_dim3A_55 = vector.broadcast %scan3A_29#0 : i32 to vector<16xi32>
    %select_n3A_56 = arith.select %eq3A_54, %broadcast_in_dim3A_55, %broadcast_in_dim3A_51 : vector<16xi1>, vector<16xi32>
    %eq3A_57 = arith.constant 1 : i32
    %eq3A_58 = vector.broadcast %eq3A_57 : i32 to vector<16xi32>
    %eq3A_59 = arith.cmpi eq, %iota3A_49, %eq3A_58 : vector<16xi32>
    %broadcast_in_dim3A_60 = vector.broadcast %add3A_31 : i32 to vector<16xi32>
    %select_n3A_61 = arith.select %eq3A_59, %broadcast_in_dim3A_60, %select_n3A_56 : vector<16xi1>, vector<16xi32>
    %swap3A = arith.constant 0 : index
    %swap3A_62 = tpu.vector_load %arg11[%swap3A] {strides = array<i32>} : memref<16xi32, #tpu.memory_space<vmem>>, vector<16xi32>,
    tpu.vector_store %arg11[%swap3A], %select_n3A_61 {strides = array<i32>} : memref<16xi32, #tpu.memory_space<vmem>>, vector<16xi32>,
    %eq3A_63 = arith.constant 0 : i32
    %eq3A_64 = arith.cmpi eq, %add3A, %eq3A_63 : i32
    %convert_element_type3A = arith.extui %eq3A_64 : i1 to i32
    %cond3A = arith.constant 0 : i32
    %cond3A_65 = arith.cmpi ne, %convert_element_type3A, %cond3A : i32
    scf.if %cond3A_65 {
      "tpu.region"() ({
        %run_scoped3A = tpu.sem_alloc : memref<!tpu.dma_semaphore, #tpu.memory_space<semaphore_mem>>
        tpu.enqueue_dma source(%arg11 : memref<16xi32, #tpu.memory_space<vmem>>) target(%arg6 : memref<16xi32, #tpu.memory_space<hbm>>) target_semaphore(%run_scoped3A : memref<!tpu.dma_semaphore, #tpu.memory_space<semaphore_mem>>)
        tpu.wait_dma2 semaphore(%run_scoped3A : memref<!tpu.dma_semaphore, #tpu.memory_space<semaphore_mem>>) src(%arg11 : memref<16xi32, #tpu.memory_space<vmem>>) dst(%arg6 : memref<16xi32, #tpu.memory_space<hbm>>)
        tpu.yield
      }) : () -> ()
    } else {
    }
    return
  }
}

</mosaic_0001>

<sc_bundles>
// kernel: kernel.12.cloned.1.call-start
scs
__scs_entry_jumppad:
0x0: {  	(pc) =	sbr.rel $0x88, $3  }
0x1: {  	(tag) =	ssettag $0x0;
	lr =	simm.s32 $0x1  }
0x2: {  	[smem:$0x3FA0] =	sst lr;
	_ =	strace $0xD0000000  }
0x3: {  	_ = 	snop  }
0x4: {  	_ = 	snop  }
0x5: {  	_ = 	snop  }
0x6: {  	_ = 	snop  }
0x7: {  	_ = 	snop  }
__scs_overlays_trampoline_lowered:
0x8: {  	[smem:$0x3FAF] =	sst s0  }
0x9: {  	[smem:$0x3FB0] =	sst s1  }
0xa: {  	[smem:$0x3FB1] =	sst s2  }
0xb: {  	[smem:$0x3FB2] =	sst s3  }
0xc: {  	[smem:$0x3FB3] =	sst s4  }
0xd: {  	[smem:$0x3FB4] =	sst s5  }
0xe: {  	[smem:$0x3FB5] =	sst s6  }
0xf: {  	[smem:$0x3FB6] =	sst s7  }
0x10: {  	[smem:$0x3FB7] =	sst s8  }
0x11: {  	[smem:$0x3FB8] =	sst s9;
	s0 =	simm.s32 @!p0 $0x0  }
0x12: {  	s1 =	sld [smem:$0x3F9E];
	s0 =	simm.s32 @p0 $0x1  }
0x13: {  	[smem:$0x3FB9] =	sst s0;
	s0 =	simm.s32 @!p1 $0x0  }
0x14: {  	s2 =	sld [smem:$0x3F9D];
	s0 =	simm.s32 @p1 $0x1  }
0x15: {  	[smem:$0x3FBA] =	sst s0;
	s0 =	simm.s32 @!p2 $0x0  }
0x16: {  	s3 =	sld [smem:$0x3FDB];
	s0 =	simm.s32 @p2 $0x1  }
0x17: {  	s4 =	simm.s32 $0x1BF5;
	[smem:$0x3FBC] =	sst s0  }
0x18: {  	s0 =	sld [smem:$0x3F9F];
	_ =	swait.ge [sflag:s4], $0x0  }
0x19: {  	s7 =	sld [smem:$0x3FA0]  }
0x1a: {  	s8 =	sadd.s32 $0xFFFFE003, lr  }
0x1b: {  	s9 =	sadd.s32 $0xFFFFFEF7, lr;
	s5 =	simm.s32 $0xFFFFFFFF;
	p2 =	slt.u32 s8, $0xFFFFF086  }
0x1c: {  	p1 =	slt.u32 s9, $0xF7A;
	s5 =	simm.s32 @!p2 $0x0  }
0x1d: {  	s5 =	simm.s32 @p1 $0x1;
	p0 =	seq.s32 s7, s2  }
0x1e: {  	s7 =	smul.u32 @!p0 $0xF7A, s2;
	p2 =	seq.s32 @!p0 s5, $0x0  }
0x1f: {  	s9 =	smul.u32 $0xF7A, s1;
	s8 =	simm.s32 @!p0 $0x1BF5;
	p2 =	por !p2, p0  }
0x20: {  	[sflag:s8] =	ssyncset.s32 @!p0 $0xFFFFF086;
	s6 =	sadd.s32 @!p0 s3, s7;
	s7 =	simm.s32 @!p0 $0x108  }
0x21: {  	s3 =	sadd.s32 s3, s9;
	s6 =	sadd.s32 @!p0 $0x88, s6;
	s7 =	simm.s32 @p2 $0x1082  }
0x22: {  	[simem:s7], [sflag:s8] =	dma.local @!p0 [hbm:s6], $0xF7A  }
0x23: {  	s9 =	sor.u32 $0xD0000000, s2;
	s6 =	simm.s32 $0x108;
	_ =	swait.ge @!p0 [sflag:s8], $0x0  }
0x24: {  	s3 =	sadd.s32 $0x88, s3;
	s6 =	simm.s32 @!p1 $0x1082;
	[sflag:s4] =	ssyncset.s32 $0xFFFFF086  }
0x25: {  	[simem:s6], [sflag:s4] =	dma.local [hbm:s3], $0xF7A  }
0x26: {  	[smem:$0x3FA0] =	sst s1;
	(tag) =	ssettag s2;
	_ =	strace s9  }
0x27: {  	s1 =	sld [smem:$0x3FB0]  }
0x28: {  	s2 =	sld [smem:$0x3FB1]  }
0x29: {  	s4 =	sld [smem:$0x3FB3]  }
0x2a: {  	p0 =	seq.s32 s5, $0x0;
	s5 =	sld [smem:$0x3FB4]  }
0x2b: {  	s6 =	sld [smem:$0x3FB5]  }
0x2c: {  	s7 =	sld [smem:$0x3FB6]  }
0x2d: {  	s3 =	simm.s32 $0x108;
	s8 =	sld [smem:$0x3FB7]  }
0x2e: {  	s3 =	simm.s32 @!p0 $0x1082;
	s9 =	sld [smem:$0x3FB8]  }
0x2f: {  	lr =	sadd.s32 s0, s3;
	s0 =	sld [smem:$0x3FAF]  }
0x30: {  	s3 =	sld [smem:$0x3FB2]  }
0x31: {  	[smem:$0x3FBB] =	sst s10  }
0x32: {  	s10 =	sld [smem:$0x3FB9];
	_ =	sdelay $0x3  }
0x33: {  	p0 =	seq.s32 s10, $0x1;
	s10 =	sld [smem:$0x3FBB];
	_ =	sdelay $0x3  }
0x34: {  	[smem:$0x3FBB] =	sst s10  }
0x35: {  	s10 =	sld [smem:$0x3FBA];
	_ =	sdelay $0x3  }
0x36: {  	p1 =	seq.s32 s10, $0x1;
	s10 =	sld [smem:$0x3FBB];
	_ =	sdelay $0x3  }
0x37: {  	[smem:$0x3FBB] =	sst s10  }
0x38: {  	s10 =	sld [smem:$0x3FBC]  }
0x39: {  	_ = 	snop;
	(pc) =	sbr.ind lr, $3  }
0x3a: {  	_ = 	snop  }
0x3b: {  	_ = 	snop  }
0x3c: {  	p2 =	seq.s32 s10, $0x1;
	s10 =	sld [smem:$0x3FBB]  }
0x3d: {  	_ =	shalt  }
0x3e: {  	_ =	shalt  }
0x3f: {  	_ =	shalt  }
0x40: {  	_ =	shalt  }
0x41: {  	_ =	shalt  }
0x42: {  	_ =	shalt  }
0x43: {  	_ =	shalt  }
0x44: {  	_ =	shalt  }
0x45: {  	_ =	shalt  }
0x46: {  	_ =	shalt  }
0x47: {  	_ =	shalt  }
0x48: {  	_ =	shalt  }
0x49: {  	_ =	shalt  }
0x4a: {  	_ =	shalt  }
0x4b: {  	_ =	shalt  }
0x4c: {  	_ =	shalt  }
0x4d: {  	_ =	shalt  }
0x4e: {  	_ =	shalt  }
0x4f: {  	_ =	shalt  }
0x50: {  	_ =	shalt  }
0x51: {  	_ =	shalt  }
0x52: {  	_ =	shalt  }
0x53: {  	_ =	shalt  }
0x54: {  	_ =	shalt  }
0x55: {  	_ =	shalt  }
0x56: {  	_ =	shalt  }
0x57: {  	_ =	shalt  }
0x58: {  	_ =	shalt  }
0x59: {  	_ =	shalt  }
0x5a: {  	_ =	shalt  }
0x5b: {  	_ =	shalt  }
0x5c: {  	_ =	shalt  }
0x5d: {  	_ =	shalt  }
0x5e: {  	_ =	shalt  }
0x5f: {  	_ =	shalt  }
0x60: {  	_ =	shalt  }
0x61: {  	_ =	shalt  }
0x62: {  	_ =	shalt  }
0x63: {  	_ =	shalt  }
0x64: {  	_ =	shalt  }
0x65: {  	_ =	shalt  }
0x66: {  	_ =	shalt  }
0x67: {  	_ =	shalt  }
0x68: {  	_ =	shalt  }
0x69: {  	_ =	shalt  }
0x6a: {  	_ =	shalt  }
0x6b: {  	_ =	shalt  }
0x6c: {  	_ =	shalt  }
0x6d: {  	_ =	shalt  }
0x6e: {  	_ =	shalt  }
0x6f: {  	_ =	shalt  }
0x70: {  	_ =	shalt  }
0x71: {  	_ =	shalt  }
0x72: {  	_ =	shalt  }
0x73: {  	_ =	shalt  }
0x74: {  	_ =	shalt  }
0x75: {  	_ =	shalt  }
0x76: {  	_ =	shalt  }
0x77: {  	_ =	shalt  }
0x78: {  	_ =	shalt  }
0x79: {  	_ =	shalt  }
0x7a: {  	_ =	shalt  }
0x7b: {  	_ =	shalt  }
0x7c: {  	_ =	shalt  }
0x7d: {  	_ =	shalt  }
0x7e: {  	_ =	shalt  }
0x7f: {  	_ =	shalt  }
0x80: {  	_ =	shalt  }
0x81: {  	_ =	shalt  }
0x82: {  	_ =	shalt  }
0x83: {  	_ =	shalt  }
0x84: {  	_ =	shalt  }
0x85: {  	_ =	shalt  }
0x86: {  	_ =	shalt  }
0x87: {  	_ =	shalt  }
.Lfunc_end0:
.L_simem_size_0:
called_computation.2_lowered:
.L_overlay_start_0:
0x88: {  	s2 =	sld [smem:$0x3FD9]  }
0x89: {  	s3 =	sld [smem:$0x3FFE];
	_ =	sdelay $0x1  }
0x8a: {  	s1 =	srdreg.scid  }
0x8b: {  	s0 =	sand.u32 $0x1, s1  }
0x8c: {  	s17 =	sshll.u32 s0, $0xA;
	s2 =	sadd.s32 s3, s2  }
0x8d: {  	s2 =	sadd.s32 s2, s17  }
0x8e: {  	[smem:$0x3FC7] =	sst s2  }
0x8f: {  	_ = 	snop  }
0x90: {  	s2 =	sld [smem:$0x3FD0];
	(tm) =	ssettm $0x1  }
0x91: {  	s18 =	sld [smem:$0x3FFB];
	_ =	sdelay $0x3  }
0x92: {  	_ =	strace s18  }
0x93: {  	s3 =	sld [smem:$0x3FFC];
	_ =	sdelay $0x3  }
0x94: {  	_ =	strace s3  }
0x95: {  	s3 =	sld [smem:$0x3FFD];
	_ =	sdelay $0x3  }
0x96: {  	_ =	strace s3  }
0x97: {  	_ =	strace $0x8FFFFFFF  }
0x98: {  	s19 =	sld [smem:$0x3FDB];
	_ =	sdelay $0x1  }
0x99: {  	s4 =	simm.s32 $_scs_section_size  }
0x9a: {  	s5 =	simm.s32 $_size__tile_overlayer_lowered;
	s6 =	simm.s32 $_tile_overlayer_lowered  }
0x9b: {  	s22 =	simm.s32 $0x1BFF;
	s21 =	sshll.u32 s6, $0x1;
	s3 =	sadd.s32 s4, s19  }
0x9c: {  	s7 =	simm.s32 $0x0;
	s20 =	sshll.u32 s5, $0x1;
	s5 =	sadd.s32 s21, s3  }
0x9d: {  	[timem:s7], [sflag:s22] =	dma.local [hbm:s5], s20  }
0x9e: {  	_ =	swait.ge [sflag:s22], s20  }
0x9f: {  	s4 =	ssub.s32 $0x0, s20;
	[sflag:s22] =	ssyncset.done $0x0  }
0xa0: {  	[sflag:s22] =	ssyncadd.s32 s4;
	_ =	sdelay $0x1  }
0xa1: {  	s23 =	simm.s32 $0x1B8B  }
0xa2: {  	_ =	swait.ge [sflag:s23], $0x1  }
0xa3: {  	[sflag:s23] =	ssyncset.done $0x0  }
0xa4: {  	s25 =	simm.s32 $0x1B8E;
	s24 =	sld [smem:$0x3FFE];
	[sflag:s23] =	ssyncadd.s32 $0xFFFFFFFF  }
0xa5: {  	s26 =	simm.s32 $execute0_lowered;
	[smem:$0x3FD2] =	sst s25  }
0xa6: {  	s5 =	sshll.u32 s26, $0x1;
	_ =	strace $0x8000004C;
	[dreg:$0x1] =	wrdreg $0xFFFFFFFF  }
0xa7: {  	s28 =	simm.s32 $_size_execute0_lowered;
	s3 =	sadd.s32 s3, s5;
	[dreg:$0x0] =	wrdreg $0x0  }
0xa8: {  	s5 =	sshll.u32 s28, $0x1;
	[dreg:$0x2] =	wrdreg s3  }
0xa9: {  	[dreg:$0x3] =	wrdreg s5  }
0xaa: {  	[dreg:$0x4] =	wrdreg $0xC0  }
0xab: {  	_ =	task [dreg:s7], $0x5FFFF  }
0xac: {  	[dreg:$0x1] =	wrdreg $0xFFFFFFFF  }
0xad: {  	[dreg:$0x0] =	wrdreg $0x60  }
0xae: {  	[dreg:$0x2] =	wrdreg s2  }
0xaf: {  	[dreg:$0x3] =	wrdreg s24  }
0xb0: {  	[dreg:$0x4] =	wrdreg $0x9  }
0xb1: {  	_ =	task.clear_ibuf [dreg:s7], $0x5FFFF;
	_ =	strace $0x9000004C  }
0xb2: {  	s29 =	simm.s32 $0x9;
	_ =	strace $0x8000004E  }
0xb3: {  	_ =	swait.ge [sflag:s29], $0x1  }
0xb4: {  	[sflag:s29] =	ssyncadd.s32 $0xFFFFFFFF  }
0xb5: {  	_ =	strace $0x9000004E  }
0xb6: {  	_ =	sfence  }
0xb7: {  	s30 =	sld [smem:$0x0];
	_ =	sdelay $0x2  }
0xb8: {  	s31 =	sshll.u32 s1, $0xD;
	s1 =	sshrl.u32 s1, $0x2  }
0xb9: {  	s3 =	sand.u32 $0x4000, s31;
	s1 =	sadd.s32 s1, s30  }
0xba: {  	s0 =	sor.u32 s3, s0;
	s1 =	sshll.u32 s1, $0x11  }
0xbb: {  	s0 =	sor.u32 s1, s0  }
0xbc: {  	s0 =	sadd.s32 $0x8F2B, s0  }
0xbd: {  	[sflag:s0] =	ssyncadd.remote.s32 $0x1  }
0xbe: {  	_ =	sfence.sel $0xFFFF  }
0xbf: {  	[dreg:$0x0] =	wrdreg $0xFFFFFFFF;
	(pc) =	sbr.abs _section_cstart, $3  }
0xc0: {  	[dreg:$0x1] =	wrdreg $0xFFFFFFFF  }
0xc1: {  	_ =	task.clear_ibuf [dreg:s7], $0x2FFFF;
	_ =	strace $0x9FFFFFFF  }
0xc2: {  	(tm) =	ssettm $0x7FFFFFFF  }
0xc3: {  	_ =	shalt  }
tec
execute0_lowered:
.L_overlay_start_1:
0x0: {  	(tag) =	ssettag $0x1  }
0x1: {  	s0 =	rddreg [dreg:$0x0]  }
0x2: {  	s1 =	rddreg [dreg:$0x1];
	s7 =	simm.s32 $0x0  }
0x3: {  	s4 =	stileid.u32;
	s2 =	srdreg.scid;
	s12 =	simm.s32 $0xA400  }
0x4: {  	[smem:$0x7FF] =	sst s7;
	s3 =	sshll.u32 s4, $0x8;
	s2 =	sand.u32 $0x1, s2  }
0x5: {  	s4 =	sshll.u32 s4, $0x1;
	s5 =	sadd.s32 $0x3800, s1;
	s23 =	sadd.s32 $0x4800, s1  }
0x6: {  	_ =	strace $0x8000004D;
	[dreg:$0x7] =	wrdreg s5;
	s3 =	sand.u32 $0xC00, s3  }
0x7: {  	s4 =	sor.u32 s2, s4;
	[dreg:$0x8] =	wrdreg s23;
	s25 =	ssub.s32 $0x2, s2  }
0x8: {  	s3 =	sadd.s32 s3, s1;
	s24 =	sshll.u32 s4, $0x4;
	s1 =	sadd.s32 $0x2800, s1  }
0x9: {  	s28 =	sshrl.u32 s25, $0x1;
	s6 =	sshll.u32 s4, $0xE;
	[dreg:$0x9] =	wrdreg s1  }
0xa: {  	v0 =	vlaneseq.u32;
	s26 =	sand.u32 $0x70, s24;
	s1 =	ssub.s32 s25, s28;
	s29 =	sadd.s32 s0, s6  }
0xb: {  	v1 =	vmul.u32 $0xFFFFFFFF, v0;
	s2 =	sadd.s32 s26, s3;
	s31 =	smax.u32 s1, $0x1;
	[dreg:$0xa] =	wrdreg s29  }
0xc: {  	v2 =	vimm.f32 $1.000000000e+00;
	v4 =	vimm.s32 $0x0;
	vm1 =	vmmov $0x1;
	s5 =	simm.s32 $0x1;
	s30 =	sadd.s32 $0x1800, s2;
	[dreg:$0xc] =	wrdreg s31  }
0xd: {  	v5 =	vimm.s32 $0x1;
	v3 =	vor.u32 $0x80000000, v0;
	v1 =	vadd.s32 $0xF, v1;
	p0 =	sne.s32 s4, $0x0;
	s2 =	simm.s32 $0x0;
	[dreg:$0xb] =	wrdreg s30  }
.LBB2_1:
0xe: {  	[dreg:$0xd] =	wrdreg s2  }
0xf: {  	s0 =	rddreg [dreg:$0x8];
	s1 =	simm.s32 $0xA800  }
0x10: {  	[tilespmem:s1], [sflag:$0x1] =	stream.linear.gather [hbm4b:s0+s7], $0x80, $0x38;
	[tilespmem:$0xA880] =	vst v63  }
0x11: {  	_ =	swait.ge [sflag:s5], $0x80  }
0x12: {  	[sflag:s5] =	ssyncset.done $0x0  }
0x13: {  	[sflag:s5] =	ssyncadd.s32 $0xFFFFFF80  }
0x14: {  	v6 =	vld [tilespmem:$0xA800];
	_ =	sdelay $0x2  }
0x15: {  	s25 =	simm.s32 $0x2000;
	s24 =	rddreg [dreg:$0x7]  }
0x16: {  	[tilespmem:s25], [sflag:$0x1] =	stream.linear.gather [hbm4b:s24+s7], $0x8000, $0x38;
	[tilespmem:$0xA880] =	vst v63  }
0x17: {  	[tilespmem:$0x1FF10] =	vst v6  }
0x18: {  	s4 =	sand.u32 $0x1C00, s7;
	s0 =	sand.u32 $0x60, s7;
	_ =	swait.ge [sflag:s5], $0x8000  }
0x19: {  	s1 =	sor.u32 $0x2000, s4;
	s16 =	sor.u32 $0x10, s0;
	[sflag:s5] =	ssyncset.done $0x0  }
0x1a: {  	s26 =	sor.u32 s16, s1;
	[sflag:s5] =	ssyncadd.s32 $0xFFFF8000  }
0x1b: {  	v14 =	vld [tilespmem:s26+$0x0]  }
0x1c: {  	v13 =	vld [tilespmem:s26+$0x80]  }
0x1d: {  	v15 =	vld [tilespmem:s26+$0x100]  }
0x1e: {  	v17 =	vld [tilespmem:s26+$0x180]  }
0x1f: {  	v63 =	vld [tilespmem:s26+$0x200]  }
0x20: {  	v62 =	vld [tilespmem:s26+$0x280]  }
0x21: {  	s2 =	sor.u32 $0x4000, s4;
	v60 =	vld [tilespmem:s26+$0x300]  }
0x22: {  	s3 =	sor.u32 $0x4080, s4;
	s6 =	sor.u32 s16, s2;
	v59 =	vld [tilespmem:s26+$0x380]  }
0x23: {  	s28 =	sor.u32 s16, s3;
	s7 =	sor.u32 $0x4200, s4;
	v58 =	vld [tilespmem:s6+$0x0]  }
0x24: {  	s10 =	sor.u32 s16, s7;
	v56 =	vld [tilespmem:s28+$0x0]  }
0x25: {  	s1 =	sor.u32 s0, s1;
	v52 =	vld [tilespmem:s10+$0x0]  }
0x26: {  	v19 =	vld [tilespmem:s1+$0x0]  }
0x27: {  	v18 =	vld [tilespmem:s1+$0x80]  }
0x28: {  	v20 =	vld [tilespmem:s1+$0x100]  }
0x29: {  	v61 =	vld [tilespmem:s1+$0x180]  }
0x2a: {  	v57 =	vld [tilespmem:s1+$0x200]  }
0x2b: {  	v53 =	vld [tilespmem:s1+$0x280]  }
0x2c: {  	v49 =	vld [tilespmem:s1+$0x300]  }
0x2d: {  	s2 =	sor.u32 s0, s2;
	v45 =	vld [tilespmem:s1+$0x380]  }
0x2e: {  	s3 =	sor.u32 s0, s3;
	v43 =	vld [tilespmem:s2+$0x0]  }
0x2f: {  	s7 =	sor.u32 s0, s7;
	s5 =	sor.u32 $0x4100, s4;
	v41 =	vld [tilespmem:s3+$0x0]  }
0x30: {  	s8 =	sor.u32 s16, s5;
	v34 =	vld [tilespmem:s7+$0x0]  }
0x31: {  	s6 =	sor.u32 $0x4180, s4;
	s5 =	sor.u32 s0, s5;
	v55 =	vld [tilespmem:s8+$0x0]  }
0x32: {  	s10 =	sor.u32 $0x4380, s4;
	s9 =	sor.u32 s16, s6;
	v38 =	vld [tilespmem:s5+$0x0]  }
0x33: {  	s14 =	sor.u32 s16, s10;
	v54 =	vld [tilespmem:s9+$0x0]  }
0x34: {  	s6 =	sor.u32 s0, s6;
	v48 =	vld [tilespmem:s14+$0x0]  }
0x35: {  	s8 =	sor.u32 $0x4280, s4;
	s10 =	sor.u32 s0, s10;
	v36 =	vld [tilespmem:s6+$0x0]  }
0x36: {  	s11 =	sor.u32 s16, s8;
	v25 =	vld [tilespmem:s10+$0x0]  }
0x37: {  	s9 =	sor.u32 $0x4300, s4;
	s8 =	sor.u32 s0, s8;
	v51 =	vld [tilespmem:s11+$0x0]  }
0x38: {  	s14 =	sor.u32 $0x6100, s4;
	s13 =	sor.u32 s16, s9;
	v32 =	vld [tilespmem:s8+$0x0]  }
0x39: {  	s18 =	sor.u32 s16, s14;
	v50 =	vld [tilespmem:s13+$0x0]  }
0x3a: {  	s9 =	sor.u32 s0, s9;
	v44 =	vld [tilespmem:s18+$0x0]  }
0x3b: {  	s11 =	sor.u32 $0x6000, s4;
	s14 =	sor.u32 s0, s14;
	v29 =	vld [tilespmem:s9+$0x0]  }
0x3c: {  	s15 =	sor.u32 s16, s11;
	v6 =	vld [tilespmem:s14+$0x0]  }
0x3d: {  	s13 =	sor.u32 $0x6080, s4;
	s11 =	sor.u32 s0, s11;
	v47 =	vld [tilespmem:s15+$0x0]  }
0x3e: {  	s18 =	sor.u32 $0x6280, s4;
	s17 =	sor.u32 s16, s13;
	v22 =	vld [tilespmem:s11+$0x0]  }
0x3f: {  	s21 =	sor.u32 s16, s18;
	v46 =	vld [tilespmem:s17+$0x0]  }
0x40: {  	s15 =	sor.u32 $0x6180, s4;
	s13 =	sor.u32 s0, s13;
	v39 =	vld [tilespmem:s21+$0x0]  }
0x41: {  	s17 =	sor.u32 $0x6200, s4;
	s19 =	sor.u32 s16, s15;
	v21 =	vld [tilespmem:s13+$0x0]  }
0x42: {  	s21 =	sor.u32 $0x8000, s4;
	v42 =	vld [tilespmem:s19+$0x0];
	s20 =	sor.u32 s16, s17  }
0x43: {  	s19 =	sor.u32 $0x6300, s4;
	s24 =	sor.u32 s16, s21;
	v40 =	vld [tilespmem:s20+$0x0]  }
0x44: {  	s20 =	sor.u32 $0x6380, s4;
	s22 =	sor.u32 s16, s19;
	v33 =	vld [tilespmem:s24+$0x0]  }
0x45: {  	s24 =	sor.u32 $0x8180, s4;
	v37 =	vld [tilespmem:s22+$0x0];
	s23 =	sor.u32 s16, s20  }
0x46: {  	s22 =	sor.u32 $0x8080, s4;
	s29 =	sor.u32 s16, s24;
	v35 =	vld [tilespmem:s23+$0x0]  }
0x47: {  	s23 =	sor.u32 $0x8100, s4;
	s25 =	sor.u32 s16, s22;
	v28 =	vld [tilespmem:s29+$0x0]  }
0x48: {  	v31 =	vld [tilespmem:s25+$0x0];
	s26 =	sor.u32 s16, s23;
	s25 =	sor.u32 $0x8200, s4  }
0x49: {  	v30 =	vld [tilespmem:s26+$0x0];
	s26 =	sor.u32 $0x8280, s4;
	s28 =	sor.u32 s16, s25  }
0x4a: {  	v27 =	vld [tilespmem:s28+$0x0];
	s28 =	sor.u32 $0x8300, s4;
	s29 =	sor.u32 s16, s26  }
0x4b: {  	s4 =	sor.u32 $0x8380, s4;
	v26 =	vld [tilespmem:s29+$0x0];
	s30 =	sor.u32 s16, s28  }
0x4c: {  	s31 =	sor.u32 s16, s4;
	v24 =	vld [tilespmem:s30+$0x0]  }
0x4d: {  	s15 =	sor.u32 s0, s15;
	v23 =	vld [tilespmem:s31+$0x0];
	[tilespmem:$0x1FF20] =	vst v6  }
0x4e: {  	v6 =	vld [tilespmem:s15+$0x0];
	_ =	sdelay $0x4  }
0x4f: {  	s17 =	sor.u32 s0, s17;
	[tilespmem:$0x1FF30] =	vst v6  }
0x50: {  	v6 =	vld [tilespmem:s17+$0x0];
	_ =	sdelay $0x4  }
0x51: {  	s18 =	sor.u32 s0, s18;
	[tilespmem:$0x1FF40] =	vst v6  }
0x52: {  	v6 =	vld [tilespmem:s18+$0x0];
	_ =	sdelay $0x4  }
0x53: {  	s19 =	sor.u32 s0, s19;
	[tilespmem:$0x1FF50] =	vst v6  }
0x54: {  	v6 =	vld [tilespmem:s19+$0x0];
	_ =	sdelay $0x4  }
0x55: {  	s20 =	sor.u32 s0, s20;
	[tilespmem:$0x1FF60] =	vst v6  }
0x56: {  	v6 =	vld [tilespmem:s20+$0x0];
	_ =	sdelay $0x4  }
0x57: {  	s21 =	sor.u32 s0, s21;
	[tilespmem:$0x1FF70] =	vst v6  }
0x58: {  	v6 =	vld [tilespmem:s21+$0x0];
	_ =	sdelay $0x4  }
0x59: {  	s29 =	sor.u32 s0, s22;
	[tilespmem:$0x1FF80] =	vst v6  }
0x5a: {  	v6 =	vld [tilespmem:s29+$0x0];
	_ =	sdelay $0x4  }
0x5b: {  	s30 =	sor.u32 s0, s23;
	[tilespmem:$0x1FF90] =	vst v6  }
0x5c: {  	v6 =	vld [tilespmem:s30+$0x0];
	_ =	sdelay $0x4  }
0x5d: {  	s31 =	sor.u32 s0, s24;
	[tilespmem:$0x1FFA0] =	vst v6  }
0x5e: {  	v6 =	vld [tilespmem:s31+$0x0];
	_ =	sdelay $0x4  }
0x5f: {  	s3 =	sor.u32 s0, s25;
	[tilespmem:$0x1FFB0] =	vst v6  }
0x60: {  	v6 =	vld [tilespmem:s3+$0x0];
	_ =	sdelay $0x4  }
0x61: {  	s5 =	sor.u32 s0, s26;
	[tilespmem:$0x1FFC0] =	vst v6  }
0x62: {  	v6 =	vld [tilespmem:s5+$0x0];
	_ =	sdelay $0x4  }
0x63: {  	s7 =	sor.u32 s0, s28;
	[tilespmem:$0x1FFD0] =	vst v6  }
0x64: {  	v6 =	vld [tilespmem:s7+$0x0];
	_ =	sdelay $0x4  }
0x65: {  	s0 =	sor.u32 s0, s4;
	[tilespmem:$0x1FFE0] =	vst v6  }
0x66: {  	v6 =	vld [tilespmem:s0+$0x0];
	_ =	sdelay $0x1  }
0x67: {  	s6 =	simm.s32 $0x100;
	s17 =	simm.s32 $0x20  }
0x68: {  	s10 =	sand.u32 $0x1C00, s6;
	s18 =	sand.u32 $0x60, s17  }
0x69: {  	s6 =	sor.u32 $0x2000, s10;
	s1 =	sor.u32 $0x10, s18  }
0x6a: {  	s8 =	sor.u32 s1, s6;
	[tilespmem:$0x1FFF0] =	vst v6  }
0x6b: {  	v8 =	vld [tilespmem:s8+$0x0]  }
0x6c: {  	v7 =	vld [tilespmem:s8+$0x80]  }
0x6d: {  	v9 =	vld [tilespmem:s8+$0x100]  }
0x6e: {  	v10 =	vld [tilespmem:s8+$0x180]  }
0x6f: {  	v11 =	vld [tilespmem:s8+$0x200]  }
0x70: {  	v13 =	vadd.s32 v14, v13;
	v12 =	vld [tilespmem:s8+$0x280]  }
0x71: {  	s2 =	sor.u32 $0x4000, s10;
	v13 =	vadd.s32 v15, v13;
	v16 =	vld [tilespmem:s8+$0x300]  }
0x72: {  	v13 =	vadd.s32 v17, v13;
	s15 =	sor.u32 $0x4080, s10;
	s9 =	sor.u32 s1, s2;
	v14 =	vld [tilespmem:s8+$0x380]  }
0x73: {  	v13 =	vadd.s32 v63, v13;
	s11 =	sor.u32 s1, s15;
	s7 =	sor.u32 $0x4180, s10;
	v15 =	vld [tilespmem:s9+$0x0]  }
0x74: {  	v13 =	vadd.s32 v62, v13;
	s5 =	sor.u32 $0x4200, s10;
	s14 =	sor.u32 s1, s7;
	v17 =	vld [tilespmem:s11+$0x0]  }
0x75: {  	v13 =	vadd.s32 v60, v13;
	s31 =	sor.u32 $0x4280, s10;
	s19 =	sor.u32 s1, s5;
	v62 =	vld [tilespmem:s14+$0x0]  }
0x76: {  	v13 =	vadd.s32 v59, v13;
	s30 =	sor.u32 $0x4300, s10;
	s20 =	sor.u32 s1, s31;
	v60 =	vld [tilespmem:s19+$0x0]  }
0x77: {  	v13 =	vadd.s32 v58, v13;
	s4 =	sor.u32 $0x4380, s10;
	s21 =	sor.u32 s1, s30;
	v59 =	vld [tilespmem:s20+$0x0]  }
0x78: {  	v13 =	vadd.s32 v56, v13;
	s22 =	sor.u32 s1, s4;
	s3 =	sor.u32 $0x6000, s10;
	v58 =	vld [tilespmem:s21+$0x0]  }
0x79: {  	s28 =	sor.u32 $0x6080, s10;
	v13 =	vadd.s32 v55, v13;
	s23 =	sor.u32 s1, s3;
	v56 =	vld [tilespmem:s22+$0x0]  }
0x7a: {  	v19 =	vadd.s32 v19, v18;
	s26 =	sor.u32 $0x6100, s10;
	v13 =	vadd.s32 v54, v13;
	s24 =	sor.u32 s1, s28;
	v55 =	vld [tilespmem:s23+$0x0]  }
0x7b: {  	v19 =	vadd.s32 v20, v19;
	v13 =	vadd.s32 v52, v13;
	s29 =	sor.u32 s1, s26;
	v54 =	vld [tilespmem:s24+$0x0]  }
0x7c: {  	v19 =	vadd.s32 v61, v19;
	v13 =	vadd.s32 v51, v13;
	s6 =	sor.u32 s18, s6;
	v52 =	vld [tilespmem:s29+$0x0]  }
0x7d: {  	v19 =	vadd.s32 v57, v19;
	s25 =	sor.u32 $0x6180, s10;
	v13 =	vadd.s32 v50, v13;
	v57 =	vld [tilespmem:s6+$0x180]  }
0x7e: {  	v13 =	vadd.s32 v48, v13;
	s8 =	sor.u32 $0x4100, s10;
	s11 =	sor.u32 s1, s25;
	v61 =	vld [tilespmem:s6+$0x200]  }
0x7f: {  	v13 =	vadd.s32 v47, v13;
	s23 =	sor.u32 $0x6280, s10;
	s13 =	sor.u32 s1, s8;
	v51 =	vld [tilespmem:s11+$0x0]  }
0x80: {  	v13 =	vadd.s32 v46, v13;
	s21 =	sor.u32 $0x6300, s10;
	s14 =	sor.u32 s1, s23;
	v63 =	vld [tilespmem:s13+$0x0]  }
0x81: {  	v13 =	vadd.s32 v44, v13;
	s20 =	sor.u32 $0x6380, s10;
	s19 =	sor.u32 s1, s21;
	v48 =	vld [tilespmem:s14+$0x0]  }
0x82: {  	v6 =	vadd.s32 v42, v13;
	s24 =	sor.u32 $0x6200, s10;
	s22 =	sor.u32 s1, s20;
	v47 =	vld [tilespmem:s19+$0x0]  }
0x83: {  	s9 =	sor.u32 $0x8100, s10;
	v6 =	vadd.s32 v40, v6;
	s13 =	sor.u32 s1, s24;
	v46 =	vld [tilespmem:s22+$0x0]  }
0x84: {  	v6 =	vadd.s32 v39, v6;
	s19 =	sor.u32 s1, s9;
	v50 =	vld [tilespmem:s13+$0x0]  }
0x85: {  	s14 =	sor.u32 $0x8000, s10;
	v6 =	vadd.s32 v37, v6;
	v13 =	vld [tilespmem:s19+$0x0]  }
0x86: {  	s0 =	sor.u32 $0x8080, s10;
	s29 =	sor.u32 s1, s14;
	v6 =	vadd.s32 v35, v6;
	v35 =	vld [tilespmem:$0x1FF30]  }
0x87: {  	s13 =	sor.u32 s1, s0;
	v44 =	vld [tilespmem:s29+$0x0]  }
0x88: {  	s11 =	sor.u32 $0x8200, s10;
	v42 =	vld [tilespmem:s13+$0x0]  }
0x89: {  	s13 =	sor.u32 $0x8180, s10;
	s29 =	sor.u32 s1, s11;
	v37 =	vadd.s32 v33, v6;
	v33 =	vld [tilespmem:$0x1FF20]  }
0x8a: {  	s19 =	sor.u32 $0x8280, s10;
	s22 =	sor.u32 s1, s13;
	v39 =	vld [tilespmem:s29+$0x0]  }
0x8b: {  	s29 =	sor.u32 s1, s19;
	v40 =	vld [tilespmem:s22+$0x0]  }
0x8c: {  	v8 =	vadd.s32 v8, v7;
	v18 =	vld [tilespmem:s29+$0x0]  }
0x8d: {  	s22 =	sor.u32 $0x8300, s10;
	v8 =	vadd.s32 v9, v8;
	v9 =	vadd.s32 v31, v37;
	v37 =	vld [tilespmem:$0x1FF40]  }
0x8e: {  	s29 =	sor.u32 $0x8380, s10;
	s10 =	sor.u32 s1, s22;
	v8 =	vadd.s32 v10, v8;
	v10 =	vadd.s32 v53, v19;
	v53 =	vld [tilespmem:s6+$0x100]  }
0x8f: {  	v7 =	vld [tilespmem:s10+$0x0]  }
0x90: {  	v8 =	vadd.s32 v11, v8;
	v11 =	vld [tilespmem:s6+$0x0]  }
0x91: {  	s15 =	sor.u32 s18, s15;
	v9 =	vadd.s32 v30, v9;
	v10 =	vadd.s32 v49, v10;
	v49 =	vld [tilespmem:s6+$0x80]  }
0x92: {  	s10 =	sor.u32 s1, s29;
	v9 =	vadd.s32 v28, v9;
	v28 =	vld [tilespmem:s15+$0x0]  }
0x93: {  	s2 =	sor.u32 s18, s2;
	v6 =	vld [tilespmem:s10+$0x0]  }
0x94: {  	v9 =	vadd.s32 v27, v9;
	v27 =	vld [tilespmem:s2+$0x0]  }
0x95: {  	v10 =	vadd.s32 v45, v10;
	v45 =	vld [tilespmem:$0x1FF60]  }
0x96: {  	s10 =	sor.u32 s18, s5;
	v9 =	vadd.s32 v26, v9;
	v26 =	vld [tilespmem:s6+$0x380]  }
0x97: {  	v31 =	vld [tilespmem:s10+$0x0]  }
0x98: {  	v10 =	vadd.s32 v43, v10;
	v9 =	vadd.s32 v24, v9;
	v24 =	vld [tilespmem:s6+$0x300]  }
0x99: {  	v8 =	vadd.s32 v12, v8;
	v10 =	vadd.s32 v41, v10;
	v41 =	vld [tilespmem:$0x1FF50]  }
0x9a: {  	s5 =	sor.u32 s18, s3;
	v8 =	vadd.s32 v16, v8;
	v9 =	vadd.s32 v23, v9;
	v23 =	vld [tilespmem:s6+$0x280]  }
0x9b: {  	v8 =	vadd.s32 v14, v8;
	v10 =	vadd.s32 v38, v10;
	s6 =	sor.u32 s18, s8;
	s8 =	sor.u32 s18, s7;
	v38 =	vld [tilespmem:s5+$0x0]  }
0x9c: {  	s4 =	sor.u32 s18, s4;
	v8 =	vadd.s32 v15, v8;
	v30 =	vld [tilespmem:s8+$0x0]  }
0x9d: {  	v8 =	vadd.s32 v17, v8;
	v10 =	vadd.s32 v36, v10;
	v36 =	vld [tilespmem:s4+$0x0]  }
0x9e: {  	s15 =	sor.u32 s18, s31;
	s31 =	sor.u32 s18, s30;
	v11 =	vadd.s32 v11, v49;
	v49 =	vld [tilespmem:$0x1FF70];
	v8 =	vadd.s32 v63, v8  }
0x9f: {  	v10 =	vadd.s32 v34, v10;
	v34 =	vld [tilespmem:s31+$0x0];
	v8 =	vadd.s32 v62, v8  }
0xa0: {  	v11 =	vadd.s32 v53, v11;
	v53 =	vld [tilespmem:$0x1FF90];
	v8 =	vadd.s32 v60, v8  }
0xa1: {  	v10 =	vadd.s32 v32, v10;
	v11 =	vadd.s32 v57, v11;
	v32 =	vld [tilespmem:s15+$0x0];
	v8 =	vadd.s32 v59, v8  }
0xa2: {  	v57 =	vld [tilespmem:$0x1FFB0];
	v10 =	vadd.s32 v29, v10;
	v11 =	vadd.s32 v61, v11;
	v8 =	vadd.s32 v58, v8  }
0xa3: {  	v29 =	vld [tilespmem:s6+$0x0];
	v10 =	vadd.s32 v25, v10;
	v11 =	vadd.s32 v23, v11;
	v8 =	vadd.s32 v56, v8  }
0xa4: {  	v60 =	vld [tilespmem:$0x1FFD0];
	v10 =	vadd.s32 v22, v10;
	v11 =	vadd.s32 v24, v11;
	v8 =	vadd.s32 v55, v8  }
0xa5: {  	s6 =	sor.u32 s18, s28;
	v61 =	vld [tilespmem:$0x1FFE0];
	v10 =	vadd.s32 v21, v10;
	v11 =	vadd.s32 v26, v11;
	v8 =	vadd.s32 v54, v8  }
0xa6: {  	v43 =	vld [tilespmem:s6+$0x0];
	v10 =	vadd.s32 v33, v10;
	v11 =	vadd.s32 v27, v11;
	v8 =	vadd.s32 v52, v8  }
0xa7: {  	v10 =	vadd.s32 v35, v10;
	v11 =	vadd.s32 v28, v11;
	v8 =	vadd.s32 v51, v8;
	v51 =	vld [tilespmem:$0x1FF80]  }
0xa8: {  	v58 =	vld [tilespmem:$0x1FFC0];
	v10 =	vadd.s32 v37, v10;
	v11 =	vadd.s32 v29, v11  }
0xa9: {  	s15 =	sor.u32 s18, s23;
	v55 =	vld [tilespmem:$0x1FFA0];
	v10 =	vadd.s32 v41, v10;
	v11 =	vadd.s32 v30, v11;
	v8 =	vadd.s32 v50, v8  }
0xaa: {  	s10 =	sor.u32 s18, s24;
	s24 =	simm.s32 $0x0;
	s7 =	sor.u32 s18, s26;
	v54 =	vld [tilespmem:s15+$0x0];
	v10 =	vadd.s32 v45, v10;
	v11 =	vadd.s32 v31, v11;
	v8 =	vadd.s32 v48, v8  }
0xab: {  	s2 =	sand.u32 $0x380, s24;
	s8 =	sor.u32 s18, s25;
	v48 =	vld [tilespmem:s7+$0x0];
	v10 =	vadd.s32 v49, v10;
	v11 =	vadd.s32 v32, v11;
	v8 =	vadd.s32 v47, v8  }
0xac: {  	s2 =	sor.u32 s16, s2;
	v50 =	vld [tilespmem:s8+$0x0];
	v11 =	vadd.s32 v34, v11;
	v8 =	vadd.s32 v46, v8;
	v10 =	vadd.s32 v51, v10  }
0xad: {  	v52 =	vld [tilespmem:s10+$0x0];
	[tilespmem:s2+$0xA000] =	vst v9;
	v11 =	vadd.s32 v36, v11;
	v8 =	vadd.s32 v44, v8;
	v10 =	vadd.s32 v53, v10  }
0xae: {  	s21 =	sor.u32 s18, s21;
	v63 =	vld [tilespmem:$0x1FFF0];
	v11 =	vadd.s32 v38, v11;
	v8 =	vadd.s32 v42, v8;
	v10 =	vadd.s32 v55, v10  }
0xaf: {  	s23 =	sor.u32 s18, s20;
	v56 =	vld [tilespmem:s21+$0x0];
	v11 =	vadd.s32 v43, v11;
	v8 =	vadd.s32 v13, v8;
	v10 =	vadd.s32 v57, v10  }
0xb0: {  	s26 =	sor.u32 s18, s9;
	v59 =	vld [tilespmem:s23+$0x0];
	v11 =	vadd.s32 v48, v11;
	v8 =	vadd.s32 v40, v8;
	v13 =	vadd.s32 v58, v10  }
0xb1: {  	s25 =	sor.u32 s18, s14;
	v9 =	vld [tilespmem:s26+$0x0];
	v11 =	vadd.s32 v50, v11;
	v8 =	vadd.s32 v39, v8;
	v12 =	vadd.s32 v60, v13  }
0xb2: {  	s0 =	sor.u32 s18, s0;
	s30 =	sor.u32 s18, s11;
	s16 =	simm.s32 $0x2;
	v10 =	vld [tilespmem:s25+$0x0];
	v11 =	vadd.s32 v52, v11;
	v62 =	vadd.s32 v18, v8;
	v12 =	vadd.s32 v61, v12  }
0xb3: {  	s31 =	sand.u32 $0x380, s17;
	s28 =	sor.u32 s18, s13;
	s21 =	simm.s32 $0xA000;
	v8 =	vld [tilespmem:s0+$0x0];
	v11 =	vadd.s32 v54, v11;
	v7 =	vadd.s32 v7, v62;
	v12 =	vadd.s32 v63, v12  }
0xb4: {  	s17 =	simm.s32 $0x200;
	s1 =	sor.u32 s1, s31;
	s15 =	sor.u32 s18, s19;
	v11 =	vadd.s32 v56, v11;
	v7 =	vadd.s32 v6, v7;
	v6 =	vld [tilespmem:s28+$0x0];
	[tilespmem:s21+$0x0] =	vst v12  }
0xb5: {  	s8 =	sor.u32 s18, s22;
	s7 =	sor.u32 s18, s29;
	s18 =	simm.s32 $0x40;
	v11 =	vadd.s32 v59, v11;
	[tilespmem:s1+$0xA000] =	vst v7;
	v7 =	vld [tilespmem:s30+$0x0]  }
.LBB2_2:
0xb6: {  	s11 =	sand.u32 $0x60, s18;
	s19 =	sand.u32 $0x1C00, s17  }
0xb7: {  	s2 =	sor.u32 $0x2000, s19;
	s9 =	sor.u32 $0x10, s11  }
0xb8: {  	s1 =	sor.u32 s11, s2;
	s2 =	sor.u32 s9, s2  }
0xb9: {  	v12 =	vld [tilespmem:s2+$0x0]  }
0xba: {  	v10 =	vadd.s32 v10, v11;
	v11 =	vld [tilespmem:s15+$0x0]  }
0xbb: {  	v8 =	vadd.s32 v8, v10;
	v10 =	vld [tilespmem:s8+$0x0]  }
0xbc: {  	v8 =	vadd.s32 v9, v8;
	v9 =	vld [tilespmem:s7+$0x0]  }
0xbd: {  	v6 =	vadd.s32 v6, v8;
	v8 =	vld [tilespmem:s2+$0x80]  }
0xbe: {  	v6 =	vadd.s32 v7, v6;
	v7 =	vld [tilespmem:s2+$0x100]  }
0xbf: {  	v6 =	vadd.s32 v11, v6;
	v11 =	vld [tilespmem:s2+$0x180]  }
0xc0: {  	v6 =	vadd.s32 v10, v6;
	v10 =	vld [tilespmem:s2+$0x200]  }
0xc1: {  	s21 =	sadd.s32 $0x20, s21;
	v6 =	vadd.s32 v9, v6;
	v9 =	vld [tilespmem:s2+$0x280]  }
0xc2: {  	s3 =	sor.u32 $0x4000, s19;
	s4 =	sor.u32 $0x4080, s19;
	[tilespmem:s21+$0x0] =	vst v6;
	v6 =	vadd.s32 v12, v8;
	v8 =	vld [tilespmem:s2+$0x300]  }
0xc3: {  	s10 =	sor.u32 $0x4100, s19;
	s23 =	sor.u32 $0x4200, s19;
	s25 =	sor.u32 $0x4280, s19;
	v6 =	vadd.s32 v7, v6;
	v7 =	vld [tilespmem:s2+$0x380]  }
0xc4: {  	s28 =	sor.u32 $0x4300, s19;
	s30 =	sor.u32 $0x4380, s19;
	s7 =	sor.u32 s9, s3;
	v62 =	vld [tilespmem:s1+$0x0]  }
0xc5: {  	s5 =	sor.u32 $0x6080, s19;
	s0 =	sor.u32 s11, s3;
	s13 =	sor.u32 s9, s4;
	v6 =	vadd.s32 v11, v6;
	v11 =	vld [tilespmem:s7+$0x0]  }
0xc6: {  	s14 =	sor.u32 s11, s10;
	s20 =	sor.u32 s9, s10;
	s15 =	sor.u32 $0x4180, s19;
	v6 =	vadd.s32 v10, v6;
	v10 =	vld [tilespmem:s13+$0x0]  }
0xc7: {  	s26 =	sor.u32 s9, s23;
	s29 =	sor.u32 s9, s25;
	s24 =	sor.u32 s9, s15;
	v6 =	vadd.s32 v9, v6;
	v9 =	vld [tilespmem:s20+$0x0]  }
0xc8: {  	s31 =	sor.u32 s9, s28;
	s10 =	sor.u32 $0x6180, s19;
	[dreg:$0x3] =	wrdreg s0;
	v6 =	vadd.s32 v8, v6;
	v8 =	vld [tilespmem:s24+$0x0]  }
0xc9: {  	[dreg:$0x5] =	wrdreg s14;
	s0 =	sor.u32 $0x6000, s19;
	s8 =	sor.u32 s11, s4;
	v6 =	vadd.s32 v7, v6;
	v7 =	vld [tilespmem:s26+$0x0]  }
0xca: {  	s14 =	sor.u32 s11, s5;
	s22 =	sor.u32 s11, s15;
	[dreg:$0x4] =	wrdreg s8;
	v6 =	vadd.s32 v11, v6;
	v11 =	vld [tilespmem:s29+$0x0]  }
0xcb: {  	s6 =	sor.u32 s9, s0;
	s4 =	sor.u32 s9, s30;
	[dreg:$0x6] =	wrdreg s22;
	v6 =	vadd.s32 v10, v6;
	v10 =	vld [tilespmem:s31+$0x0]  }
0xcc: {  	s22 =	sor.u32 s11, s23;
	s23 =	sor.u32 s11, s25;
	s25 =	sor.u32 s11, s30;
	v6 =	vadd.s32 v9, v6;
	v9 =	vld [tilespmem:s4+$0x0]  }
0xcd: {  	s8 =	sor.u32 s9, s5;
	s5 =	sor.u32 s11, s10;
	s7 =	sor.u32 $0x6100, s19;
	v6 =	vadd.s32 v8, v6;
	v8 =	vld [tilespmem:s6+$0x0]  }
0xce: {  	s30 =	sor.u32 $0x6300, s19;
	s13 =	sor.u32 s11, s7;
	s15 =	sor.u32 s9, s7;
	v6 =	vadd.s32 v7, v6;
	v7 =	vld [tilespmem:s8+$0x0]  }
0xcf: {  	s20 =	sor.u32 $0x6200, s19;
	s24 =	sor.u32 s11, s28;
	s28 =	sor.u32 s9, s10;
	v6 =	vadd.s32 v11, v6;
	v11 =	vld [tilespmem:s15+$0x0]  }
0xd0: {  	s7 =	sor.u32 s9, s30;
	s29 =	sor.u32 s9, s20;
	s6 =	sor.u32 $0x6280, s19;
	v6 =	vadd.s32 v10, v6;
	v10 =	vld [tilespmem:s28+$0x0]  }
0xd1: {  	s26 =	sor.u32 s11, s0;
	s0 =	sor.u32 $0x6380, s19;
	s31 =	sor.u32 s9, s6;
	v6 =	vadd.s32 v9, v6;
	v9 =	vld [tilespmem:s29+$0x0]  }
0xd2: {  	s10 =	sor.u32 s9, s0;
	s4 =	sor.u32 s11, s20;
	s8 =	sor.u32 $0x8000, s19;
	v6 =	vadd.s32 v8, v6;
	v8 =	vld [tilespmem:s31+$0x0]  }
0xd3: {  	s15 =	sor.u32 $0x8080, s19;
	s20 =	sor.u32 s9, s8;
	s28 =	sor.u32 s11, s6;
	v6 =	vadd.s32 v7, v6;
	v7 =	vld [tilespmem:s7+$0x0]  }
0xd4: {  	s29 =	sor.u32 s11, s30;
	s30 =	sor.u32 s11, s0;
	s0 =	sor.u32 $0x8100, s19;
	v6 =	vadd.s32 v11, v6;
	v11 =	vld [tilespmem:s10+$0x0]  }
0xd5: {  	s31 =	sor.u32 s11, s8;
	s8 =	sor.u32 $0x8180, s19;
	s7 =	sor.u32 s9, s15;
	v6 =	vadd.s32 v10, v6;
	v10 =	vld [tilespmem:s20+$0x0]  }
0xd6: {  	s6 =	sor.u32 s11, s15;
	s15 =	sor.u32 s9, s0;
	s3 =	sor.u32 s11, s8;
	v6 =	vadd.s32 v9, v6;
	v9 =	vld [tilespmem:s7+$0x0]  }
0xd7: {  	s10 =	sor.u32 s11, s0;
	s20 =	sor.u32 $0x8200, s19;
	s7 =	sor.u32 s9, s8;
	v6 =	vadd.s32 v8, v6;
	v8 =	vld [tilespmem:s15+$0x0]  }
0xd8: {  	s0 =	sor.u32 $0x8280, s19;
	s2 =	sor.u32 s11, s20;
	s8 =	sor.u32 s9, s20;
	v6 =	vadd.s32 v7, v6;
	v7 =	vld [tilespmem:s7+$0x0]  }
0xd9: {  	s20 =	sor.u32 $0x8300, s19;
	s15 =	sor.u32 s11, s0;
	s0 =	sor.u32 s9, s0;
	v6 =	vadd.s32 v11, v6;
	v11 =	vld [tilespmem:s8+$0x0]  }
0xda: {  	s19 =	sor.u32 $0x8380, s19;
	s8 =	sor.u32 s11, s20;
	s20 =	sor.u32 s9, s20;
	v6 =	vadd.s32 v10, v6;
	v10 =	vld [tilespmem:s0+$0x0]  }
0xdb: {  	s7 =	sor.u32 s11, s19;
	s19 =	sor.u32 s9, s19;
	v6 =	vadd.s32 v9, v6;
	v9 =	vld [tilespmem:s20+$0x0]  }
0xdc: {  	v6 =	vadd.s32 v8, v6;
	v8 =	vld [tilespmem:s19+$0x0]  }
0xdd: {  	v6 =	vadd.s32 v7, v6;
	v7 =	vld [tilespmem:s1+$0x80]  }
0xde: {  	v6 =	vadd.s32 v11, v6;
	v11 =	vld [tilespmem:s1+$0x100]  }
0xdf: {  	v6 =	vadd.s32 v10, v6;
	v10 =	vld [tilespmem:s1+$0x180]  }
0xe0: {  	s20 =	sand.u32 $0x380, s18;
	v6 =	vadd.s32 v9, v6;
	v9 =	vld [tilespmem:s1+$0x200]  }
0xe1: {  	s0 =	sor.u32 s9, s20;
	v6 =	vadd.s32 v8, v6;
	v8 =	vld [tilespmem:s1+$0x280]  }
0xe2: {  	[tilespmem:s0+$0xA000] =	vst v6;
	v6 =	vadd.s32 v62, v7;
	v7 =	vld [tilespmem:s1+$0x300]  }
0xe3: {  	s9 =	rddreg [dreg:$0x3];
	v6 =	vadd.s32 v11, v6;
	v11 =	vld [tilespmem:s1+$0x380]  }
0xe4: {  	s11 =	rddreg [dreg:$0x4];
	v6 =	vadd.s32 v10, v6;
	v10 =	vld [tilespmem:s9+$0x0]  }
0xe5: {  	s19 =	rddreg [dreg:$0x5];
	v6 =	vadd.s32 v9, v6;
	v9 =	vld [tilespmem:s11+$0x0]  }
0xe6: {  	s20 =	rddreg [dreg:$0x6];
	v6 =	vadd.s32 v8, v6;
	v8 =	vld [tilespmem:s19+$0x0]  }
0xe7: {  	v6 =	vadd.s32 v7, v6;
	v7 =	vld [tilespmem:s20+$0x0]  }
0xe8: {  	v6 =	vadd.s32 v11, v6;
	v11 =	vld [tilespmem:s22+$0x0]  }
0xe9: {  	v6 =	vadd.s32 v10, v6;
	v10 =	vld [tilespmem:s23+$0x0]  }
0xea: {  	v6 =	vadd.s32 v9, v6;
	v9 =	vld [tilespmem:s24+$0x0]  }
0xeb: {  	v6 =	vadd.s32 v8, v6;
	v8 =	vld [tilespmem:s25+$0x0]  }
0xec: {  	v6 =	vadd.s32 v7, v6;
	v7 =	vld [tilespmem:s26+$0x0]  }
0xed: {  	v6 =	vadd.s32 v11, v6;
	v11 =	vld [tilespmem:s14+$0x0]  }
0xee: {  	v6 =	vadd.s32 v10, v6;
	v10 =	vld [tilespmem:s13+$0x0]  }
0xef: {  	v6 =	vadd.s32 v9, v6;
	v9 =	vld [tilespmem:s5+$0x0]  }
0xf0: {  	v6 =	vadd.s32 v8, v6;
	v8 =	vld [tilespmem:s4+$0x0]  }
0xf1: {  	v6 =	vadd.s32 v7, v6;
	v7 =	vld [tilespmem:s28+$0x0]  }
0xf2: {  	s16 =	sadd.s32 $0x2, s16;
	v6 =	vadd.s32 v11, v6;
	v11 =	vld [tilespmem:s29+$0x0]  }
0xf3: {  	p1 =	slt.u32 s16, $0x3E;
	v63 =	vld [tilespmem:s30+$0x0];
	v6 =	vadd.s32 v10, v6  }
.Ltmp0:
0xf4: {  	v10 =	vld [tilespmem:s31+$0x0];
	v6 =	vadd.s32 v9, v6;
	(pc) =	sbr.rel @p1 .LBB2_2-.Ltmp0, $4  }
0xf5: {  	v9 =	vld [tilespmem:s10+$0x0];
	v6 =	vadd.s32 v8, v6  }
0xf6: {  	v8 =	vld [tilespmem:s6+$0x0];
	v6 =	vadd.s32 v7, v6  }
0xf7: {  	v7 =	vadd.s32 v11, v6;
	v6 =	vld [tilespmem:s3+$0x0]  }
0xf8: {  	s17 =	sadd.s32 $0x100, s17;
	s18 =	sadd.s32 $0x20, s18;
	v11 =	vadd.s32 v63, v7;
	v7 =	vld [tilespmem:s2+$0x0]  }
0xf9: {  	v24 =	vld [tilespmem:$0x1FF10];
	_ =	sdelay $0x3  }
0xfa: {  	vm0 =	vcmask $0x308  }
0xfb: {  	v12 =	vsel vm0, $0x0, v24  }
0xfc: {  	v10 =	vadd.s32 v10, v11;
	v11 =	vld [tilespmem:s15+$0x0];
	(xrf0) =	vadd.scan.msk.s32 $0xffff, v12  }
0xfd: {  	v8 =	vadd.s32 v8, v10;
	v10 =	vld [tilespmem:s8+$0x0]  }
0xfe: {  	v8 =	vadd.s32 v9, v8;
	v9 =	vld [tilespmem:s7+$0x0]  }
0xff: {  	v6 =	vadd.s32 v6, v8  }
0x100: {  	v6 =	vadd.s32 v7, v6  }
0x101: {  	v6 =	vadd.s32 v11, v6  }
0x102: {  	v6 =	vadd.s32 v10, v6;
	v7, _, _ =	vpop (xrf0)  }
0x103: {  	s0 =	sadd.s32 $0x20, s21;
	v6 =	vadd.s32 v9, v6;
	(v2sf) =	vpush v7, $0xF  }
0x104: {  	s9 =	simm.s32 $0xA3F0;
	[tilespmem:s0+$0x0] =	vst v6  }
0x105: {  	v6 =	vld [tilespmem:s9+$0x0];
	_ =	sdelay $0x4  }
0x106: {  	s10 =	simm.s32 $0xA3E0;
	(xrf0) =	vadd.scan.msk.s32 $0xffff, v6;
	v9 =	vperm.xlane v6, v1  }
0x107: {  	v8 =	vld [tilespmem:s10+$0x0]  }
0x108: {  	(xrf0) =	vadd.scan.msk.s32 $0xffff, v9;
	_ =	sdelay $0x3  }
0x109: {  	(xrf0) =	vadd.scan.msk.s32 $0xffff, v8;
	v6, _, _ =	vpop (xrf0)  }
0x10a: {  	(v2sf) =	vpush v6, $0xF  }
0x10b: {  	s11 =	simm.s32 $0xA3D0;
	s17 =	simm.s32 $0x0;
	v10, _, _ =	vpop (xrf0);
	s1 =	spop (v2sf)  }
0x10c: {  	v11 =	vld [tilespmem:s11+$0x0];
	v6 =	vperm.xlane v8, v1;
	v8 =	vadd.s32 s17, v10;
	[dreg:$0xe] =	wrdreg s1;
	s1 =	ssub.s32 $0x2000, s1  }
0x10d: {  	v7 =	vmov s1  }
0x10e: {  	vm0 =	vlt.s32 v8, v7  }
0x10f: {  	(xrf0) =	vadd.scan.msk.s32 $0xffff, v6;
	v8, _, _ =	vpop (xrf0);
	v12 =	vsel vm0, $0x0, v2  }
0x110: {  	(v2sf) =	vpush v8, $0xF;
	(xrf0) =	vmax.scan.msk.f32 $0xffff, v12  }
0x111: {  	v8 =	vsel vm0, $0x80000010, v3;
	(xrf0) =	vadd.scan.msk.s32 $0xffff, v11  }
0x112: {  	(xrf0) =	vmin.scan.msk.u32 $0xffff, v8;
	_ =	sdelay $0x2  }
0x113: {  	v14, _, _ =	vpop (xrf0)  }
0x114: {  	v8, _, _ =	vpop (xrf0)  }
0x115: {  	(v2sf) =	vpush v8, $0xF;
	v8, _, _ =	vpop (xrf0)  }
0x116: {  	v12 =	vperm.xlane v11, v1;
	(v2sf) =	vpush v8, $0xF;
	v8, _, _ =	vpop (xrf0)  }
0x117: {  	s14 =	simm.s32 $0xA3C0;
	s13 =	spop (v2sf);
	(v2sf) =	vpush v8, $0xF  }
0x118: {  	(xrf0) =	vadd.scan.msk.s32 $0xffff, v12;
	s24 =	sadd.s32 $0x0, s13;
	v8 =	vld [tilespmem:s14+$0x0]  }
0x119: {  	v11 =	vadd.s32 s24, v14  }
0x11a: {  	vm0 =	vlt.s32 v11, v7  }
0x11b: {  	v11 =	vsel vm0, $0x0, v2  }
0x11c: {  	(xrf0) =	vmax.scan.msk.f32 $0xffff, v11  }
0x11d: {  	v11 =	vsel vm0, $0x80000010, v3;
	(xrf0) =	vadd.scan.msk.s32 $0xffff, v8;
	s15 =	spop (v2sf)  }
0x11e: {  	s16 =	simm.s32 $0xA3B0;
	v16, _, _ =	vpop (xrf0);
	(xrf0) =	vmin.scan.msk.u32 $0xffff, v11;
	s19 =	sadd.s32 s24, s15;
	v11 =	vperm.xlane v8, v1  }
0x11f: {  	v13 =	vld [tilespmem:s16+$0x0];
	v8 =	vadd.s32 s19, v16  }
0x120: {  	vm0 =	vlt.s32 v8, v7;
	(xrf0) =	vadd.scan.msk.s32 $0xffff, v11  }
0x121: {  	v8 =	vsel vm0, $0x0, v2  }
0x122: {  	v15, _, _ =	vpop (xrf0)  }
0x123: {  	(v2sf) =	vpush v15, $0xF;
	v15 =	vsel vm0, $0x80000010, v3;
	(xrf0) =	vmax.scan.msk.f32 $0xffff, v8  }
0x124: {  	v8, _, _ =	vpop (xrf0);
	(xrf0) =	vadd.scan.msk.s32 $0xffff, v13;
	s18 =	spop (v2sf)  }
0x125: {  	(v2sf) =	vpush v8, $0xF;
	v8, _, _ =	vpop (xrf0);
	(xrf0) =	vmin.scan.msk.u32 $0xffff, v15;
	s21 =	spop (v2sf)  }
0x126: {  	(v2sf) =	vpush v8, $0xF;
	v15, _, _ =	vpop (xrf0);
	s3 =	spop (v2sf);
	s20 =	sadd.s32 s19, s21  }
0x127: {  	v8 =	vperm.xlane v13, v1;
	v13 =	vadd.s32 s20, v15;
	s22 =	sxor.u32 $0x80000000, s3  }
0x128: {  	s2 =	simm.s32 $0xA3A0;
	vm0 =	vlt.s32 v13, v7;
	v13 =	vmov s22  }
0x129: {  	v17 =	vld [tilespmem:s2+$0x0];
	v18, _, _ =	vpop (xrf0)  }
0x12a: {  	(v2sf) =	vpush v18, $0xF;
	v18, _, _ =	vpop (xrf0)  }
0x12b: {  	(xrf0) =	vadd.scan.msk.s32 $0xffff, v8;
	v19 =	vsel vm0, $0x0, v2;
	vm4 =	veq.s32 v13, v0;
	(v2sf) =	vpush v18, $0xF;
	v13, _, _ =	vpop (xrf0)  }
0x12c: {  	(xrf0) =	vmax.scan.msk.f32 $0xffff, v19;
	v10 =	vnsel vm4, $0x0, v10;
	(v2sf) =	vpush v13, $0xF  }
0x12d: {  	(xrf0) =	vadd.scan.msk.s32 $0xffff, v10  }
0x12e: {  	(xrf0) =	vadd.scan.msk.s32 $0xffff, v17  }
0x12f: {  	v9 =	vnsel vm4, $0x0, v9;
	v10 =	vsel vm0, $0x80000010, v3  }
0x130: {  	(xrf0) =	vmin.scan.msk.u32 $0xffff, v10  }
0x131: {  	v13, _, _ =	vpop (xrf0);
	(xrf0) =	vadd.scan.msk.s32 $0xffff, v9  }
0x132: {  	v9, _, _ =	vpop (xrf0)  }
0x133: {  	s23 =	spop (v2sf);
	(v2sf) =	vpush v9, $0xF;
	v10, _, _ =	vpop (xrf0);
	v9 =	vperm.xlane v17, v1  }
0x134: {  	v17, _, _ =	vpop (xrf0);
	(v2sf) =	vpush v10, $0xF;
	s25 =	spop (v2sf)  }
0x135: {  	s26 =	simm.s32 $0xA390;
	(v2sf) =	vpush v17, $0xF;
	(xrf0) =	vadd.scan.msk.s32 $0xffff, v9;
	s4 =	spop (v2sf);
	s21 =	sadd.s32 s20, s25  }
0x136: {  	v10, _, _ =	vpop (xrf0);
	v17 =	vld [tilespmem:s26+$0x0];
	v18 =	vadd.s32 s21, v13;
	s5 =	sxor.u32 $0x80000000, s4  }
0x137: {  	(v2sf) =	vpush v10, $0xF;
	v10, _, _ =	vpop (xrf0);
	vm0 =	vlt.s32 v18, v7;
	v18 =	vmov s5  }
0x138: {  	(v2sf) =	vpush v10, $0xF;
	v10 =	vsel vm0, $0x0, v2;
	vm4 =	veq.s32 v18, v0  }
0x139: {  	s6 =	spop (v2sf);
	(xrf0) =	vmax.scan.msk.f32 $0xffff, v10;
	v10 =	vnsel vm4, $0x0, v14  }
0x13a: {  	(xrf0) =	vadd.scan.msk.s32 $0xffff, v10;
	s7 =	spop (v2sf)  }
0x13b: {  	v10 =	vsel vm0, $0x80000010, v3;
	v14, _, _ =	vpop (xrf0);
	(xrf0) =	vadd.scan.msk.s32 $0xffff, v17;
	s25 =	sadd.s32 s21, s7;
	s5 =	spop (v2sf)  }
0x13c: {  	p1 =	sgt.f32 s18, $0.0e+00;
	v6 =	vnsel vm4, $0x0, v6;
	(xrf0) =	vmin.scan.msk.u32 $0xffff, v10;
	v10 =	vperm.xlane v17, v1;
	v17 =	vadd.s32 s25, v14;
	s9 =	sxor.u32 $0x80000000, s5  }
0x13d: {  	p2 =	por $0x1, $0x1;
	(xrf0) =	vadd.scan.msk.s32 $0xffff, v6;
	vm4 =	vlt.s32 v17, v7;
	v6 =	vmov s9  }
0x13e: {  	s31 =	simm.s32 $0x800003AF;
	s30 =	simm.s32 $0x8000039F;
	p1 =	por !p2, !p1;
	v17 =	vsel vm4, $0x0, v2  }
0x13f: {  	s18 =	simm.s32 $0xFFFFFFFF;
	s1 =	ssub.s32 $0x800003FF, s3;
	p1 =	por !p1, !p1;
	vm0 =	veq.s32 v6, v0  }
0x140: {  	s28 =	simm.s32 $0x8000038F;
	s18 =	smov.u32 @p1 s1;
	p5 =	sgt.f32 s23, $0.0e+00;
	(xrf0) =	vadd.scan.msk.s32 $0xffff, v10;
	v16 =	vnsel vm0, $0x0, v16;
	v6, _, _ =	vpop (xrf0)  }
0x141: {  	s8 =	simm.s32 $0xA380;
	s0 =	simm.s32 $0x800003BF;
	p3 =	slt.s32 s18, $0x0;
	(xrf0) =	vmax.scan.msk.f32 $0xffff, v17;
	v17, _, _ =	vpop (xrf0);
	(v2sf) =	vpush v6, $0xF  }
0x142: {  	s22 =	simm.s32 $0x8000036F;
	p2 =	por !p3, !p5;
	v18 =	vld [tilespmem:s8+$0x0];
	s10 =	spop (v2sf);
	v6, _, _ =	vpop (xrf0);
	(v2sf) =	vpush v17, $0xF  }
0x143: {  	p2 =	por !p2, !p2;
	s2 =	ssub.s32 $0x800003EF, s4;
	(xrf0) =	vadd.scan.msk.s32 $0xffff, v16;
	s11 =	spop (v2sf);
	v16, _, _ =	vpop (xrf0);
	(v2sf) =	vpush v6, $0xF  }
0x144: {  	s18 =	smov.u32 @p2 s2;
	p6 =	sgt.f32 s6, $0.0e+00;
	s13 =	spop (v2sf);
	v6, _, _ =	vpop (xrf0);
	(v2sf) =	vpush v16, $0xF  }
0x145: {  	s23 =	simm.s32 $0x8000035F;
	p5 =	por p1, p1;
	p4 =	slt.s32 s18, $0x0;
	(v2sf) =	vpush v6, $0xF  }
0x146: {  	s26 =	simm.s32 $0x8000037F;
	p2 =	por p2, p2;
	p3 =	por !p4, !p6  }
0x147: {  	p4 =	por p5, p5;
	p1 =	por !p3, !p3;
	s1 =	ssub.s32 $0x800003DF, s5;
	(xrf0) =	vadd.scan.msk.s32 $0xffff, v18  }
0x148: {  	p2 =	por p2, p2;
	p3 =	por p4, p4;
	s18 =	smov.u32 @p1 s1;
	v16, _, _ =	vpop (xrf0)  }
0x149: {  	p1 =	por p1, p1;
	s1 =	simm.s32 $0xA370;
	p5 =	sgt.f32 s10, $0.0e+00;
	v6, _, _ =	vpop (xrf0)  }
0x14a: {  	p6 =	slt.s32 s18, $0x0;
	s14 =	sadd.s32 $0x0, s11;
	v17 =	vnsel vm0, $0x0, v12;
	v12 =	vsel vm4, $0x80000010, v3;
	s15 =	spop (v2sf);
	(v2sf) =	vpush v6, $0xF;
	v19, _, _ =	vpop (xrf0)  }
0x14b: {  	p4 =	por !p6, !p5;
	s29 =	sadd.s32 s25, s13;
	(xrf0) =	vmin.scan.msk.u32 $0xffff, v12;
	s16 =	spop (v2sf);
	(v2sf) =	vpush v19, $0xF  }
0x14c: {  	v12 =	vperm.xlane v18, v1;
	p4 =	por !p4, !p4;
	s2 =	ssub.s32 $0x800003CF, s15;
	s4 =	sxor.u32 $0x80000000, s15;
	(xrf0) =	vadd.scan.msk.s32 $0xffff, v17;
	v18 =	vadd.s32 s29, v16  }
0x14d: {  	s18 =	smov.u32 @p4 s2;
	s2 =	simm.s32 $0x8000034F;
	s14 =	ssub.s32 s14, s16;
	v6 =	vld [tilespmem:s1+$0x0];
	vm4 =	vlt.s32 v18, v7;
	v18 =	vmov s4;
	v17, _, _ =	vpop (xrf0)  }
.LBB2_4:
0x14e: {  	p5 =	sne.s32 s2, $0x8000000F  }
0x14f: {  	s17 =	smov.u32 @p3 s14;
	s3 =	smov.u32 s19;
	s19 =	smov.u32 s20  }
0x150: {  	s20 =	smov.u32 s21;
	s21 =	smov.u32 s25;
	p3 =	por p2, p2  }
0x151: {  	(xrf0) =	vadd.scan.msk.s32 $0xffff, v12;
	(v2sf) =	vpush v17, $0xF;
	v17 =	vsel vm4, $0x0, v2;
	v19, _, _ =	vpop (xrf0);
	vm0 =	veq.s32 v18, v0;
	p2 =	por p1, p1;
	p1 =	por p4, p4;
	s25 =	smov.u32 s29  }
0x152: {  	s4 =	smov.u32 s0;
	s0 =	smov.u32 s31;
	s31 =	smov.u32 s30;
	(xrf0) =	vmax.scan.msk.f32 $0xffff, v17;
	(v2sf) =	vpush v19, $0xF;
	v19 =	vnsel vm0, $0x0, v15;
	v17 =	vnsel vm0, $0x0, v11;
	v18, _, _ =	vpop (xrf0)  }
0x153: {  	s30 =	smov.u32 s28;
	s28 =	smov.u32 s26;
	s26 =	smov.u32 s22;
	v15 =	vmovc v13;
	v13 =	vmov v14;
	v14 =	vmov v16;
	v11 =	vmov v8;
	(xrf0) =	vadd.scan.msk.s32 $0xffff, v19  }
0x154: {  	s22 =	smov.u32 s23;
	s23 =	smov.u32 s2;
	v16 =	vsel vm4, $0x80000010, v3;
	v8 =	vmovc v9;
	v9 =	vmov v10;
	(xrf0) =	vadd.scan.msk.s32 $0xffff, v6;
	s5 =	spop (v2sf);
	(v2sf) =	vpush v18, $0xF  }
0x155: {  	p6 =	slt.s32 s18, $0x0;
	v10 =	vmov v12;
	(xrf0) =	vmin.scan.msk.u32 $0xffff, v16;
	p4 =	sgt.f32 s5, $0.0e+00;
	s5 =	spop (v2sf)  }
.Ltmp1:
0x156: {  	s6 =	spop (v2sf);
	(xrf0) =	vadd.scan.msk.s32 $0xffff, v17;
	s5 =	sadd.s32 s24, s5;
	(pc) =	sbr.rel @p5 .LBB2_4-.Ltmp1, $4  }
0x157: {  	s1 =	sadd.s32 $0xFFFFFFF0, s1;
	v16, _, _ =	vpop (xrf0);
	p4 =	por !p6, !p4;
	s7 =	spop (v2sf)  }
0x158: {  	s29 =	sadd.s32 s29, s6;
	v17, _, _ =	vpop (xrf0);
	p4 =	por !p4, !p4;
	s4 =	ssub.s32 s4, s7  }
0x159: {  	v12 =	vperm.xlane v6, v1;
	v18 =	vadd.s32 s29, v16;
	s6 =	sxor.u32 $0x80000000, s7;
	v6 =	vld [tilespmem:s1+$0x0];
	(v2sf) =	vpush v17, $0xF;
	s18 =	smov.u32 @p4 s4;
	v19, _, _ =	vpop (xrf0);
	s4 =	spop (v2sf)  }
0x15a: {  	s2 =	sadd.s32 $0xFFFFFFF0, s2;
	s24 =	smov.u32 s3;
	vm4 =	vlt.s32 v18, v7;
	v18 =	vmov s6;
	v17, _, _ =	vpop (xrf0);
	(v2sf) =	vpush v19, $0xF;
	s14 =	ssub.s32 s5, s4  }
0x15b: {  	(xrf0) =	vadd.scan.msk.s32 $0xffff, v12;
	_ =	sdelay $0x2  }
0x15c: {  	s2 =	spop (v2sf)  }
0x15d: {  	v19 =	vsel vm4, $0x0, v2;
	vm0 =	veq.s32 v18, v0;
	v29, _, _ =	vpop (xrf0);
	s9 =	spop (v2sf)  }
0x15e: {  	(v2sf) =	vpush v17, $0xF;
	(xrf0) =	vmax.scan.msk.f32 $0xffff, v19;
	v15 =	vnsel vm0, $0x0, v15;
	v30, _, _ =	vpop (xrf0);
	s11 =	spop (v2sf)  }
0x15f: {  	(v2sf) =	vpush v29, $0xF;
	(xrf0) =	vadd.scan.msk.s32 $0xffff, v15;
	v32, _, _ =	vpop (xrf0);
	s5 =	spop (v2sf);
	s4 =	sadd.s32 s29, s11  }
0x160: {  	v31 =	vsel vm4, $0x80000010, v3;
	s1 =	sadd.s32 $0xFFFFFFF0, s1;
	(xrf0) =	vadd.scan.msk.s32 $0xffff, v6;
	v35 =	vperm.xlane v6, v1;
	v6 =	vadd.s32 s4, v32;
	s13 =	sxor.u32 $0x80000000, s5  }
0x161: {  	v33 =	vnsel vm0, $0x0, v11;
	v34 =	vld [tilespmem:s1+$0x0];
	(xrf0) =	vmin.scan.msk.u32 $0xffff, v31;
	vm12 =	vlt.s32 v6, v7;
	v6 =	vmov s13  }
0x162: {  	(xrf0) =	vadd.scan.msk.s32 $0xffff, v33  }
0x163: {  	(xrf0) =	vadd.scan.msk.s32 $0xffff, v35;
	v36 =	vsel vm12, $0x0, v2;
	vm0 =	veq.s32 v6, v0  }
0x164: {  	(v2sf) =	vpush v30, $0xF;
	v13 =	vnsel vm0, $0x0, v13;
	v6, _, _ =	vpop (xrf0);
	(xrf0) =	vmax.scan.msk.f32 $0xffff, v36  }
0x165: {  	v37, _, _ =	vpop (xrf0);
	(xrf0) =	vadd.scan.msk.s32 $0xffff, v13;
	(v2sf) =	vpush v6, $0xF  }
0x166: {  	v38 =	vsel vm12, $0x80000010, v3;
	v6, _, _ =	vpop (xrf0);
	(xrf0) =	vadd.scan.msk.s32 $0xffff, v34;
	(v2sf) =	vpush v37, $0xF  }
0x167: {  	v39, _, _ =	vpop (xrf0);
	(xrf0) =	vmin.scan.msk.u32 $0xffff, v38;
	(v2sf) =	vpush v6, $0xF  }
0x168: {  	v40, _, _ =	vpop (xrf0);
	(v2sf) =	vpush v39, $0xF  }
0x169: {  	v6, _, _ =	vpop (xrf0);
	(v2sf) =	vpush v40, $0xF  }
0x16a: {  	s10 =	spop (v2sf);
	v41, _, _ =	vpop (xrf0)  }
0x16b: {  	s7 =	spop (v2sf);
	(v2sf) =	vpush v41, $0xF;
	v42, _, _ =	vpop (xrf0)  }
0x16c: {  	s15 =	spop (v2sf);
	v43, _, _ =	vpop (xrf0);
	(v2sf) =	vpush v42, $0xF  }
0x16d: {  	s16 =	spop (v2sf);
	(v2sf) =	vpush v43, $0xF;
	v44, _, _ =	vpop (xrf0)  }
0x16e: {  	s3 =	sadd.s32 $0xFFFFFFF0, s1;
	s1 =	spop (v2sf);
	s13 =	sadd.s32 s4, s16;
	(v2sf) =	vpush v44, $0xF  }
0x16f: {  	v46 =	vld [tilespmem:s3+$0x0];
	v47 =	vperm.xlane v34, v1;
	v45 =	vnsel vm0, $0x0, v8;
	v48 =	vadd.s32 s13, v6;
	s3 =	sxor.u32 $0x80000000, s1  }
0x170: {  	(xrf0) =	vadd.scan.msk.s32 $0xffff, v45;
	vm0 =	vlt.s32 v48, v7;
	v49 =	vmov s3  }
0x171: {  	(xrf0) =	vadd.scan.msk.s32 $0xffff, v47;
	v15 =	vsel vm0, $0x0, v2;
	vm13 =	veq.s32 v49, v0  }
0x172: {  	(xrf0) =	vmax.scan.msk.f32 $0xffff, v15;
	v13 =	vnsel vm13, $0x0, v14  }
0x173: {  	s8 =	spop (v2sf);
	(xrf0) =	vadd.scan.msk.s32 $0xffff, v13  }
0x174: {  	[dreg:$0x11] =	wrdreg s2;
	v50 =	vsel vm0, $0x80000010, v3;
	(xrf0) =	vadd.scan.msk.s32 $0xffff, v46;
	s2 =	spop (v2sf)  }
0x175: {  	[dreg:$0xf] =	wrdreg s4;
	v52 =	vperm.xlane v46, v1;
	v51 =	vnsel vm13, $0x0, v9;
	(xrf0) =	vmin.scan.msk.u32 $0xffff, v50;
	s4 =	spop (v2sf)  }
0x176: {  	v53, _, _ =	vpop (xrf0);
	(xrf0) =	vadd.scan.msk.s32 $0xffff, v51;
	s6 =	spop (v2sf)  }
0x177: {  	v54, _, _ =	vpop (xrf0);
	(xrf0) =	vadd.scan.msk.s32 $0xffff, v52;
	s16 =	spop (v2sf)  }
0x178: {  	v15, _, _ =	vpop (xrf0);
	s11 =	spop (v2sf)  }
0x179: {  	v55, _, _ =	vpop (xrf0);
	[dreg:$0x13] =	wrdreg s11;
	s11 =	sadd.s32 s13, s6  }
0x17a: {  	[dreg:$0x14] =	wrdreg s15;
	v20, _, _ =	vpop (xrf0);
	s6 =	sxor.u32 $0x80000000, s16;
	s15 =	spop (v2sf);
	v56 =	vadd.s32 s11, v54  }
0x17b: {  	[dreg:$0x16] =	wrdreg s4;
	v57, _, _ =	vpop (xrf0);
	v21 =	vmov s6;
	s4 =	spop (v2sf);
	vm0 =	vlt.s32 v56, v7  }
0x17c: {  	v58, _, _ =	vpop (xrf0);
	vm14 =	veq.s32 v21, v0;
	[dreg:$0x12] =	wrdreg s4;
	s4 =	spop (v2sf);
	v22 =	vsel vm0, $0x0, v2  }
0x17d: {  	v59, _, _ =	vpop (xrf0);
	v16 =	vnsel vm14, $0x0, v16;
	s6 =	spop (v2sf);
	(xrf0) =	vmax.scan.msk.f32 $0xffff, v22;
	s4 =	sadd.s32 s11, s4  }
0x17e: {  	(v2sf) =	vpush v53, $0xF;
	[dreg:$0x15] =	wrdreg s15;
	v60 =	vsel vm0, $0x80000010, v3;
	s15 =	sxor.u32 $0x80000000, s6;
	(xrf0) =	vadd.scan.msk.s32 $0xffff, v16;
	v61 =	vadd.s32 s4, v59  }
0x17f: {  	v23 =	vmov s15;
	vm0 =	vlt.s32 v61, v7;
	(xrf0) =	vmin.scan.msk.u32 $0xffff, v60;
	v7 =	vnsel vm14, $0x0, v10  }
0x180: {  	(v2sf) =	vpush v15, $0xF;
	(xrf0) =	vadd.scan.msk.s32 $0xffff, v7;
	v7 =	vsel vm0, $0x0, v2;
	vm15 =	veq.s32 v23, v0  }
0x181: {  	(v2sf) =	vpush v55, $0xF;
	(xrf0) =	vmax.scan.msk.f32 $0xffff, v7;
	v7 =	vnsel vm15, $0x0, v32  }
0x182: {  	(v2sf) =	vpush v20, $0xF;
	(xrf0) =	vadd.scan.msk.s32 $0xffff, v7;
	v7 =	vsel vm0, $0x80000010, v3  }
0x183: {  	(v2sf) =	vpush v57, $0xF  }
0x184: {  	(v2sf) =	vpush v58, $0xF;
	v62, _, _ =	vpop (xrf0);
	(xrf0) =	vmin.scan.msk.u32 $0xffff, v7  }
0x185: {  	(v2sf) =	vpush v62, $0xF;
	v7, _, _ =	vpop (xrf0)  }
0x186: {  	(v2sf) =	vpush v7, $0xF;
	v7, _, _ =	vpop (xrf0)  }
0x187: {  	(v2sf) =	vpush v7, $0xF;
	v7, _, _ =	vpop (xrf0)  }
0x188: {  	(v2sf) =	vpush v7, $0xF;
	v7, _, _ =	vpop (xrf0)  }
0x189: {  	(v2sf) =	vpush v7, $0xF;
	v7, _, _ =	vpop (xrf0)  }
0x18a: {  	(v2sf) =	vpush v7, $0xF;
	v7, _, _ =	vpop (xrf0)  }
0x18b: {  	(v2sf) =	vpush v7, $0xF;
	_ =	sdelay $0x1  }
0x18c: {  	[dreg:$0x10] =	wrdreg s4  }
0x18d: {  	s15 =	rddreg [dreg:$0x11];
	s4 =	spop (v2sf)  }
0x18e: {  	s17 =	smov.u32 @p3 s14;
	p5 =	sgt.f32 s15, $0.0e+00;
	s3 =	spop (v2sf)  }
0x18f: {  	p6 =	slt.s32 s18, $0x0;
	p2 =	por p2, p2;
	s14 =	spop (v2sf)  }
0x190: {  	s9 =	sadd.s32 s24, s9;
	p3 =	por !p6, !p5;
	s15 =	spop (v2sf)  }
0x191: {  	s5 =	ssub.s32 s0, s5;
	p3 =	por !p3, !p3;
	s0 =	spop (v2sf)  }
0x192: {  	p5 =	sgt.f32 s7, $0.0e+00;
	s18 =	smov.u32 @p3 s5;
	s5 =	spop (v2sf)  }
0x193: {  	s9 =	ssub.s32 s9, s10;
	p6 =	slt.s32 s18, $0x0;
	s7 =	spop (v2sf)  }
0x194: {  	s17 =	smov.u32 @p2 s9;
	p2 =	por !p6, !p5;
	s9 =	spop (v2sf)  }
0x195: {  	s10 =	ssub.s32 s31, s1;
	p2 =	por !p2, !p2;
	s1 =	spop (v2sf)  }
0x196: {  	s18 =	smov.u32 @p2 s10;
	s15 =	rddreg [dreg:$0x14];
	s24 =	spop (v2sf)  }
0x197: {  	v7 =	vnsel vm15, $0x0, v12;
	s31 =	sxor.u32 $0x80000000, s0;
	s19 =	sadd.s32 s19, s15;
	s10 =	spop (v2sf)  }
0x198: {  	(xrf0) =	vadd.scan.msk.s32 $0xffff, v7;
	v63 =	vmov s31;
	s19 =	ssub.s32 s19, s8;
	s8 =	spop (v2sf)  }
0x199: {  	p1 =	por p1, p1;
	p5 =	sgt.f32 s2, $0.0e+00;
	vm0 =	veq.s32 v63, v0;
	s2 =	spop (v2sf)  }
0x19a: {  	p4 =	por p4, p4;
	v6 =	vnsel vm0, $0x0, v6;
	s15 =	sxor.u32 $0x80000000, s1;
	s31 =	sxor.u32 $0x80000000, s2  }
0x19b: {  	p1 =	por p1, p1;
	p4 =	por p4, p4;
	p6 =	slt.s32 s18, $0x0;
	(xrf0) =	vadd.scan.msk.s32 $0xffff, v6;
	v7 =	vmov s15;
	v6 =	vmov s31  }
0x19c: {  	p4 =	por p4, p4;
	s16 =	ssub.s32 s30, s16;
	p6 =	por !p6, !p5;
	v10 =	vnsel vm0, $0x0, v35;
	vm0 =	veq.s32 v7, v0  }
0x19d: {  	s30 =	rddreg [dreg:$0x15];
	s17 =	smov.u32 @p1 s19;
	p1 =	por !p6, !p6;
	(xrf0) =	vadd.scan.msk.s32 $0xffff, v10;
	v7 =	vnsel vm0, $0x0, v54  }
0x19e: {  	p2 =	por p2, p2;
	p5 =	sgt.f32 s30, $0.0e+00;
	s18 =	smov.u32 @p1 s16;
	v8 =	vnsel vm0, $0x0, v47;
	(xrf0) =	vadd.scan.msk.s32 $0xffff, v7;
	vm0 =	veq.s32 v6, v0;
	v6, _, _ =	vpop (xrf0)  }
0x19f: {  	s6 =	ssub.s32 s28, s6;
	p2 =	por p2, p2;
	p6 =	slt.s32 s18, $0x0;
	(xrf0) =	vadd.scan.msk.s32 $0xffff, v8;
	v7 =	vnsel vm0, $0x0, v59;
	(v2sf) =	vpush v6, $0xF;
	v6 =	vnsel vm0, $0x0, v52  }
0x1a0: {  	p2 =	por p2, p2;
	s0 =	ssub.s32 s26, s0;
	p5 =	por !p6, !p5;
	(xrf0) =	vadd.scan.msk.s32 $0xffff, v7  }
0x1a1: {  	s19 =	rddreg [dreg:$0x16];
	p6 =	por p3, p3;
	p3 =	por !p5, !p5;
	(xrf0) =	vadd.scan.msk.s32 $0xffff, v6  }
0x1a2: {  	s16 =	rddreg [dreg:$0x12];
	p6 =	por p6, p6;
	s18 =	smov.u32 @p3 s6;
	v6, _, _ =	vpop (xrf0)  }
0x1a3: {  	p3 =	por p3, p3;
	s15 =	sadd.s32 s20, s19;
	s31 =	rddreg [dreg:$0x13];
	(v2sf) =	vpush v6, $0xF;
	v6, _, _ =	vpop (xrf0)  }
0x1a4: {  	p5 =	sgt.f32 s3, $0.0e+00;
	p3 =	por p3, p3;
	s15 =	ssub.s32 s15, s31;
	(v2sf) =	vpush v6, $0xF;
	v6, _, _ =	vpop (xrf0)  }
0x1a5: {  	s1 =	ssub.s32 s22, s1;
	s17 =	smov.u32 @p4 s15;
	s15 =	sadd.s32 s21, s16;
	(v2sf) =	vpush v6, $0xF;
	v6, _, _ =	vpop (xrf0)  }
0x1a6: {  	p4 =	por p6, p6;
	p6 =	slt.s32 s18, $0x0;
	s4 =	ssub.s32 s15, s4;
	(v2sf) =	vpush v6, $0xF;
	v6, _, _ =	vpop (xrf0)  }
0x1a7: {  	s19 =	sadd.s32 s25, s14;
	s17 =	smov.u32 @p4 s4;
	p4 =	por !p6, !p5;
	(v2sf) =	vpush v6, $0xF;
	v6, _, _ =	vpop (xrf0)  }
0x1a8: {  	s20 =	sadd.s32 s29, s9;
	p6 =	por p1, p1;
	p1 =	por !p4, !p4;
	(v2sf) =	vpush v6, $0xF  }
0x1a9: {  	s21 =	rddreg [dreg:$0xf];
	s18 =	smov.u32 @p1 s0;
	s0 =	ssub.s32 s19, s5  }
0x1aa: {  	p5 =	sgt.f32 s7, $0.0e+00;
	p6 =	por p6, p6;
	s17 =	smov.u32 @p2 s0  }
0x1ab: {  	p2 =	por p6, p6;
	p6 =	slt.s32 s18, $0x0;
	s0 =	ssub.s32 s20, s24  }
0x1ac: {  	p1 =	por p1, p1;
	p4 =	por !p6, !p5;
	s17 =	smov.u32 @p2 s0  }
0x1ad: {  	p2 =	por p3, p3;
	p5 =	sgt.f32 s10, $0.0e+00;
	p4 =	por !p4, !p4  }
0x1ae: {  	s0 =	sadd.s32 s21, s8;
	s18 =	smov.u32 @p4 s1;
	s22 =	spop (v2sf)  }
0x1af: {  	p3 =	por p1, p1;
	p6 =	slt.s32 s18, $0x0;
	s0 =	ssub.s32 s0, s22  }
0x1b0: {  	p1 =	por !p6, !p5;
	s17 =	smov.u32 @p2 s0;
	s0 =	simm.s32 $0xA440  }
0x1b1: {  	p4 =	por p4, p4;
	s1 =	ssub.s32 s23, s2;
	p1 =	por !p1, !p1;
	[tilespmem:s0+$0xFFFFFFC0] =	vst v4  }
0x1b2: {  	p4 =	por p4, p4;
	p5 =	por p1, p1;
	[tilespmem:s0+$0x30] =	vst v4;
	s24 =	spop (v2sf)  }
0x1b3: {  	p6 =	por p5, p5;
	[tilespmem:s0+$0x20] =	vst v4;
	s2 =	sadd.s32 s13, s24;
	s25 =	spop (v2sf)  }
0x1b4: {  	p2 =	por p3, p3;
	[tilespmem:s0+$0x10] =	vst v4;
	s2 =	ssub.s32 s2, s25;
	s26 =	spop (v2sf)  }
0x1b5: {  	s30 =	rddreg [dreg:$0x10];
	s17 =	smov.u32 @p2 s2;
	s28 =	spop (v2sf)  }
0x1b6: {  	p2 =	por p4, p4;
	s3 =	sadd.s32 s11, s26;
	s29 =	spop (v2sf)  }
0x1b7: {  	[tilespmem:s0+$0x0] =	vst v4;
	s2 =	ssub.s32 s3, s28;
	s3 =	sadd.s32 s30, s29;
	s31 =	spop (v2sf)  }
0x1b8: {  	[tilespmem:s0+$0xFFFFFFF0] =	vst v4;
	s17 =	smov.u32 @p2 s2;
	p2 =	por p6, p6;
	s2 =	ssub.s32 s3, s31  }
0x1b9: {  	s18 =	smov.u32 @p1 s1;
	s1 =	simm.s32 $0x0;
	[tilespmem:s0+$0xFFFFFFE0] =	vst v4;
	s17 =	smov.u32 @p2 s2  }
.LBB2_6:
0x1ba: {  	s1 =	sadd.s32 $0x8, s1;
	[tilespmem:s0+$0xFFFFFFD0] =	vst v4;
	s0 =	sadd.s32 $0x80, s0  }
0x1bb: {  	[tilespmem:s0+$0xFFFFFFC0] =	vst v4;
	p1 =	slt.u32 s1, $0x38  }
0x1bc: {  	[tilespmem:s0+$0x30] =	vst v4  }
.Ltmp2:
0x1bd: {  	[tilespmem:s0+$0x20] =	vst v4;
	(pc) =	sbr.rel @p1 .LBB2_6-.Ltmp2, $4  }
0x1be: {  	[tilespmem:s0+$0x10] =	vst v4  }
0x1bf: {  	[tilespmem:s0+$0x0] =	vst v4  }
0x1c0: {  	[tilespmem:s0+$0xFFFFFFF0] =	vst v4  }
0x1c1: {  	[tilespmem:s0+$0xFFFFFFE0] =	vst v4  }
0x1c2: {  	v6 =	vnsel vm1, $0x0, v24  }
0x1c3: {  	(xrf0) =	vadd.scan.msk.s32 $0xffff, v6;
	_ =	sdelay $0x5  }
0x1c4: {  	v6, _, _ =	vpop (xrf0)  }
0x1c5: {  	(v2sf) =	vpush v6, $0xF;
	_ =	sdelay $0xe  }
0x1c6: {  	s1 =	spop (v2sf)  }
0x1c7: {  	s1 =	sshll.u32 s1, $0xA  }
0x1c8: {  	[tilespmem:s0+$0xFFFFFFD0] =	vst v4;
	s0 =	simm.s32 $0x0;
	s1 =	sor.u32 s1, s18  }
0x1c9: {  	s7 =	simm.s32 $0x0;
	s5 =	simm.s32 $0x1;
	s3 =	rddreg [dreg:$0xa];
	v6 =	vmov s1  }
.LBB2_8:
0x1ca: {  	s1 =	sshll.u32 s0, $0xA  }
0x1cb: {  	s1 =	sadd.s32 s1, s3  }
0x1cc: {  	[tilespmem:s7], [sflag:$0x1] =	stream.linear.gather [hbm4b:s1+s7], $0x2000, $0x38;
	[tilespmem:$0xA880] =	vst v63  }
0x1cd: {  	_ =	swait.ge [sflag:s5], $0x2000  }
0x1ce: {  	[sflag:s5] =	ssyncset.done $0x0  }
0x1cf: {  	s31 =	simm.s32 $0x40;
	[sflag:s5] =	ssyncadd.s32 $0xFFFFE000  }
0x1d0: {  	v7 =	vld [tilespmem:s31+$0x30]  }
0x1d1: {  	v8 =	vld [tilespmem:s31+$0xFFFFFFD0]  }
0x1d2: {  	v9 =	vld [tilespmem:s31+$0xFFFFFFE0]  }
0x1d3: {  	v10 =	vld [tilespmem:s31+$0xFFFFFFF0]  }
0x1d4: {  	v11 =	vld [tilespmem:s31+$0x0]  }
0x1d5: {  	v13 =	vld [tilespmem:s31+$0x20]  }
0x1d6: {  	v16 =	vld [tilespmem:s31+$0xFFFFFFC0]  }
0x1d7: {  	vm0 =	vgt.s32 v7, $0x0  }
0x1d8: {  	vm4 =	vgt.s32 v8, $0x0;
	v14 =	vnsel vm0, $0x0, v7  }
0x1d9: {  	v12 =	vld [tilespmem:s31+$0x10];
	vm5 =	vgt.s32 v9, $0x0;
	vm6 =	vgt.s32 v10, $0x0;
	v15 =	vshrl.u32 v14, $0xA  }
0x1da: {  	vm7 =	vgt.s32 v11, $0x0;
	vm9 =	vgt.s32 v13, $0x0;
	vm8 =	veq.s32 v15, v6  }
0x1db: {  	vm12 =	vgt.s32 v16, $0x0;
	v7 =	vnsel vm4, $0x0, v8;
	vm11 =	vmand vm0, vm8  }
0x1dc: {  	v8 =	vnsel vm5, $0x0, v9;
	v9 =	vnsel vm6, $0x0, v10;
	v19 =	vand.u32 $0x3FF, v14  }
0x1dd: {  	v10 =	vnsel vm7, $0x0, v11;
	v20 =	vshrl.u32 v7, $0xA;
	v18 =	vshrl.u32 v9, $0xA  }
0x1de: {  	v17 =	vshrl.u32 v10, $0xA;
	v15 =	vshrl.u32 v8, $0xA;
	vm8 =	vgt.s32 v12, $0x0  }
0x1df: {  	v11 =	vnsel vm8, $0x0, v12;
	v12 =	vnsel vm9, $0x0, v13;
	v13 =	vnsel vm12, $0x0, v16  }
0x1e0: {  	vm0 =	veq.s32 v20, v6;
	v21 =	vshrl.u32 v13, $0xA;
	v16 =	vshrl.u32 v11, $0xA  }
0x1e1: {  	s2 =	simm.s32 $0xC0;
	s1 =	simm.s32 $0x0;
	v14 =	vshrl.u32 v12, $0xA;
	v13 =	vand.u32 $0x3FF, v13;
	vm10 =	veq.s32 v21, v6;
	[tilespmem:v19+s12+$0x0] =	vst.idx.add.s32.msk vm11, v5  }
.LBB2_9:
0x1e2: {  	v19 =	vld [tilespmem:s2+$0x30];
	s1 =	sadd.s32 $0x8, s1;
	vm11 =	veq.s32 v15, v6;
	vm13 =	veq.s32 v18, v6;
	vm2 =	veq.s32 v17, v6  }
0x1e3: {  	vm15 =	vmand vm12, vm10;
	vm10 =	veq.s32 v16, v6;
	vm3 =	veq.s32 v14, v6;
	v15 =	vld [tilespmem:s2+$0xFFFFFFD0];
	p1 =	slt.u32 s1, $0x1F8  }
0x1e4: {  	vm0 =	vmand vm4, vm0;
	vm14 =	vmand vm5, vm11;
	vm12 =	vmand vm6, vm13;
	v14 =	vld [tilespmem:s2+$0xFFFFFFE0]  }
0x1e5: {  	vm13 =	vmand vm7, vm2;
	vm11 =	vmand vm8, vm10;
	vm10 =	vmand vm9, vm3;
	v16 =	vld [tilespmem:s2+$0xFFFFFFF0]  }
0x1e6: {  	v18 =	vand.u32 $0x3FF, v7;
	v20 =	vand.u32 $0x3FF, v8;
	v21 =	vand.u32 $0x3FF, v9;
	v17 =	vld [tilespmem:s2+$0x0]  }
0x1e7: {  	v23 =	vand.u32 $0x3FF, v10;
	v24 =	vand.u32 $0x3FF, v11;
	v22 =	vld [tilespmem:s2+$0x10];
	vm2 =	vgt.s32 v19, $0x0  }
0x1e8: {  	vm4 =	vgt.s32 v15, $0x0;
	v25 =	vld [tilespmem:s2+$0x20];
	v11 =	vnsel vm2, $0x0, v19;
	v19 =	vand.u32 $0x3FF, v12  }
0x1e9: {  	v26 =	vld [tilespmem:s2+$0xFFFFFFC0];
	v7 =	vnsel vm4, $0x0, v15;
	vm5 =	vgt.s32 v14, $0x0;
	v9 =	vshrl.u32 v11, $0xA  }
0x1ea: {  	v8 =	vnsel vm5, $0x0, v14;
	vm6 =	vgt.s32 v16, $0x0;
	vm3 =	veq.s32 v9, v6;
	[tilespmem:v13+s12+$0x0] =	vst.idx.add.s32.msk vm15, v5  }
0x1eb: {  	v9 =	vnsel vm6, $0x0, v16;
	vm7 =	vgt.s32 v17, $0x0;
	vm2 =	vmand vm2, vm3;
	[tilespmem:v18+s12+$0x0] =	vst.idx.add.s32.msk vm0, v5  }
0x1ec: {  	v27 =	vand.u32 $0x3FF, v11;
	v10 =	vnsel vm7, $0x0, v17;
	vm8 =	vgt.s32 v22, $0x0;
	[tilespmem:v20+s12+$0x0] =	vst.idx.add.s32.msk vm14, v5  }
.Ltmp3:
0x1ed: {  	v20 =	vshrl.u32 v7, $0xA;
	v11 =	vnsel vm8, $0x0, v22;
	vm9 =	vgt.s32 v25, $0x0;
	[tilespmem:v21+s12+$0x0] =	vst.idx.add.s32.msk vm12, v5;
	(pc) =	sbr.rel @p1 .LBB2_9-.Ltmp3, $4  }
0x1ee: {  	v15 =	vshrl.u32 v8, $0xA;
	vm12 =	vgt.s32 v26, $0x0;
	v12 =	vnsel vm9, $0x0, v25;
	[tilespmem:v23+s12+$0x0] =	vst.idx.add.s32.msk vm13, v5  }
0x1ef: {  	v18 =	vshrl.u32 v9, $0xA;
	v17 =	vshrl.u32 v10, $0xA;
	v13 =	vnsel vm12, $0x0, v26;
	[tilespmem:v24+s12+$0x0] =	vst.idx.add.s32.msk vm11, v5  }
0x1f0: {  	v16 =	vshrl.u32 v11, $0xA;
	v14 =	vshrl.u32 v12, $0xA;
	v21 =	vshrl.u32 v13, $0xA;
	[tilespmem:v19+s12+$0x0] =	vst.idx.add.s32.msk vm10, v5  }
0x1f1: {  	s2 =	sadd.s32 $0x80, s2;
	vm0 =	veq.s32 v20, v6;
	v13 =	vand.u32 $0x3FF, v13;
	vm10 =	veq.s32 v21, v6;
	[tilespmem:v27+s12+$0x0] =	vst.idx.add.s32.msk vm2, v5  }
0x1f2: {  	vm2 =	vmand vm12, vm10  }
0x1f3: {  	vm3 =	veq.s32 v15, v6;
	vm0 =	vmand vm4, vm0  }
0x1f4: {  	vm12 =	veq.s32 v18, v6;
	v7 =	vand.u32 $0x3FF, v7;
	vm3 =	vmand vm5, vm3  }
0x1f5: {  	vm13 =	veq.s32 v17, v6;
	v8 =	vand.u32 $0x3FF, v8;
	vm4 =	vmand vm6, vm12  }
0x1f6: {  	vm14 =	veq.s32 v16, v6;
	v9 =	vand.u32 $0x3FF, v9;
	vm5 =	vmand vm7, vm13  }
0x1f7: {  	vm15 =	veq.s32 v14, v6;
	v10 =	vand.u32 $0x3FF, v10;
	vm6 =	vmand vm8, vm14  }
0x1f8: {  	v11 =	vand.u32 $0x3FF, v11;
	s0 =	sadd.s32 $0x1, s0;
	vm7 =	vmand vm9, vm15;
	[tilespmem:v13+s12+$0x0] =	vst.idx.add.s32.msk vm2, v5  }
0x1f9: {  	v12 =	vand.u32 $0x3FF, v12;
	p1 =	sne.s32 s0, $0x10;
	[tilespmem:v7+s12+$0x0] =	vst.idx.add.s32.msk vm0, v5  }
.Ltmp4:
0x1fa: {  	[tilespmem:v8+s12+$0x0] =	vst.idx.add.s32.msk vm3, v5;
	(pc) =	sbr.rel @p1 .LBB2_8-.Ltmp4, $4  }
0x1fb: {  	[tilespmem:v9+s12+$0x0] =	vst.idx.add.s32.msk vm4, v5  }
0x1fc: {  	[tilespmem:v10+s12+$0x0] =	vst.idx.add.s32.msk vm5, v5  }
0x1fd: {  	[tilespmem:v11+s12+$0x0] =	vst.idx.add.s32.msk vm6, v5  }
0x1fe: {  	[tilespmem:v12+s12+$0x0] =	vst.idx.add.s32.msk vm7, v5  }
0x1ff: {  	s0 =	rddreg [dreg:$0xb];
	s1 =	simm.s32 $0x80;
	s2 =	simm.s32 $0x400  }
0x200: {  	[hbm4b:s0+s1] =	stream.strided.scatter [tilespmem:s12], [sflag:$0x1], $0x400, s2, s1, $0x38;
	[tilespmem:$0xA880] =	vst v63  }
0x201: {  	_ =	swait.ge [sflag:s5], $0x400  }
0x202: {  	v6 =	vmov s18;
	vm0 =	vcmask $0x300;
	s29 =	rddreg [dreg:$0xe]  }
0x203: {  	v6 =	vnsel vm0, $0x0, v6;
	vm0 =	vcmask $0x704;
	[sflag:s5] =	ssyncset.done $0x0;
	s0 =	sadd.s32 s29, s17  }
0x204: {  	[sflag:s5] =	ssyncadd.s32 $0xFFFFFC00;
	v6 =	vsel vm0, s0, v6  }
0x205: {  	s1 =	simm.s32 @!p0 $0xA800;
	s2 =	rddreg [dreg:$0x9];
	s0 =	simm.s32 @!p0 $0x0;
	[tilespmem:$0xA800] =	vst v6  }
0x206: {  	[hbm4b:s2+s0] =	stream.linear.scatter @!p0 [tilespmem:s1], [sflag:$0x1], $0x80, $0x38;
	[tilespmem:$0xA880] =	vst v63  }
0x207: {  	s0 =	simm.s32 @!p0 $0x1  }
0x208: {  	_ =	swait.ge @!p0 [sflag:s0], $0x80  }
0x209: {  	s30 =	rddreg [dreg:$0xd]  }
0x20a: {  	s31 =	rddreg [dreg:$0xc];
	s2 =	sadd.s32 $0x1, s30  }
0x20b: {  	p1 =	sne.s32 s2, s31  }
.Ltmp5:
0x20c: {  	_ = 	snop;
	(pc) =	sbr.rel @p1 .LBB2_1-.Ltmp5, $3  }
0x20d: {  	_ =	sdelay $0x1  }
0x20e: {  	[sflag:s0] =	ssyncset.done @!p0 $0x0  }
0x20f: {  	[sflag:s0] =	ssyncadd.s32 @!p0 $0xFFFFFF80  }
0x210: {  	_ =	sfence.sel $0x180000  }
0x211: {  	[bflag:$0x0] =	sbarrier.arrive $0xFFFF  }
0x212: {  	_ =	strace $0x9000004D  }
0x213: {  	s0 =	stileid.u32;
	[bflag:$0x2] =	sbarrier.arrive $0xFFFF  }
0x214: {  	p0 =	sne.s32 s0, $0x0;
	s0 =	rddreg [dreg:$0x2]  }
0x215: {  	s0 =	sadd.s32 @!p0 $0x100000, s0  }
0x216: {  	[sflag:s0] =	ssyncadd.tile.s32 @!p0 $0x1;
	_ =	shalt  }
.Lfunc_end2:
_tile_overlayer_lowered:
.L_overlay_start_2:
0x217: {  	(tag) =	ssettag $0x2  }
0x218: {  	s0 =	rddreg [dreg:$0x0];
	s2 =	stileid.u32  }
0x219: {  	s1 =	rddreg [dreg:$0x1];
	p0 =	sne.s32 s2, $0x0  }
0x21a: {  	s3 =	rddreg [dreg:$0x2];
	[bflag:$0x3] =	sbarrier.arrive $0xFFFF;
	s2 =	simm.s32 @!p0 $0x1C01  }
0x21b: {  	[timem:s3], [sflag:s2] =	dma.local @!p0 [hbm:s0], s1  }
0x21c: {  	s0 =	simm.s32 @!p0 $0x1  }
0x21d: {  	_ =	swait.ge @!p0 [sflag:s0], s1  }
0x21e: {  	s1 =	ssub.s32 @!p0 $0x0, s1;
	[sflag:s0] =	ssyncset.done @!p0 $0x0  }
0x21f: {  	[sflag:s0] =	ssyncadd.s32 @!p0 s1  }
0x220: {  	[bflag:$0x3] =	sbarrier.arrive $0xFFFF  }
0x221: {  	_ =	shalt  }

// kernel: kernel.15.cloned.1.call-start
scs
__scs_entry_jumppad:
0x0: {  	(pc) =	sbr.rel $0x88, $3  }
0x1: {  	(tag) =	ssettag $0x0;
	lr =	simm.s32 $0x1  }
0x2: {  	[smem:$0x3FA0] =	sst lr;
	_ =	strace $0xD0000000  }
0x3: {  	_ = 	snop  }
0x4: {  	_ = 	snop  }
0x5: {  	_ = 	snop  }
0x6: {  	_ = 	snop  }
0x7: {  	_ = 	snop  }
__scs_overlays_trampoline_lowered:
0x8: {  	[smem:$0x3FAF] =	sst s0  }
0x9: {  	[smem:$0x3FB0] =	sst s1  }
0xa: {  	[smem:$0x3FB1] =	sst s2  }
0xb: {  	[smem:$0x3FB2] =	sst s3  }
0xc: {  	[smem:$0x3FB3] =	sst s4  }
0xd: {  	[smem:$0x3FB4] =	sst s5  }
0xe: {  	[smem:$0x3FB5] =	sst s6  }
0xf: {  	[smem:$0x3FB6] =	sst s7  }
0x10: {  	[smem:$0x3FB7] =	sst s8  }
0x11: {  	[smem:$0x3FB8] =	sst s9;
	s0 =	simm.s32 @!p0 $0x0  }
0x12: {  	s1 =	sld [smem:$0x3F9E];
	s0 =	simm.s32 @p0 $0x1  }
0x13: {  	[smem:$0x3FB9] =	sst s0;
	s0 =	simm.s32 @!p1 $0x0  }
0x14: {  	s2 =	sld [smem:$0x3F9D];
	s0 =	simm.s32 @p1 $0x1  }
0x15: {  	[smem:$0x3FBA] =	sst s0;
	s0 =	simm.s32 @!p2 $0x0  }
0x16: {  	s3 =	sld [smem:$0x3FDB];
	s0 =	simm.s32 @p2 $0x1  }
0x17: {  	s4 =	simm.s32 $0x1BF5;
	[smem:$0x3FBC] =	sst s0  }
0x18: {  	s0 =	sld [smem:$0x3F9F];
	_ =	swait.ge [sflag:s4], $0x0  }
0x19: {  	s7 =	sld [smem:$0x3FA0]  }
0x1a: {  	s8 =	sadd.s32 $0xFFFFE003, lr  }
0x1b: {  	s9 =	sadd.s32 $0xFFFFFEF7, lr;
	s5 =	simm.s32 $0xFFFFFFFF;
	p2 =	slt.u32 s8, $0xFFFFF086  }
0x1c: {  	p1 =	slt.u32 s9, $0xF7A;
	s5 =	simm.s32 @!p2 $0x0  }
0x1d: {  	s5 =	simm.s32 @p1 $0x1;
	p0 =	seq.s32 s7, s2  }
0x1e: {  	s7 =	smul.u32 @!p0 $0xF7A, s2;
	p2 =	seq.s32 @!p0 s5, $0x0  }
0x1f: {  	s9 =	smul.u32 $0xF7A, s1;
	s8 =	simm.s32 @!p0 $0x1BF5;
	p2 =	por !p2, p0  }
0x20: {  	[sflag:s8] =	ssyncset.s32 @!p0 $0xFFFFF086;
	s6 =	sadd.s32 @!p0 s3, s7;
	s7 =	simm.s32 @!p0 $0x108  }
0x21: {  	s3 =	sadd.s32 s3, s9;
	s6 =	sadd.s32 @!p0 $0x88, s6;
	s7 =	simm.s32 @p2 $0x1082  }
0x22: {  	[simem:s7], [sflag:s8] =	dma.local @!p0 [hbm:s6], $0xF7A  }
0x23: {  	s9 =	sor.u32 $0xD0000000, s2;
	s6 =	simm.s32 $0x108;
	_ =	swait.ge @!p0 [sflag:s8], $0x0  }
0x24: {  	s3 =	sadd.s32 $0x88, s3;
	s6 =	simm.s32 @!p1 $0x1082;
	[sflag:s4] =	ssyncset.s32 $0xFFFFF086  }
0x25: {  	[simem:s6], [sflag:s4] =	dma.local [hbm:s3], $0xF7A  }
0x26: {  	[smem:$0x3FA0] =	sst s1;
	(tag) =	ssettag s2;
	_ =	strace s9  }
0x27: {  	s1 =	sld [smem:$0x3FB0]  }
0x28: {  	s2 =	sld [smem:$0x3FB1]  }
0x29: {  	s4 =	sld [smem:$0x3FB3]  }
0x2a: {  	p0 =	seq.s32 s5, $0x0;
	s5 =	sld [smem:$0x3FB4]  }
0x2b: {  	s6 =	sld [smem:$0x3FB5]  }
0x2c: {  	s7 =	sld [smem:$0x3FB6]  }
0x2d: {  	s3 =	simm.s32 $0x108;
	s8 =	sld [smem:$0x3FB7]  }
0x2e: {  	s3 =	simm.s32 @!p0 $0x1082;
	s9 =	sld [smem:$0x3FB8]  }
0x2f: {  	lr =	sadd.s32 s0, s3;
	s0 =	sld [smem:$0x3FAF]  }
0x30: {  	s3 =	sld [smem:$0x3FB2]  }
0x31: {  	[smem:$0x3FBB] =	sst s10  }
0x32: {  	s10 =	sld [smem:$0x3FB9];
	_ =	sdelay $0x3  }
0x33: {  	p0 =	seq.s32 s10, $0x1;
	s10 =	sld [smem:$0x3FBB];
	_ =	sdelay $0x3  }
0x34: {  	[smem:$0x3FBB] =	sst s10  }
0x35: {  	s10 =	sld [smem:$0x3FBA];
	_ =	sdelay $0x3  }
0x36: {  	p1 =	seq.s32 s10, $0x1;
	s10 =	sld [smem:$0x3FBB];
	_ =	sdelay $0x3  }
0x37: {  	[smem:$0x3FBB] =	sst s10  }
0x38: {  	s10 =	sld [smem:$0x3FBC]  }
0x39: {  	_ = 	snop;
	(pc) =	sbr.ind lr, $3  }
0x3a: {  	_ = 	snop  }
0x3b: {  	_ = 	snop  }
0x3c: {  	p2 =	seq.s32 s10, $0x1;
	s10 =	sld [smem:$0x3FBB]  }
0x3d: {  	_ =	shalt  }
0x3e: {  	_ =	shalt  }
0x3f: {  	_ =	shalt  }
0x40: {  	_ =	shalt  }
0x41: {  	_ =	shalt  }
0x42: {  	_ =	shalt  }
0x43: {  	_ =	shalt  }
0x44: {  	_ =	shalt  }
0x45: {  	_ =	shalt  }
0x46: {  	_ =	shalt  }
0x47: {  	_ =	shalt  }
0x48: {  	_ =	shalt  }
0x49: {  	_ =	shalt  }
0x4a: {  	_ =	shalt  }
0x4b: {  	_ =	shalt  }
0x4c: {  	_ =	shalt  }
0x4d: {  	_ =	shalt  }
0x4e: {  	_ =	shalt  }
0x4f: {  	_ =	shalt  }
0x50: {  	_ =	shalt  }
0x51: {  	_ =	shalt  }
0x52: {  	_ =	shalt  }
0x53: {  	_ =	shalt  }
0x54: {  	_ =	shalt  }
0x55: {  	_ =	shalt  }
0x56: {  	_ =	shalt  }
0x57: {  	_ =	shalt  }
0x58: {  	_ =	shalt  }
0x59: {  	_ =	shalt  }
0x5a: {  	_ =	shalt  }
0x5b: {  	_ =	shalt  }
0x5c: {  	_ =	shalt  }
0x5d: {  	_ =	shalt  }
0x5e: {  	_ =	shalt  }
0x5f: {  	_ =	shalt  }
0x60: {  	_ =	shalt  }
0x61: {  	_ =	shalt  }
0x62: {  	_ =	shalt  }
0x63: {  	_ =	shalt  }
0x64: {  	_ =	shalt  }
0x65: {  	_ =	shalt  }
0x66: {  	_ =	shalt  }
0x67: {  	_ =	shalt  }
0x68: {  	_ =	shalt  }
0x69: {  	_ =	shalt  }
0x6a: {  	_ =	shalt  }
0x6b: {  	_ =	shalt  }
0x6c: {  	_ =	shalt  }
0x6d: {  	_ =	shalt  }
0x6e: {  	_ =	shalt  }
0x6f: {  	_ =	shalt  }
0x70: {  	_ =	shalt  }
0x71: {  	_ =	shalt  }
0x72: {  	_ =	shalt  }
0x73: {  	_ =	shalt  }
0x74: {  	_ =	shalt  }
0x75: {  	_ =	shalt  }
0x76: {  	_ =	shalt  }
0x77: {  	_ =	shalt  }
0x78: {  	_ =	shalt  }
0x79: {  	_ =	shalt  }
0x7a: {  	_ =	shalt  }
0x7b: {  	_ =	shalt  }
0x7c: {  	_ =	shalt  }
0x7d: {  	_ =	shalt  }
0x7e: {  	_ =	shalt  }
0x7f: {  	_ =	shalt  }
0x80: {  	_ =	shalt  }
0x81: {  	_ =	shalt  }
0x82: {  	_ =	shalt  }
0x83: {  	_ =	shalt  }
0x84: {  	_ =	shalt  }
0x85: {  	_ =	shalt  }
0x86: {  	_ =	shalt  }
0x87: {  	_ =	shalt  }
.Lfunc_end0:
.L_simem_size_0:
called_computation.3_lowered:
.L_overlay_start_0:
0x88: {  	s2 =	sld [smem:$0x3FD9]  }
0x89: {  	s3 =	sld [smem:$0x3FFE];
	_ =	sdelay $0x1  }
0x8a: {  	s1 =	srdreg.scid  }
0x8b: {  	s0 =	sand.u32 $0x1, s1  }
0x8c: {  	s17 =	sshll.u32 s0, $0xA;
	s2 =	sadd.s32 s3, s2  }
0x8d: {  	s2 =	sadd.s32 s2, s17  }
0x8e: {  	[smem:$0x3FC7] =	sst s2  }
0x8f: {  	_ = 	snop  }
0x90: {  	s2 =	sld [smem:$0x3FD0];
	(tm) =	ssettm $0x1  }
0x91: {  	s18 =	sld [smem:$0x3FFB];
	_ =	sdelay $0x3  }
0x92: {  	_ =	strace s18  }
0x93: {  	s3 =	sld [smem:$0x3FFC];
	_ =	sdelay $0x3  }
0x94: {  	_ =	strace s3  }
0x95: {  	s3 =	sld [smem:$0x3FFD];
	_ =	sdelay $0x3  }
0x96: {  	_ =	strace s3  }
0x97: {  	_ =	strace $0x8FFFFFFF  }
0x98: {  	s19 =	sld [smem:$0x3FDB];
	_ =	sdelay $0x1  }
0x99: {  	s4 =	simm.s32 $_scs_section_size  }
0x9a: {  	s5 =	simm.s32 $_size__tile_overlayer_lowered;
	s6 =	simm.s32 $_tile_overlayer_lowered  }
0x9b: {  	s22 =	simm.s32 $0x1BFF;
	s21 =	sshll.u32 s6, $0x1;
	s3 =	sadd.s32 s4, s19  }
0x9c: {  	s7 =	simm.s32 $0x0;
	s20 =	sshll.u32 s5, $0x1;
	s5 =	sadd.s32 s21, s3  }
0x9d: {  	[timem:s7], [sflag:s22] =	dma.local [hbm:s5], s20  }
0x9e: {  	_ =	swait.ge [sflag:s22], s20  }
0x9f: {  	s4 =	ssub.s32 $0x0, s20;
	[sflag:s22] =	ssyncset.done $0x0  }
0xa0: {  	[sflag:s22] =	ssyncadd.s32 s4;
	_ =	sdelay $0x1  }
0xa1: {  	s23 =	simm.s32 $0x1B8B  }
0xa2: {  	_ =	swait.ge [sflag:s23], $0x1  }
0xa3: {  	[sflag:s23] =	ssyncset.done $0x0  }
0xa4: {  	s25 =	simm.s32 $0x1B8E;
	s24 =	sld [smem:$0x3FFE];
	[sflag:s23] =	ssyncadd.s32 $0xFFFFFFFF  }
0xa5: {  	s26 =	simm.s32 $execute0_lowered;
	[smem:$0x3FD2] =	sst s25  }
0xa6: {  	s5 =	sshll.u32 s26, $0x1;
	_ =	strace $0x8000004F;
	[dreg:$0x1] =	wrdreg $0xFFFFFFFF  }
0xa7: {  	s28 =	simm.s32 $_size_execute0_lowered;
	s3 =	sadd.s32 s3, s5;
	[dreg:$0x0] =	wrdreg $0x0  }
0xa8: {  	s5 =	sshll.u32 s28, $0x1;
	[dreg:$0x2] =	wrdreg s3  }
0xa9: {  	[dreg:$0x3] =	wrdreg s5  }
0xaa: {  	[dreg:$0x4] =	wrdreg $0xC0  }
0xab: {  	_ =	task [dreg:s7], $0x5FFFF  }
0xac: {  	[dreg:$0x1] =	wrdreg $0xFFFFFFFF  }
0xad: {  	[dreg:$0x0] =	wrdreg $0x60  }
0xae: {  	[dreg:$0x2] =	wrdreg s2  }
0xaf: {  	[dreg:$0x3] =	wrdreg s24  }
0xb0: {  	[dreg:$0x4] =	wrdreg $0x9  }
0xb1: {  	_ =	task.clear_ibuf [dreg:s7], $0x5FFFF;
	_ =	strace $0x9000004F  }
0xb2: {  	s29 =	simm.s32 $0x9;
	_ =	strace $0x80000051  }
0xb3: {  	_ =	swait.ge [sflag:s29], $0x1  }
0xb4: {  	[sflag:s29] =	ssyncadd.s32 $0xFFFFFFFF  }
0xb5: {  	_ =	strace $0x90000051  }
0xb6: {  	_ =	sfence  }
0xb7: {  	s30 =	sld [smem:$0x0];
	_ =	sdelay $0x2  }
0xb8: {  	s31 =	sshll.u32 s1, $0xD;
	s1 =	sshrl.u32 s1, $0x2  }
0xb9: {  	s3 =	sand.u32 $0x4000, s31;
	s1 =	sadd.s32 s1, s30  }
0xba: {  	s0 =	sor.u32 s3, s0;
	s1 =	sshll.u32 s1, $0x11  }
0xbb: {  	s0 =	sor.u32 s1, s0  }
0xbc: {  	s0 =	sadd.s32 $0x8F2B, s0  }
0xbd: {  	[sflag:s0] =	ssyncadd.remote.s32 $0x1  }
0xbe: {  	_ =	sfence.sel $0xFFFF  }
0xbf: {  	[dreg:$0x0] =	wrdreg $0xFFFFFFFF;
	(pc) =	sbr.abs _section_cstart, $3  }
0xc0: {  	[dreg:$0x1] =	wrdreg $0xFFFFFFFF  }
0xc1: {  	_ =	task.clear_ibuf [dreg:s7], $0x2FFFF;
	_ =	strace $0x9FFFFFFF  }
0xc2: {  	(tm) =	ssettm $0x7FFFFFFF  }
0xc3: {  	_ =	shalt  }
tec
execute0_lowered:
.L_overlay_start_1:
0x0: {  	(tag) =	ssettag $0x1  }
0x1: {  	s0 =	rddreg [dreg:$0x1];
	s7 =	simm.s32 $0x0;
	s1 =	srdreg.scid  }
0x2: {  	s3 =	stileid.u32;
	[smem:$0x7FF] =	sst s7  }
0x3: {  	s2 =	sadd.s32 $0x4800, s0;
	s1 =	sand.u32 $0x1, s1;
	s28 =	sadd.s32 $0x2800, s0  }
0x4: {  	s3 =	sshll.u32 s3, $0x1;
	_ =	strace $0x80000050;
	[dreg:$0x6] =	wrdreg s2  }
0x5: {  	s4 =	sadd.s32 $0x1800, s0;
	s8 =	sadd.s32 $0x4A00, s0;
	[dreg:$0x7] =	wrdreg s28  }
.Ltmp0:
0x6: {  	s29 =	ssub.s32 $0x2, s1;
	[dreg:$0x8] =	wrdreg s4;
	(pc) =	sbr.rel .LBB2_1-.Ltmp0, $4  }
0x7: {  	v0 =	vlaneseq.u32;
	s14 =	sor.u32 s1, s3;
	[dreg:$0xa] =	wrdreg s8;
	s30 =	sshrl.u32 s29, $0x1  }
0x8: {  	vm0 =	vcmask $0x308;
	v1 =	vmul.u32 $0xFFFFFFFF, v0;
	s9 =	sshll.u32 s14, $0x11;
	[dreg:$0x9] =	wrdreg s14;
	s31 =	ssub.s32 s29, s30  }
0x9: {  	v2 =	vimm.f32 $1.000000000e+00;
	vm1 =	vmmov $0x1;
	v4 =	vimm.s32 $0x0;
	[dreg:$0xb] =	wrdreg s9;
	s0 =	smax.u32 s31, $0x1  }
0xa: {  	s10 =	simm.s32 $0x1;
	vm2 =	vmmov $0x7fff;
	v3 =	vor.u32 $0x80000000, v0;
	s1 =	simm.s32 $0x0;
	v1 =	vadd.s32 $0xF, v1;
	[dreg:$0xc] =	wrdreg s0  }
.LBB2_16:
0xb: {  	s1 =	rddreg [dreg:$0xd]  }
0xc: {  	s0 =	rddreg [dreg:$0xc];
	s1 =	sadd.s32 $0x1, s1  }
0xd: {  	p0 =	sne.s32 s1, s0  }
.Ltmp1:
0xe: {  	_ = 	snop;
	(pc) =	sbr.rel @!p0 .LBB2_17-.Ltmp1, $1  }
0xf: {  	_ =	sdelay $0x3  }
.LBB2_1:
0x10: {  	[dreg:$0xd] =	wrdreg s1  }
0x11: {  	s0 =	rddreg [dreg:$0x6];
	s22 =	simm.s32 $0xC400  }
0x12: {  	[tilespmem:s22], [sflag:$0x1] =	stream.linear.gather [hbm4b:s0+s7], $0x80, $0x38;
	[tilespmem:$0xC480] =	vst v63  }
0x13: {  	_ =	swait.ge [sflag:s10], $0x80  }
0x14: {  	[sflag:s10] =	ssyncset.done $0x0  }
0x15: {  	[sflag:s10] =	ssyncadd.s32 $0xFFFFFF80  }
0x16: {  	v5 =	vld [tilespmem:$0xC400];
	_ =	sdelay $0x2  }
0x17: {  	s23 =	rddreg [dreg:$0x7]  }
0x18: {  	[tilespmem:s22], [sflag:$0x1] =	stream.linear.gather [hbm4b:s23+s7], $0x80, $0x38;
	[tilespmem:$0xC480] =	vst v63  }
0x19: {  	[tilespmem:$0x1FF10] =	vst v5  }
0x1a: {  	_ =	swait.ge [sflag:s10], $0x80  }
0x1b: {  	[sflag:s10] =	ssyncset.done $0x0  }
0x1c: {  	[sflag:s10] =	ssyncadd.s32 $0xFFFFFF80  }
0x1d: {  	v5 =	vld [tilespmem:$0xC400];
	_ =	sdelay $0x2  }
0x1e: {  	s25 =	simm.s32 $0x4000;
	s24 =	rddreg [dreg:$0x8]  }
0x1f: {  	[tilespmem:s25], [sflag:$0x1] =	stream.linear.gather [hbm4b:s24+s7], $0x8000, $0x38;
	[tilespmem:$0xC480] =	vst v63  }
0x20: {  	[tilespmem:$0x1FF20] =	vst v5  }
0x21: {  	s4 =	sand.u32 $0x1C00, s7;
	s0 =	sand.u32 $0x60, s7;
	_ =	swait.ge [sflag:s10], $0x8000  }
0x22: {  	s1 =	sor.u32 $0x4000, s4;
	s16 =	sor.u32 $0x10, s0;
	[sflag:s10] =	ssyncset.done $0x0  }
0x23: {  	s5 =	sor.u32 s16, s1;
	[sflag:s10] =	ssyncadd.s32 $0xFFFF8000  }
0x24: {  	v13 =	vld [tilespmem:s5+$0x0]  }
0x25: {  	v12 =	vld [tilespmem:s5+$0x80]  }
0x26: {  	v14 =	vld [tilespmem:s5+$0x100]  }
0x27: {  	v16 =	vld [tilespmem:s5+$0x180]  }
0x28: {  	v63 =	vld [tilespmem:s5+$0x200]  }
0x29: {  	v62 =	vld [tilespmem:s5+$0x280]  }
0x2a: {  	s2 =	sor.u32 $0x6000, s4;
	v60 =	vld [tilespmem:s5+$0x300]  }
0x2b: {  	s3 =	sor.u32 $0x6080, s4;
	s6 =	sor.u32 s16, s2;
	v59 =	vld [tilespmem:s5+$0x380]  }
0x2c: {  	s26 =	sor.u32 s16, s3;
	s7 =	sor.u32 $0x6200, s4;
	v58 =	vld [tilespmem:s6+$0x0]  }
0x2d: {  	s28 =	sor.u32 s16, s7;
	v56 =	vld [tilespmem:s26+$0x0]  }
0x2e: {  	s1 =	sor.u32 s0, s1;
	v52 =	vld [tilespmem:s28+$0x0]  }
0x2f: {  	v18 =	vld [tilespmem:s1+$0x0]  }
0x30: {  	v17 =	vld [tilespmem:s1+$0x80]  }
0x31: {  	v19 =	vld [tilespmem:s1+$0x100]  }
0x32: {  	v61 =	vld [tilespmem:s1+$0x180]  }
0x33: {  	v57 =	vld [tilespmem:s1+$0x200]  }
0x34: {  	v53 =	vld [tilespmem:s1+$0x280]  }
0x35: {  	v49 =	vld [tilespmem:s1+$0x300]  }
0x36: {  	s2 =	sor.u32 s0, s2;
	v45 =	vld [tilespmem:s1+$0x380]  }
0x37: {  	s3 =	sor.u32 s0, s3;
	v43 =	vld [tilespmem:s2+$0x0]  }
0x38: {  	s7 =	sor.u32 s0, s7;
	s10 =	sor.u32 $0x6380, s4;
	v41 =	vld [tilespmem:s3+$0x0]  }
0x39: {  	s13 =	sor.u32 s16, s10;
	v34 =	vld [tilespmem:s7+$0x0]  }
0x3a: {  	s5 =	sor.u32 $0x6100, s4;
	s10 =	sor.u32 s0, s10;
	v48 =	vld [tilespmem:s13+$0x0]  }
0x3b: {  	s6 =	sor.u32 $0x6180, s4;
	s8 =	sor.u32 s16, s5;
	v25 =	vld [tilespmem:s10+$0x0]  }
0x3c: {  	s9 =	sor.u32 s16, s6;
	v55 =	vld [tilespmem:s8+$0x0]  }
0x3d: {  	s5 =	sor.u32 s0, s5;
	v54 =	vld [tilespmem:s9+$0x0]  }
0x3e: {  	s13 =	sor.u32 $0x8100, s4;
	s6 =	sor.u32 s0, s6;
	v38 =	vld [tilespmem:s5+$0x0]  }
0x3f: {  	s17 =	sor.u32 s16, s13;
	v36 =	vld [tilespmem:s6+$0x0]  }
0x40: {  	s8 =	sor.u32 $0x6280, s4;
	s13 =	sor.u32 s0, s13;
	v44 =	vld [tilespmem:s17+$0x0]  }
0x41: {  	s9 =	sor.u32 $0x6300, s4;
	s11 =	sor.u32 s16, s8;
	v20 =	vld [tilespmem:s13+$0x0]  }
0x42: {  	s12 =	sor.u32 s16, s9;
	v51 =	vld [tilespmem:s11+$0x0]  }
0x43: {  	s8 =	sor.u32 s0, s8;
	v50 =	vld [tilespmem:s12+$0x0]  }
0x44: {  	s17 =	sor.u32 $0x8280, s4;
	s9 =	sor.u32 s0, s9;
	v32 =	vld [tilespmem:s8+$0x0]  }
0x45: {  	s11 =	sor.u32 $0x8000, s4;
	s20 =	sor.u32 s16, s17;
	v29 =	vld [tilespmem:s9+$0x0]  }
0x46: {  	s12 =	sor.u32 $0x8080, s4;
	s14 =	sor.u32 s16, s11;
	v39 =	vld [tilespmem:s20+$0x0]  }
0x47: {  	s15 =	sor.u32 s16, s12;
	v47 =	vld [tilespmem:s14+$0x0]  }
0x48: {  	s11 =	sor.u32 s0, s11;
	v46 =	vld [tilespmem:s15+$0x0]  }
0x49: {  	s20 =	sor.u32 $0xA000, s4;
	s12 =	sor.u32 s0, s12;
	v22 =	vld [tilespmem:s11+$0x0]  }
0x4a: {  	s14 =	sor.u32 $0x8180, s4;
	s23 =	sor.u32 s16, s20;
	v21 =	vld [tilespmem:s12+$0x0]  }
0x4b: {  	s15 =	sor.u32 $0x8200, s4;
	s18 =	sor.u32 s16, s14;
	v33 =	vld [tilespmem:s23+$0x0]  }
0x4c: {  	s19 =	sor.u32 s16, s15;
	v42 =	vld [tilespmem:s18+$0x0]  }
0x4d: {  	s23 =	sor.u32 $0xA180, s4;
	s14 =	sor.u32 s0, s14;
	v40 =	vld [tilespmem:s19+$0x0]  }
0x4e: {  	s18 =	sor.u32 $0x8300, s4;
	s29 =	sor.u32 s16, s23;
	v5 =	vld [tilespmem:s14+$0x0]  }
0x4f: {  	s19 =	sor.u32 $0x8380, s4;
	s21 =	sor.u32 s16, s18;
	v28 =	vld [tilespmem:s29+$0x0]  }
0x50: {  	s22 =	sor.u32 s16, s19;
	v37 =	vld [tilespmem:s21+$0x0];
	s21 =	sor.u32 $0xA080, s4  }
0x51: {  	v35 =	vld [tilespmem:s22+$0x0];
	s22 =	sor.u32 $0xA100, s4;
	s24 =	sor.u32 s16, s21  }
0x52: {  	s25 =	sor.u32 s16, s22;
	v31 =	vld [tilespmem:s24+$0x0];
	s24 =	sor.u32 $0xA200, s4  }
0x53: {  	v30 =	vld [tilespmem:s25+$0x0];
	s25 =	sor.u32 $0xA280, s4;
	s26 =	sor.u32 s16, s24  }
0x54: {  	s28 =	sor.u32 s16, s25;
	v27 =	vld [tilespmem:s26+$0x0];
	s26 =	sor.u32 $0xA300, s4  }
0x55: {  	v26 =	vld [tilespmem:s28+$0x0];
	s4 =	sor.u32 $0xA380, s4;
	s30 =	sor.u32 s16, s26  }
0x56: {  	s31 =	sor.u32 s16, s4;
	v24 =	vld [tilespmem:s30+$0x0]  }
0x57: {  	s15 =	sor.u32 s0, s15;
	v23 =	vld [tilespmem:s31+$0x0];
	[tilespmem:$0x1FF30] =	vst v5  }
0x58: {  	v5 =	vld [tilespmem:s15+$0x0];
	_ =	sdelay $0x4  }
0x59: {  	s17 =	sor.u32 s0, s17;
	[tilespmem:$0x1FF40] =	vst v5  }
0x5a: {  	v5 =	vld [tilespmem:s17+$0x0];
	_ =	sdelay $0x4  }
0x5b: {  	s18 =	sor.u32 s0, s18;
	[tilespmem:$0x1FF50] =	vst v5  }
0x5c: {  	v5 =	vld [tilespmem:s18+$0x0];
	_ =	sdelay $0x4  }
0x5d: {  	s19 =	sor.u32 s0, s19;
	[tilespmem:$0x1FF60] =	vst v5  }
0x5e: {  	v5 =	vld [tilespmem:s19+$0x0];
	_ =	sdelay $0x4  }
0x5f: {  	s20 =	sor.u32 s0, s20;
	[tilespmem:$0x1FF70] =	vst v5  }
0x60: {  	v5 =	vld [tilespmem:s20+$0x0];
	_ =	sdelay $0x4  }
0x61: {  	s28 =	sor.u32 s0, s21;
	[tilespmem:$0x1FF80] =	vst v5  }
0x62: {  	v5 =	vld [tilespmem:s28+$0x0];
	_ =	sdelay $0x4  }
0x63: {  	s29 =	sor.u32 s0, s22;
	[tilespmem:$0x1FF90] =	vst v5  }
0x64: {  	v5 =	vld [tilespmem:s29+$0x0];
	_ =	sdelay $0x4  }
0x65: {  	s30 =	sor.u32 s0, s23;
	[tilespmem:$0x1FFA0] =	vst v5  }
0x66: {  	v5 =	vld [tilespmem:s30+$0x0];
	_ =	sdelay $0x4  }
0x67: {  	s31 =	sor.u32 s0, s24;
	[tilespmem:$0x1FFB0] =	vst v5  }
0x68: {  	v5 =	vld [tilespmem:s31+$0x0];
	_ =	sdelay $0x4  }
0x69: {  	s3 =	sor.u32 s0, s25;
	[tilespmem:$0x1FFC0] =	vst v5  }
0x6a: {  	v5 =	vld [tilespmem:s3+$0x0];
	_ =	sdelay $0x4  }
0x6b: {  	s6 =	sor.u32 s0, s26;
	[tilespmem:$0x1FFD0] =	vst v5  }
0x6c: {  	v5 =	vld [tilespmem:s6+$0x0];
	_ =	sdelay $0x4  }
0x6d: {  	s0 =	sor.u32 s0, s4;
	[tilespmem:$0x1FFE0] =	vst v5  }
0x6e: {  	v5 =	vld [tilespmem:s0+$0x0];
	_ =	sdelay $0x1  }
0x6f: {  	s5 =	simm.s32 $0x100;
	s12 =	simm.s32 $0x20  }
0x70: {  	s7 =	sand.u32 $0x1C00, s5;
	s18 =	sand.u32 $0x60, s12  }
0x71: {  	s8 =	sor.u32 $0x4000, s7;
	s3 =	sor.u32 $0x10, s18  }
0x72: {  	s9 =	sor.u32 s3, s8;
	[tilespmem:$0x1FFF0] =	vst v5  }
0x73: {  	v7 =	vld [tilespmem:s9+$0x0]  }
0x74: {  	v12 =	vadd.s32 v13, v12;
	v6 =	vld [tilespmem:s9+$0x80]  }
0x75: {  	v12 =	vadd.s32 v14, v12;
	v8 =	vld [tilespmem:s9+$0x100]  }
0x76: {  	v12 =	vadd.s32 v16, v12;
	v9 =	vld [tilespmem:s9+$0x180]  }
0x77: {  	v12 =	vadd.s32 v63, v12;
	v10 =	vld [tilespmem:s9+$0x200]  }
0x78: {  	v12 =	vadd.s32 v62, v12;
	v11 =	vld [tilespmem:s9+$0x280]  }
0x79: {  	v12 =	vadd.s32 v60, v12;
	s0 =	sor.u32 $0x6000, s7;
	v15 =	vld [tilespmem:s9+$0x300]  }
0x7a: {  	s2 =	sor.u32 $0x6080, s7;
	v12 =	vadd.s32 v59, v12;
	s10 =	sor.u32 s3, s0;
	v13 =	vld [tilespmem:s9+$0x380]  }
0x7b: {  	s14 =	sor.u32 $0x6100, s7;
	v12 =	vadd.s32 v58, v12;
	s11 =	sor.u32 s3, s2;
	v14 =	vld [tilespmem:s10+$0x0]  }
0x7c: {  	s1 =	sor.u32 $0x6180, s7;
	v12 =	vadd.s32 v56, v12;
	s13 =	sor.u32 s3, s14;
	v16 =	vld [tilespmem:s11+$0x0]  }
0x7d: {  	v12 =	vadd.s32 v55, v12;
	s15 =	sor.u32 $0x6200, s7;
	s17 =	sor.u32 s3, s1;
	v63 =	vld [tilespmem:s13+$0x0]  }
0x7e: {  	v12 =	vadd.s32 v54, v12;
	s19 =	sor.u32 s3, s15;
	s6 =	sor.u32 $0x6300, s7;
	v62 =	vld [tilespmem:s17+$0x0]  }
0x7f: {  	v12 =	vadd.s32 v52, v12;
	s31 =	sor.u32 $0x6380, s7;
	s21 =	sor.u32 s3, s6;
	v60 =	vld [tilespmem:s19+$0x0]  }
0x80: {  	v12 =	vadd.s32 v51, v12;
	s30 =	sor.u32 $0x8000, s7;
	s22 =	sor.u32 s3, s31;
	v58 =	vld [tilespmem:s21+$0x0]  }
0x81: {  	v12 =	vadd.s32 v50, v12;
	s28 =	sor.u32 $0x8080, s7;
	s23 =	sor.u32 s3, s30;
	v56 =	vld [tilespmem:s22+$0x0]  }
0x82: {  	s26 =	sor.u32 $0x8100, s7;
	v12 =	vadd.s32 v48, v12;
	s24 =	sor.u32 s3, s28;
	v55 =	vld [tilespmem:s23+$0x0]  }
0x83: {  	s25 =	sor.u32 $0x8180, s7;
	v12 =	vadd.s32 v47, v12;
	s29 =	sor.u32 s3, s26;
	v54 =	vld [tilespmem:s24+$0x0]  }
0x84: {  	s4 =	sor.u32 $0xA080, s7;
	v12 =	vadd.s32 v46, v12;
	s9 =	sor.u32 s3, s25;
	v52 =	vld [tilespmem:s29+$0x0]  }
0x85: {  	v12 =	vadd.s32 v44, v12;
	s10 =	sor.u32 $0x6280, s7;
	s29 =	sor.u32 s3, s4;
	v51 =	vld [tilespmem:s9+$0x0]  }
0x86: {  	v5 =	vadd.s32 v42, v12;
	s24 =	sor.u32 $0x8200, s7;
	s20 =	sor.u32 s3, s10;
	v42 =	vld [tilespmem:s29+$0x0]  }
0x87: {  	s23 =	sor.u32 $0x8280, s7;
	s11 =	sor.u32 s3, s24;
	v59 =	vld [tilespmem:s20+$0x0]  }
0x88: {  	s21 =	sor.u32 $0x8300, s7;
	s13 =	sor.u32 s3, s23;
	v50 =	vld [tilespmem:s11+$0x0]  }
0x89: {  	s17 =	sor.u32 s3, s21;
	s20 =	sor.u32 $0x8380, s7;
	v48 =	vld [tilespmem:s13+$0x0]  }
0x8a: {  	s13 =	sor.u32 $0xA000, s7;
	v47 =	vld [tilespmem:s17+$0x0];
	s19 =	sor.u32 s3, s20  }
0x8b: {  	s17 =	sor.u32 $0xA100, s7;
	s22 =	sor.u32 s3, s13;
	v46 =	vld [tilespmem:s19+$0x0]  }
0x8c: {  	v5 =	vadd.s32 v40, v5;
	s11 =	sor.u32 $0xA180, s7;
	s9 =	sor.u32 s3, s17;
	v44 =	vld [tilespmem:s22+$0x0]  }
0x8d: {  	s5 =	sor.u32 $0xA200, s7;
	v5 =	vadd.s32 v39, v5;
	v12 =	vld [tilespmem:s9+$0x0];
	s19 =	sor.u32 s3, s11  }
0x8e: {  	v5 =	vadd.s32 v37, v5;
	s22 =	sor.u32 s3, s5;
	v40 =	vld [tilespmem:s19+$0x0];
	s19 =	sor.u32 $0xA280, s7  }
0x8f: {  	v5 =	vadd.s32 v35, v5;
	v39 =	vld [tilespmem:s22+$0x0];
	s22 =	sor.u32 $0xA300, s7;
	s29 =	sor.u32 s3, s19  }
0x90: {  	v18 =	vadd.s32 v18, v17;
	v37 =	vadd.s32 v33, v5;
	v7 =	vadd.s32 v7, v6;
	s9 =	sor.u32 s3, s22;
	v17 =	vld [tilespmem:s29+$0x0]  }
0x91: {  	v18 =	vadd.s32 v19, v18;
	s0 =	sor.u32 s18, s0;
	v7 =	vadd.s32 v8, v7;
	v8 =	vadd.s32 v31, v37;
	v6 =	vld [tilespmem:s9+$0x0]  }
0x92: {  	v18 =	vadd.s32 v61, v18;
	s29 =	sor.u32 $0xA380, s7;
	v8 =	vadd.s32 v30, v8;
	v30 =	vld [tilespmem:s0+$0x0];
	s7 =	sor.u32 s18, s2  }
0x93: {  	v18 =	vadd.s32 v57, v18;
	s2 =	sor.u32 s18, s31;
	v31 =	vld [tilespmem:s7+$0x0]  }
0x94: {  	v7 =	vadd.s32 v9, v7;
	v9 =	vadd.s32 v53, v18;
	v37 =	vld [tilespmem:s2+$0x0]  }
0x95: {  	s9 =	sor.u32 s3, s29;
	v9 =	vadd.s32 v49, v9;
	v49 =	vld [tilespmem:$0x1FF60]  }
0x96: {  	s7 =	sor.u32 s18, s28;
	v5 =	vld [tilespmem:s9+$0x0]  }
0x97: {  	s9 =	sor.u32 s18, s8;
	v9 =	vadd.s32 v45, v9;
	v45 =	vld [tilespmem:s7+$0x0]  }
0x98: {  	v7 =	vadd.s32 v10, v7;
	v10 =	vld [tilespmem:s9+$0x0]  }
0x99: {  	v7 =	vadd.s32 v11, v7;
	v11 =	vld [tilespmem:s9+$0x80]  }
0x9a: {  	v8 =	vadd.s32 v28, v8;
	v57 =	vld [tilespmem:s9+$0x100]  }
0x9b: {  	v8 =	vadd.s32 v27, v8;
	v61 =	vld [tilespmem:s9+$0x180]  }
0x9c: {  	v8 =	vadd.s32 v26, v8;
	v26 =	vld [tilespmem:s9+$0x200]  }
0x9d: {  	v27 =	vld [tilespmem:s9+$0x280]  }
0x9e: {  	s8 =	sor.u32 s18, s14;
	v28 =	vld [tilespmem:s9+$0x380]  }
0x9f: {  	s14 =	sor.u32 s18, s15;
	s15 =	sor.u32 s18, s10;
	s10 =	sor.u32 s18, s24;
	v9 =	vadd.s32 v43, v9;
	v43 =	vld [tilespmem:$0x1FF50]  }
0xa0: {  	v7 =	vadd.s32 v15, v7;
	v53 =	vld [tilespmem:s10+$0x0];
	v9 =	vadd.s32 v41, v9  }
0xa1: {  	v7 =	vadd.s32 v13, v7;
	v9 =	vadd.s32 v38, v9;
	v38 =	vld [tilespmem:$0x1FF40]  }
0xa2: {  	v7 =	vadd.s32 v14, v7;
	v9 =	vadd.s32 v36, v9;
	v36 =	vld [tilespmem:$0x1FF30]  }
0xa3: {  	v7 =	vadd.s32 v16, v7;
	v10 =	vadd.s32 v10, v11;
	v11 =	vld [tilespmem:s9+$0x300]  }
0xa4: {  	v7 =	vadd.s32 v63, v7;
	v9 =	vadd.s32 v34, v9;
	v34 =	vld [tilespmem:s15+$0x0];
	v10 =	vadd.s32 v57, v10  }
0xa5: {  	v7 =	vadd.s32 v62, v7;
	v9 =	vadd.s32 v32, v9;
	v32 =	vld [tilespmem:s8+$0x0];
	s9 =	sor.u32 s18, s1;
	v10 =	vadd.s32 v61, v10  }
0xa6: {  	s1 =	sor.u32 s18, s6;
	v7 =	vadd.s32 v60, v7;
	v33 =	vld [tilespmem:s9+$0x0];
	v10 =	vadd.s32 v26, v10  }
0xa7: {  	s6 =	sor.u32 s18, s30;
	v35 =	vld [tilespmem:s1+$0x0];
	v7 =	vadd.s32 v59, v7;
	v10 =	vadd.s32 v27, v10  }
0xa8: {  	v41 =	vld [tilespmem:s6+$0x0];
	v7 =	vadd.s32 v58, v7;
	v10 =	vadd.s32 v11, v10  }
0xa9: {  	v8 =	vadd.s32 v24, v8;
	s15 =	sor.u32 s18, s21;
	v7 =	vadd.s32 v56, v7;
	v11 =	vld [tilespmem:s14+$0x0];
	v10 =	vadd.s32 v28, v10  }
0xaa: {  	v9 =	vadd.s32 v29, v9;
	v57 =	vld [tilespmem:s15+$0x0];
	v7 =	vadd.s32 v55, v7;
	v10 =	vadd.s32 v30, v10  }
0xab: {  	v9 =	vadd.s32 v25, v9;
	v59 =	vld [tilespmem:$0x1FFC0];
	v7 =	vadd.s32 v54, v7;
	v10 =	vadd.s32 v31, v10  }
0xac: {  	v61 =	vld [tilespmem:$0x1FFE0];
	v9 =	vadd.s32 v22, v9;
	v7 =	vadd.s32 v52, v7;
	v10 =	vadd.s32 v32, v10  }
0xad: {  	v9 =	vadd.s32 v21, v9;
	v52 =	vld [tilespmem:$0x1FF80];
	v7 =	vadd.s32 v51, v7;
	v10 =	vadd.s32 v33, v10  }
0xae: {  	s8 =	sor.u32 s18, s26;
	v9 =	vadd.s32 v20, v9;
	v7 =	vadd.s32 v50, v7;
	v50 =	vld [tilespmem:$0x1FF70];
	v10 =	vadd.s32 v11, v10  }
0xaf: {  	v8 =	vadd.s32 v23, v8;
	v9 =	vadd.s32 v36, v9;
	v11 =	vld [tilespmem:s8+$0x0];
	v10 =	vadd.s32 v34, v10  }
0xb0: {  	v54 =	vld [tilespmem:$0x1FF90];
	v9 =	vadd.s32 v38, v9;
	v7 =	vadd.s32 v48, v7;
	v10 =	vadd.s32 v35, v10  }
0xb1: {  	v56 =	vld [tilespmem:$0x1FFA0];
	v9 =	vadd.s32 v43, v9;
	v7 =	vadd.s32 v47, v7;
	v10 =	vadd.s32 v37, v10  }
0xb2: {  	s21 =	simm.s32 $0x0;
	s9 =	sor.u32 s18, s25;
	v58 =	vld [tilespmem:$0x1FFB0];
	v9 =	vadd.s32 v49, v9;
	v7 =	vadd.s32 v46, v7;
	v10 =	vadd.s32 v41, v10  }
0xb3: {  	s0 =	sand.u32 $0x380, s21;
	v51 =	vld [tilespmem:s9+$0x0];
	v7 =	vadd.s32 v44, v7;
	v9 =	vadd.s32 v50, v9;
	v10 =	vadd.s32 v45, v10  }
0xb4: {  	s24 =	sor.u32 s16, s0;
	s14 =	sor.u32 s18, s23;
	v7 =	vadd.s32 v42, v7;
	v9 =	vadd.s32 v52, v9;
	v10 =	vadd.s32 v11, v10;
	v11 =	vld [tilespmem:$0x1FFD0]  }
0xb5: {  	v55 =	vld [tilespmem:s14+$0x0];
	v7 =	vadd.s32 v12, v7;
	v9 =	vadd.s32 v54, v9;
	[tilespmem:s24+$0xC000] =	vst v8  }
0xb6: {  	s20 =	sor.u32 s18, s20;
	v7 =	vadd.s32 v40, v7;
	v9 =	vadd.s32 v56, v9;
	v63 =	vld [tilespmem:$0x1FFF0]  }
0xb7: {  	s26 =	sor.u32 s18, s17;
	v60 =	vld [tilespmem:s20+$0x0];
	v7 =	vadd.s32 v39, v7;
	v9 =	vadd.s32 v58, v9  }
0xb8: {  	s25 =	sor.u32 s18, s4;
	v8 =	vld [tilespmem:s26+$0x0];
	v10 =	vadd.s32 v51, v10;
	v62 =	vadd.s32 v17, v7;
	v12 =	vadd.s32 v59, v9  }
0xb9: {  	s31 =	sand.u32 $0x380, s12;
	s28 =	sor.u32 s18, s11;
	s23 =	sor.u32 s18, s13;
	v7 =	vld [tilespmem:s25+$0x0];
	v10 =	vadd.s32 v53, v10;
	v6 =	vadd.s32 v6, v62;
	v11 =	vadd.s32 v11, v12  }
0xba: {  	s2 =	sor.u32 s3, s31;
	s10 =	sor.u32 s18, s29;
	s30 =	sor.u32 s18, s5;
	v9 =	vld [tilespmem:s23+$0x0];
	v10 =	vadd.s32 v55, v10;
	v6 =	vadd.s32 v5, v6;
	v11 =	vadd.s32 v61, v11  }
0xbb: {  	s17 =	simm.s32 $0x200;
	s20 =	simm.s32 $0xC000;
	s15 =	sor.u32 s18, s19;
	v5 =	vld [tilespmem:s28+$0x0];
	v10 =	vadd.s32 v57, v10;
	[tilespmem:s2+$0xC000] =	vst v6;
	v11 =	vadd.s32 v63, v11  }
0xbc: {  	s16 =	simm.s32 $0x2;
	s14 =	sor.u32 s18, s22;
	s18 =	simm.s32 $0x40;
	v6 =	vld [tilespmem:s30+$0x0];
	v10 =	vadd.s32 v60, v10;
	[tilespmem:s20+$0x0] =	vst v11  }
.LBB2_2:
0xbd: {  	s11 =	sand.u32 $0x60, s18;
	s19 =	sand.u32 $0x1C00, s17  }
0xbe: {  	s1 =	sor.u32 $0x4000, s19;
	s4 =	sor.u32 $0x10, s11  }
0xbf: {  	s3 =	sor.u32 s11, s1;
	s1 =	sor.u32 s4, s1  }
0xc0: {  	v11 =	vld [tilespmem:s1+$0x0]  }
0xc1: {  	v9 =	vadd.s32 v9, v10;
	v10 =	vld [tilespmem:s15+$0x0]  }
0xc2: {  	v7 =	vadd.s32 v7, v9;
	v9 =	vld [tilespmem:s14+$0x0]  }
0xc3: {  	v7 =	vadd.s32 v8, v7;
	v8 =	vld [tilespmem:s10+$0x0]  }
0xc4: {  	v5 =	vadd.s32 v5, v7;
	v7 =	vld [tilespmem:s1+$0x80]  }
0xc5: {  	v5 =	vadd.s32 v6, v5;
	v6 =	vld [tilespmem:s1+$0x100]  }
0xc6: {  	v5 =	vadd.s32 v10, v5;
	v10 =	vld [tilespmem:s1+$0x180]  }
0xc7: {  	v5 =	vadd.s32 v9, v5;
	v9 =	vld [tilespmem:s1+$0x200]  }
0xc8: {  	s20 =	sadd.s32 $0x20, s20;
	v5 =	vadd.s32 v8, v5;
	v8 =	vld [tilespmem:s1+$0x280]  }
0xc9: {  	s2 =	sor.u32 $0x6000, s19;
	[tilespmem:s20+$0x0] =	vst v5;
	v5 =	vadd.s32 v11, v7;
	v7 =	vld [tilespmem:s1+$0x300]  }
0xca: {  	s5 =	sor.u32 $0x6080, s19;
	s12 =	sor.u32 $0x6100, s19;
	s23 =	sor.u32 $0x6200, s19;
	v5 =	vadd.s32 v6, v5;
	v6 =	vld [tilespmem:s1+$0x380]  }
0xcb: {  	s25 =	sor.u32 $0x6280, s19;
	s28 =	sor.u32 $0x6300, s19;
	s9 =	sor.u32 s4, s2;
	v11 =	vld [tilespmem:s3+$0x0]  }
0xcc: {  	s30 =	sor.u32 $0x6380, s19;
	s7 =	sor.u32 $0x8080, s19;
	s13 =	sor.u32 s4, s5;
	v5 =	vadd.s32 v10, v5;
	v10 =	vld [tilespmem:s9+$0x0]  }
0xcd: {  	s0 =	sor.u32 s11, s2;
	s21 =	sor.u32 s4, s12;
	s15 =	sor.u32 $0x6180, s19;
	v5 =	vadd.s32 v9, v5;
	v9 =	vld [tilespmem:s13+$0x0]  }
0xce: {  	s26 =	sor.u32 s4, s23;
	s29 =	sor.u32 s4, s25;
	s24 =	sor.u32 s4, s15;
	v5 =	vadd.s32 v8, v5;
	v8 =	vld [tilespmem:s21+$0x0]  }
0xcf: {  	s31 =	sor.u32 s4, s28;
	s6 =	sor.u32 s4, s30;
	s2 =	sor.u32 $0x8380, s19;
	v5 =	vadd.s32 v7, v5;
	v7 =	vld [tilespmem:s24+$0x0]  }
0xd0: {  	[dreg:$0x3] =	wrdreg s0;
	s0 =	sor.u32 $0x8000, s19;
	s14 =	sor.u32 s11, s12;
	v5 =	vadd.s32 v6, v5;
	v6 =	vld [tilespmem:s26+$0x0]  }
0xd1: {  	s8 =	sor.u32 s4, s0;
	s10 =	sor.u32 s11, s5;
	[dreg:$0x5] =	wrdreg s14;
	v5 =	vadd.s32 v10, v5;
	v10 =	vld [tilespmem:s29+$0x0]  }
0xd2: {  	s22 =	sor.u32 s11, s15;
	s15 =	sor.u32 $0x8280, s19;
	[dreg:$0x4] =	wrdreg s10;
	v5 =	vadd.s32 v9, v5;
	v9 =	vld [tilespmem:s31+$0x0]  }
0xd3: {  	s10 =	sor.u32 s4, s7;
	s1 =	sor.u32 $0xA300, s19;
	s9 =	sor.u32 $0x8100, s19;
	v5 =	vadd.s32 v8, v5;
	v8 =	vld [tilespmem:s6+$0x0]  }
0xd4: {  	s13 =	sor.u32 s11, s9;
	s12 =	sor.u32 s4, s9;
	s9 =	sor.u32 $0xA000, s19;
	v5 =	vadd.s32 v7, v5;
	v7 =	vld [tilespmem:s8+$0x0]  }
0xd5: {  	s24 =	sor.u32 s11, s28;
	s28 =	sor.u32 s11, s7;
	s7 =	sor.u32 $0x8180, s19;
	v5 =	vadd.s32 v6, v5;
	v6 =	vld [tilespmem:s10+$0x0]  }
0xd6: {  	s21 =	sor.u32 s11, s23;
	s14 =	sor.u32 s4, s7;
	s8 =	sor.u32 $0x8200, s19;
	v5 =	vadd.s32 v10, v5;
	v10 =	vld [tilespmem:s12+$0x0]  }
0xd7: {  	s23 =	sor.u32 s11, s25;
	s25 =	sor.u32 s11, s30;
	s30 =	sor.u32 s4, s8;
	v5 =	vadd.s32 v9, v5;
	v9 =	vld [tilespmem:s14+$0x0]  }
0xd8: {  	s26 =	sor.u32 s11, s0;
	s0 =	sor.u32 s4, s15;
	s31 =	sor.u32 $0x8300, s19;
	v5 =	vadd.s32 v8, v5;
	v8 =	vld [tilespmem:s30+$0x0]  }
0xd9: {  	s29 =	sor.u32 s11, s15;
	s5 =	sor.u32 s11, s8;
	s8 =	sor.u32 s4, s31;
	v5 =	vadd.s32 v7, v5;
	v7 =	vld [tilespmem:s0+$0x0]  }
0xda: {  	s15 =	sor.u32 $0xA100, s19;
	s6 =	sor.u32 s11, s7;
	s10 =	sor.u32 s4, s2;
	v5 =	vadd.s32 v6, v5;
	v6 =	vld [tilespmem:s8+$0x0]  }
0xdb: {  	s12 =	sor.u32 $0xA080, s19;
	s14 =	sor.u32 s4, s9;
	s30 =	sor.u32 s11, s31;
	v5 =	vadd.s32 v10, v5;
	v10 =	vld [tilespmem:s10+$0x0]  }
0xdc: {  	s31 =	sor.u32 s11, s2;
	s2 =	sor.u32 $0xA180, s19;
	s0 =	sor.u32 s4, s12;
	v5 =	vadd.s32 v9, v5;
	v9 =	vld [tilespmem:s14+$0x0]  }
0xdd: {  	s8 =	sor.u32 s11, s9;
	s9 =	sor.u32 s11, s12;
	s10 =	sor.u32 s4, s15;
	v5 =	vadd.s32 v8, v5;
	v8 =	vld [tilespmem:s0+$0x0]  }
0xde: {  	s12 =	sor.u32 s11, s15;
	s15 =	sor.u32 $0xA200, s19;
	s14 =	sor.u32 s4, s2;
	v5 =	vadd.s32 v7, v5;
	v7 =	vld [tilespmem:s10+$0x0]  }
0xdf: {  	s7 =	sor.u32 s11, s2;
	s0 =	sor.u32 $0xA280, s19;
	s10 =	sor.u32 s4, s15;
	v5 =	vadd.s32 v6, v5;
	v6 =	vld [tilespmem:s14+$0x0]  }
0xe0: {  	s2 =	sor.u32 s11, s15;
	s15 =	sor.u32 s11, s0;
	s0 =	sor.u32 s4, s0;
	v5 =	vadd.s32 v10, v5;
	v10 =	vld [tilespmem:s10+$0x0]  }
0xe1: {  	s19 =	sor.u32 $0xA380, s19;
	s14 =	sor.u32 s11, s1;
	s1 =	sor.u32 s4, s1;
	v5 =	vadd.s32 v9, v5;
	v9 =	vld [tilespmem:s0+$0x0]  }
0xe2: {  	s10 =	sor.u32 s11, s19;
	s19 =	sor.u32 s4, s19;
	v5 =	vadd.s32 v8, v5;
	v8 =	vld [tilespmem:s1+$0x0]  }
0xe3: {  	v5 =	vadd.s32 v7, v5;
	v7 =	vld [tilespmem:s19+$0x0]  }
0xe4: {  	v5 =	vadd.s32 v6, v5;
	v6 =	vld [tilespmem:s3+$0x80]  }
0xe5: {  	v5 =	vadd.s32 v10, v5;
	v10 =	vld [tilespmem:s3+$0x100]  }
0xe6: {  	v5 =	vadd.s32 v9, v5;
	v9 =	vld [tilespmem:s3+$0x180]  }
0xe7: {  	s1 =	sand.u32 $0x380, s18;
	v5 =	vadd.s32 v8, v5;
	v8 =	vld [tilespmem:s3+$0x200]  }
0xe8: {  	s0 =	sor.u32 s4, s1;
	v5 =	vadd.s32 v7, v5;
	v7 =	vld [tilespmem:s3+$0x280]  }
0xe9: {  	[tilespmem:s0+$0xC000] =	vst v5;
	v5 =	vadd.s32 v11, v6;
	v6 =	vld [tilespmem:s3+$0x300]  }
0xea: {  	s4 =	rddreg [dreg:$0x3];
	v5 =	vadd.s32 v10, v5;
	v10 =	vld [tilespmem:s3+$0x380]  }
0xeb: {  	s11 =	rddreg [dreg:$0x4];
	v5 =	vadd.s32 v9, v5;
	v9 =	vld [tilespmem:s4+$0x0]  }
0xec: {  	s19 =	rddreg [dreg:$0x5];
	v5 =	vadd.s32 v8, v5;
	v8 =	vld [tilespmem:s11+$0x0]  }
0xed: {  	v5 =	vadd.s32 v7, v5;
	v7 =	vld [tilespmem:s19+$0x0]  }
0xee: {  	v5 =	vadd.s32 v6, v5;
	v6 =	vld [tilespmem:s22+$0x0]  }
0xef: {  	v5 =	vadd.s32 v10, v5;
	v10 =	vld [tilespmem:s21+$0x0]  }
0xf0: {  	v5 =	vadd.s32 v9, v5;
	v9 =	vld [tilespmem:s23+$0x0]  }
0xf1: {  	v5 =	vadd.s32 v8, v5;
	v8 =	vld [tilespmem:s24+$0x0]  }
0xf2: {  	v5 =	vadd.s32 v7, v5;
	v7 =	vld [tilespmem:s25+$0x0]  }
0xf3: {  	v5 =	vadd.s32 v6, v5;
	v6 =	vld [tilespmem:s26+$0x0]  }
0xf4: {  	v5 =	vadd.s32 v10, v5;
	v10 =	vld [tilespmem:s28+$0x0]  }
0xf5: {  	v5 =	vadd.s32 v9, v5;
	v9 =	vld [tilespmem:s13+$0x0]  }
0xf6: {  	v5 =	vadd.s32 v8, v5;
	v8 =	vld [tilespmem:s6+$0x0]  }
0xf7: {  	v5 =	vadd.s32 v7, v5;
	v7 =	vld [tilespmem:s5+$0x0]  }
0xf8: {  	v5 =	vadd.s32 v6, v5;
	v6 =	vld [tilespmem:s29+$0x0]  }
0xf9: {  	s16 =	sadd.s32 $0x2, s16;
	v5 =	vadd.s32 v10, v5;
	v10 =	vld [tilespmem:s30+$0x0]  }
0xfa: {  	p0 =	slt.u32 s16, $0x3E;
	v11 =	vld [tilespmem:s31+$0x0];
	v5 =	vadd.s32 v9, v5  }
.Ltmp2:
0xfb: {  	v9 =	vld [tilespmem:s8+$0x0];
	v5 =	vadd.s32 v8, v5;
	(pc) =	sbr.rel @p0 .LBB2_2-.Ltmp2, $4  }
0xfc: {  	v8 =	vld [tilespmem:s12+$0x0];
	v5 =	vadd.s32 v7, v5  }
0xfd: {  	v7 =	vld [tilespmem:s9+$0x0];
	v5 =	vadd.s32 v6, v5  }
0xfe: {  	v6 =	vadd.s32 v10, v5;
	v5 =	vld [tilespmem:s7+$0x0]  }
0xff: {  	s17 =	sadd.s32 $0x100, s17;
	s18 =	sadd.s32 $0x20, s18;
	v10 =	vadd.s32 v11, v6;
	v6 =	vld [tilespmem:s2+$0x0]  }
0x100: {  	v21 =	vld [tilespmem:$0x1FF20];
	_ =	sdelay $0x4  }
0x101: {  	v11 =	vsel vm0, $0x0, v21  }
0x102: {  	v9 =	vadd.s32 v9, v10;
	v10 =	vld [tilespmem:s15+$0x0];
	(xrf0) =	vadd.scan.msk.s32 $0xffff, v11  }
0x103: {  	v7 =	vadd.s32 v7, v9;
	v9 =	vld [tilespmem:s14+$0x0]  }
0x104: {  	v7 =	vadd.s32 v8, v7;
	v8 =	vld [tilespmem:s10+$0x0]  }
0x105: {  	v5 =	vadd.s32 v5, v7  }
0x106: {  	v5 =	vadd.s32 v6, v5  }
0x107: {  	v5 =	vadd.s32 v10, v5  }
0x108: {  	v5 =	vadd.s32 v9, v5;
	v6, _, _ =	vpop (xrf0)  }
0x109: {  	s0 =	sadd.s32 $0x20, s20;
	v5 =	vadd.s32 v8, v5;
	(v2sf) =	vpush v6, $0xF  }
0x10a: {  	s14 =	simm.s32 $0xC3F0;
	[tilespmem:s0+$0x0] =	vst v5  }
0x10b: {  	v5 =	vld [tilespmem:s14+$0x0];
	_ =	sdelay $0x4  }
0x10c: {  	s15 =	simm.s32 $0xC3E0;
	(xrf0) =	vadd.scan.msk.s32 $0xffff, v5;
	v9 =	vperm.xlane v5, v1  }
0x10d: {  	v6 =	vld [tilespmem:s15+$0x0]  }
0x10e: {  	(xrf0) =	vadd.scan.msk.s32 $0xffff, v9;
	_ =	sdelay $0x3  }
0x10f: {  	(xrf0) =	vadd.scan.msk.s32 $0xffff, v6;
	v5, _, _ =	vpop (xrf0)  }
0x110: {  	(v2sf) =	vpush v5, $0xF  }
0x111: {  	s16 =	simm.s32 $0xC3D0;
	s17 =	simm.s32 $0x0;
	v10, _, _ =	vpop (xrf0);
	s1 =	spop (v2sf)  }
0x112: {  	v8 =	vld [tilespmem:s16+$0x0];
	v5 =	vperm.xlane v6, v1;
	v6 =	vadd.s32 s17, v10;
	[dreg:$0xe] =	wrdreg s1;
	s1 =	ssub.s32 $0x2000, s1  }
0x113: {  	v7 =	vmov s1  }
0x114: {  	vm3 =	vlt.s32 v6, v7  }
0x115: {  	(xrf0) =	vadd.scan.msk.s32 $0xffff, v5;
	v6, _, _ =	vpop (xrf0);
	v11 =	vsel vm3, $0x0, v2  }
0x116: {  	(v2sf) =	vpush v6, $0xF;
	(xrf0) =	vmax.scan.msk.f32 $0xffff, v11  }
0x117: {  	v6 =	vsel vm3, $0x80000010, v3;
	(xrf0) =	vadd.scan.msk.s32 $0xffff, v8  }
0x118: {  	(xrf0) =	vmin.scan.msk.u32 $0xffff, v6;
	_ =	sdelay $0x2  }
0x119: {  	v6, _, _ =	vpop (xrf0)  }
0x11a: {  	v11, _, _ =	vpop (xrf0)  }
0x11b: {  	(v2sf) =	vpush v11, $0xF;
	v11, _, _ =	vpop (xrf0)  }
0x11c: {  	v12 =	vperm.xlane v8, v1;
	(v2sf) =	vpush v11, $0xF;
	v8, _, _ =	vpop (xrf0)  }
0x11d: {  	s19 =	simm.s32 $0xC3C0;
	s18 =	spop (v2sf);
	(v2sf) =	vpush v8, $0xF  }
0x11e: {  	(xrf0) =	vadd.scan.msk.s32 $0xffff, v12;
	s24 =	sadd.s32 $0x0, s18;
	v8 =	vld [tilespmem:s19+$0x0]  }
0x11f: {  	v11 =	vadd.s32 s24, v6  }
0x120: {  	vm3 =	vlt.s32 v11, v7  }
0x121: {  	v11 =	vsel vm3, $0x0, v2  }
0x122: {  	(xrf0) =	vmax.scan.msk.f32 $0xffff, v11  }
0x123: {  	v11 =	vsel vm3, $0x80000010, v3;
	(xrf0) =	vadd.scan.msk.s32 $0xffff, v8;
	s20 =	spop (v2sf)  }
0x124: {  	s21 =	simm.s32 $0xC3B0;
	v16, _, _ =	vpop (xrf0);
	(xrf0) =	vmin.scan.msk.u32 $0xffff, v11;
	s19 =	sadd.s32 s24, s20;
	v11 =	vperm.xlane v8, v1  }
0x125: {  	v13 =	vld [tilespmem:s21+$0x0];
	v8 =	vadd.s32 s19, v16  }
0x126: {  	vm3 =	vlt.s32 v8, v7;
	(xrf0) =	vadd.scan.msk.s32 $0xffff, v11  }
0x127: {  	v8 =	vsel vm3, $0x0, v2;
	_ =	sdelay $0x1  }
0x128: {  	v14, _, _ =	vpop (xrf0);
	(xrf0) =	vmax.scan.msk.f32 $0xffff, v8  }
0x129: {  	(v2sf) =	vpush v14, $0xF;
	v14 =	vsel vm3, $0x80000010, v3;
	v8, _, _ =	vpop (xrf0);
	(xrf0) =	vadd.scan.msk.s32 $0xffff, v13;
	s22 =	spop (v2sf)  }
0x12a: {  	(v2sf) =	vpush v8, $0xF;
	v8, _, _ =	vpop (xrf0);
	(xrf0) =	vmin.scan.msk.u32 $0xffff, v14;
	s23 =	spop (v2sf)  }
0x12b: {  	(v2sf) =	vpush v8, $0xF;
	v15, _, _ =	vpop (xrf0);
	s3 =	spop (v2sf);
	s20 =	sadd.s32 s19, s23  }
0x12c: {  	v8 =	vperm.xlane v13, v1;
	v13 =	vadd.s32 s20, v15;
	s25 =	sxor.u32 $0x80000000, s3  }
0x12d: {  	s2 =	simm.s32 $0xC3A0;
	vm3 =	vlt.s32 v13, v7;
	v13 =	vmov s25  }
0x12e: {  	v14 =	vld [tilespmem:s2+$0x0];
	v17, _, _ =	vpop (xrf0)  }
0x12f: {  	(v2sf) =	vpush v17, $0xF;
	v17, _, _ =	vpop (xrf0)  }
0x130: {  	(xrf0) =	vadd.scan.msk.s32 $0xffff, v8;
	v18 =	vsel vm3, $0x0, v2;
	vm4 =	veq.s32 v13, v0;
	(v2sf) =	vpush v17, $0xF;
	v13, _, _ =	vpop (xrf0)  }
0x131: {  	(xrf0) =	vmax.scan.msk.f32 $0xffff, v18;
	v10 =	vnsel vm4, $0x0, v10;
	(v2sf) =	vpush v13, $0xF  }
0x132: {  	(xrf0) =	vadd.scan.msk.s32 $0xffff, v10  }
0x133: {  	(xrf0) =	vadd.scan.msk.s32 $0xffff, v14  }
0x134: {  	v9 =	vnsel vm4, $0x0, v9;
	v10 =	vsel vm3, $0x80000010, v3  }
0x135: {  	(xrf0) =	vmin.scan.msk.u32 $0xffff, v10  }
0x136: {  	v13, _, _ =	vpop (xrf0);
	(xrf0) =	vadd.scan.msk.s32 $0xffff, v9  }
0x137: {  	v9, _, _ =	vpop (xrf0)  }
0x138: {  	s26 =	spop (v2sf);
	(v2sf) =	vpush v9, $0xF;
	v10, _, _ =	vpop (xrf0);
	v9 =	vperm.xlane v14, v1  }
0x139: {  	v14, _, _ =	vpop (xrf0);
	(v2sf) =	vpush v10, $0xF;
	s2 =	spop (v2sf)  }
0x13a: {  	s5 =	simm.s32 $0xC390;
	(v2sf) =	vpush v14, $0xF;
	(xrf0) =	vadd.scan.msk.s32 $0xffff, v9;
	s4 =	spop (v2sf);
	s21 =	sadd.s32 s20, s2  }
0x13b: {  	v17 =	vld [tilespmem:s5+$0x0];
	v10, _, _ =	vpop (xrf0);
	v14 =	vadd.s32 s21, v13;
	s6 =	sxor.u32 $0x80000000, s4  }
0x13c: {  	(v2sf) =	vpush v10, $0xF;
	v10, _, _ =	vpop (xrf0);
	vm3 =	vlt.s32 v14, v7;
	v14 =	vmov s6  }
0x13d: {  	(v2sf) =	vpush v10, $0xF;
	v10 =	vsel vm3, $0x0, v2;
	vm4 =	veq.s32 v14, v0  }
0x13e: {  	s7 =	spop (v2sf);
	(xrf0) =	vmax.scan.msk.f32 $0xffff, v10;
	v6 =	vnsel vm4, $0x0, v6  }
0x13f: {  	(xrf0) =	vadd.scan.msk.s32 $0xffff, v6;
	s8 =	spop (v2sf)  }
0x140: {  	v6 =	vsel vm3, $0x80000010, v3;
	v14, _, _ =	vpop (xrf0);
	(xrf0) =	vadd.scan.msk.s32 $0xffff, v17;
	s25 =	sadd.s32 s21, s8;
	s5 =	spop (v2sf)  }
0x141: {  	v5 =	vnsel vm4, $0x0, v5;
	v10 =	vperm.xlane v17, v1;
	(xrf0) =	vmin.scan.msk.u32 $0xffff, v6;
	v17 =	vadd.s32 s25, v14;
	s10 =	sxor.u32 $0x80000000, s5  }
0x142: {  	s31 =	simm.s32 $0x800003AF;
	p0 =	sgt.f32 s22, $0.0e+00;
	(xrf0) =	vadd.scan.msk.s32 $0xffff, v5;
	vm3 =	vlt.s32 v17, v7;
	v5 =	vmov s10  }
0x143: {  	p1 =	por $0x1, $0x1;
	s9 =	simm.s32 $0xC380;
	s30 =	simm.s32 $0x8000039F;
	v17 =	vsel vm3, $0x0, v2  }
0x144: {  	s29 =	simm.s32 $0x8000038F;
	s0 =	simm.s32 $0x800003BF;
	p0 =	por !p1, !p0;
	vm4 =	veq.s32 v5, v0  }
0x145: {  	s18 =	simm.s32 $0xFFFFFFFF;
	s1 =	ssub.s32 $0x800003FF, s3;
	p0 =	por !p0, !p0;
	(xrf0) =	vadd.scan.msk.s32 $0xffff, v10;
	v16 =	vnsel vm4, $0x0, v16;
	v5, _, _ =	vpop (xrf0)  }
0x146: {  	s22 =	simm.s32 $0x8000036F;
	s18 =	smov.u32 @p0 s1;
	p5 =	sgt.f32 s26, $0.0e+00;
	(xrf0) =	vmax.scan.msk.f32 $0xffff, v17;
	v17, _, _ =	vpop (xrf0);
	(v2sf) =	vpush v5, $0xF  }
0x147: {  	s23 =	simm.s32 $0x8000035F;
	p2 =	slt.s32 s18, $0x0;
	v6 =	vld [tilespmem:s9+$0x0];
	s11 =	spop (v2sf);
	v5, _, _ =	vpop (xrf0);
	(v2sf) =	vpush v17, $0xF  }
0x148: {  	p4 =	por p0, p0;
	p1 =	por !p2, !p5;
	(xrf0) =	vadd.scan.msk.s32 $0xffff, v16;
	s12 =	spop (v2sf);
	v16, _, _ =	vpop (xrf0);
	(v2sf) =	vpush v5, $0xF  }
0x149: {  	p1 =	por !p1, !p1;
	s2 =	ssub.s32 $0x800003EF, s4;
	s13 =	spop (v2sf);
	v5, _, _ =	vpop (xrf0);
	(v2sf) =	vpush v16, $0xF  }
0x14a: {  	p4 =	por p4, p4;
	s18 =	smov.u32 @p1 s2;
	p6 =	sgt.f32 s7, $0.0e+00;
	(v2sf) =	vpush v5, $0xF  }
0x14b: {  	s26 =	simm.s32 $0x8000037F;
	p2 =	por p4, p4;
	p3 =	slt.s32 s18, $0x0  }
0x14c: {  	p1 =	por p1, p1;
	s2 =	simm.s32 $0xC370;
	p3 =	por !p3, !p6;
	(xrf0) =	vadd.scan.msk.s32 $0xffff, v6  }
0x14d: {  	p1 =	por p1, p1;
	p0 =	por !p3, !p3;
	s1 =	ssub.s32 $0x800003DF, s5;
	v16, _, _ =	vpop (xrf0)  }
0x14e: {  	s18 =	smov.u32 @p0 s1;
	p0 =	por p0, p0;
	p5 =	sgt.f32 s11, $0.0e+00;
	v5, _, _ =	vpop (xrf0)  }
0x14f: {  	p6 =	slt.s32 s18, $0x0;
	s14 =	sadd.s32 $0x0, s12;
	v17 =	vnsel vm4, $0x0, v12;
	v12 =	vsel vm3, $0x80000010, v3;
	s15 =	spop (v2sf);
	(v2sf) =	vpush v5, $0xF;
	v19, _, _ =	vpop (xrf0)  }
0x150: {  	p3 =	por !p6, !p5;
	s28 =	sadd.s32 s25, s13;
	(xrf0) =	vmin.scan.msk.u32 $0xffff, v12;
	s6 =	spop (v2sf);
	(v2sf) =	vpush v19, $0xF  }
0x151: {  	p3 =	por !p3, !p3;
	s3 =	ssub.s32 $0x800003CF, s15;
	s16 =	sxor.u32 $0x80000000, s15;
	(xrf0) =	vadd.scan.msk.s32 $0xffff, v17;
	v18 =	vadd.s32 s28, v16  }
0x152: {  	s1 =	simm.s32 $0x8000034F;
	v12 =	vperm.xlane v6, v1;
	s18 =	smov.u32 @p3 s3;
	v17 =	vmov s16;
	s5 =	ssub.s32 s14, s6;
	v5 =	vld [tilespmem:s2+$0x0];
	vm3 =	vlt.s32 v18, v7;
	v6, _, _ =	vpop (xrf0)  }
.LBB2_4:
0x153: {  	p4 =	sne.s32 s1, $0x8000000F  }
0x154: {  	s17 =	smov.u32 @p2 s5;
	s3 =	smov.u32 s19;
	s19 =	smov.u32 s20  }
0x155: {  	s20 =	smov.u32 s21;
	s21 =	smov.u32 s25;
	p2 =	por p1, p1  }
0x156: {  	(xrf0) =	vadd.scan.msk.s32 $0xffff, v12;
	(v2sf) =	vpush v6, $0xF;
	v6 =	vsel vm3, $0x0, v2;
	v18, _, _ =	vpop (xrf0);
	vm4 =	veq.s32 v17, v0;
	p1 =	por p0, p0;
	p0 =	por p3, p3;
	s25 =	smov.u32 s28  }
0x157: {  	s4 =	smov.u32 s0;
	s0 =	smov.u32 s31;
	s31 =	smov.u32 s30;
	(xrf0) =	vmax.scan.msk.f32 $0xffff, v6;
	(v2sf) =	vpush v18, $0xF;
	v6 =	vnsel vm4, $0x0, v15;
	v17 =	vnsel vm4, $0x0, v11;
	v18, _, _ =	vpop (xrf0)  }
0x158: {  	s30 =	smov.u32 s29;
	s29 =	smov.u32 s26;
	s26 =	smov.u32 s22;
	v15 =	vmovc v13;
	v13 =	vmov v14;
	v14 =	vmov v16;
	v11 =	vmov v8;
	(xrf0) =	vadd.scan.msk.s32 $0xffff, v6  }
0x159: {  	s22 =	smov.u32 s23;
	s23 =	smov.u32 s1;
	v8 =	vmovc v9;
	v9 =	vmov v10;
	v6 =	vsel vm3, $0x80000010, v3;
	(xrf0) =	vadd.scan.msk.s32 $0xffff, v5;
	s5 =	spop (v2sf);
	(v2sf) =	vpush v18, $0xF  }
0x15a: {  	p5 =	slt.s32 s18, $0x0;
	v10 =	vmov v12;
	(xrf0) =	vmin.scan.msk.u32 $0xffff, v6;
	p3 =	sgt.f32 s5, $0.0e+00;
	s5 =	spop (v2sf)  }
.Ltmp3:
0x15b: {  	s6 =	spop (v2sf);
	(xrf0) =	vadd.scan.msk.s32 $0xffff, v17;
	s5 =	sadd.s32 s24, s5;
	(pc) =	sbr.rel @p4 .LBB2_4-.Ltmp3, $4  }
0x15c: {  	s2 =	sadd.s32 $0xFFFFFFF0, s2;
	v16, _, _ =	vpop (xrf0);
	p3 =	por !p5, !p3;
	s7 =	spop (v2sf)  }
0x15d: {  	s28 =	sadd.s32 s28, s6;
	v6, _, _ =	vpop (xrf0);
	p3 =	por !p3, !p3;
	s4 =	ssub.s32 s4, s7  }
0x15e: {  	v12 =	vperm.xlane v5, v1;
	v17 =	vadd.s32 s28, v16;
	s6 =	sxor.u32 $0x80000000, s7;
	v5 =	vld [tilespmem:s2+$0x0];
	(v2sf) =	vpush v6, $0xF;
	s18 =	smov.u32 @p3 s4;
	v18, _, _ =	vpop (xrf0);
	s4 =	spop (v2sf)  }
0x15f: {  	s1 =	sadd.s32 $0xFFFFFFF0, s1;
	s24 =	smov.u32 s3;
	vm3 =	vlt.s32 v17, v7;
	v17 =	vmov s6;
	v6, _, _ =	vpop (xrf0);
	(v2sf) =	vpush v18, $0xF;
	s5 =	ssub.s32 s5, s4  }
0x160: {  	(xrf0) =	vadd.scan.msk.s32 $0xffff, v12;
	_ =	sdelay $0x2  }
0x161: {  	s1 =	spop (v2sf)  }
0x162: {  	v18 =	vsel vm3, $0x0, v2;
	vm4 =	veq.s32 v17, v0;
	v36, _, _ =	vpop (xrf0);
	s4 =	spop (v2sf)  }
0x163: {  	(v2sf) =	vpush v6, $0xF;
	(xrf0) =	vmax.scan.msk.f32 $0xffff, v18;
	v15 =	vnsel vm4, $0x0, v15;
	v6, _, _ =	vpop (xrf0);
	s6 =	spop (v2sf)  }
0x164: {  	v37 =	vsel vm3, $0x80000010, v3;
	[dreg:$0x11] =	wrdreg s4;
	(xrf0) =	vadd.scan.msk.s32 $0xffff, v15;
	v38, _, _ =	vpop (xrf0);
	s4 =	spop (v2sf);
	s7 =	sadd.s32 s28, s6  }
0x165: {  	s3 =	sadd.s32 $0xFFFFFFF0, s2;
	(v2sf) =	vpush v36, $0xF;
	(xrf0) =	vadd.scan.msk.s32 $0xffff, v5;
	v41 =	vperm.xlane v5, v1;
	v5 =	vadd.s32 s7, v38;
	s12 =	sxor.u32 $0x80000000, s4  }
0x166: {  	v39 =	vnsel vm4, $0x0, v11;
	v40 =	vld [tilespmem:s3+$0x0];
	(xrf0) =	vmin.scan.msk.u32 $0xffff, v37;
	vm4 =	vlt.s32 v5, v7;
	v5 =	vmov s12  }
0x167: {  	(xrf0) =	vadd.scan.msk.s32 $0xffff, v39  }
0x168: {  	(xrf0) =	vadd.scan.msk.s32 $0xffff, v41;
	v42 =	vsel vm4, $0x0, v2;
	vm3 =	veq.s32 v5, v0  }
0x169: {  	v13 =	vnsel vm3, $0x0, v13;
	v5, _, _ =	vpop (xrf0);
	(xrf0) =	vmax.scan.msk.f32 $0xffff, v42  }
0x16a: {  	(v2sf) =	vpush v6, $0xF;
	v6, _, _ =	vpop (xrf0);
	(xrf0) =	vadd.scan.msk.s32 $0xffff, v13  }
0x16b: {  	v43 =	vsel vm4, $0x80000010, v3;
	(v2sf) =	vpush v5, $0xF;
	v5, _, _ =	vpop (xrf0);
	(xrf0) =	vadd.scan.msk.s32 $0xffff, v40  }
0x16c: {  	(v2sf) =	vpush v6, $0xF;
	v6, _, _ =	vpop (xrf0);
	(xrf0) =	vmin.scan.msk.u32 $0xffff, v43  }
0x16d: {  	(v2sf) =	vpush v5, $0xF;
	v44, _, _ =	vpop (xrf0)  }
0x16e: {  	(v2sf) =	vpush v6, $0xF;
	v5, _, _ =	vpop (xrf0)  }
0x16f: {  	(v2sf) =	vpush v44, $0xF;
	v6, _, _ =	vpop (xrf0)  }
0x170: {  	(v2sf) =	vpush v6, $0xF;
	v6, _, _ =	vpop (xrf0)  }
0x171: {  	s10 =	spop (v2sf);
	v45, _, _ =	vpop (xrf0);
	(v2sf) =	vpush v6, $0xF  }
0x172: {  	s9 =	spop (v2sf);
	(v2sf) =	vpush v45, $0xF;
	v6, _, _ =	vpop (xrf0)  }
0x173: {  	s11 =	spop (v2sf);
	(v2sf) =	vpush v6, $0xF  }
0x174: {  	s13 =	spop (v2sf)  }
0x175: {  	s3 =	sadd.s32 $0xFFFFFFF0, s3;
	s8 =	spop (v2sf);
	s13 =	sadd.s32 s7, s13  }
0x176: {  	v46 =	vld [tilespmem:s3+$0x0];
	v47 =	vadd.s32 s13, v5;
	s14 =	sxor.u32 $0x80000000, s8;
	v6 =	vnsel vm3, $0x0, v8;
	v8 =	vperm.xlane v40, v1  }
0x177: {  	vm3 =	vlt.s32 v47, v7;
	(xrf0) =	vadd.scan.msk.s32 $0xffff, v6;
	v6 =	vmov s14  }
0x178: {  	v15 =	vsel vm3, $0x0, v2;
	(xrf0) =	vadd.scan.msk.s32 $0xffff, v8;
	vm4 =	veq.s32 v6, v0  }
0x179: {  	s6 =	spop (v2sf);
	(xrf0) =	vmax.scan.msk.f32 $0xffff, v15;
	v6 =	vnsel vm4, $0x0, v14  }
0x17a: {  	(xrf0) =	vadd.scan.msk.s32 $0xffff, v6;
	s3 =	spop (v2sf)  }
0x17b: {  	v6 =	vsel vm3, $0x80000010, v3;
	(xrf0) =	vadd.scan.msk.s32 $0xffff, v46;
	s16 =	spop (v2sf)  }
0x17c: {  	[dreg:$0xf] =	wrdreg s7;
	v49 =	vperm.xlane v46, v1;
	v48 =	vnsel vm4, $0x0, v9;
	(xrf0) =	vmin.scan.msk.u32 $0xffff, v6;
	s7 =	spop (v2sf)  }
0x17d: {  	v50, _, _ =	vpop (xrf0);
	(xrf0) =	vadd.scan.msk.s32 $0xffff, v48;
	s2 =	spop (v2sf)  }
0x17e: {  	v6, _, _ =	vpop (xrf0);
	(xrf0) =	vadd.scan.msk.s32 $0xffff, v49;
	s12 =	spop (v2sf)  }
0x17f: {  	v51, _, _ =	vpop (xrf0);
	s14 =	spop (v2sf)  }
0x180: {  	[dreg:$0x12] =	wrdreg s1;
	s7 =	sadd.s32 s13, s7;
	v52, _, _ =	vpop (xrf0);
	s15 =	spop (v2sf)  }
0x181: {  	v53 =	vadd.s32 s7, v6;
	v19, _, _ =	vpop (xrf0);
	[dreg:$0x13] =	wrdreg s15;
	s15 =	sxor.u32 $0x80000000, s2;
	s1 =	spop (v2sf)  }
0x182: {  	vm3 =	vlt.s32 v53, v7;
	v54, _, _ =	vpop (xrf0);
	v20 =	vmov s15;
	s15 =	spop (v2sf)  }
0x183: {  	[dreg:$0x10] =	wrdreg s13;
	(v2sf) =	vpush v50, $0xF;
	v55 =	vsel vm3, $0x0, v2;
	v56, _, _ =	vpop (xrf0);
	vm4 =	veq.s32 v20, v0;
	s13 =	sxor.u32 $0x80000000, s15  }
0x184: {  	(xrf0) =	vmax.scan.msk.f32 $0xffff, v55;
	v58, _, _ =	vpop (xrf0);
	v20 =	vmov s13;
	v57 =	vnsel vm4, $0x0, v16;
	s13 =	sadd.s32 s7, s1  }
0x185: {  	(v2sf) =	vpush v51, $0xF;
	v59 =	vsel vm3, $0x80000010, v3;
	(xrf0) =	vadd.scan.msk.s32 $0xffff, v57;
	v60 =	vadd.s32 s13, v58  }
0x186: {  	(v2sf) =	vpush v52, $0xF;
	v10 =	vnsel vm4, $0x0, v10;
	(xrf0) =	vmin.scan.msk.u32 $0xffff, v59;
	vm4 =	vlt.s32 v60, v7  }
0x187: {  	(v2sf) =	vpush v19, $0xF;
	vm3 =	veq.s32 v20, v0;
	(xrf0) =	vadd.scan.msk.s32 $0xffff, v10;
	v7 =	vsel vm4, $0x0, v2  }
0x188: {  	(v2sf) =	vpush v54, $0xF;
	(xrf0) =	vmax.scan.msk.f32 $0xffff, v7;
	v7 =	vnsel vm3, $0x0, v38  }
0x189: {  	(xrf0) =	vadd.scan.msk.s32 $0xffff, v7;
	v7 =	vsel vm4, $0x80000010, v3;
	_ =	sdelay $0x1  }
0x18a: {  	p5 =	slt.s32 s18, $0x0;
	s17 =	smov.u32 @p2 s5;
	(v2sf) =	vpush v56, $0xF;
	v61, _, _ =	vpop (xrf0);
	(xrf0) =	vmin.scan.msk.u32 $0xffff, v7  }
0x18b: {  	p1 =	por p1, p1;
	p3 =	por p3, p3;
	s1 =	rddreg [dreg:$0x12];
	(v2sf) =	vpush v61, $0xF;
	v7, _, _ =	vpop (xrf0)  }
0x18c: {  	p0 =	por p0, p0;
	p3 =	por p3, p3;
	p4 =	sgt.f32 s1, $0.0e+00;
	(v2sf) =	vpush v7, $0xF;
	v7, _, _ =	vpop (xrf0)  }
0x18d: {  	p0 =	por p0, p0;
	p3 =	por p3, p3;
	s5 =	rddreg [dreg:$0x11];
	(v2sf) =	vpush v7, $0xF;
	v7, _, _ =	vpop (xrf0)  }
0x18e: {  	s0 =	ssub.s32 s0, s4;
	s11 =	sadd.s32 s19, s11;
	p4 =	por !p5, !p4;
	(v2sf) =	vpush v7, $0xF;
	v7, _, _ =	vpop (xrf0)  }
0x18f: {  	s2 =	ssub.s32 s30, s2;
	s1 =	sadd.s32 s24, s5;
	p2 =	por !p4, !p4;
	(v2sf) =	vpush v7, $0xF;
	v7, _, _ =	vpop (xrf0)  }
0x190: {  	p5 =	sgt.f32 s9, $0.0e+00;
	s18 =	smov.u32 @p2 s0;
	s0 =	ssub.s32 s1, s10;
	(v2sf) =	vpush v7, $0xF;
	v7, _, _ =	vpop (xrf0)  }
0x191: {  	s1 =	ssub.s32 s31, s8;
	p2 =	por p2, p2;
	s4 =	spop (v2sf);
	(v2sf) =	vpush v7, $0xF  }
0x192: {  	p6 =	slt.s32 s18, $0x0;
	s17 =	smov.u32 @p1 s0;
	s0 =	ssub.s32 s11, s6  }
0x193: {  	s11 =	rddreg [dreg:$0x13];
	p4 =	por !p6, !p5;
	s19 =	spop (v2sf)  }
0x194: {  	p5 =	sgt.f32 s3, $0.0e+00;
	p1 =	por !p4, !p4;
	s5 =	spop (v2sf)  }
0x195: {  	s17 =	smov.u32 @p0 s0;
	s18 =	smov.u32 @p1 s1;
	s6 =	spop (v2sf)  }
0x196: {  	s3 =	sadd.s32 s20, s16;
	p6 =	slt.s32 s18, $0x0;
	s0 =	spop (v2sf);
	v7 =	vnsel vm3, $0x0, v12  }
0x197: {  	s10 =	sadd.s32 s21, s11;
	p0 =	por !p6, !p5;
	s8 =	sxor.u32 $0x80000000, s0;
	(xrf0) =	vadd.scan.msk.s32 $0xffff, v7  }
0x198: {  	s4 =	ssub.s32 s10, s4;
	p5 =	sgt.f32 s14, $0.0e+00;
	p0 =	por !p0, !p0;
	v7 =	vmov s8  }
0x199: {  	s18 =	smov.u32 @p0 s2;
	s2 =	ssub.s32 s3, s12;
	s9 =	spop (v2sf);
	vm3 =	veq.s32 v7, v0  }
0x19a: {  	s0 =	ssub.s32 s26, s0;
	p0 =	por p0, p0;
	v5 =	vnsel vm3, $0x0, v5;
	s24 =	spop (v2sf)  }
0x19b: {  	s17 =	smov.u32 @p3 s2;
	p6 =	slt.s32 s18, $0x0;
	s30 =	spop (v2sf)  }
0x19c: {  	p3 =	por p2, p2;
	p5 =	por !p6, !p5;
	(xrf0) =	vadd.scan.msk.s32 $0xffff, v5;
	s31 =	spop (v2sf)  }
0x19d: {  	s8 =	ssub.s32 s29, s15;
	p6 =	sgt.f32 s19, $0.0e+00;
	v5, _, _ =	vpop (xrf0);
	s12 =	spop (v2sf)  }
0x19e: {  	p3 =	por p3, p3;
	p2 =	por !p5, !p5;
	(v2sf) =	vpush v5, $0xF;
	s15 =	spop (v2sf)  }
0x19f: {  	s18 =	smov.u32 @p2 s8;
	v5 =	vnsel vm3, $0x0, v41;
	s14 =	sxor.u32 $0x80000000, s31;
	s16 =	spop (v2sf)  }
0x1a0: {  	s17 =	smov.u32 @p3 s4;
	p5 =	slt.s32 s18, $0x0;
	(xrf0) =	vadd.scan.msk.s32 $0xffff, v5;
	v5 =	vmov s14;
	s19 =	spop (v2sf)  }
0x1a1: {  	p3 =	por !p5, !p6;
	p6 =	por p1, p1;
	vm3 =	veq.s32 v5, v0;
	s20 =	sxor.u32 $0x80000000, s19  }
0x1a2: {  	p0 =	por p0, p0;
	p1 =	por !p3, !p3;
	p4 =	por p6, p6;
	v7, _, _ =	vpop (xrf0);
	v5 =	vnsel vm3, $0x0, v6;
	v6 =	vmov s20  }
0x1a3: {  	s18 =	smov.u32 @p1 s0;
	p3 =	por p4, p4;
	p4 =	sgt.f32 s24, $0.0e+00;
	(v2sf) =	vpush v7, $0xF;
	v7 =	vnsel vm3, $0x0, v8;
	(xrf0) =	vadd.scan.msk.s32 $0xffff, v5;
	vm3 =	veq.s32 v6, v0  }
0x1a4: {  	s5 =	sadd.s32 s25, s5;
	p0 =	por p0, p0;
	p5 =	slt.s32 s18, $0x0;
	(xrf0) =	vadd.scan.msk.s32 $0xffff, v7;
	v5 =	vnsel vm3, $0x0, v58  }
0x1a5: {  	p6 =	por p2, p2;
	s0 =	ssub.s32 s5, s9;
	p4 =	por !p5, !p4;
	v7 =	vnsel vm3, $0x0, v49;
	(xrf0) =	vadd.scan.msk.s32 $0xffff, v5  }
0x1a6: {  	s17 =	smov.u32 @p3 s0;
	p2 =	por !p4, !p4;
	s2 =	ssub.s32 s22, s31;
	v6, _, _ =	vpop (xrf0);
	(xrf0) =	vadd.scan.msk.s32 $0xffff, v7  }
0x1a7: {  	s21 =	sadd.s32 s28, s30;
	s18 =	smov.u32 @p2 s2;
	p4 =	sgt.f32 s15, $0.0e+00  }
0x1a8: {  	p5 =	por p6, p6;
	s0 =	ssub.s32 s21, s12;
	p6 =	slt.s32 s18, $0x0  }
0x1a9: {  	s17 =	smov.u32 @p0 s0;
	p0 =	por !p6, !p4;
	(v2sf) =	vpush v6, $0xF;
	v5, _, _ =	vpop (xrf0)  }
0x1aa: {  	s0 =	ssub.s32 s23, s19;
	p0 =	por !p0, !p0;
	(v2sf) =	vpush v5, $0xF;
	v5, _, _ =	vpop (xrf0)  }
0x1ab: {  	s6 =	simm.s32 $0x400;
	s8 =	simm.s32 $0x800;
	s18 =	smov.u32 @p0 s0;
	(v2sf) =	vpush v5, $0xF;
	v5, _, _ =	vpop (xrf0)  }
0x1ac: {  	p3 =	por p5, p5;
	s22 =	rddreg [dreg:$0xf];
	s25 =	sand.u32 $0x70, s18;
	(v2sf) =	vpush v5, $0xF;
	v5, _, _ =	vpop (xrf0)  }
0x1ad: {  	s1 =	sadd.s32 s22, s16;
	s24 =	sshll.u32 s18, $0x3;
	s23 =	spop (v2sf);
	(v2sf) =	vpush v5, $0xF;
	v5 =	vmov s25  }
0x1ae: {  	s0 =	simm.s32 $0x0;
	s26 =	sand.u32 $0xFFFFFC00, s24;
	s1 =	ssub.s32 s1, s23  }
0x1af: {  	s28 =	sand.u32 $0x6000, s0;
	s17 =	smov.u32 @p3 s1;
	s1 =	sadd.s32 $0x4000, s26  }
0x1b0: {  	s5 =	sand.u32 $0x6000, s6;
	s30 =	sand.u32 $0x380, s0;
	s2 =	sadd.s32 s28, s1  }
0x1b1: {  	s9 =	simm.s32 $0x100;
	s31 =	simm.s32 $0x80;
	s2 =	sadd.s32 s30, s2  }
0x1b2: {  	s6 =	sand.u32 $0x6000, s8;
	s4 =	sand.u32 $0x380, s31;
	s5 =	sadd.s32 s5, s1;
	v6 =	vld.idx.msk [tilespmem:v5+s2+$0x0 ss:$0x1], $0xffff  }
0x1b3: {  	s11 =	sand.u32 $0x380, s9;
	s12 =	sadd.s32 s6, s1;
	s10 =	sadd.s32 s4, s5  }
0x1b4: {  	s19 =	sand.u32 $0xF, s18;
	s16 =	sadd.s32 s11, s12;
	v7 =	vld.idx.msk [tilespmem:v5+s10+$0x0 ss:$0x1], $0xffff  }
0x1b5: {  	v62 =	vmov s19;
	v8 =	vld.idx.msk [tilespmem:v5+s16+$0x0 ss:$0x1], $0xffff  }
0x1b6: {  	vm3 =	veq.s32 v62, v0  }
0x1b7: {  	v6 =	vnsel vm3, $0x0, v6  }
0x1b8: {  	(xrf0) =	vadd.scan.msk.s32 $0xffff, v6  }
0x1b9: {  	v6 =	vnsel vm3, $0x0, v7  }
0x1ba: {  	p1 =	por p1, p1;
	(xrf0) =	vadd.scan.msk.s32 $0xffff, v6;
	v6 =	vnsel vm3, $0x0, v8  }
0x1bb: {  	p1 =	por p1, p1;
	(xrf0) =	vadd.scan.msk.s32 $0xffff, v6  }
0x1bc: {  	s8 =	simm.s32 $0x280;
	s9 =	simm.s32 $0x1400;
	p1 =	por p1, p1  }
0x1bd: {  	p2 =	por p2, p2;
	s14 =	rddreg [dreg:$0x10];
	s29 =	spop (v2sf)  }
0x1be: {  	p2 =	por p2, p2;
	s22 =	simm.s32 $0xC00;
	s15 =	spop (v2sf);
	v6, _, _ =	vpop (xrf0)  }
0x1bf: {  	p5 =	por p0, p0;
	p0 =	por p2, p2;
	s20 =	spop (v2sf);
	(v2sf) =	vpush v6, $0xF  }
0x1c0: {  	s23 =	simm.s32 $0x180;
	s3 =	sadd.s32 s14, s29;
	s21 =	spop (v2sf);
	v8, _, _ =	vpop (xrf0)  }
0x1c1: {  	s4 =	sand.u32 $0x6000, s22;
	s3 =	ssub.s32 s3, s15;
	s24 =	spop (v2sf);
	(v2sf) =	vpush v8, $0xF;
	v63, _, _ =	vpop (xrf0)  }
0x1c2: {  	s4 =	sadd.s32 s4, s1;
	s17 =	smov.u32 @p1 s3;
	s3 =	sand.u32 $0x380, s23;
	(v2sf) =	vpush v63, $0xF  }
0x1c3: {  	p6 =	por p5, p5;
	s28 =	simm.s32 $0x1000;
	s3 =	sadd.s32 s3, s4  }
0x1c4: {  	s26 =	sand.u32 $0xFFFFFFF0, s18;
	s30 =	sand.u32 $0x6000, s28;
	s29 =	simm.s32 $0x200;
	v7 =	vld.idx.msk [tilespmem:v5+s3+$0x0 ss:$0x1], $0xffff  }
0x1c5: {  	s31 =	sadd.s32 s30, s1;
	s14 =	rddreg [dreg:$0x9];
	s6 =	sand.u32 $0x380, s29  }
0x1c6: {  	s6 =	sadd.s32 s6, s31;
	s2 =	sadd.s32 s7, s20;
	s4 =	simm.s32 $0x2  }
0x1c7: {  	s7 =	simm.s32 $0x5;
	s2 =	ssub.s32 s2, s21;
	s3 =	simm.s32 $0x1  }
0x1c8: {  	s17 =	smov.u32 @p0 s2;
	s5 =	sadd.s32 s13, s24;
	s25 =	spop (v2sf)  }
0x1c9: {  	p0 =	por p6, p6;
	s2 =	ssub.s32 s5, s25;
	s5 =	simm.s32 $0x4;
	v6 =	vld [tilespmem:s26+$0xC000];
	v8 =	vnsel vm3, $0x0, v7  }
0x1ca: {  	s17 =	smov.u32 @p0 s2;
	s2 =	simm.s32 $0x3;
	v7 =	vld.idx.msk [tilespmem:v5+s6+$0x0 ss:$0x1], $0xffff;
	s6 =	simm.s32 $0x0;
	(xrf0) =	vadd.scan.msk.s32 $0xffff, v8  }
.LBB2_6:
0x1cb: {  	s10 =	sand.u32 $0x6000, s9  }
0x1cc: {  	p0 =	sne.s32 s7, $0x1F;
	s11 =	smov.u32 s7;
	s7 =	sadd.s32 $0x1, s7  }
.Ltmp4:
0x1cd: {  	s12 =	sand.u32 $0x380, s8;
	s10 =	sadd.s32 s10, s1;
	(pc) =	sbr.rel @p0 .LBB2_6-.Ltmp4, $4  }
0x1ce: {  	p1 =	slt.u32 s0, s14;
	s10 =	sadd.s32 s12, s10;
	s12 =	spop (v2sf)  }
0x1cf: {  	s0 =	smov.u32 s3;
	s3 =	smov.u32 s4;
	v9 =	vnsel vm3, $0x0, v7;
	v7 =	vld.idx.msk [tilespmem:v5+s10+$0x0 ss:$0x1], $0xffff;
	s12 =	simm.s32 @!p1 $0x0  }
0x1d0: {  	s4 =	smov.u32 s2;
	s2 =	smov.u32 s5;
	(xrf0) =	vadd.scan.msk.s32 $0xffff, v9;
	v8, _, _ =	vpop (xrf0);
	s6 =	sadd.s32 s6, s12  }
0x1d1: {  	s8 =	sadd.s32 $0x80, s8;
	s9 =	sadd.s32 $0x400, s9;
	s5 =	smov.u32 s11;
	(v2sf) =	vpush v8, $0xF  }
0x1d2: {  	_ =	sdelay $0x1  }
0x1d3: {  	v5 =	vnsel vm3, $0x0, v7  }
0x1d4: {  	(xrf0) =	vadd.scan.msk.s32 $0xffff, v5;
	v5 =	vld [tilespmem:$0x1FF10];
	_ =	sdelay $0x4  }
0x1d5: {  	v5 =	vnsel vm1, $0x0, v5  }
0x1d6: {  	(xrf0) =	vadd.scan.msk.s32 $0xffff, v5;
	v5 =	vnsel vm1, $0x0, v21  }
0x1d7: {  	(xrf0) =	vadd.scan.msk.s32 $0xffff, v5;
	v5 =	vnsel vm3, $0x0, v6  }
0x1d8: {  	(xrf0) =	vadd.scan.msk.s32 $0xffff, v5;
	_ =	sdelay $0x1  }
0x1d9: {  	v5, _, _ =	vpop (xrf0)  }
0x1da: {  	v6, _, _ =	vpop (xrf0);
	(v2sf) =	vpush v5, $0xF  }
0x1db: {  	v5, _, _ =	vpop (xrf0);
	(v2sf) =	vpush v6, $0xF  }
0x1dc: {  	(v2sf) =	vpush v5, $0xF;
	v5, _, _ =	vpop (xrf0)  }
0x1dd: {  	(v2sf) =	vpush v5, $0xF;
	v5, _, _ =	vpop (xrf0)  }
0x1de: {  	(v2sf) =	vpush v5, $0xF;
	_ =	sdelay $0x7  }
0x1df: {  	p0 =	slt.u32 s0, s14;
	s0 =	spop (v2sf);
	s31 =	rddreg [dreg:$0xe]  }
0x1e0: {  	s0 =	simm.s32 @!p0 $0x0;
	s1 =	spop (v2sf);
	p0 =	slt.u32 s3, s14  }
0x1e1: {  	s1 =	simm.s32 @!p0 $0x0;
	p0 =	slt.u32 s4, s14;
	s3 =	spop (v2sf)  }
0x1e2: {  	s0 =	sadd.s32 s6, s0;
	s3 =	simm.s32 @!p0 $0x0;
	s4 =	spop (v2sf)  }
0x1e3: {  	p0 =	slt.u32 s2, s14;
	s2 =	sadd.s32 s17, s31;
	s6 =	spop (v2sf)  }
0x1e4: {  	s0 =	sadd.s32 s0, s1;
	s2 =	ssub.s32 $0x2000, s2;
	s1 =	spop (v2sf)  }
0x1e5: {  	s4 =	simm.s32 @!p0 $0x0;
	p0 =	slt.u32 s5, s14;
	s30 =	spop (v2sf)  }
0x1e6: {  	s6 =	simm.s32 @!p0 $0x0;
	p0 =	slt.s32 s1, $0x0;
	s5 =	spop (v2sf)  }
0x1e7: {  	p1 =	sne.s32 @!p0 s5, s2  }
0x1e8: {  	p0 =	por p0, !p1  }
.Ltmp5:
0x1e9: {  	_ = 	snop;
	(pc) =	sbr.rel @p0 .LBB2_8-.Ltmp5, $4  }
0x1ea: {  	_ = 	snop  }
0x1eb: {  	s0 =	sadd.s32 s0, s3;
	s7 =	sshll.u32 s1, $0x14;
	s3 =	sshll.u32 s30, $0xA  }
0x1ec: {  	s0 =	sadd.s32 s0, s4;
	s3 =	sor.u32 s7, s3  }
0x1ed: {  	s0 =	sadd.s32 s0, s6;
	s3 =	sor.u32 s18, s3  }
0x1ee: {  	v5 =	vmov s3;
	s3 =	simm.s32 $0x0;
	s5 =	simm.s32 $0x0;
	s6 =	rddreg [dreg:$0x0]  }
0x1ef: {  	s13 =	simm.s32 $0x0;
	s7 =	simm.s32 $0x0;
	s8 =	rddreg [dreg:$0xa]  }
0x1f0: {  	v6 =	vmov s2;
	s9 =	rddreg [dreg:$0xb];
	s10 =	simm.s32 $0x1;
	s12 =	simm.s32 $0x2000  }
.LBB2_13:
0x1f1: {  	s1 =	sshll.u32 s13, $0xD  }
0x1f2: {  	s1 =	sadd.s32 s9, s1  }
0x1f3: {  	s16 =	sshrl.u32 s1, $0x3  }
0x1f4: {  	s1 =	sadd.s32 s6, s16  }
0x1f5: {  	[tilespmem:s3], [sflag:$0x1] =	stream.linear.gather [hbm4b:s1+s3], $0x2000, $0x38;
	[tilespmem:$0xC480] =	vst v63  }
0x1f6: {  	_ =	swait.ge [sflag:s10], $0x2000  }
0x1f7: {  	[sflag:s10] =	ssyncset.done $0x0  }
0x1f8: {  	s11 =	simm.s32 $0x0;
	[sflag:s10] =	ssyncadd.s32 $0xFFFFE000  }
0x1f9: {  	v11 =	vld [tilespmem:s11+$0x0];
	_ =	sdelay $0x2  }
0x1fa: {  	s4 =	simm.s32 $0x10  }
0x1fb: {  	v9 =	vld [tilespmem:s4+$0x0]  }
0x1fc: {  	vm3 =	veq.s32 v5, v11  }
0x1fd: {  	v7 =	vsel vm3, $0x1, v4  }
0x1fe: {  	(xrf0) =	vadd.scan.msk.s32 $0xffff, v7;
	_ =	sdelay $0x1  }
0x1ff: {  	vm4 =	veq.s32 v5, v9  }
0x200: {  	s18 =	simm.s32 $0x20;
	v7 =	vsel vm4, $0x1, v4  }
0x201: {  	v8 =	vld [tilespmem:s18+$0x0];
	(xrf0) =	vadd.scan.msk.s32 $0xffff, v7;
	_ =	sdelay $0x1  }
0x202: {  	v14, _, _ =	vpop (xrf0)  }
0x203: {  	v7 =	vsel vm2, $0x0, v14  }
0x204: {  	s17 =	simm.s32 $0x30;
	(xrf0) =	vadd.scan.msk.s32 $0xffff, v7  }
0x205: {  	vm5 =	veq.s32 v5, v8;
	v7 =	vld [tilespmem:s17+$0x0]  }
0x206: {  	v10 =	vsel vm5, $0x1, v4;
	v12, _, _ =	vpop (xrf0)  }
0x207: {  	(xrf0) =	vadd.scan.msk.s32 $0xffff, v10;
	v10 =	vsel vm2, $0x0, v12  }
0x208: {  	(xrf0) =	vadd.scan.msk.s32 $0xffff, v10;
	_ =	sdelay $0x1  }
0x209: {  	vm9 =	veq.s32 v5, v7;
	v10, _, _ =	vpop (xrf0)  }
0x20a: {  	v15 =	vsel vm9, $0x1, v4;
	(v2sf) =	vpush v10, $0xF;
	_ =	sdelay $0x1  }
0x20b: {  	vm6 =	vlt.s32 v5, v11;
	v13, _, _ =	vpop (xrf0)  }
0x20c: {  	vm7 =	vlt.s32 v5, v9;
	vm8 =	vlt.s32 v5, v8;
	vm6 =	vmmov vm6;
	(xrf0) =	vadd.scan.msk.s32 $0xffff, v15;
	v15, _, _ =	vpop (xrf0)  }
0x20d: {  	vm3 =	vmmov vm3;
	vm7 =	vmmov vm7;
	(v2sf) =	vpush v15, $0xF  }
0x20e: {  	s19 =	simm.s32 $0x40;
	vm11 =	vmmov vm8;
	vm13 =	vmmov vm5;
	vm6 =	vmmov vm6  }
0x20f: {  	vm3 =	vmmov vm3;
	vm4 =	vmmov vm4;
	v10 =	vld [tilespmem:s19+$0x0];
	v16 =	vsel vm2, $0x0, v13  }
0x210: {  	vm10 =	vmmov vm7;
	vm6 =	vmmov vm6;
	vm3 =	vmmov vm3;
	(xrf0) =	vadd.scan.msk.s32 $0xffff, v16  }
0x211: {  	s31 =	sadd.s32 s0, s5;
	vm12 =	vmmov vm4;
	vm10 =	vmmov vm10;
	vm4 =	vmmov vm11  }
0x212: {  	vm8 =	vmmov vm3;
	vm7 =	vmmov vm6;
	v17 =	vadd.s32 s31, v14  }
0x213: {  	vm12 =	vmmov vm12;
	vm6 =	vmmov vm13;
	vm14 =	vle.s32 v17, v6  }
0x214: {  	vm5 =	vlt.s32 v5, v7;
	vm3 =	vmmov vm9;
	vm9 =	veq.s32 v5, v10  }
0x215: {  	s20 =	simm.s32 $0x50;
	s1 =	simm.s32 $0x180;
	vm5 =	vmmov vm5;
	vm11 =	vlt.s32 v5, v10;
	v15 =	vsel vm9, $0x1, v4;
	v14, _, _ =	vpop (xrf0)  }
.LBB2_14:
0x216: {  	p0 =	sne.s32 s1, $0x7FC0;
	v16 =	vld [tilespmem:s20+$0x0];
	(xrf0) =	vadd.scan.msk.s32 $0xffff, v15;
	v15 =	vsel vm2, $0x0, v14;
	v17, _, _ =	vpop (xrf0);
	vm13 =	vmand vm8, vm14;
	vm8 =	vmmov vm12  }
0x217: {  	(xrf0) =	vadd.scan.msk.s32 $0xffff, v15;
	(v2sf) =	vpush v17, $0xF;
	vm12 =	vmor vm7, vm13;
	vm7 =	vmmov vm10  }
.Ltmp6:
0x218: {  	v15 =	vnsel vm12, $0x0, v11;
	s2 =	spop (v2sf);
	v11 =	vmovc v9;
	v9 =	vmovc v8;
	v8 =	vmov v7;
	v7 =	vmov v10;
	(pc) =	sbr.rel @p0 .LBB2_14-.Ltmp6, $4  }
0x219: {  	vm10 =	vmmov vm4;
	vm4 =	vmmov vm5;
	vm5 =	vmmov vm11;
	[tilespmem:s11+$0x2000] =	vst v15;
	s5 =	sadd.s32 s5, s2;
	s11 =	smov.u32 s4;
	s4 =	smov.u32 s18  }
0x21a: {  	vm12 =	vmmov vm6;
	vm6 =	vmmov vm3;
	vm3 =	vmmov vm9;
	s18 =	smov.u32 s17;
	s17 =	smov.u32 s19;
	s2 =	sadd.s32 s0, s5  }
0x21b: {  	s19 =	smov.u32 s20;
	vm11 =	vlt.s32 v5, v16;
	vm9 =	veq.s32 v5, v16;
	v17 =	vadd.s32 s2, v12;
	v10 =	vmovc v16;
	v12 =	vmovc v13  }
0x21c: {  	s20 =	sshra.s32 s1, $0x2;
	s1 =	sadd.s32 $0x40, s1;
	v13 =	vmov v14;
	v15 =	vsel vm9, $0x1, v4;
	vm14 =	vle.s32 v17, v6;
	v14, _, _ =	vpop (xrf0)  }
0x21d: {  	v16 =	vld [tilespmem:s20+$0x0];
	(xrf0) =	vadd.scan.msk.s32 $0xffff, v15;
	_ =	sdelay $0x4  }
0x21e: {  	v52 =	vsel vm2, $0x0, v14;
	v17, _, _ =	vpop (xrf0);
	vm13 =	veq.s32 v5, v16  }
0x21f: {  	(xrf0) =	vadd.scan.msk.s32 $0xffff, v52;
	v53 =	vsel vm13, $0x1, v4;
	v18, _, _ =	vpop (xrf0)  }
0x220: {  	(xrf0) =	vadd.scan.msk.s32 $0xffff, v53;
	v54 =	vsel vm2, $0x0, v18  }
0x221: {  	(xrf0) =	vadd.scan.msk.s32 $0xffff, v54;
	_ =	sdelay $0x2  }
0x222: {  	(v2sf) =	vpush v17, $0xF  }
0x223: {  	v55, _, _ =	vpop (xrf0)  }
0x224: {  	v56, _, _ =	vpop (xrf0)  }
0x225: {  	(v2sf) =	vpush v55, $0xF;
	v57, _, _ =	vpop (xrf0)  }
0x226: {  	(v2sf) =	vpush v57, $0xF;
	_ =	sdelay $0x1  }
0x227: {  	vm8 =	vmand vm8, vm14;
	vm12 =	vmmov vm12  }
0x228: {  	vm4 =	vmmov vm4;
	vm5 =	vmmov vm5;
	v58 =	vsel vm2, $0x0, v56  }
0x229: {  	s1 =	spop (v2sf);
	vm6 =	vmmov vm6;
	vm3 =	vmmov vm3;
	vm9 =	vmmov vm9;
	(xrf0) =	vadd.scan.msk.s32 $0xffff, v58  }
0x22a: {  	vm7 =	vmor vm7, vm8;
	vm8 =	vmmov vm10;
	s1 =	sadd.s32 s5, s1;
	vm6 =	vmmov vm6  }
0x22b: {  	vm4 =	vmmov vm4;
	vm5 =	vmmov vm5;
	vm3 =	vmmov vm3;
	s2 =	sadd.s32 s0, s1  }
0x22c: {  	vm9 =	vmmov vm9;
	v11 =	vnsel vm7, $0x0, v11;
	v12 =	vadd.s32 s2, v12;
	s24 =	spop (v2sf)  }
0x22d: {  	vm7 =	vmmov vm11;
	vm3 =	vmmov vm3;
	vm14 =	vle.s32 v12, v6;
	s1 =	sadd.s32 s1, s24  }
0x22e: {  	vm5 =	vmmov vm5;
	vm7 =	vmmov vm7;
	vm10 =	vmand vm12, vm14;
	s2 =	sadd.s32 s0, s1  }
0x22f: {  	vm15 =	vlt.s32 v5, v16;
	vm8 =	vmor vm8, vm10;
	v60 =	vadd.s32 s2, v13;
	v59, _, _ =	vpop (xrf0)  }
0x230: {  	vm14 =	vmmov vm15;
	vm15 =	vle.s32 v60, v6;
	s25 =	spop (v2sf);
	(v2sf) =	vpush v59, $0xF  }
0x231: {  	vm12 =	vmmov vm13;
	v9 =	vnsel vm8, $0x0, v9;
	vm6 =	vmand vm6, vm15;
	s1 =	sadd.s32 s1, s25  }
0x232: {  	vm15 =	vmmov vm12;
	vm4 =	vmor vm4, vm6;
	vm6 =	vmmov vm14;
	s2 =	sadd.s32 s0, s1  }
0x233: {  	vm14 =	vmmov vm9;
	v8 =	vnsel vm4, $0x0, v8;
	v61 =	vadd.s32 s2, v14;
	s26 =	spop (v2sf)  }
0x234: {  	vm4 =	vmmov vm7;
	vm12 =	vmmov vm14;
	vm13 =	vle.s32 v61, v6;
	s1 =	sadd.s32 s1, s26;
	s28 =	spop (v2sf)  }
0x235: {  	vm4 =	vmmov vm4;
	vm3 =	vmand vm3, vm13;
	vm13 =	vmmov vm15;
	s2 =	sadd.s32 s1, s28;
	s1 =	sadd.s32 s0, s1  }
0x236: {  	vm3 =	vmor vm5, vm3;
	vm5 =	vmmov vm13;
	v62 =	vadd.s32 s1, v18;
	s29 =	sadd.s32 s0, s2  }
0x237: {  	[tilespmem:s11+$0x2000] =	vst v11;
	v7 =	vnsel vm3, $0x0, v7;
	vm14 =	vle.s32 v62, v6;
	v63 =	vadd.s32 s29, v56  }
0x238: {  	[tilespmem:s4+$0x2000] =	vst v9;
	vm3 =	vmmov vm6;
	vm6 =	vmand vm12, vm14;
	vm15 =	vle.s32 v63, v6  }
0x239: {  	[tilespmem:s18+$0x2000] =	vst v8;
	vm3 =	vmmov vm3;
	vm4 =	vmor vm4, vm6;
	vm5 =	vmand vm5, vm15  }
0x23a: {  	[tilespmem:s17+$0x2000] =	vst v7;
	v7 =	vnsel vm4, $0x0, v10;
	vm3 =	vmor vm3, vm5  }
0x23b: {  	s13 =	sadd.s32 $0x1, s13;
	[tilespmem:s19+$0x2000] =	vst v7;
	v7 =	vnsel vm3, $0x0, v16  }
0x23c: {  	s31 =	sadd.s32 s8, s16;
	p0 =	sne.s32 s13, $0x10;
	[tilespmem:s20+$0x2000] =	vst v7  }
0x23d: {  	[hbm4b:s31+s7] =	stream.linear.scatter [tilespmem:s12], [sflag:$0x1], $0x2000, $0x38;
	[tilespmem:$0xC480] =	vst v63  }
.Ltmp7:
0x23e: {  	_ = 	snop;
	(pc) =	sbr.rel @p0 .LBB2_13-.Ltmp7, $4  }
.Ltmp8:
0x23f: {  	s30 =	spop (v2sf);
	(pc) =	sbr.rel @!p0 .LBB2_16-.Ltmp8, $4  }
0x240: {  	_ =	swait.ge [sflag:s10], $0x2000  }
0x241: {  	[sflag:s10] =	ssyncset.done $0x0  }
0x242: {  	s5 =	sadd.s32 s2, s30;
	[sflag:s10] =	ssyncadd.s32 $0xFFFFE000  }
0x243: {  	_ = 	snop  }
.LBB2_8:
0x244: {  	p0 =	sgt.s32 s1, $0xFFFFFFFF;
	s0 =	simm.s32 $0x0;
	s5 =	rddreg [dreg:$0x0]  }
0x245: {  	s7 =	simm.s32 $0x0;
	s8 =	rddreg [dreg:$0xa];
	s3 =	simm.s32 @!p0 $0x1  }
0x246: {  	s9 =	rddreg [dreg:$0xb];
	s10 =	simm.s32 $0x1;
	s6 =	simm.s32 $0x2000;
	v5 =	vmov s3  }
.LBB2_9:
0x247: {  	s1 =	sshll.u32 s0, $0xD  }
0x248: {  	s1 =	sadd.s32 s9, s1  }
0x249: {  	s1 =	sshrl.u32 s1, $0x3  }
0x24a: {  	s2 =	sadd.s32 s5, s1  }
0x24b: {  	[tilespmem:s7], [sflag:$0x1] =	stream.linear.gather [hbm4b:s2+s7], $0x2000, $0x38;
	[tilespmem:$0xC480] =	vst v63  }
0x24c: {  	_ =	swait.ge [sflag:s10], $0x2000  }
0x24d: {  	[sflag:s10] =	ssyncset.done $0x0  }
0x24e: {  	s4 =	simm.s32 $0x40;
	[sflag:s10] =	ssyncadd.s32 $0xFFFFE000  }
0x24f: {  	v9 =	vld [tilespmem:s4+$0x30]  }
0x250: {  	v12 =	vld [tilespmem:s4+$0xFFFFFFD0]  }
0x251: {  	v11 =	vld [tilespmem:s4+$0xFFFFFFE0]  }
0x252: {  	v10 =	vld [tilespmem:s4+$0xFFFFFFF0]  }
0x253: {  	v8 =	vld [tilespmem:s4+$0x0]  }
0x254: {  	v6 =	vld [tilespmem:s4+$0x10];
	vm3 =	vgt.s32 v5, v9  }
0x255: {  	s2 =	simm.s32 $0x2040;
	v7 =	vld [tilespmem:s4+$0x20];
	vm4 =	vgt.s32 v5, v12;
	v13 =	vsel vm3, $0x0, v9  }
0x256: {  	s3 =	simm.s32 $0x0;
	v9 =	vld [tilespmem:s4+$0xFFFFFFC0];
	v12 =	vsel vm4, $0x0, v12;
	vm3 =	vgt.s32 v5, v11;
	s4 =	simm.s32 $0xC0;
	[tilespmem:s2+$0x30] =	vst v13  }
.LBB2_10:
0x257: {  	v13 =	vld [tilespmem:s4+$0x30];
	s3 =	sadd.s32 $0x8, s3;
	[tilespmem:s2+$0xFFFFFFD0] =	vst v12;
	v11 =	vsel vm3, $0x0, v11;
	vm3 =	vgt.s32 v5, v10  }
0x258: {  	v12 =	vld [tilespmem:s4+$0xFFFFFFD0];
	p0 =	slt.u32 s3, $0x1F8;
	[tilespmem:s2+$0xFFFFFFE0] =	vst v11;
	v10 =	vsel vm3, $0x0, v10;
	vm3 =	vgt.s32 v5, v8  }
0x259: {  	v11 =	vld [tilespmem:s4+$0xFFFFFFE0];
	[tilespmem:s2+$0xFFFFFFF0] =	vst v10;
	v8 =	vsel vm3, $0x0, v8;
	vm3 =	vgt.s32 v5, v6  }
.Ltmp9:
0x25a: {  	v10 =	vld [tilespmem:s4+$0xFFFFFFF0];
	[tilespmem:s2+$0x0] =	vst v8;
	v6 =	vsel vm3, $0x0, v6;
	vm3 =	vgt.s32 v5, v7;
	(pc) =	sbr.rel @p0 .LBB2_10-.Ltmp9, $4  }
0x25b: {  	v8 =	vld [tilespmem:s4+$0x0];
	vm4 =	vgt.s32 v5, v9;
	[tilespmem:s2+$0x10] =	vst v6;
	v7 =	vsel vm3, $0x0, v7  }
0x25c: {  	v6 =	vld [tilespmem:s4+$0x10];
	vm3 =	vgt.s32 v5, v13;
	v9 =	vsel vm4, $0x0, v9;
	[tilespmem:s2+$0x20] =	vst v7  }
0x25d: {  	vm4 =	vgt.s32 v5, v12;
	v7 =	vld [tilespmem:s4+$0x20];
	v13 =	vsel vm3, $0x0, v13;
	[tilespmem:s2+$0xFFFFFFC0] =	vst v9;
	s2 =	sadd.s32 $0x80, s2  }
0x25e: {  	v9 =	vld [tilespmem:s4+$0xFFFFFFC0];
	v12 =	vsel vm4, $0x0, v12;
	vm3 =	vgt.s32 v5, v11;
	[tilespmem:s2+$0x30] =	vst v13;
	s4 =	sadd.s32 $0x80, s4  }
0x25f: {  	[tilespmem:s2+$0xFFFFFFD0] =	vst v12;
	v11 =	vsel vm3, $0x0, v11;
	vm3 =	vgt.s32 v5, v10  }
0x260: {  	[tilespmem:s2+$0xFFFFFFE0] =	vst v11;
	v10 =	vsel vm3, $0x0, v10;
	vm3 =	vgt.s32 v5, v8  }
0x261: {  	[tilespmem:s2+$0xFFFFFFF0] =	vst v10;
	v8 =	vsel vm3, $0x0, v8;
	vm3 =	vgt.s32 v5, v6  }
0x262: {  	[tilespmem:s2+$0x0] =	vst v8;
	v6 =	vsel vm3, $0x0, v6;
	vm3 =	vgt.s32 v5, v7  }
0x263: {  	vm4 =	vgt.s32 v5, v9;
	[tilespmem:s2+$0x10] =	vst v6;
	v6 =	vsel vm3, $0x0, v7  }
0x264: {  	s0 =	sadd.s32 $0x1, s0;
	v7 =	vsel vm4, $0x0, v9;
	[tilespmem:s2+$0x20] =	vst v6  }
0x265: {  	s1 =	sadd.s32 s8, s1;
	p0 =	seq.s32 s0, $0x10;
	[tilespmem:s2+$0xFFFFFFC0] =	vst v7  }
0x266: {  	[hbm4b:s1+s7] =	stream.linear.scatter [tilespmem:s6], [sflag:$0x1], $0x2000, $0x38;
	[tilespmem:$0xC480] =	vst v63  }
.Ltmp10:
0x267: {  	_ = 	snop;
	(pc) =	sbr.rel @!p0 .LBB2_9-.Ltmp10, $4  }
.Ltmp11:
0x268: {  	_ = 	snop;
	(pc) =	sbr.rel @p0 .LBB2_16-.Ltmp11, $4  }
0x269: {  	_ =	swait.ge [sflag:s10], $0x2000  }
0x26a: {  	[sflag:s10] =	ssyncset.done $0x0  }
0x26b: {  	[sflag:s10] =	ssyncadd.s32 $0xFFFFE000  }
0x26c: {  	_ = 	snop  }
.LBB2_17:
0x26d: {  	_ =	sfence.sel $0x180000  }
0x26e: {  	[bflag:$0x0] =	sbarrier.arrive $0xFFFF  }
0x26f: {  	_ =	strace $0x90000050  }
0x270: {  	s0 =	stileid.u32;
	[bflag:$0x2] =	sbarrier.arrive $0xFFFF  }
0x271: {  	p0 =	sne.s32 s0, $0x0;
	s0 =	rddreg [dreg:$0x2]  }
0x272: {  	s0 =	sadd.s32 @!p0 $0x100000, s0  }
0x273: {  	[sflag:s0] =	ssyncadd.tile.s32 @!p0 $0x1;
	_ =	shalt  }
.Lfunc_end2:
_tile_overlayer_lowered:
.L_overlay_start_2:
0x274: {  	(tag) =	ssettag $0x2  }
0x275: {  	s0 =	rddreg [dreg:$0x0];
	s2 =	stileid.u32  }
0x276: {  	s1 =	rddreg [dreg:$0x1];
	p0 =	sne.s32 s2, $0x0  }
0x277: {  	s3 =	rddreg [dreg:$0x2];
	[bflag:$0x3] =	sbarrier.arrive $0xFFFF;
	s2 =	simm.s32 @!p0 $0x1C01  }
0x278: {  	[timem:s3], [sflag:s2] =	dma.local @!p0 [hbm:s0], s1  }
0x279: {  	s0 =	simm.s32 @!p0 $0x1  }
0x27a: {  	_ =	swait.ge @!p0 [sflag:s0], s1  }
0x27b: {  	s1 =	ssub.s32 @!p0 $0x0, s1;
	[sflag:s0] =	ssyncset.done @!p0 $0x0  }
0x27c: {  	[sflag:s0] =	ssyncadd.s32 @!p0 s1  }
0x27d: {  	[bflag:$0x3] =	sbarrier.arrive $0xFFFF  }
0x27e: {  	_ =	shalt  }

// kernel: kernel.6.cloned.1.call-start
scs
__scs_entry_jumppad:
0x0: {  	(pc) =	sbr.rel $0x88, $3  }
0x1: {  	(tag) =	ssettag $0x0;
	lr =	simm.s32 $0x1  }
0x2: {  	[smem:$0x3FA0] =	sst lr;
	_ =	strace $0xD0000000  }
0x3: {  	_ = 	snop  }
0x4: {  	_ = 	snop  }
0x5: {  	_ = 	snop  }
0x6: {  	_ = 	snop  }
0x7: {  	_ = 	snop  }
__scs_overlays_trampoline_lowered:
0x8: {  	[smem:$0x3FAF] =	sst s0  }
0x9: {  	[smem:$0x3FB0] =	sst s1  }
0xa: {  	[smem:$0x3FB1] =	sst s2  }
0xb: {  	[smem:$0x3FB2] =	sst s3  }
0xc: {  	[smem:$0x3FB3] =	sst s4  }
0xd: {  	[smem:$0x3FB4] =	sst s5  }
0xe: {  	[smem:$0x3FB5] =	sst s6  }
0xf: {  	[smem:$0x3FB6] =	sst s7  }
0x10: {  	[smem:$0x3FB7] =	sst s8  }
0x11: {  	[smem:$0x3FB8] =	sst s9;
	s0 =	simm.s32 @!p0 $0x0  }
0x12: {  	s1 =	sld [smem:$0x3F9E];
	s0 =	simm.s32 @p0 $0x1  }
0x13: {  	[smem:$0x3FB9] =	sst s0;
	s0 =	simm.s32 @!p1 $0x0  }
0x14: {  	s2 =	sld [smem:$0x3F9D];
	s0 =	simm.s32 @p1 $0x1  }
0x15: {  	[smem:$0x3FBA] =	sst s0;
	s0 =	simm.s32 @!p2 $0x0  }
0x16: {  	s3 =	sld [smem:$0x3FDB];
	s0 =	simm.s32 @p2 $0x1  }
0x17: {  	s4 =	simm.s32 $0x1BF5;
	[smem:$0x3FBC] =	sst s0  }
0x18: {  	s0 =	sld [smem:$0x3F9F];
	_ =	swait.ge [sflag:s4], $0x0  }
0x19: {  	s7 =	sld [smem:$0x3FA0]  }
0x1a: {  	s8 =	sadd.s32 $0xFFFFE003, lr  }
0x1b: {  	s9 =	sadd.s32 $0xFFFFFEF7, lr;
	s5 =	simm.s32 $0xFFFFFFFF;
	p2 =	slt.u32 s8, $0xFFFFF086  }
0x1c: {  	p1 =	slt.u32 s9, $0xF7A;
	s5 =	simm.s32 @!p2 $0x0  }
0x1d: {  	s5 =	simm.s32 @p1 $0x1;
	p0 =	seq.s32 s7, s2  }
0x1e: {  	s7 =	smul.u32 @!p0 $0xF7A, s2;
	p2 =	seq.s32 @!p0 s5, $0x0  }
0x1f: {  	s9 =	smul.u32 $0xF7A, s1;
	s8 =	simm.s32 @!p0 $0x1BF5;
	p2 =	por !p2, p0  }
0x20: {  	[sflag:s8] =	ssyncset.s32 @!p0 $0xFFFFF086;
	s6 =	sadd.s32 @!p0 s3, s7;
	s7 =	simm.s32 @!p0 $0x108  }
0x21: {  	s3 =	sadd.s32 s3, s9;
	s6 =	sadd.s32 @!p0 $0x88, s6;
	s7 =	simm.s32 @p2 $0x1082  }
0x22: {  	[simem:s7], [sflag:s8] =	dma.local @!p0 [hbm:s6], $0xF7A  }
0x23: {  	s9 =	sor.u32 $0xD0000000, s2;
	s6 =	simm.s32 $0x108;
	_ =	swait.ge @!p0 [sflag:s8], $0x0  }
0x24: {  	s3 =	sadd.s32 $0x88, s3;
	s6 =	simm.s32 @!p1 $0x1082;
	[sflag:s4] =	ssyncset.s32 $0xFFFFF086  }
0x25: {  	[simem:s6], [sflag:s4] =	dma.local [hbm:s3], $0xF7A  }
0x26: {  	[smem:$0x3FA0] =	sst s1;
	(tag) =	ssettag s2;
	_ =	strace s9  }
0x27: {  	s1 =	sld [smem:$0x3FB0]  }
0x28: {  	s2 =	sld [smem:$0x3FB1]  }
0x29: {  	s4 =	sld [smem:$0x3FB3]  }
0x2a: {  	p0 =	seq.s32 s5, $0x0;
	s5 =	sld [smem:$0x3FB4]  }
0x2b: {  	s6 =	sld [smem:$0x3FB5]  }
0x2c: {  	s7 =	sld [smem:$0x3FB6]  }
0x2d: {  	s3 =	simm.s32 $0x108;
	s8 =	sld [smem:$0x3FB7]  }
0x2e: {  	s3 =	simm.s32 @!p0 $0x1082;
	s9 =	sld [smem:$0x3FB8]  }
0x2f: {  	lr =	sadd.s32 s0, s3;
	s0 =	sld [smem:$0x3FAF]  }
0x30: {  	s3 =	sld [smem:$0x3FB2]  }
0x31: {  	[smem:$0x3FBB] =	sst s10  }
0x32: {  	s10 =	sld [smem:$0x3FB9];
	_ =	sdelay $0x3  }
0x33: {  	p0 =	seq.s32 s10, $0x1;
	s10 =	sld [smem:$0x3FBB];
	_ =	sdelay $0x3  }
0x34: {  	[smem:$0x3FBB] =	sst s10  }
0x35: {  	s10 =	sld [smem:$0x3FBA];
	_ =	sdelay $0x3  }
0x36: {  	p1 =	seq.s32 s10, $0x1;
	s10 =	sld [smem:$0x3FBB];
	_ =	sdelay $0x3  }
0x37: {  	[smem:$0x3FBB] =	sst s10  }
0x38: {  	s10 =	sld [smem:$0x3FBC]  }
0x39: {  	_ = 	snop;
	(pc) =	sbr.ind lr, $3  }
0x3a: {  	_ = 	snop  }
0x3b: {  	_ = 	snop  }
0x3c: {  	p2 =	seq.s32 s10, $0x1;
	s10 =	sld [smem:$0x3FBB]  }
0x3d: {  	_ =	shalt  }
0x3e: {  	_ =	shalt  }
0x3f: {  	_ =	shalt  }
0x40: {  	_ =	shalt  }
0x41: {  	_ =	shalt  }
0x42: {  	_ =	shalt  }
0x43: {  	_ =	shalt  }
0x44: {  	_ =	shalt  }
0x45: {  	_ =	shalt  }
0x46: {  	_ =	shalt  }
0x47: {  	_ =	shalt  }
0x48: {  	_ =	shalt  }
0x49: {  	_ =	shalt  }
0x4a: {  	_ =	shalt  }
0x4b: {  	_ =	shalt  }
0x4c: {  	_ =	shalt  }
0x4d: {  	_ =	shalt  }
0x4e: {  	_ =	shalt  }
0x4f: {  	_ =	shalt  }
0x50: {  	_ =	shalt  }
0x51: {  	_ =	shalt  }
0x52: {  	_ =	shalt  }
0x53: {  	_ =	shalt  }
0x54: {  	_ =	shalt  }
0x55: {  	_ =	shalt  }
0x56: {  	_ =	shalt  }
0x57: {  	_ =	shalt  }
0x58: {  	_ =	shalt  }
0x59: {  	_ =	shalt  }
0x5a: {  	_ =	shalt  }
0x5b: {  	_ =	shalt  }
0x5c: {  	_ =	shalt  }
0x5d: {  	_ =	shalt  }
0x5e: {  	_ =	shalt  }
0x5f: {  	_ =	shalt  }
0x60: {  	_ =	shalt  }
0x61: {  	_ =	shalt  }
0x62: {  	_ =	shalt  }
0x63: {  	_ =	shalt  }
0x64: {  	_ =	shalt  }
0x65: {  	_ =	shalt  }
0x66: {  	_ =	shalt  }
0x67: {  	_ =	shalt  }
0x68: {  	_ =	shalt  }
0x69: {  	_ =	shalt  }
0x6a: {  	_ =	shalt  }
0x6b: {  	_ =	shalt  }
0x6c: {  	_ =	shalt  }
0x6d: {  	_ =	shalt  }
0x6e: {  	_ =	shalt  }
0x6f: {  	_ =	shalt  }
0x70: {  	_ =	shalt  }
0x71: {  	_ =	shalt  }
0x72: {  	_ =	shalt  }
0x73: {  	_ =	shalt  }
0x74: {  	_ =	shalt  }
0x75: {  	_ =	shalt  }
0x76: {  	_ =	shalt  }
0x77: {  	_ =	shalt  }
0x78: {  	_ =	shalt  }
0x79: {  	_ =	shalt  }
0x7a: {  	_ =	shalt  }
0x7b: {  	_ =	shalt  }
0x7c: {  	_ =	shalt  }
0x7d: {  	_ =	shalt  }
0x7e: {  	_ =	shalt  }
0x7f: {  	_ =	shalt  }
0x80: {  	_ =	shalt  }
0x81: {  	_ =	shalt  }
0x82: {  	_ =	shalt  }
0x83: {  	_ =	shalt  }
0x84: {  	_ =	shalt  }
0x85: {  	_ =	shalt  }
0x86: {  	_ =	shalt  }
0x87: {  	_ =	shalt  }
.Lfunc_end0:
.L_simem_size_0:
called_computation_lowered:
.L_overlay_start_0:
0x88: {  	s2 =	sld [smem:$0x3FD9]  }
0x89: {  	s3 =	sld [smem:$0x3FFE];
	_ =	sdelay $0x1  }
0x8a: {  	s1 =	srdreg.scid  }
0x8b: {  	s0 =	sand.u32 $0x1, s1  }
0x8c: {  	s17 =	sshll.u32 s0, $0xA;
	s2 =	sadd.s32 s3, s2  }
0x8d: {  	s2 =	sadd.s32 s2, s17  }
0x8e: {  	[smem:$0x3FC7] =	sst s2  }
0x8f: {  	_ = 	snop  }
0x90: {  	s2 =	sld [smem:$0x3FD0];
	(tm) =	ssettm $0x1  }
0x91: {  	s18 =	sld [smem:$0x3FFB];
	_ =	sdelay $0x3  }
0x92: {  	_ =	strace s18  }
0x93: {  	s3 =	sld [smem:$0x3FFC];
	_ =	sdelay $0x3  }
0x94: {  	_ =	strace s3  }
0x95: {  	s3 =	sld [smem:$0x3FFD];
	_ =	sdelay $0x3  }
0x96: {  	_ =	strace s3  }
0x97: {  	_ =	strace $0x8FFFFFFF  }
0x98: {  	s19 =	sld [smem:$0x3FDB];
	_ =	sdelay $0x1  }
0x99: {  	s4 =	simm.s32 $_scs_section_size  }
0x9a: {  	s5 =	simm.s32 $_size__tile_overlayer_lowered;
	s6 =	simm.s32 $_tile_overlayer_lowered  }
0x9b: {  	s22 =	simm.s32 $0x1BFF;
	s21 =	sshll.u32 s6, $0x1;
	s3 =	sadd.s32 s4, s19  }
0x9c: {  	s7 =	simm.s32 $0x0;
	s20 =	sshll.u32 s5, $0x1;
	s5 =	sadd.s32 s21, s3  }
0x9d: {  	[timem:s7], [sflag:s22] =	dma.local [hbm:s5], s20  }
0x9e: {  	_ =	swait.ge [sflag:s22], s20  }
0x9f: {  	s4 =	ssub.s32 $0x0, s20;
	[sflag:s22] =	ssyncset.done $0x0  }
0xa0: {  	[sflag:s22] =	ssyncadd.s32 s4;
	_ =	sdelay $0x1  }
0xa1: {  	s23 =	simm.s32 $0x1B8B  }
0xa2: {  	_ =	swait.ge [sflag:s23], $0x1  }
0xa3: {  	[sflag:s23] =	ssyncset.done $0x0  }
0xa4: {  	s25 =	simm.s32 $0x1B8E;
	s24 =	sld [smem:$0x3FFE];
	[sflag:s23] =	ssyncadd.s32 $0xFFFFFFFF  }
0xa5: {  	s26 =	simm.s32 $execute0_lowered;
	[smem:$0x3FD2] =	sst s25  }
0xa6: {  	s5 =	sshll.u32 s26, $0x1;
	_ =	strace $0x80000046;
	[dreg:$0x1] =	wrdreg $0xFFFFFFFF  }
0xa7: {  	s28 =	simm.s32 $_size_execute0_lowered;
	s3 =	sadd.s32 s3, s5;
	[dreg:$0x0] =	wrdreg $0x0  }
0xa8: {  	s5 =	sshll.u32 s28, $0x1;
	[dreg:$0x2] =	wrdreg s3  }
0xa9: {  	[dreg:$0x3] =	wrdreg s5  }
0xaa: {  	[dreg:$0x4] =	wrdreg $0xC0  }
0xab: {  	_ =	task [dreg:s7], $0x5FFFF  }
0xac: {  	[dreg:$0x1] =	wrdreg $0xFFFFFFFF  }
0xad: {  	[dreg:$0x0] =	wrdreg $0x60  }
0xae: {  	[dreg:$0x2] =	wrdreg s2  }
0xaf: {  	[dreg:$0x3] =	wrdreg s24  }
0xb0: {  	[dreg:$0x4] =	wrdreg $0x9  }
0xb1: {  	_ =	task.clear_ibuf [dreg:s7], $0x5FFFF;
	_ =	strace $0x90000046  }
0xb2: {  	s29 =	simm.s32 $0x9;
	_ =	strace $0x80000048  }
0xb3: {  	_ =	swait.ge [sflag:s29], $0x1  }
0xb4: {  	[sflag:s29] =	ssyncadd.s32 $0xFFFFFFFF  }
0xb5: {  	_ =	strace $0x90000048  }
0xb6: {  	_ =	sfence  }
0xb7: {  	s30 =	sld [smem:$0x0];
	_ =	sdelay $0x2  }
0xb8: {  	s31 =	sshll.u32 s1, $0xD;
	s1 =	sshrl.u32 s1, $0x2  }
0xb9: {  	s3 =	sand.u32 $0x4000, s31;
	s1 =	sadd.s32 s1, s30  }
0xba: {  	s0 =	sor.u32 s3, s0;
	s1 =	sshll.u32 s1, $0x11  }
0xbb: {  	s0 =	sor.u32 s1, s0  }
0xbc: {  	s0 =	sadd.s32 $0x8F2B, s0  }
0xbd: {  	[sflag:s0] =	ssyncadd.remote.s32 $0x1  }
0xbe: {  	_ =	sfence.sel $0xFFFF  }
0xbf: {  	[dreg:$0x0] =	wrdreg $0xFFFFFFFF;
	(pc) =	sbr.abs _section_cstart, $3  }
0xc0: {  	[dreg:$0x1] =	wrdreg $0xFFFFFFFF  }
0xc1: {  	_ =	task.clear_ibuf [dreg:s7], $0x2FFFF;
	_ =	strace $0x9FFFFFFF  }
0xc2: {  	(tm) =	ssettm $0x7FFFFFFF  }
0xc3: {  	_ =	shalt  }
tec
execute0_lowered:
.L_overlay_start_1:
0x0: {  	(tag) =	ssettag $0x1  }
0x1: {  	s3 =	rddreg [dreg:$0x0]  }
0x2: {  	s4 =	rddreg [dreg:$0x1]  }
0x3: {  	s0 =	rddreg [dreg:$0x2]  }
0x4: {  	s1 =	stileid.u32;
	s5 =	srdreg.scid  }
0x5: {  	s2 =	simm.s32 $0x0;
	s9 =	simm.s32 $0x400;
	s10 =	simm.s32 $0x0  }
0x6: {  	s5 =	sand.u32 $0x1, s5;
	s6 =	sshll.u32 s1, $0x1;
	[smem:$0x7FF] =	sst s2  }
0x7: {  	s7 =	sshll.u32 s1, $0x9;
	s6 =	sor.u32 s5, s6;
	_ =	strace $0x80000047  }
0x8: {  	s7 =	sand.u32 $0x1800, s7;
	s5 =	ssub.s32 $0x2, s5;
	s8 =	sshll.u32 s6, $0x4  }
0x9: {  	s4 =	sadd.s32 s7, s4;
	s31 =	sshrl.u32 s5, $0x1;
	s6 =	sshll.u32 s6, $0xE  }
0xa: {  	s7 =	simm.s32 $0x2000;
	s30 =	sand.u32 $0x70, s8;
	s5 =	ssub.s32 s5, s31  }
0xb: {  	s3 =	sadd.s32 s3, s6;
	s6 =	simm.s32 $0x1;
	s4 =	sadd.s32 s30, s4  }
0xc: {  	v0 =	vimm.s32 $0x0;
	v1 =	vimm.s32 $0x1;
	s8 =	simm.s32 $0x80;
	s5 =	smax.u32 s5, $0x1;
	s4 =	sadd.s32 $0x1800, s4  }
.LBB2_1:
0xd: {  	s11 =	simm.s32 $0x2040  }
0xe: {  	[tilespmem:s11+$0xFFFFFFC0] =	vst v0  }
0xf: {  	[tilespmem:s11+$0x30] =	vst v0  }
0x10: {  	[tilespmem:s11+$0x20] =	vst v0  }
0x11: {  	[tilespmem:s11+$0x10] =	vst v0  }
0x12: {  	[tilespmem:s11+$0x0] =	vst v0  }
0x13: {  	[tilespmem:s11+$0xFFFFFFF0] =	vst v0  }
0x14: {  	s12 =	simm.s32 $0x0;
	[tilespmem:s11+$0xFFFFFFE0] =	vst v0  }
.LBB2_2:
0x15: {  	s12 =	sadd.s32 $0x8, s12;
	[tilespmem:s11+$0xFFFFFFD0] =	vst v0;
	s11 =	sadd.s32 $0x80, s11  }
0x16: {  	[tilespmem:s11+$0xFFFFFFC0] =	vst v0;
	p0 =	slt.u32 s12, $0x78  }
0x17: {  	[tilespmem:s11+$0x30] =	vst v0  }
.Ltmp0:
0x18: {  	[tilespmem:s11+$0x20] =	vst v0;
	(pc) =	sbr.rel @p0 .LBB2_2-.Ltmp0, $4  }
0x19: {  	[tilespmem:s11+$0x10] =	vst v0  }
0x1a: {  	[tilespmem:s11+$0x0] =	vst v0  }
0x1b: {  	[tilespmem:s11+$0xFFFFFFF0] =	vst v0  }
0x1c: {  	[tilespmem:s11+$0xFFFFFFE0] =	vst v0  }
0x1d: {  	[tilespmem:s11+$0xFFFFFFD0] =	vst v0;
	s11 =	simm.s32 $0x0  }
.LBB2_4:
0x1e: {  	s12 =	sshll.u32 s11, $0xA  }
0x1f: {  	s12 =	sadd.s32 s12, s3  }
0x20: {  	[tilespmem:s2], [sflag:$0x1] =	stream.linear.gather [hbm4b:s12+s2], $0x2000, $0x38;
	[tilespmem:$0x2800] =	vst v63  }
0x21: {  	_ =	swait.ge [sflag:s6], $0x2000  }
0x22: {  	[sflag:s6] =	ssyncset.done $0x0  }
0x23: {  	s31 =	simm.s32 $0x40;
	[sflag:s6] =	ssyncadd.s32 $0xFFFFE000  }
0x24: {  	v2 =	vld [tilespmem:s31+$0x30]  }
0x25: {  	v3 =	vld [tilespmem:s31+$0xFFFFFFD0]  }
0x26: {  	v4 =	vld [tilespmem:s31+$0xFFFFFFE0]  }
0x27: {  	v5 =	vld [tilespmem:s31+$0xFFFFFFF0];
	_ =	sdelay $0x1  }
0x28: {  	v6 =	vld [tilespmem:s31+$0x0];
	vm2 =	vgt.s32 v2, $0x0  }
0x29: {  	v7 =	vld [tilespmem:s31+$0x10];
	vm4 =	vgt.s32 v3, $0x0;
	v2 =	vnsel vm2, $0x0, v2  }
0x2a: {  	v9 =	vld [tilespmem:s31+$0xFFFFFFC0];
	vm5 =	vgt.s32 v4, $0x0;
	v3 =	vnsel vm4, $0x0, v3;
	v2 =	vshrl.u32 v2, $0x14  }
0x2b: {  	v8 =	vld [tilespmem:s31+$0x20];
	vm6 =	vgt.s32 v5, $0x0;
	v4 =	vnsel vm5, $0x0, v4;
	v3 =	vshrl.u32 v3, $0x14  }
0x2c: {  	v5 =	vnsel vm6, $0x0, v5;
	v4 =	vshrl.u32 v4, $0x14  }
0x2d: {  	v10 =	vshrl.u32 v5, $0x14;
	_ =	sdelay $0x1  }
0x2e: {  	vm0 =	vgt.s32 v6, $0x0;
	vm1 =	vgt.s32 v7, $0x0;
	vm3 =	vgt.s32 v9, $0x0;
	[tilespmem:v2+s7+$0x0] =	vst.idx.add.s32.msk vm2, v1  }
0x2f: {  	v5 =	vnsel vm0, $0x0, v6;
	v6 =	vnsel vm3, $0x0, v9;
	vm2 =	vgt.s32 v8, $0x0;
	[tilespmem:v3+s7+$0x0] =	vst.idx.add.s32.msk vm4, v1  }
0x30: {  	v2 =	vshrl.u32 v5, $0x14;
	v3 =	vnsel vm1, $0x0, v7;
	[tilespmem:v4+s7+$0x0] =	vst.idx.add.s32.msk vm5, v1;
	v5 =	vnsel vm2, $0x0, v8  }
0x31: {  	s13 =	simm.s32 $0xC0;
	s12 =	simm.s32 $0x0;
	[tilespmem:v10+s7+$0x0] =	vst.idx.add.s32.msk vm6, v1;
	v3 =	vshrl.u32 v3, $0x14;
	v4 =	vshrl.u32 v5, $0x14;
	v5 =	vshrl.u32 v6, $0x14  }
.LBB2_5:
0x32: {  	v6 =	vld [tilespmem:s13+$0x30];
	s12 =	sadd.s32 $0x8, s12  }
0x33: {  	v7 =	vld [tilespmem:s13+$0xFFFFFFD0];
	p0 =	slt.u32 s12, $0x1F8  }
0x34: {  	v8 =	vld [tilespmem:s13+$0xFFFFFFE0]  }
0x35: {  	v9 =	vld [tilespmem:s13+$0xFFFFFFF0]  }
0x36: {  	v10 =	vld [tilespmem:s13+$0x0]  }
0x37: {  	v11 =	vld [tilespmem:s13+$0x10];
	vm5 =	vgt.s32 v6, $0x0  }
0x38: {  	vm4 =	vgt.s32 v7, $0x0;
	v12 =	vld [tilespmem:s13+$0x20];
	v6 =	vnsel vm5, $0x0, v6  }
0x39: {  	v13 =	vld [tilespmem:s13+$0xFFFFFFC0];
	v7 =	vnsel vm4, $0x0, v7;
	vm6 =	vgt.s32 v8, $0x0;
	v6 =	vshrl.u32 v6, $0x14  }
0x3a: {  	v7 =	vshrl.u32 v7, $0x14;
	v8 =	vnsel vm6, $0x0, v8;
	vm7 =	vgt.s32 v9, $0x0;
	[tilespmem:v5+s7+$0x0] =	vst.idx.add.s32.msk vm3, v1  }
0x3b: {  	v8 =	vshrl.u32 v8, $0x14;
	v5 =	vnsel vm7, $0x0, v9;
	[tilespmem:v2+s7+$0x0] =	vst.idx.add.s32.msk vm0, v1;
	vm0 =	vgt.s32 v10, $0x0  }
0x3c: {  	v9 =	vshrl.u32 v5, $0x14;
	v2 =	vnsel vm0, $0x0, v10;
	[tilespmem:v3+s7+$0x0] =	vst.idx.add.s32.msk vm1, v1;
	vm1 =	vgt.s32 v11, $0x0  }
.Ltmp1:
0x3d: {  	v2 =	vshrl.u32 v2, $0x14;
	v3 =	vnsel vm1, $0x0, v11;
	[tilespmem:v4+s7+$0x0] =	vst.idx.add.s32.msk vm2, v1;
	vm2 =	vgt.s32 v12, $0x0;
	(pc) =	sbr.rel @p0 .LBB2_5-.Ltmp1, $4  }
0x3e: {  	vm3 =	vgt.s32 v13, $0x0;
	v3 =	vshrl.u32 v3, $0x14;
	v4 =	vnsel vm2, $0x0, v12;
	[tilespmem:v6+s7+$0x0] =	vst.idx.add.s32.msk vm5, v1  }
0x3f: {  	v5 =	vnsel vm3, $0x0, v13;
	[tilespmem:v7+s7+$0x0] =	vst.idx.add.s32.msk vm4, v1;
	v4 =	vshrl.u32 v4, $0x14  }
0x40: {  	v5 =	vshrl.u32 v5, $0x14;
	[tilespmem:v8+s7+$0x0] =	vst.idx.add.s32.msk vm6, v1  }
0x41: {  	s13 =	sadd.s32 $0x80, s13;
	[tilespmem:v9+s7+$0x0] =	vst.idx.add.s32.msk vm7, v1  }
0x42: {  	_ =	sdelay $0x1  }
0x43: {  	s11 =	sadd.s32 $0x1, s11  }
0x44: {  	p0 =	sne.s32 s11, $0x10  }
.Ltmp2:
0x45: {  	_ = 	snop;
	(pc) =	sbr.rel @p0 .LBB2_4-.Ltmp2, $4  }
0x46: {  	[tilespmem:v5+s7+$0x0] =	vst.idx.add.s32.msk vm3, v1  }
0x47: {  	[tilespmem:v2+s7+$0x0] =	vst.idx.add.s32.msk vm0, v1  }
0x48: {  	[tilespmem:v3+s7+$0x0] =	vst.idx.add.s32.msk vm1, v1  }
0x49: {  	[tilespmem:v4+s7+$0x0] =	vst.idx.add.s32.msk vm2, v1  }
0x4a: {  	s10 =	sadd.s32 $0x1, s10  }
0x4b: {  	p0 =	sne.s32 s10, s5  }
.Ltmp3:
0x4c: {  	_ = 	snop;
	(pc) =	sbr.rel @p0 .LBB2_1-.Ltmp3, $4  }
0x4d: {  	[hbm4b:s4+s8] =	stream.strided.scatter [tilespmem:s7], [sflag:$0x1], $0x800, s9, s8, $0x38;
	[tilespmem:$0x2800] =	vst v63  }
0x4e: {  	_ =	swait.ge [sflag:s6], $0x800  }
0x4f: {  	[sflag:s6] =	ssyncset.done $0x0  }
0x50: {  	[sflag:s6] =	ssyncadd.s32 $0xFFFFF800  }
0x51: {  	_ =	sfence.sel $0x180000  }
0x52: {  	[bflag:$0x0] =	sbarrier.arrive $0xFFFF  }
0x53: {  	p0 =	sne.s32 s1, $0x0;
	_ =	strace $0x90000047  }
0x54: {  	s0 =	sadd.s32 @!p0 $0x100000, s0;
	[bflag:$0x2] =	sbarrier.arrive $0xFFFF  }
0x55: {  	[sflag:s0] =	ssyncadd.tile.s32 @!p0 $0x1;
	_ =	shalt  }
.Lfunc_end2:
_tile_overlayer_lowered:
.L_overlay_start_2:
0x56: {  	(tag) =	ssettag $0x2  }
0x57: {  	s0 =	rddreg [dreg:$0x0];
	s2 =	stileid.u32  }
0x58: {  	s1 =	rddreg [dreg:$0x1];
	p0 =	sne.s32 s2, $0x0  }
0x59: {  	s3 =	rddreg [dreg:$0x2];
	[bflag:$0x3] =	sbarrier.arrive $0xFFFF;
	s2 =	simm.s32 @!p0 $0x1C01  }
0x5a: {  	[timem:s3], [sflag:s2] =	dma.local @!p0 [hbm:s0], s1  }
0x5b: {  	s0 =	simm.s32 @!p0 $0x1  }
0x5c: {  	_ =	swait.ge @!p0 [sflag:s0], s1  }
0x5d: {  	s1 =	ssub.s32 @!p0 $0x0, s1;
	[sflag:s0] =	ssyncset.done @!p0 $0x0  }
0x5e: {  	[sflag:s0] =	ssyncadd.s32 @!p0 s1  }
0x5f: {  	[bflag:$0x3] =	sbarrier.arrive $0xFFFF  }
0x60: {  	_ =	shalt  }

// kernel: kernel.9.cloned.1.call-start
scs
__scs_entry_jumppad:
0x0: {  	(pc) =	sbr.rel $0x88, $3  }
0x1: {  	(tag) =	ssettag $0x0;
	lr =	simm.s32 $0x1  }
0x2: {  	[smem:$0x3FA0] =	sst lr;
	_ =	strace $0xD0000000  }
0x3: {  	_ = 	snop  }
0x4: {  	_ = 	snop  }
0x5: {  	_ = 	snop  }
0x6: {  	_ = 	snop  }
0x7: {  	_ = 	snop  }
__scs_overlays_trampoline_lowered:
0x8: {  	[smem:$0x3FAF] =	sst s0  }
0x9: {  	[smem:$0x3FB0] =	sst s1  }
0xa: {  	[smem:$0x3FB1] =	sst s2  }
0xb: {  	[smem:$0x3FB2] =	sst s3  }
0xc: {  	[smem:$0x3FB3] =	sst s4  }
0xd: {  	[smem:$0x3FB4] =	sst s5  }
0xe: {  	[smem:$0x3FB5] =	sst s6  }
0xf: {  	[smem:$0x3FB6] =	sst s7  }
0x10: {  	[smem:$0x3FB7] =	sst s8  }
0x11: {  	[smem:$0x3FB8] =	sst s9;
	s0 =	simm.s32 @!p0 $0x0  }
0x12: {  	s1 =	sld [smem:$0x3F9E];
	s0 =	simm.s32 @p0 $0x1  }
0x13: {  	[smem:$0x3FB9] =	sst s0;
	s0 =	simm.s32 @!p1 $0x0  }
0x14: {  	s2 =	sld [smem:$0x3F9D];
	s0 =	simm.s32 @p1 $0x1  }
0x15: {  	[smem:$0x3FBA] =	sst s0;
	s0 =	simm.s32 @!p2 $0x0  }
0x16: {  	s3 =	sld [smem:$0x3FDB];
	s0 =	simm.s32 @p2 $0x1  }
0x17: {  	s4 =	simm.s32 $0x1BF5;
	[smem:$0x3FBC] =	sst s0  }
0x18: {  	s0 =	sld [smem:$0x3F9F];
	_ =	swait.ge [sflag:s4], $0x0  }
0x19: {  	s7 =	sld [smem:$0x3FA0]  }
0x1a: {  	s8 =	sadd.s32 $0xFFFFE003, lr  }
0x1b: {  	s9 =	sadd.s32 $0xFFFFFEF7, lr;
	s5 =	simm.s32 $0xFFFFFFFF;
	p2 =	slt.u32 s8, $0xFFFFF086  }
0x1c: {  	p1 =	slt.u32 s9, $0xF7A;
	s5 =	simm.s32 @!p2 $0x0  }
0x1d: {  	s5 =	simm.s32 @p1 $0x1;
	p0 =	seq.s32 s7, s2  }
0x1e: {  	s7 =	smul.u32 @!p0 $0xF7A, s2;
	p2 =	seq.s32 @!p0 s5, $0x0  }
0x1f: {  	s9 =	smul.u32 $0xF7A, s1;
	s8 =	simm.s32 @!p0 $0x1BF5;
	p2 =	por !p2, p0  }
0x20: {  	[sflag:s8] =	ssyncset.s32 @!p0 $0xFFFFF086;
	s6 =	sadd.s32 @!p0 s3, s7;
	s7 =	simm.s32 @!p0 $0x108  }
0x21: {  	s3 =	sadd.s32 s3, s9;
	s6 =	sadd.s32 @!p0 $0x88, s6;
	s7 =	simm.s32 @p2 $0x1082  }
0x22: {  	[simem:s7], [sflag:s8] =	dma.local @!p0 [hbm:s6], $0xF7A  }
0x23: {  	s9 =	sor.u32 $0xD0000000, s2;
	s6 =	simm.s32 $0x108;
	_ =	swait.ge @!p0 [sflag:s8], $0x0  }
0x24: {  	s3 =	sadd.s32 $0x88, s3;
	s6 =	simm.s32 @!p1 $0x1082;
	[sflag:s4] =	ssyncset.s32 $0xFFFFF086  }
0x25: {  	[simem:s6], [sflag:s4] =	dma.local [hbm:s3], $0xF7A  }
0x26: {  	[smem:$0x3FA0] =	sst s1;
	(tag) =	ssettag s2;
	_ =	strace s9  }
0x27: {  	s1 =	sld [smem:$0x3FB0]  }
0x28: {  	s2 =	sld [smem:$0x3FB1]  }
0x29: {  	s4 =	sld [smem:$0x3FB3]  }
0x2a: {  	p0 =	seq.s32 s5, $0x0;
	s5 =	sld [smem:$0x3FB4]  }
0x2b: {  	s6 =	sld [smem:$0x3FB5]  }
0x2c: {  	s7 =	sld [smem:$0x3FB6]  }
0x2d: {  	s3 =	simm.s32 $0x108;
	s8 =	sld [smem:$0x3FB7]  }
0x2e: {  	s3 =	simm.s32 @!p0 $0x1082;
	s9 =	sld [smem:$0x3FB8]  }
0x2f: {  	lr =	sadd.s32 s0, s3;
	s0 =	sld [smem:$0x3FAF]  }
0x30: {  	s3 =	sld [smem:$0x3FB2]  }
0x31: {  	[smem:$0x3FBB] =	sst s10  }
0x32: {  	s10 =	sld [smem:$0x3FB9];
	_ =	sdelay $0x3  }
0x33: {  	p0 =	seq.s32 s10, $0x1;
	s10 =	sld [smem:$0x3FBB];
	_ =	sdelay $0x3  }
0x34: {  	[smem:$0x3FBB] =	sst s10  }
0x35: {  	s10 =	sld [smem:$0x3FBA];
	_ =	sdelay $0x3  }
0x36: {  	p1 =	seq.s32 s10, $0x1;
	s10 =	sld [smem:$0x3FBB];
	_ =	sdelay $0x3  }
0x37: {  	[smem:$0x3FBB] =	sst s10  }
0x38: {  	s10 =	sld [smem:$0x3FBC]  }
0x39: {  	_ = 	snop;
	(pc) =	sbr.ind lr, $3  }
0x3a: {  	_ = 	snop  }
0x3b: {  	_ = 	snop  }
0x3c: {  	p2 =	seq.s32 s10, $0x1;
	s10 =	sld [smem:$0x3FBB]  }
0x3d: {  	_ =	shalt  }
0x3e: {  	_ =	shalt  }
0x3f: {  	_ =	shalt  }
0x40: {  	_ =	shalt  }
0x41: {  	_ =	shalt  }
0x42: {  	_ =	shalt  }
0x43: {  	_ =	shalt  }
0x44: {  	_ =	shalt  }
0x45: {  	_ =	shalt  }
0x46: {  	_ =	shalt  }
0x47: {  	_ =	shalt  }
0x48: {  	_ =	shalt  }
0x49: {  	_ =	shalt  }
0x4a: {  	_ =	shalt  }
0x4b: {  	_ =	shalt  }
0x4c: {  	_ =	shalt  }
0x4d: {  	_ =	shalt  }
0x4e: {  	_ =	shalt  }
0x4f: {  	_ =	shalt  }
0x50: {  	_ =	shalt  }
0x51: {  	_ =	shalt  }
0x52: {  	_ =	shalt  }
0x53: {  	_ =	shalt  }
0x54: {  	_ =	shalt  }
0x55: {  	_ =	shalt  }
0x56: {  	_ =	shalt  }
0x57: {  	_ =	shalt  }
0x58: {  	_ =	shalt  }
0x59: {  	_ =	shalt  }
0x5a: {  	_ =	shalt  }
0x5b: {  	_ =	shalt  }
0x5c: {  	_ =	shalt  }
0x5d: {  	_ =	shalt  }
0x5e: {  	_ =	shalt  }
0x5f: {  	_ =	shalt  }
0x60: {  	_ =	shalt  }
0x61: {  	_ =	shalt  }
0x62: {  	_ =	shalt  }
0x63: {  	_ =	shalt  }
0x64: {  	_ =	shalt  }
0x65: {  	_ =	shalt  }
0x66: {  	_ =	shalt  }
0x67: {  	_ =	shalt  }
0x68: {  	_ =	shalt  }
0x69: {  	_ =	shalt  }
0x6a: {  	_ =	shalt  }
0x6b: {  	_ =	shalt  }
0x6c: {  	_ =	shalt  }
0x6d: {  	_ =	shalt  }
0x6e: {  	_ =	shalt  }
0x6f: {  	_ =	shalt  }
0x70: {  	_ =	shalt  }
0x71: {  	_ =	shalt  }
0x72: {  	_ =	shalt  }
0x73: {  	_ =	shalt  }
0x74: {  	_ =	shalt  }
0x75: {  	_ =	shalt  }
0x76: {  	_ =	shalt  }
0x77: {  	_ =	shalt  }
0x78: {  	_ =	shalt  }
0x79: {  	_ =	shalt  }
0x7a: {  	_ =	shalt  }
0x7b: {  	_ =	shalt  }
0x7c: {  	_ =	shalt  }
0x7d: {  	_ =	shalt  }
0x7e: {  	_ =	shalt  }
0x7f: {  	_ =	shalt  }
0x80: {  	_ =	shalt  }
0x81: {  	_ =	shalt  }
0x82: {  	_ =	shalt  }
0x83: {  	_ =	shalt  }
0x84: {  	_ =	shalt  }
0x85: {  	_ =	shalt  }
0x86: {  	_ =	shalt  }
0x87: {  	_ =	shalt  }
.Lfunc_end0:
.L_simem_size_0:
called_computation.1_lowered:
.L_overlay_start_0:
0x88: {  	s2 =	sld [smem:$0x3FD9]  }
0x89: {  	s3 =	sld [smem:$0x3FFE];
	_ =	sdelay $0x1  }
0x8a: {  	s1 =	srdreg.scid  }
0x8b: {  	s0 =	sand.u32 $0x1, s1  }
0x8c: {  	s17 =	sshll.u32 s0, $0xA;
	s2 =	sadd.s32 s3, s2  }
0x8d: {  	s2 =	sadd.s32 s2, s17  }
0x8e: {  	[smem:$0x3FC7] =	sst s2  }
0x8f: {  	_ = 	snop  }
0x90: {  	s2 =	sld [smem:$0x3FD0];
	(tm) =	ssettm $0x1  }
0x91: {  	s18 =	sld [smem:$0x3FFB];
	_ =	sdelay $0x3  }
0x92: {  	_ =	strace s18  }
0x93: {  	s3 =	sld [smem:$0x3FFC];
	_ =	sdelay $0x3  }
0x94: {  	_ =	strace s3  }
0x95: {  	s3 =	sld [smem:$0x3FFD];
	_ =	sdelay $0x3  }
0x96: {  	_ =	strace s3  }
0x97: {  	_ =	strace $0x8FFFFFFF  }
0x98: {  	s19 =	sld [smem:$0x3FDB];
	_ =	sdelay $0x1  }
0x99: {  	s4 =	simm.s32 $_scs_section_size  }
0x9a: {  	s5 =	simm.s32 $_size__tile_overlayer_lowered;
	s6 =	simm.s32 $_tile_overlayer_lowered  }
0x9b: {  	s22 =	simm.s32 $0x1BFF;
	s21 =	sshll.u32 s6, $0x1;
	s3 =	sadd.s32 s4, s19  }
0x9c: {  	s7 =	simm.s32 $0x0;
	s20 =	sshll.u32 s5, $0x1;
	s5 =	sadd.s32 s21, s3  }
0x9d: {  	[timem:s7], [sflag:s22] =	dma.local [hbm:s5], s20  }
0x9e: {  	_ =	swait.ge [sflag:s22], s20  }
0x9f: {  	s4 =	ssub.s32 $0x0, s20;
	[sflag:s22] =	ssyncset.done $0x0  }
0xa0: {  	[sflag:s22] =	ssyncadd.s32 s4;
	_ =	sdelay $0x1  }
0xa1: {  	s23 =	simm.s32 $0x1B8B  }
0xa2: {  	_ =	swait.ge [sflag:s23], $0x1  }
0xa3: {  	[sflag:s23] =	ssyncset.done $0x0  }
0xa4: {  	s25 =	simm.s32 $0x1B8E;
	s24 =	sld [smem:$0x3FFE];
	[sflag:s23] =	ssyncadd.s32 $0xFFFFFFFF  }
0xa5: {  	s26 =	simm.s32 $execute0_lowered;
	[smem:$0x3FD2] =	sst s25  }
0xa6: {  	s5 =	sshll.u32 s26, $0x1;
	_ =	strace $0x80000049;
	[dreg:$0x1] =	wrdreg $0xFFFFFFFF  }
0xa7: {  	s28 =	simm.s32 $_size_execute0_lowered;
	s3 =	sadd.s32 s3, s5;
	[dreg:$0x0] =	wrdreg $0x0  }
0xa8: {  	s5 =	sshll.u32 s28, $0x1;
	[dreg:$0x2] =	wrdreg s3  }
0xa9: {  	[dreg:$0x3] =	wrdreg s5  }
0xaa: {  	[dreg:$0x4] =	wrdreg $0xC0  }
0xab: {  	_ =	task [dreg:s7], $0x5FFFF  }
0xac: {  	[dreg:$0x1] =	wrdreg $0xFFFFFFFF  }
0xad: {  	[dreg:$0x0] =	wrdreg $0x60  }
0xae: {  	[dreg:$0x2] =	wrdreg s2  }
0xaf: {  	[dreg:$0x3] =	wrdreg s24  }
0xb0: {  	[dreg:$0x4] =	wrdreg $0x9  }
0xb1: {  	_ =	task.clear_ibuf [dreg:s7], $0x5FFFF;
	_ =	strace $0x90000049  }
0xb2: {  	s29 =	simm.s32 $0x9;
	_ =	strace $0x8000004B  }
0xb3: {  	_ =	swait.ge [sflag:s29], $0x1  }
0xb4: {  	[sflag:s29] =	ssyncadd.s32 $0xFFFFFFFF  }
0xb5: {  	_ =	strace $0x9000004B  }
0xb6: {  	_ =	sfence  }
0xb7: {  	s30 =	sld [smem:$0x0];
	_ =	sdelay $0x2  }
0xb8: {  	s31 =	sshll.u32 s1, $0xD;
	s1 =	sshrl.u32 s1, $0x2  }
0xb9: {  	s3 =	sand.u32 $0x4000, s31;
	s1 =	sadd.s32 s1, s30  }
0xba: {  	s0 =	sor.u32 s3, s0;
	s1 =	sshll.u32 s1, $0x11  }
0xbb: {  	s0 =	sor.u32 s1, s0  }
0xbc: {  	s0 =	sadd.s32 $0x8F2B, s0  }
0xbd: {  	[sflag:s0] =	ssyncadd.remote.s32 $0x1  }
0xbe: {  	_ =	sfence.sel $0xFFFF  }
0xbf: {  	[dreg:$0x0] =	wrdreg $0xFFFFFFFF;
	(pc) =	sbr.abs _section_cstart, $3  }
0xc0: {  	[dreg:$0x1] =	wrdreg $0xFFFFFFFF  }
0xc1: {  	_ =	task.clear_ibuf [dreg:s7], $0x2FFFF;
	_ =	strace $0x9FFFFFFF  }
0xc2: {  	(tm) =	ssettm $0x7FFFFFFF  }
0xc3: {  	_ =	shalt  }
tec
execute0_lowered:
.L_overlay_start_1:
0x0: {  	(tag) =	ssettag $0x1  }
0x1: {  	s0 =	rddreg [dreg:$0x0]  }
0x2: {  	s1 =	rddreg [dreg:$0x1];
	s7 =	simm.s32 $0x0;
	s4 =	stileid.u32  }
0x3: {  	s3 =	srdreg.scid;
	s10 =	simm.s32 $0x12800;
	[smem:$0x7FF] =	sst s7  }
0x4: {  	s2 =	sshll.u32 s4, $0x8;
	s3 =	sand.u32 $0x1, s3;
	s4 =	sshll.u32 s4, $0x1  }
0x5: {  	s5 =	sadd.s32 $0x1800, s1;
	_ =	strace $0x8000004A;
	s2 =	sand.u32 $0xC00, s2  }
0x6: {  	[dreg:$0x6] =	wrdreg s5;
	s4 =	sor.u32 s3, s4;
	s25 =	ssub.s32 $0x2, s3  }
0x7: {  	s2 =	sadd.s32 s2, s1;
	s1 =	sadd.s32 $0x4800, s1;
	s26 =	sshll.u32 s4, $0x4  }
0x8: {  	s28 =	sshrl.u32 s25, $0x1;
	s6 =	sshll.u32 s4, $0xE;
	[dreg:$0x7] =	wrdreg s1  }
0x9: {  	v0 =	vlaneseq.u32;
	s3 =	sand.u32 $0x70, s26;
	s1 =	ssub.s32 s25, s28;
	s29 =	sadd.s32 s0, s6  }
0xa: {  	v1 =	vmul.u32 $0xFFFFFFFF, v0;
	s30 =	sadd.s32 s3, s2;
	s31 =	smax.u32 s1, $0x1;
	[dreg:$0x8] =	wrdreg s29  }
0xb: {  	v2 =	vimm.f32 $0.0e+00;
	v4 =	vimm.s32 $0x0;
	p0 =	sne.s32 s4, $0x0;
	s0 =	sadd.s32 $0x3800, s30;
	[dreg:$0xa] =	wrdreg s31  }
0xc: {  	v5 =	vimm.s32 $0x1;
	v3 =	vor.u32 $0x80000000, v0;
	v1 =	vadd.s32 $0xF, v1;
	s3 =	simm.s32 $0x1;
	s2 =	simm.s32 $0x0;
	[dreg:$0x9] =	wrdreg s0  }
.LBB2_1:
0xd: {  	[dreg:$0xb] =	wrdreg s2  }
0xe: {  	s0 =	rddreg [dreg:$0x6];
	s1 =	simm.s32 $0x2000  }
0xf: {  	[tilespmem:s1], [sflag:$0x1] =	stream.linear.gather [hbm4b:s0+s7], $0x10000, $0x38;
	[tilespmem:$0x12C80] =	vst v63  }
0x10: {  	s4 =	sand.u32 $0x3C00, s7;
	s0 =	sand.u32 $0x60, s7;
	_ =	swait.ge [sflag:s3], $0x10000  }
0x11: {  	s1 =	sadd.s32 $0x2000, s4;
	s14 =	sor.u32 $0x10, s0;
	[sflag:s3] =	ssyncset.done $0x0  }
0x12: {  	s5 =	sor.u32 s14, s1;
	[sflag:s3] =	ssyncadd.s32 $0xFFFF0000  }
0x13: {  	v14 =	vld [tilespmem:s5+$0x0]  }
0x14: {  	v13 =	vld [tilespmem:s5+$0x80]  }
0x15: {  	v15 =	vld [tilespmem:s5+$0x100]  }
0x16: {  	v17 =	vld [tilespmem:s5+$0x180]  }
0x17: {  	v62 =	vld [tilespmem:s5+$0x200]  }
0x18: {  	v61 =	vld [tilespmem:s5+$0x280]  }
0x19: {  	s2 =	sadd.s32 $0x6000, s4;
	v59 =	vld [tilespmem:s5+$0x300]  }
0x1a: {  	s7 =	sadd.s32 $0x6200, s4;
	s6 =	sor.u32 s14, s2;
	v58 =	vld [tilespmem:s5+$0x380]  }
0x1b: {  	s11 =	sor.u32 s14, s7;
	v57 =	vld [tilespmem:s6+$0x0]  }
0x1c: {  	s1 =	sor.u32 s0, s1;
	v51 =	vld [tilespmem:s11+$0x0]  }
0x1d: {  	v19 =	vld [tilespmem:s1+$0x0]  }
0x1e: {  	v18 =	vld [tilespmem:s1+$0x80]  }
0x1f: {  	v63 =	vld [tilespmem:s1+$0x100]  }
0x20: {  	v60 =	vld [tilespmem:s1+$0x180]  }
0x21: {  	v56 =	vld [tilespmem:s1+$0x200]  }
0x22: {  	v52 =	vld [tilespmem:s1+$0x280]  }
0x23: {  	v48 =	vld [tilespmem:s1+$0x300]  }
0x24: {  	s2 =	sor.u32 s0, s2;
	v44 =	vld [tilespmem:s1+$0x380]  }
0x25: {  	s7 =	sor.u32 s0, s7;
	s3 =	sadd.s32 $0x6080, s4;
	v42 =	vld [tilespmem:s2+$0x0]  }
0x26: {  	s28 =	sor.u32 s14, s3;
	v33 =	vld [tilespmem:s7+$0x0]  }
0x27: {  	s5 =	sadd.s32 $0x6100, s4;
	s3 =	sor.u32 s0, s3;
	v55 =	vld [tilespmem:s28+$0x0]  }
0x28: {  	s6 =	sadd.s32 $0x6180, s4;
	s8 =	sor.u32 s14, s5;
	v40 =	vld [tilespmem:s3+$0x0]  }
0x29: {  	s11 =	sadd.s32 $0x6380, s4;
	s9 =	sor.u32 s14, s6;
	v54 =	vld [tilespmem:s8+$0x0]  }
0x2a: {  	s15 =	sor.u32 s14, s11;
	v53 =	vld [tilespmem:s9+$0x0]  }
0x2b: {  	s5 =	sor.u32 s0, s5;
	v47 =	vld [tilespmem:s15+$0x0]  }
0x2c: {  	s6 =	sor.u32 s0, s6;
	v37 =	vld [tilespmem:s5+$0x0]  }
0x2d: {  	s11 =	sor.u32 s0, s11;
	s8 =	sadd.s32 $0x6280, s4;
	v35 =	vld [tilespmem:s6+$0x0]  }
0x2e: {  	s9 =	sadd.s32 $0x6300, s4;
	v24 =	vld [tilespmem:s11+$0x0];
	s12 =	sor.u32 s14, s8  }
0x2f: {  	s15 =	sadd.s32 $0xA100, s4;
	s13 =	sor.u32 s14, s9;
	v50 =	vld [tilespmem:s12+$0x0]  }
0x30: {  	s18 =	sor.u32 s14, s15;
	v49 =	vld [tilespmem:s13+$0x0]  }
0x31: {  	s8 =	sor.u32 s0, s8;
	v43 =	vld [tilespmem:s18+$0x0]  }
0x32: {  	s9 =	sor.u32 s0, s9;
	v31 =	vld [tilespmem:s8+$0x0]  }
0x33: {  	s15 =	sor.u32 s0, s15;
	s12 =	sadd.s32 $0xA000, s4;
	v28 =	vld [tilespmem:s9+$0x0]  }
0x34: {  	s13 =	sadd.s32 $0xA080, s4;
	v6 =	vld [tilespmem:s15+$0x0];
	s16 =	sor.u32 s14, s12  }
0x35: {  	s18 =	sadd.s32 $0xA280, s4;
	s17 =	sor.u32 s14, s13;
	v46 =	vld [tilespmem:s16+$0x0]  }
0x36: {  	s21 =	sor.u32 s14, s18;
	v45 =	vld [tilespmem:s17+$0x0]  }
0x37: {  	s12 =	sor.u32 s0, s12;
	v38 =	vld [tilespmem:s21+$0x0]  }
0x38: {  	s13 =	sor.u32 s0, s13;
	s16 =	sadd.s32 $0xA180, s4;
	v21 =	vld [tilespmem:s12+$0x0]  }
0x39: {  	s17 =	sadd.s32 $0xA200, s4;
	v20 =	vld [tilespmem:s13+$0x0];
	s19 =	sor.u32 s14, s16  }
0x3a: {  	s21 =	sadd.s32 $0xE000, s4;
	s20 =	sor.u32 s14, s17;
	v41 =	vld [tilespmem:s19+$0x0]  }
0x3b: {  	s24 =	sor.u32 s14, s21;
	s19 =	sadd.s32 $0xA300, s4;
	v39 =	vld [tilespmem:s20+$0x0]  }
0x3c: {  	s20 =	sadd.s32 $0xA380, s4;
	v32 =	vld [tilespmem:s24+$0x0];
	s22 =	sor.u32 s14, s19  }
0x3d: {  	s24 =	sadd.s32 $0xE180, s4;
	s23 =	sor.u32 s14, s20;
	v36 =	vld [tilespmem:s22+$0x0]  }
0x3e: {  	s29 =	sor.u32 s14, s24;
	s22 =	sadd.s32 $0xE080, s4;
	v34 =	vld [tilespmem:s23+$0x0]  }
0x3f: {  	s23 =	sadd.s32 $0xE100, s4;
	v27 =	vld [tilespmem:s29+$0x0];
	s25 =	sor.u32 s14, s22  }
0x40: {  	s26 =	sor.u32 s14, s23;
	v30 =	vld [tilespmem:s25+$0x0];
	s25 =	sadd.s32 $0xE200, s4  }
0x41: {  	v29 =	vld [tilespmem:s26+$0x0];
	s26 =	sadd.s32 $0xE280, s4;
	s28 =	sor.u32 s14, s25  }
0x42: {  	s29 =	sor.u32 s14, s26;
	v26 =	vld [tilespmem:s28+$0x0];
	s28 =	sadd.s32 $0xE300, s4  }
0x43: {  	v25 =	vld [tilespmem:s29+$0x0];
	s4 =	sadd.s32 $0xE380, s4;
	s30 =	sor.u32 s14, s28  }
0x44: {  	v23 =	vld [tilespmem:s30+$0x0];
	s30 =	sor.u32 s14, s4  }
0x45: {  	s16 =	sor.u32 s0, s16;
	v22 =	vld [tilespmem:s30+$0x0];
	[tilespmem:$0x1FF20] =	vst v6  }
0x46: {  	v6 =	vld [tilespmem:s16+$0x0];
	_ =	sdelay $0x4  }
0x47: {  	s17 =	sor.u32 s0, s17;
	[tilespmem:$0x1FF30] =	vst v6  }
0x48: {  	v6 =	vld [tilespmem:s17+$0x0];
	_ =	sdelay $0x4  }
0x49: {  	s18 =	sor.u32 s0, s18;
	[tilespmem:$0x1FF40] =	vst v6  }
0x4a: {  	v6 =	vld [tilespmem:s18+$0x0];
	_ =	sdelay $0x4  }
0x4b: {  	s19 =	sor.u32 s0, s19;
	[tilespmem:$0x1FF50] =	vst v6  }
0x4c: {  	v6 =	vld [tilespmem:s19+$0x0];
	_ =	sdelay $0x4  }
0x4d: {  	s20 =	sor.u32 s0, s20;
	[tilespmem:$0x1FF60] =	vst v6  }
0x4e: {  	v6 =	vld [tilespmem:s20+$0x0];
	_ =	sdelay $0x4  }
0x4f: {  	s21 =	sor.u32 s0, s21;
	[tilespmem:$0x1FF70] =	vst v6  }
0x50: {  	v6 =	vld [tilespmem:s21+$0x0];
	_ =	sdelay $0x4  }
0x51: {  	s29 =	sor.u32 s0, s22;
	[tilespmem:$0x1FF80] =	vst v6  }
0x52: {  	v6 =	vld [tilespmem:s29+$0x0];
	_ =	sdelay $0x4  }
0x53: {  	s30 =	sor.u32 s0, s23;
	[tilespmem:$0x1FF90] =	vst v6  }
0x54: {  	v6 =	vld [tilespmem:s30+$0x0];
	_ =	sdelay $0x4  }
0x55: {  	s3 =	sor.u32 s0, s24;
	[tilespmem:$0x1FFA0] =	vst v6  }
0x56: {  	v6 =	vld [tilespmem:s3+$0x0]  }
0x57: {  	v13 =	vadd.s32 v14, v13  }
0x58: {  	v13 =	vadd.s32 v15, v13  }
0x59: {  	v13 =	vadd.s32 v17, v13  }
0x5a: {  	v13 =	vadd.s32 v62, v13  }
0x5b: {  	v13 =	vadd.s32 v61, v13;
	s5 =	sor.u32 s0, s25;
	[tilespmem:$0x1FFB0] =	vst v6  }
0x5c: {  	v13 =	vadd.s32 v59, v13;
	v6 =	vld [tilespmem:s5+$0x0]  }
0x5d: {  	v13 =	vadd.s32 v58, v13  }
0x5e: {  	v13 =	vadd.s32 v57, v13  }
0x5f: {  	v13 =	vadd.s32 v55, v13  }
0x60: {  	v13 =	vadd.s32 v54, v13  }
0x61: {  	s6 =	sor.u32 s0, s26;
	v13 =	vadd.s32 v53, v13;
	[tilespmem:$0x1FFC0] =	vst v6  }
0x62: {  	v13 =	vadd.s32 v51, v13;
	v6 =	vld [tilespmem:s6+$0x0]  }
0x63: {  	v13 =	vadd.s32 v50, v13  }
0x64: {  	v13 =	vadd.s32 v49, v13  }
0x65: {  	v13 =	vadd.s32 v47, v13  }
0x66: {  	v13 =	vadd.s32 v46, v13  }
0x67: {  	s8 =	sor.u32 s0, s28;
	v13 =	vadd.s32 v45, v13;
	[tilespmem:$0x1FFD0] =	vst v6  }
0x68: {  	v18 =	vadd.s32 v19, v18;
	v13 =	vadd.s32 v43, v13;
	v6 =	vld [tilespmem:s8+$0x0]  }
0x69: {  	v18 =	vadd.s32 v63, v18;
	v13 =	vadd.s32 v41, v13  }
0x6a: {  	v18 =	vadd.s32 v60, v18;
	v13 =	vadd.s32 v39, v13  }
0x6b: {  	v18 =	vadd.s32 v56, v18;
	v13 =	vadd.s32 v38, v13  }
0x6c: {  	v18 =	vadd.s32 v52, v18;
	v36 =	vadd.s32 v36, v13  }
0x6d: {  	v18 =	vadd.s32 v48, v18;
	s0 =	sor.u32 s0, s4;
	v36 =	vadd.s32 v34, v36;
	v34 =	vld [tilespmem:$0x1FF20];
	[tilespmem:$0x1FFE0] =	vst v6  }
0x6e: {  	v18 =	vadd.s32 v44, v18;
	v6 =	vld [tilespmem:s0+$0x0]  }
0x6f: {  	v18 =	vadd.s32 v42, v18;
	v19 =	vadd.s32 v32, v36;
	v36 =	vld [tilespmem:$0x1FF30]  }
0x70: {  	s7 =	simm.s32 $0x100;
	s15 =	simm.s32 $0x20;
	v18 =	vadd.s32 v40, v18;
	v40 =	vld [tilespmem:$0x1FF40]  }
0x71: {  	s16 =	sand.u32 $0x60, s15;
	v44 =	vld [tilespmem:$0x1FF50];
	s3 =	sand.u32 $0x3C00, s7  }
0x72: {  	s18 =	sor.u32 $0x10, s16;
	v52 =	vld [tilespmem:$0x1FF80];
	s5 =	sadd.s32 $0x2000, s3  }
0x73: {  	v56 =	vld [tilespmem:$0x1FFA0];
	s9 =	sor.u32 s18, s5;
	[tilespmem:$0x1FFF0] =	vst v6  }
0x74: {  	v7 =	vld [tilespmem:s9+$0x0]  }
0x75: {  	v6 =	vld [tilespmem:s9+$0x80]  }
0x76: {  	v8 =	vld [tilespmem:s9+$0x100]  }
0x77: {  	v9 =	vld [tilespmem:s9+$0x180]  }
0x78: {  	v10 =	vld [tilespmem:s9+$0x200]  }
0x79: {  	v11 =	vld [tilespmem:s9+$0x280]  }
0x7a: {  	s2 =	sadd.s32 $0x6000, s3;
	v12 =	vld [tilespmem:s9+$0x300]  }
0x7b: {  	s13 =	sadd.s32 $0x6080, s3;
	s11 =	sor.u32 s18, s2;
	v14 =	vld [tilespmem:s9+$0x380]  }
0x7c: {  	s7 =	sadd.s32 $0x6100, s3;
	s12 =	sor.u32 s18, s13;
	v15 =	vld [tilespmem:s11+$0x0]  }
0x7d: {  	s17 =	sor.u32 s18, s7;
	s6 =	sadd.s32 $0x6180, s3;
	v16 =	vld [tilespmem:s12+$0x0]  }
0x7e: {  	s4 =	sadd.s32 $0x6200, s3;
	s19 =	sor.u32 s18, s6;
	v62 =	vld [tilespmem:s17+$0x0]  }
0x7f: {  	s31 =	sadd.s32 $0x6280, s3;
	s20 =	sor.u32 s18, s4;
	v61 =	vld [tilespmem:s19+$0x0]  }
0x80: {  	s30 =	sadd.s32 $0x6300, s3;
	s21 =	sor.u32 s18, s31;
	v59 =	vld [tilespmem:s20+$0x0]  }
0x81: {  	s28 =	sadd.s32 $0xA080, s3;
	s22 =	sor.u32 s18, s30;
	v58 =	vld [tilespmem:s21+$0x0]  }
0x82: {  	s26 =	sadd.s32 $0xA100, s3;
	s25 =	sor.u32 s18, s28;
	v57 =	vld [tilespmem:s22+$0x0]  }
0x83: {  	s29 =	sor.u32 s18, s26;
	v53 =	vld [tilespmem:s25+$0x0]  }
0x84: {  	s5 =	sor.u32 s16, s5;
	v51 =	vld [tilespmem:s29+$0x0]  }
0x85: {  	v60 =	vld [tilespmem:s5+$0x100]  }
0x86: {  	s1 =	sadd.s32 $0xE000, s3;
	s13 =	sor.u32 s16, s13;
	v63 =	vld [tilespmem:s5+$0x180]  }
0x87: {  	v19 =	vadd.s32 v30, v19;
	s0 =	sadd.s32 $0xE080, s3;
	s25 =	sor.u32 s18, s1;
	v30 =	vld [tilespmem:s13+$0x0]  }
0x88: {  	s12 =	sadd.s32 $0x6380, s3;
	s29 =	sor.u32 s18, s0;
	v45 =	vld [tilespmem:s25+$0x0]  }
0x89: {  	s11 =	sadd.s32 $0xA000, s3;
	s23 =	sor.u32 s18, s12;
	v43 =	vld [tilespmem:s29+$0x0]  }
0x8a: {  	s22 =	sadd.s32 $0xA200, s3;
	s24 =	sor.u32 s18, s11;
	v55 =	vld [tilespmem:s23+$0x0]  }
0x8b: {  	s21 =	sadd.s32 $0xA280, s3;
	s9 =	sor.u32 s18, s22;
	v54 =	vld [tilespmem:s24+$0x0]  }
0x8c: {  	s19 =	sadd.s32 $0xA300, s3;
	s17 =	sor.u32 s18, s21;
	v49 =	vld [tilespmem:s9+$0x0]  }
0x8d: {  	s20 =	sor.u32 s18, s19;
	s24 =	sadd.s32 $0xA180, s3;
	v47 =	vld [tilespmem:s17+$0x0]  }
0x8e: {  	v46 =	vld [tilespmem:s20+$0x0];
	s17 =	sadd.s32 $0xE100, s3;
	s8 =	sor.u32 s18, s24  }
0x8f: {  	s20 =	sor.u32 s18, s17;
	v50 =	vld [tilespmem:s8+$0x0];
	s8 =	sadd.s32 $0xA380, s3  }
0x90: {  	v41 =	vld [tilespmem:s20+$0x0];
	s20 =	sadd.s32 $0xE200, s3;
	s23 =	sor.u32 s18, s8  }
0x91: {  	s29 =	sor.u32 s18, s20;
	v6 =	vadd.s32 v7, v6;
	v17 =	vld [tilespmem:s23+$0x0]  }
0x92: {  	s2 =	sor.u32 s16, s2;
	s23 =	sadd.s32 $0xE180, s3;
	v38 =	vld [tilespmem:s29+$0x0];
	v8 =	vadd.s32 v8, v6  }
0x93: {  	s25 =	sor.u32 s18, s23;
	v8 =	vadd.s32 v9, v8;
	v9 =	vadd.s32 v29, v19;
	v29 =	vld [tilespmem:s2+$0x0]  }
0x94: {  	v39 =	vld [tilespmem:s25+$0x0]  }
0x95: {  	v8 =	vadd.s32 v10, v8;
	v10 =	vld [tilespmem:s5+$0x0]  }
0x96: {  	v9 =	vadd.s32 v27, v9;
	v27 =	vld [tilespmem:s5+$0x380]  }
0x97: {  	s25 =	sadd.s32 $0xE280, s3;
	v8 =	vadd.s32 v11, v8;
	v11 =	vld [tilespmem:s5+$0x80]  }
0x98: {  	s29 =	sadd.s32 $0xE300, s3;
	s9 =	sor.u32 s18, s25;
	v9 =	vadd.s32 v26, v9;
	v26 =	vld [tilespmem:s5+$0x280]  }
0x99: {  	v13 =	vld [tilespmem:s9+$0x0];
	s9 =	sor.u32 s18, s29  }
0x9a: {  	s3 =	sadd.s32 $0xE380, s3;
	v8 =	vadd.s32 v12, v8;
	v9 =	vadd.s32 v25, v9;
	v7 =	vld [tilespmem:s9+$0x0]  }
0x9b: {  	s9 =	sor.u32 s18, s3;
	v8 =	vadd.s32 v14, v8;
	v9 =	vadd.s32 v23, v9;
	v23 =	vld [tilespmem:s5+$0x200]  }
0x9c: {  	v6 =	vld [tilespmem:s9+$0x0];
	v8 =	vadd.s32 v15, v8;
	v25 =	vadd.s32 v22, v9;
	v9 =	vadd.s32 v37, v18;
	s9 =	sor.u32 s16, s4;
	s4 =	sor.u32 s16, s30  }
0x9d: {  	v8 =	vadd.s32 v16, v8;
	v9 =	vadd.s32 v35, v9;
	v35 =	vld [tilespmem:s4+$0x0]  }
0x9e: {  	s13 =	sor.u32 s16, s31;
	v8 =	vadd.s32 v62, v8;
	v10 =	vadd.s32 v10, v11;
	v11 =	vld [tilespmem:s5+$0x300]  }
0x9f: {  	v9 =	vadd.s32 v33, v9;
	v33 =	vld [tilespmem:s13+$0x0];
	v8 =	vadd.s32 v61, v8;
	v10 =	vadd.s32 v60, v10  }
0xa0: {  	s5 =	sor.u32 s16, s7;
	v62 =	vld [tilespmem:$0x1FFE0];
	v8 =	vadd.s32 v59, v8;
	v10 =	vadd.s32 v63, v10  }
0xa1: {  	s7 =	sor.u32 s16, s6;
	v9 =	vadd.s32 v31, v9;
	v31 =	vld [tilespmem:s5+$0x0];
	v8 =	vadd.s32 v58, v8;
	v10 =	vadd.s32 v23, v10  }
0xa2: {  	s6 =	sor.u32 s16, s11;
	v32 =	vld [tilespmem:s7+$0x0];
	v8 =	vadd.s32 v57, v8;
	v10 =	vadd.s32 v26, v10  }
0xa3: {  	v42 =	vld [tilespmem:s6+$0x0];
	v8 =	vadd.s32 v55, v8;
	v10 =	vadd.s32 v11, v10  }
0xa4: {  	v11 =	vld [tilespmem:s9+$0x0];
	v8 =	vadd.s32 v54, v8;
	v10 =	vadd.s32 v27, v10  }
0xa5: {  	s5 =	sor.u32 s16, s12;
	v60 =	vld [tilespmem:$0x1FFC0];
	v9 =	vadd.s32 v28, v9;
	v8 =	vadd.s32 v53, v8;
	v10 =	vadd.s32 v29, v10  }
0xa6: {  	s7 =	sor.u32 s16, s28;
	v37 =	vld [tilespmem:s5+$0x0];
	v9 =	vadd.s32 v24, v9;
	v8 =	vadd.s32 v51, v8;
	v10 =	vadd.s32 v30, v10  }
0xa7: {  	v48 =	vld [tilespmem:s7+$0x0];
	v9 =	vadd.s32 v21, v9;
	v8 =	vadd.s32 v50, v8;
	v10 =	vadd.s32 v31, v10  }
0xa8: {  	v9 =	vadd.s32 v20, v9;
	v8 =	vadd.s32 v49, v8;
	v10 =	vadd.s32 v32, v10;
	v49 =	vld [tilespmem:$0x1FF60]  }
0xa9: {  	s9 =	sor.u32 s16, s26;
	v9 =	vadd.s32 v34, v9;
	v50 =	vld [tilespmem:$0x1FF70];
	v10 =	vadd.s32 v11, v10  }
0xaa: {  	v9 =	vadd.s32 v36, v9;
	v11 =	vld [tilespmem:s9+$0x0];
	v10 =	vadd.s32 v33, v10  }
0xab: {  	v54 =	vld [tilespmem:$0x1FF90];
	v9 =	vadd.s32 v40, v9;
	v10 =	vadd.s32 v35, v10  }
0xac: {  	s13 =	sor.u32 s16, s21;
	v57 =	vld [tilespmem:$0x1FFB0];
	v9 =	vadd.s32 v44, v9;
	v8 =	vadd.s32 v47, v8;
	v10 =	vadd.s32 v37, v10  }
0xad: {  	s11 =	sor.u32 s16, s24;
	s21 =	simm.s32 $0x0;
	v55 =	vld [tilespmem:s13+$0x0];
	v8 =	vadd.s32 v46, v8;
	v9 =	vadd.s32 v49, v9;
	v10 =	vadd.s32 v42, v10  }
0xae: {  	s2 =	sand.u32 $0x780, s21;
	v51 =	vld [tilespmem:s11+$0x0];
	v8 =	vadd.s32 v17, v8;
	v9 =	vadd.s32 v50, v9;
	v10 =	vadd.s32 v48, v10  }
0xaf: {  	s12 =	sor.u32 s16, s22;
	s2 =	sor.u32 s14, s2;
	v8 =	vadd.s32 v45, v8;
	v9 =	vadd.s32 v52, v9;
	v10 =	vadd.s32 v11, v10;
	v11 =	vld [tilespmem:$0x1FFD0]  }
0xb0: {  	v53 =	vld [tilespmem:s12+$0x0];
	v8 =	vadd.s32 v43, v8;
	[tilespmem:s2+$0x12000] =	vst v25;
	v9 =	vadd.s32 v54, v9  }
0xb1: {  	s19 =	sor.u32 s16, s19;
	v8 =	vadd.s32 v41, v8;
	v63 =	vld [tilespmem:$0x1FFF0];
	v9 =	vadd.s32 v56, v9  }
0xb2: {  	s22 =	sor.u32 s16, s8;
	v58 =	vld [tilespmem:s19+$0x0];
	v8 =	vadd.s32 v39, v8;
	v9 =	vadd.s32 v57, v9  }
0xb3: {  	s0 =	sor.u32 s16, s0;
	v59 =	vld [tilespmem:s22+$0x0];
	v8 =	vadd.s32 v38, v8;
	v17 =	vadd.s32 v60, v9  }
0xb4: {  	s24 =	sor.u32 s16, s17;
	v61 =	vadd.s32 v51, v10;
	v10 =	vld [tilespmem:s0+$0x0];
	v8 =	vadd.s32 v13, v8;
	v11 =	vadd.s32 v11, v17  }
0xb5: {  	s1 =	sor.u32 s16, s1;
	s31 =	sor.u32 s16, s29;
	s29 =	sand.u32 $0x780, s15;
	v12 =	vadd.s32 v53, v61;
	v8 =	vadd.s32 v7, v8;
	v7 =	vld [tilespmem:s24+$0x0];
	v11 =	vadd.s32 v62, v11  }
0xb6: {  	s3 =	sor.u32 s16, s3;
	s26 =	sor.u32 s16, s23;
	s23 =	simm.s32 $0x12000;
	v12 =	vadd.s32 v55, v12;
	v9 =	vld [tilespmem:s1+$0x0];
	v11 =	vadd.s32 v63, v11  }
0xb7: {  	s30 =	sor.u32 s18, s29;
	s18 =	simm.s32 $0x2;
	s28 =	sor.u32 s16, s20;
	v8 =	vadd.s32 v6, v8;
	v6 =	vld [tilespmem:s26+$0x0];
	[tilespmem:s23+$0x0] =	vst v11;
	v11 =	vadd.s32 v58, v12  }
0xb8: {  	s4 =	sor.u32 s16, s25;
	s20 =	simm.s32 $0x40;
	s19 =	simm.s32 $0x200;
	[tilespmem:s30+$0x12000] =	vst v8;
	v8 =	vld [tilespmem:s28+$0x0];
	v11 =	vadd.s32 v59, v11  }
.LBB2_2:
0xb9: {  	s1 =	sand.u32 $0x60, s20;
	s22 =	sand.u32 $0x3C00, s19  }
0xba: {  	s2 =	sadd.s32 $0x2000, s22;
	s15 =	sor.u32 $0x10, s1  }
0xbb: {  	s0 =	sor.u32 s1, s2;
	s2 =	sor.u32 s15, s2  }
0xbc: {  	v12 =	vld [tilespmem:s2+$0x0]  }
0xbd: {  	v9 =	vadd.s32 v9, v11;
	v11 =	vld [tilespmem:s4+$0x0]  }
0xbe: {  	v9 =	vadd.s32 v10, v9;
	v10 =	vld [tilespmem:s31+$0x0]  }
0xbf: {  	v7 =	vadd.s32 v7, v9;
	v9 =	vld [tilespmem:s3+$0x0]  }
0xc0: {  	v6 =	vadd.s32 v6, v7;
	v7 =	vld [tilespmem:s2+$0x80]  }
0xc1: {  	v6 =	vadd.s32 v8, v6;
	v8 =	vld [tilespmem:s2+$0x100]  }
0xc2: {  	v6 =	vadd.s32 v11, v6;
	v11 =	vld [tilespmem:s2+$0x180]  }
0xc3: {  	v6 =	vadd.s32 v10, v6;
	v10 =	vld [tilespmem:s2+$0x200]  }
0xc4: {  	s23 =	sadd.s32 $0x20, s23;
	v6 =	vadd.s32 v9, v6;
	v9 =	vld [tilespmem:s2+$0x280]  }
0xc5: {  	s16 =	sadd.s32 $0x6000, s22;
	[tilespmem:s23+$0x0] =	vst v6;
	v6 =	vadd.s32 v12, v7;
	v7 =	vld [tilespmem:s2+$0x300]  }
0xc6: {  	s21 =	sadd.s32 $0x6080, s22;
	s26 =	sadd.s32 $0x6100, s22;
	s30 =	sadd.s32 $0x6180, s22;
	v6 =	vadd.s32 v8, v6;
	v8 =	vld [tilespmem:s2+$0x380]  }
0xc7: {  	s5 =	sadd.s32 $0x6200, s22;
	s7 =	sadd.s32 $0x6280, s22;
	s24 =	sor.u32 s15, s16;
	v62 =	vld [tilespmem:s0+$0x0]  }
0xc8: {  	s9 =	sadd.s32 $0x6300, s22;
	s12 =	sadd.s32 $0x6380, s22;
	s28 =	sor.u32 s15, s21;
	v6 =	vadd.s32 v11, v6;
	v11 =	vld [tilespmem:s24+$0x0]  }
0xc9: {  	s14 =	sadd.s32 $0xA000, s22;
	s17 =	sor.u32 s1, s16;
	s3 =	sor.u32 s15, s26;
	v6 =	vadd.s32 v10, v6;
	v10 =	vld [tilespmem:s28+$0x0]  }
0xca: {  	s25 =	sor.u32 s1, s21;
	s29 =	sor.u32 s1, s26;
	s6 =	sor.u32 s15, s30;
	v6 =	vadd.s32 v9, v6;
	v9 =	vld [tilespmem:s3+$0x0]  }
0xcb: {  	s8 =	sor.u32 s15, s5;
	s11 =	sor.u32 s15, s7;
	[dreg:$0x3] =	wrdreg s17;
	v6 =	vadd.s32 v7, v6;
	v7 =	vld [tilespmem:s6+$0x0]  }
0xcc: {  	s13 =	sor.u32 s15, s9;
	s16 =	sor.u32 s15, s12;
	[dreg:$0x4] =	wrdreg s25;
	v6 =	vadd.s32 v8, v6;
	v8 =	vld [tilespmem:s8+$0x0]  }
0xcd: {  	[dreg:$0x5] =	wrdreg s29;
	s25 =	sor.u32 s1, s5;
	s17 =	sadd.s32 $0xA080, s22;
	v6 =	vadd.s32 v11, v6;
	v11 =	vld [tilespmem:s11+$0x0]  }
0xce: {  	s29 =	sor.u32 s1, s12;
	s5 =	sadd.s32 $0xA100, s22;
	s21 =	sor.u32 s1, s17;
	v6 =	vadd.s32 v10, v6;
	v10 =	vld [tilespmem:s13+$0x0]  }
0xcf: {  	s12 =	sor.u32 s1, s5;
	s26 =	sor.u32 s1, s7;
	s3 =	sor.u32 s15, s14;
	v6 =	vadd.s32 v9, v6;
	v9 =	vld [tilespmem:s16+$0x0]  }
0xd0: {  	s7 =	sadd.s32 $0xA180, s22;
	s24 =	sor.u32 s1, s30;
	s6 =	sor.u32 s15, s17;
	v6 =	vadd.s32 v7, v6;
	v7 =	vld [tilespmem:s3+$0x0]  }
0xd1: {  	s30 =	sor.u32 s1, s14;
	s28 =	sor.u32 s1, s9;
	s8 =	sor.u32 s15, s5;
	v6 =	vadd.s32 v8, v6;
	v8 =	vld [tilespmem:s6+$0x0]  }
0xd2: {  	s9 =	sadd.s32 $0xA200, s22;
	s14 =	sadd.s32 $0xA280, s22;
	s13 =	sor.u32 s15, s7;
	v6 =	vadd.s32 v11, v6;
	v11 =	vld [tilespmem:s8+$0x0]  }
0xd3: {  	s17 =	sadd.s32 $0xA300, s22;
	s4 =	sor.u32 s15, s14;
	s16 =	sor.u32 s15, s9;
	v6 =	vadd.s32 v10, v6;
	v10 =	vld [tilespmem:s13+$0x0]  }
0xd4: {  	s5 =	sadd.s32 $0xA380, s22;
	s11 =	sor.u32 s1, s7;
	s7 =	sor.u32 s1, s14;
	v6 =	vadd.s32 v9, v6;
	v9 =	vld [tilespmem:s16+$0x0]  }
0xd5: {  	s14 =	sor.u32 s15, s5;
	s6 =	sor.u32 s15, s17;
	s8 =	sor.u32 s1, s9;
	v6 =	vadd.s32 v7, v6;
	v7 =	vld [tilespmem:s4+$0x0]  }
0xd6: {  	s9 =	sadd.s32 $0xE000, s22;
	s13 =	sor.u32 s1, s17;
	s17 =	sor.u32 s1, s5;
	v6 =	vadd.s32 v8, v6;
	v8 =	vld [tilespmem:s6+$0x0]  }
0xd7: {  	s3 =	sor.u32 s15, s9;
	s5 =	sadd.s32 $0xE100, s22;
	s16 =	sadd.s32 $0xE080, s22;
	v6 =	vadd.s32 v11, v6;
	v11 =	vld [tilespmem:s14+$0x0]  }
0xd8: {  	s6 =	sor.u32 s1, s9;
	s9 =	sor.u32 s1, s16;
	s16 =	sor.u32 s15, s16;
	v6 =	vadd.s32 v10, v6;
	v10 =	vld [tilespmem:s3+$0x0]  }
0xd9: {  	s4 =	sadd.s32 $0xE180, s22;
	s14 =	sor.u32 s1, s5;
	s3 =	sor.u32 s15, s5;
	v6 =	vadd.s32 v9, v6;
	v9 =	vld [tilespmem:s16+$0x0]  }
0xda: {  	s5 =	sor.u32 s1, s4;
	s4 =	sor.u32 s15, s4;
	s16 =	sadd.s32 $0xE200, s22;
	v6 =	vadd.s32 v7, v6;
	v7 =	vld [tilespmem:s3+$0x0]  }
0xdb: {  	s31 =	sadd.s32 $0xE280, s22;
	s2 =	sor.u32 s1, s16;
	s3 =	sor.u32 s15, s16;
	v6 =	vadd.s32 v8, v6;
	v8 =	vld [tilespmem:s4+$0x0]  }
0xdc: {  	s16 =	sadd.s32 $0xE300, s22;
	s22 =	sadd.s32 $0xE380, s22;
	v6 =	vadd.s32 v11, v6;
	v11 =	vld [tilespmem:s3+$0x0];
	s3 =	sor.u32 s15, s31  }
0xdd: {  	s4 =	sor.u32 s1, s31;
	s31 =	sor.u32 s1, s16;
	s16 =	sor.u32 s15, s16;
	v6 =	vadd.s32 v10, v6;
	v10 =	vld [tilespmem:s3+$0x0]  }
0xde: {  	v6 =	vadd.s32 v9, v6;
	v9 =	vld [tilespmem:s16+$0x0];
	s16 =	sor.u32 s15, s22  }
0xdf: {  	v6 =	vadd.s32 v7, v6;
	v7 =	vld [tilespmem:s16+$0x0]  }
0xe0: {  	v6 =	vadd.s32 v8, v6;
	v8 =	vld [tilespmem:s0+$0x80]  }
0xe1: {  	v6 =	vadd.s32 v11, v6;
	v11 =	vld [tilespmem:s0+$0x100]  }
0xe2: {  	v6 =	vadd.s32 v10, v6;
	v10 =	vld [tilespmem:s0+$0x180]  }
0xe3: {  	s3 =	sor.u32 s1, s22;
	s22 =	sand.u32 $0x780, s20;
	v6 =	vadd.s32 v9, v6;
	v9 =	vld [tilespmem:s0+$0x200]  }
0xe4: {  	s1 =	sor.u32 s15, s22;
	v6 =	vadd.s32 v7, v6;
	v7 =	vld [tilespmem:s0+$0x280]  }
0xe5: {  	[tilespmem:s1+$0x12000] =	vst v6;
	v6 =	vadd.s32 v62, v8;
	v8 =	vld [tilespmem:s0+$0x300]  }
0xe6: {  	s1 =	rddreg [dreg:$0x3];
	v6 =	vadd.s32 v11, v6;
	v11 =	vld [tilespmem:s0+$0x380]  }
0xe7: {  	s16 =	rddreg [dreg:$0x4];
	v6 =	vadd.s32 v10, v6;
	v10 =	vld [tilespmem:s1+$0x0]  }
0xe8: {  	s22 =	rddreg [dreg:$0x5];
	v6 =	vadd.s32 v9, v6;
	v9 =	vld [tilespmem:s16+$0x0]  }
0xe9: {  	v6 =	vadd.s32 v7, v6;
	v7 =	vld [tilespmem:s22+$0x0]  }
0xea: {  	v6 =	vadd.s32 v8, v6;
	v8 =	vld [tilespmem:s24+$0x0]  }
0xeb: {  	v6 =	vadd.s32 v11, v6;
	v11 =	vld [tilespmem:s25+$0x0]  }
0xec: {  	v6 =	vadd.s32 v10, v6;
	v10 =	vld [tilespmem:s26+$0x0]  }
0xed: {  	v6 =	vadd.s32 v9, v6;
	v9 =	vld [tilespmem:s28+$0x0]  }
0xee: {  	v6 =	vadd.s32 v7, v6;
	v7 =	vld [tilespmem:s29+$0x0]  }
0xef: {  	v6 =	vadd.s32 v8, v6;
	v8 =	vld [tilespmem:s30+$0x0]  }
0xf0: {  	v6 =	vadd.s32 v11, v6;
	v11 =	vld [tilespmem:s21+$0x0]  }
0xf1: {  	v6 =	vadd.s32 v10, v6;
	v10 =	vld [tilespmem:s12+$0x0]  }
0xf2: {  	v6 =	vadd.s32 v9, v6;
	v9 =	vld [tilespmem:s11+$0x0]  }
0xf3: {  	v6 =	vadd.s32 v7, v6;
	v7 =	vld [tilespmem:s8+$0x0]  }
0xf4: {  	v6 =	vadd.s32 v8, v6;
	v8 =	vld [tilespmem:s7+$0x0]  }
0xf5: {  	s18 =	sadd.s32 $0x2, s18;
	v6 =	vadd.s32 v11, v6;
	v11 =	vld [tilespmem:s13+$0x0]  }
0xf6: {  	p1 =	slt.u32 s18, $0x7E;
	v63 =	vld [tilespmem:s17+$0x0];
	v6 =	vadd.s32 v10, v6  }
.Ltmp0:
0xf7: {  	v10 =	vld [tilespmem:s9+$0x0];
	v6 =	vadd.s32 v9, v6;
	(pc) =	sbr.rel @p1 .LBB2_2-.Ltmp0, $4  }
0xf8: {  	v9 =	vld [tilespmem:s6+$0x0];
	v6 =	vadd.s32 v7, v6  }
0xf9: {  	v7 =	vld [tilespmem:s14+$0x0];
	v6 =	vadd.s32 v8, v6  }
0xfa: {  	v8 =	vadd.s32 v11, v6;
	v6 =	vld [tilespmem:s5+$0x0]  }
0xfb: {  	s19 =	sadd.s32 $0x100, s19;
	s20 =	sadd.s32 $0x20, s20;
	s15 =	simm.s32 $0x0;
	v11 =	vadd.s32 v63, v8;
	v8 =	vld [tilespmem:s2+$0x0]  }
0xfc: {  	_ = 	snop  }
0xfd: {  	v9 =	vadd.s32 v9, v11;
	v11 =	vld [tilespmem:s4+$0x0]  }
0xfe: {  	v9 =	vadd.s32 v10, v9;
	v10 =	vld [tilespmem:s31+$0x0]  }
0xff: {  	v7 =	vadd.s32 v7, v9;
	v9 =	vld [tilespmem:s3+$0x0]  }
0x100: {  	v6 =	vadd.s32 v6, v7  }
0x101: {  	v6 =	vadd.s32 v8, v6  }
0x102: {  	v6 =	vadd.s32 v11, v6  }
0x103: {  	v6 =	vadd.s32 v10, v6  }
0x104: {  	s0 =	sadd.s32 $0x20, s23;
	v6 =	vadd.s32 v9, v6  }
0x105: {  	s12 =	simm.s32 $0x127F0;
	[tilespmem:s0+$0x0] =	vst v6  }
0x106: {  	v6 =	vld [tilespmem:s12+$0x0];
	_ =	sdelay $0x4  }
0x107: {  	s13 =	simm.s32 $0x127E0;
	v11 =	vperm.xlane v6, v1  }
0x108: {  	v7 =	vld [tilespmem:s13+$0x0];
	(xrf0) =	vadd.scan.msk.s32 $0xffff, v6  }
0x109: {  	(xrf0) =	vadd.scan.msk.s32 $0xffff, v11;
	_ =	sdelay $0x3  }
0x10a: {  	(xrf0) =	vadd.scan.msk.s32 $0xffff, v7  }
0x10b: {  	v6, _, _ =	vpop (xrf0)  }
0x10c: {  	(v2sf) =	vpush v6, $0xF;
	v12, _, _ =	vpop (xrf0)  }
0x10d: {  	s14 =	simm.s32 $0x127D0;
	v8 =	vperm.xlane v7, v1;
	v7 =	vadd.s32 s15, v12  }
0x10e: {  	v6 =	vld [tilespmem:s14+$0x0];
	_ =	sdelay $0x1  }
0x10f: {  	vm0 =	vgt.s32 v7, $0x1FFF;
	v7, _, _ =	vpop (xrf0)  }
0x110: {  	(xrf0) =	vadd.scan.msk.s32 $0xffff, v8;
	v9 =	vsel vm0, $0x3F800000, v2;
	(v2sf) =	vpush v7, $0xF  }
0x111: {  	(xrf0) =	vmax.scan.msk.f32 $0xffff, v9  }
0x112: {  	(xrf0) =	vadd.scan.msk.s32 $0xffff, v6;
	v7 =	vnsel vm0, $0x80000010, v3  }
0x113: {  	(xrf0) =	vmin.scan.msk.u32 $0xffff, v7;
	_ =	sdelay $0x2  }
0x114: {  	v14, _, _ =	vpop (xrf0)  }
0x115: {  	v7, _, _ =	vpop (xrf0)  }
0x116: {  	v10 =	vperm.xlane v6, v1;
	(v2sf) =	vpush v7, $0xF;
	v7, _, _ =	vpop (xrf0)  }
0x117: {  	(v2sf) =	vpush v7, $0xF;
	v6, _, _ =	vpop (xrf0)  }
0x118: {  	s1 =	simm.s32 $0x127C0;
	(xrf0) =	vadd.scan.msk.s32 $0xffff, v10;
	(v2sf) =	vpush v6, $0xF;
	s16 =	spop (v2sf)  }
0x119: {  	v6 =	vld [tilespmem:s1+$0x0];
	s21 =	sadd.s32 $0x0, s16  }
0x11a: {  	v7 =	vadd.s32 s21, v14  }
0x11b: {  	vm0 =	vgt.s32 v7, $0x1FFF  }
0x11c: {  	v7 =	vsel vm0, $0x3F800000, v2  }
0x11d: {  	(xrf0) =	vmax.scan.msk.f32 $0xffff, v7;
	s17 =	spop (v2sf)  }
0x11e: {  	v15, _, _ =	vpop (xrf0);
	v7 =	vnsel vm0, $0x80000010, v3;
	(xrf0) =	vadd.scan.msk.s32 $0xffff, v6;
	s16 =	sadd.s32 s21, s17  }
0x11f: {  	s18 =	simm.s32 $0x127B0;
	v9 =	vperm.xlane v6, v1;
	(xrf0) =	vmin.scan.msk.u32 $0xffff, v7;
	v6 =	vadd.s32 s16, v15  }
0x120: {  	v7 =	vld [tilespmem:s18+$0x0];
	vm0 =	vgt.s32 v6, $0x1FFF  }
0x121: {  	(xrf0) =	vadd.scan.msk.s32 $0xffff, v9;
	v6 =	vsel vm0, $0x3F800000, v2;
	_ =	sdelay $0x1  }
0x122: {  	v13, _, _ =	vpop (xrf0)  }
0x123: {  	(xrf0) =	vmax.scan.msk.f32 $0xffff, v6;
	(v2sf) =	vpush v13, $0xF;
	v13 =	vnsel vm0, $0x80000010, v3;
	v6, _, _ =	vpop (xrf0)  }
0x124: {  	s19 =	spop (v2sf);
	(xrf0) =	vadd.scan.msk.s32 $0xffff, v7;
	(v2sf) =	vpush v6, $0xF;
	v6, _, _ =	vpop (xrf0)  }
0x125: {  	s20 =	spop (v2sf);
	(xrf0) =	vmin.scan.msk.u32 $0xffff, v13;
	(v2sf) =	vpush v6, $0xF  }
0x126: {  	s22 =	spop (v2sf);
	s17 =	sadd.s32 s16, s20;
	v13, _, _ =	vpop (xrf0)  }
0x127: {  	v6 =	vperm.xlane v7, v1;
	s23 =	sxor.u32 $0x80000000, s22;
	v7 =	vadd.s32 s17, v13  }
0x128: {  	s2 =	simm.s32 $0x127A0;
	vm0 =	vgt.s32 v7, $0x1FFF;
	v7 =	vmov s23  }
0x129: {  	v16 =	vld [tilespmem:s2+$0x0];
	v17, _, _ =	vpop (xrf0)  }
0x12a: {  	(v2sf) =	vpush v17, $0xF;
	v17, _, _ =	vpop (xrf0)  }
0x12b: {  	(xrf0) =	vadd.scan.msk.s32 $0xffff, v6;
	v18 =	vsel vm0, $0x3F800000, v2;
	vm1 =	veq.s32 v7, v0;
	(v2sf) =	vpush v17, $0xF;
	v7, _, _ =	vpop (xrf0)  }
0x12c: {  	(xrf0) =	vmax.scan.msk.f32 $0xffff, v18;
	v12 =	vnsel vm1, $0x0, v12;
	(v2sf) =	vpush v7, $0xF  }
0x12d: {  	(xrf0) =	vadd.scan.msk.s32 $0xffff, v12  }
0x12e: {  	v11 =	vnsel vm1, $0x0, v11;
	(xrf0) =	vadd.scan.msk.s32 $0xffff, v16;
	v7 =	vnsel vm0, $0x80000010, v3  }
0x12f: {  	(xrf0) =	vmin.scan.msk.u32 $0xffff, v7  }
0x130: {  	(xrf0) =	vadd.scan.msk.s32 $0xffff, v11  }
0x131: {  	v11, _, _ =	vpop (xrf0)  }
0x132: {  	v7, _, _ =	vpop (xrf0);
	s24 =	spop (v2sf)  }
0x133: {  	(v2sf) =	vpush v7, $0xF;
	v12, _, _ =	vpop (xrf0);
	v7 =	vperm.xlane v16, v1;
	s25 =	spop (v2sf)  }
0x134: {  	v16, _, _ =	vpop (xrf0);
	(v2sf) =	vpush v12, $0xF;
	s30 =	spop (v2sf);
	s18 =	sadd.s32 s17, s25  }
0x135: {  	s26 =	simm.s32 $0x12790;
	(xrf0) =	vadd.scan.msk.s32 $0xffff, v7;
	v12, _, _ =	vpop (xrf0);
	(v2sf) =	vpush v16, $0xF;
	v17 =	vadd.s32 s18, v11;
	s31 =	sxor.u32 $0x80000000, s30  }
0x136: {  	v16 =	vld [tilespmem:s26+$0x0];
	(v2sf) =	vpush v12, $0xF;
	v12, _, _ =	vpop (xrf0);
	vm0 =	vgt.s32 v17, $0x1FFF;
	v17 =	vmov s31  }
0x137: {  	(v2sf) =	vpush v12, $0xF;
	v12 =	vsel vm0, $0x3F800000, v2;
	vm1 =	veq.s32 v17, v0  }
0x138: {  	(xrf0) =	vmax.scan.msk.f32 $0xffff, v12;
	v12 =	vnsel vm1, $0x0, v14  }
0x139: {  	s3 =	spop (v2sf)  }
0x13a: {  	(xrf0) =	vadd.scan.msk.s32 $0xffff, v12;
	s5 =	spop (v2sf)  }
0x13b: {  	s1 =	ssub.s32 $0x800007FF, s22;
	v14 =	vnsel vm0, $0x80000010, v3;
	(xrf0) =	vadd.scan.msk.s32 $0xffff, v16;
	s8 =	spop (v2sf);
	s22 =	sadd.s32 s18, s5;
	v12, _, _ =	vpop (xrf0)  }
0x13c: {  	p1 =	sgt.f32 s19, $0.0e+00;
	(xrf0) =	vmin.scan.msk.u32 $0xffff, v14;
	s9 =	sxor.u32 $0x80000000, s8;
	v14 =	vadd.s32 s22, v12  }
0x13d: {  	p2 =	por $0x1, $0x1;
	v17 =	vnsel vm1, $0x0, v8;
	vm2 =	vgt.s32 v14, $0x1FFF;
	v14 =	vmov s9  }
0x13e: {  	s7 =	simm.s32 $0xFFFFFFFF;
	p1 =	por !p2, !p1;
	v8 =	vperm.xlane v16, v1;
	(xrf0) =	vadd.scan.msk.s32 $0xffff, v17;
	v16 =	vsel vm2, $0x3F800000, v2  }
0x13f: {  	s29 =	simm.s32 $0x800007BF;
	s28 =	simm.s32 $0x800007AF;
	p1 =	por !p1, !p1;
	vm0 =	veq.s32 v14, v0  }
0x140: {  	s6 =	simm.s32 $0x12780;
	s7 =	smov.u32 @p1 s1;
	p5 =	sgt.f32 s24, $0.0e+00;
	(xrf0) =	vadd.scan.msk.s32 $0xffff, v8;
	v15 =	vnsel vm0, $0x0, v15;
	v14, _, _ =	vpop (xrf0)  }
0x141: {  	s19 =	simm.s32 $0x8000076F;
	s20 =	simm.s32 $0x8000075F;
	p3 =	slt.s32 s7, $0x0;
	(xrf0) =	vmax.scan.msk.f32 $0xffff, v16;
	v16, _, _ =	vpop (xrf0);
	(v2sf) =	vpush v14, $0xF  }
0x142: {  	s23 =	simm.s32 $0x8000077F;
	v18 =	vld [tilespmem:s6+$0x0];
	p2 =	por !p3, !p5;
	s11 =	spop (v2sf);
	v14, _, _ =	vpop (xrf0);
	(v2sf) =	vpush v16, $0xF  }
0x143: {  	p2 =	por !p2, !p2;
	s1 =	ssub.s32 $0x800007EF, s30;
	s12 =	spop (v2sf);
	(xrf0) =	vadd.scan.msk.s32 $0xffff, v15;
	v15, _, _ =	vpop (xrf0);
	(v2sf) =	vpush v14, $0xF  }
0x144: {  	s7 =	smov.u32 @p2 s1;
	p6 =	sgt.f32 s3, $0.0e+00;
	s13 =	spop (v2sf);
	v16, _, _ =	vpop (xrf0);
	(v2sf) =	vpush v15, $0xF  }
0x145: {  	s24 =	simm.s32 $0x8000078F;
	s26 =	simm.s32 $0x8000079F;
	p4 =	slt.s32 s7, $0x0;
	(v2sf) =	vpush v16, $0xF  }
0x146: {  	p5 =	por p1, p1;
	p2 =	por p2, p2;
	p3 =	por !p4, !p6  }
0x147: {  	p4 =	por p5, p5;
	p1 =	por !p3, !p3;
	s0 =	ssub.s32 $0x800007DF, s8;
	(xrf0) =	vadd.scan.msk.s32 $0xffff, v18  }
0x148: {  	p2 =	por p2, p2;
	p3 =	por p4, p4;
	s7 =	smov.u32 @p1 s0;
	v14, _, _ =	vpop (xrf0)  }
0x149: {  	p1 =	por p1, p1;
	s0 =	simm.s32 $0x12770;
	p5 =	sgt.f32 s11, $0.0e+00;
	v15 =	vnsel vm0, $0x0, v10;
	v10 =	vnsel vm2, $0x80000010, v3;
	v16, _, _ =	vpop (xrf0)  }
0x14a: {  	p6 =	slt.s32 s7, $0x0;
	s14 =	sadd.s32 $0x0, s12;
	s30 =	spop (v2sf);
	(xrf0) =	vmin.scan.msk.u32 $0xffff, v10;
	v10 =	vperm.xlane v18, v1;
	(v2sf) =	vpush v16, $0xF;
	v18, _, _ =	vpop (xrf0)  }
0x14b: {  	p4 =	por !p6, !p5;
	s25 =	sadd.s32 s22, s13;
	s31 =	spop (v2sf);
	(v2sf) =	vpush v18, $0xF  }
0x14c: {  	p4 =	por !p4, !p4;
	s1 =	ssub.s32 $0x800007CF, s30;
	s3 =	sxor.u32 $0x80000000, s30;
	v17 =	vadd.s32 s25, v14;
	(xrf0) =	vadd.scan.msk.s32 $0xffff, v15  }
0x14d: {  	s7 =	smov.u32 @p4 s1;
	s1 =	simm.s32 $0x8000074F;
	s8 =	ssub.s32 s14, s31;
	v15 =	vld [tilespmem:s0+$0x0];
	vm2 =	vgt.s32 v17, $0x1FFF;
	v17 =	vmov s3;
	v16, _, _ =	vpop (xrf0)  }
.LBB2_4:
0x14e: {  	p5 =	sne.s32 s1, $0x8000000F  }
0x14f: {  	s15 =	smov.u32 @p3 s8;
	s2 =	smov.u32 s16;
	s16 =	smov.u32 s17  }
0x150: {  	s17 =	smov.u32 s18;
	s18 =	smov.u32 s22;
	p3 =	por p2, p2  }
0x151: {  	(xrf0) =	vadd.scan.msk.s32 $0xffff, v10;
	(v2sf) =	vpush v16, $0xF;
	v16 =	vsel vm2, $0x3F800000, v2;
	v18, _, _ =	vpop (xrf0);
	vm0 =	veq.s32 v17, v0;
	p2 =	por p1, p1;
	p1 =	por p4, p4;
	s22 =	smov.u32 s25  }
0x152: {  	s3 =	smov.u32 s29;
	s29 =	smov.u32 s28;
	s28 =	smov.u32 s26;
	(xrf0) =	vmax.scan.msk.f32 $0xffff, v16;
	(v2sf) =	vpush v18, $0xF;
	v18 =	vnsel vm0, $0x0, v13;
	v16 =	vnsel vm0, $0x0, v9;
	v17, _, _ =	vpop (xrf0)  }
0x153: {  	s26 =	smov.u32 s24;
	s24 =	smov.u32 s23;
	s23 =	smov.u32 s19;
	v13 =	vmovc v11;
	v11 =	vmov v12;
	v12 =	vmov v14;
	v9 =	vmov v6;
	(xrf0) =	vadd.scan.msk.s32 $0xffff, v18  }
0x154: {  	s19 =	smov.u32 s20;
	s20 =	smov.u32 s1;
	v14 =	vnsel vm2, $0x80000010, v3;
	v6 =	vmovc v7;
	v7 =	vmov v8;
	(xrf0) =	vadd.scan.msk.s32 $0xffff, v15;
	s4 =	spop (v2sf);
	(v2sf) =	vpush v17, $0xF  }
0x155: {  	p6 =	slt.s32 s7, $0x0;
	v8 =	vmov v10;
	(xrf0) =	vmin.scan.msk.u32 $0xffff, v14;
	p4 =	sgt.f32 s4, $0.0e+00;
	s4 =	spop (v2sf)  }
.Ltmp1:
0x156: {  	s5 =	spop (v2sf);
	(xrf0) =	vadd.scan.msk.s32 $0xffff, v16;
	s4 =	sadd.s32 s21, s4;
	(pc) =	sbr.rel @p5 .LBB2_4-.Ltmp1, $4  }
0x157: {  	s0 =	sadd.s32 $0xFFFFFFF0, s0;
	v14, _, _ =	vpop (xrf0);
	p4 =	por !p6, !p4;
	s6 =	spop (v2sf)  }
0x158: {  	s25 =	sadd.s32 s25, s5;
	v16, _, _ =	vpop (xrf0);
	p4 =	por !p4, !p4;
	s3 =	ssub.s32 s3, s6  }
0x159: {  	v10 =	vperm.xlane v15, v1;
	v17 =	vadd.s32 s25, v14;
	s5 =	sxor.u32 $0x80000000, s6;
	v15 =	vld [tilespmem:s0+$0x0];
	(v2sf) =	vpush v16, $0xF;
	s7 =	smov.u32 @p4 s3;
	v18, _, _ =	vpop (xrf0);
	s3 =	spop (v2sf)  }
0x15a: {  	s1 =	sadd.s32 $0xFFFFFFF0, s1;
	s21 =	smov.u32 s2;
	vm2 =	vgt.s32 v17, $0x1FFF;
	v17 =	vmov s5;
	v16, _, _ =	vpop (xrf0);
	(v2sf) =	vpush v18, $0xF;
	s8 =	ssub.s32 s4, s3  }
0x15b: {  	(xrf0) =	vadd.scan.msk.s32 $0xffff, v10;
	_ =	sdelay $0x2  }
0x15c: {  	v18 =	vsel vm2, $0x3F800000, v2;
	vm0 =	veq.s32 v17, v0;
	s30 =	spop (v2sf)  }
0x15d: {  	v55, _, _ =	vpop (xrf0);
	(xrf0) =	vmax.scan.msk.f32 $0xffff, v18;
	v13 =	vnsel vm0, $0x0, v13;
	s6 =	spop (v2sf)  }
0x15e: {  	(v2sf) =	vpush v16, $0xF;
	v56, _, _ =	vpop (xrf0);
	(xrf0) =	vadd.scan.msk.s32 $0xffff, v13;
	s1 =	spop (v2sf)  }
0x15f: {  	v57 =	vnsel vm2, $0x80000010, v3;
	(v2sf) =	vpush v55, $0xF;
	(xrf0) =	vadd.scan.msk.s32 $0xffff, v15;
	v58, _, _ =	vpop (xrf0);
	s4 =	sadd.s32 s25, s1  }
0x160: {  	s0 =	sadd.s32 $0xFFFFFFF0, s0;
	v59 =	vnsel vm0, $0x0, v9;
	v61 =	vperm.xlane v15, v1;
	s2 =	spop (v2sf);
	(xrf0) =	vmin.scan.msk.u32 $0xffff, v57;
	v62 =	vadd.s32 s4, v58  }
0x161: {  	v60 =	vld [tilespmem:s0+$0x0];
	s5 =	sxor.u32 $0x80000000, s2;
	(xrf0) =	vadd.scan.msk.s32 $0xffff, v59;
	vm1 =	vgt.s32 v62, $0x1FFF  }
0x162: {  	v63 =	vmov s5;
	(xrf0) =	vadd.scan.msk.s32 $0xffff, v61;
	v21 =	vsel vm1, $0x3F800000, v2  }
0x163: {  	v22, _, _ =	vpop (xrf0);
	vm6 =	veq.s32 v63, v0;
	(xrf0) =	vmax.scan.msk.f32 $0xffff, v21  }
0x164: {  	(v2sf) =	vpush v56, $0xF;
	v23, _, _ =	vpop (xrf0);
	v11 =	vnsel vm6, $0x0, v11  }
0x165: {  	(v2sf) =	vpush v22, $0xF;
	v24, _, _ =	vpop (xrf0);
	(xrf0) =	vadd.scan.msk.s32 $0xffff, v11  }
0x166: {  	v25 =	vnsel vm1, $0x80000010, v3;
	(v2sf) =	vpush v23, $0xF;
	(xrf0) =	vadd.scan.msk.s32 $0xffff, v60;
	v26, _, _ =	vpop (xrf0)  }
0x167: {  	(v2sf) =	vpush v24, $0xF;
	(xrf0) =	vmin.scan.msk.u32 $0xffff, v25;
	v27, _, _ =	vpop (xrf0)  }
0x168: {  	(v2sf) =	vpush v26, $0xF;
	v28, _, _ =	vpop (xrf0)  }
0x169: {  	(v2sf) =	vpush v27, $0xF;
	v29, _, _ =	vpop (xrf0)  }
0x16a: {  	s14 =	spop (v2sf);
	(v2sf) =	vpush v29, $0xF  }
0x16b: {  	s11 =	spop (v2sf);
	v30, _, _ =	vpop (xrf0)  }
0x16c: {  	s9 =	spop (v2sf);
	v31, _, _ =	vpop (xrf0);
	(v2sf) =	vpush v30, $0xF  }
0x16d: {  	s12 =	spop (v2sf);
	(v2sf) =	vpush v31, $0xF;
	v32, _, _ =	vpop (xrf0)  }
0x16e: {  	s3 =	sadd.s32 $0xFFFFFFF0, s0;
	s0 =	spop (v2sf);
	s31 =	sadd.s32 s4, s12;
	(v2sf) =	vpush v32, $0xF  }
0x16f: {  	v34 =	vld [tilespmem:s3+$0x0];
	v33 =	vnsel vm6, $0x0, v6;
	v6 =	vperm.xlane v60, v1;
	v35 =	vadd.s32 s31, v28;
	s13 =	sxor.u32 $0x80000000, s0  }
0x170: {  	(xrf0) =	vadd.scan.msk.s32 $0xffff, v33;
	vm7 =	vgt.s32 v35, $0x1FFF;
	v36 =	vmov s13  }
0x171: {  	(xrf0) =	vadd.scan.msk.s32 $0xffff, v6;
	v37 =	vsel vm7, $0x3F800000, v2;
	vm8 =	veq.s32 v36, v0  }
0x172: {  	(xrf0) =	vmax.scan.msk.f32 $0xffff, v37;
	v12 =	vnsel vm8, $0x0, v12  }
0x173: {  	s12 =	spop (v2sf);
	(xrf0) =	vadd.scan.msk.s32 $0xffff, v12  }
0x174: {  	[dreg:$0x10] =	wrdreg s9;
	v38 =	vnsel vm7, $0x80000010, v3;
	(xrf0) =	vadd.scan.msk.s32 $0xffff, v34;
	s9 =	spop (v2sf)  }
0x175: {  	v13 =	vnsel vm8, $0x0, v7;
	v7 =	vperm.xlane v34, v1;
	(xrf0) =	vmin.scan.msk.u32 $0xffff, v38;
	s3 =	spop (v2sf)  }
0x176: {  	v39, _, _ =	vpop (xrf0);
	(xrf0) =	vadd.scan.msk.s32 $0xffff, v13;
	s1 =	spop (v2sf)  }
0x177: {  	v40, _, _ =	vpop (xrf0);
	(xrf0) =	vadd.scan.msk.s32 $0xffff, v7;
	s13 =	spop (v2sf)  }
0x178: {  	[dreg:$0xc] =	wrdreg s4;
	v15, _, _ =	vpop (xrf0);
	s4 =	spop (v2sf)  }
0x179: {  	v41, _, _ =	vpop (xrf0);
	[dreg:$0xf] =	wrdreg s4;
	s4 =	sadd.s32 s31, s1;
	s5 =	spop (v2sf)  }
0x17a: {  	v19, _, _ =	vpop (xrf0);
	v42 =	vadd.s32 s4, v40;
	[dreg:$0x11] =	wrdreg s5;
	s5 =	sxor.u32 $0x80000000, s13  }
0x17b: {  	[dreg:$0x12] =	wrdreg s3;
	v43, _, _ =	vpop (xrf0);
	vm9 =	vgt.s32 v42, $0x1FFF;
	s3 =	spop (v2sf);
	v20 =	vmov s5  }
0x17c: {  	v44, _, _ =	vpop (xrf0);
	v21 =	vsel vm9, $0x3F800000, v2;
	[dreg:$0xe] =	wrdreg s3;
	s3 =	spop (v2sf);
	vm10 =	veq.s32 v20, v0  }
0x17d: {  	(v2sf) =	vpush v39, $0xF;
	v45, _, _ =	vpop (xrf0);
	(xrf0) =	vmax.scan.msk.f32 $0xffff, v21;
	s5 =	spop (v2sf);
	s3 =	sadd.s32 s4, s3;
	v14 =	vnsel vm10, $0x0, v14  }
0x17e: {  	(v2sf) =	vpush v15, $0xF;
	v46 =	vnsel vm9, $0x80000010, v3;
	s1 =	sxor.u32 $0x80000000, s5;
	v47 =	vadd.s32 s3, v45;
	(xrf0) =	vadd.scan.msk.s32 $0xffff, v14  }
0x17f: {  	v8 =	vnsel vm10, $0x0, v8;
	v22 =	vmov s1;
	vm11 =	vgt.s32 v47, $0x1FFF;
	(xrf0) =	vmin.scan.msk.u32 $0xffff, v46  }
0x180: {  	(v2sf) =	vpush v41, $0xF;
	v48 =	vsel vm11, $0x3F800000, v2;
	vm12 =	veq.s32 v22, v0;
	(xrf0) =	vadd.scan.msk.s32 $0xffff, v8  }
0x181: {  	(v2sf) =	vpush v19, $0xF;
	v49 =	vnsel vm12, $0x0, v58;
	(xrf0) =	vmax.scan.msk.f32 $0xffff, v48  }
0x182: {  	(v2sf) =	vpush v43, $0xF;
	v50 =	vnsel vm11, $0x80000010, v3;
	(xrf0) =	vadd.scan.msk.s32 $0xffff, v49  }
0x183: {  	(v2sf) =	vpush v44, $0xF;
	v51, _, _ =	vpop (xrf0);
	(xrf0) =	vmin.scan.msk.u32 $0xffff, v50  }
0x184: {  	(v2sf) =	vpush v51, $0xF;
	v52, _, _ =	vpop (xrf0)  }
0x185: {  	(v2sf) =	vpush v52, $0xF;
	v53, _, _ =	vpop (xrf0)  }
0x186: {  	(v2sf) =	vpush v53, $0xF;
	v54, _, _ =	vpop (xrf0)  }
0x187: {  	(v2sf) =	vpush v54, $0xF;
	v55, _, _ =	vpop (xrf0)  }
0x188: {  	(v2sf) =	vpush v55, $0xF;
	v56, _, _ =	vpop (xrf0)  }
0x189: {  	(v2sf) =	vpush v56, $0xF;
	v57, _, _ =	vpop (xrf0)  }
0x18a: {  	(v2sf) =	vpush v57, $0xF  }
0x18b: {  	s15 =	smov.u32 @p3 s8  }
0x18c: {  	p6 =	slt.s32 s7, $0x0;
	p2 =	por p2, p2;
	p1 =	por p1, p1  }
0x18d: {  	p4 =	por p4, p4;
	[dreg:$0xd] =	wrdreg s3;
	s3 =	spop (v2sf)  }
0x18e: {  	p5 =	sgt.f32 s30, $0.0e+00;
	p1 =	por p1, p1;
	s1 =	spop (v2sf)  }
0x18f: {  	p4 =	por p4, p4;
	s21 =	sadd.s32 s21, s6;
	s8 =	spop (v2sf)  }
0x190: {  	p4 =	por p4, p4;
	p3 =	por !p6, !p5;
	s30 =	spop (v2sf)  }
0x191: {  	p3 =	por !p3, !p3;
	s2 =	ssub.s32 s29, s2;
	s6 =	spop (v2sf)  }
0x192: {  	s7 =	smov.u32 @p3 s2;
	p5 =	sgt.f32 s11, $0.0e+00;
	s29 =	spop (v2sf)  }
0x193: {  	s2 =	ssub.s32 s21, s14;
	p6 =	slt.s32 s7, $0x0;
	v58 =	vnsel vm12, $0x0, v10;
	s14 =	spop (v2sf)  }
0x194: {  	s15 =	smov.u32 @p2 s2;
	p2 =	por !p6, !p5;
	(xrf0) =	vadd.scan.msk.s32 $0xffff, v58;
	s30 =	spop (v2sf)  }
0x195: {  	s11 =	rddreg [dreg:$0x10];
	s2 =	ssub.s32 s28, s0;
	s0 =	spop (v2sf)  }
0x196: {  	p2 =	por !p2, !p2;
	s28 =	sxor.u32 $0x80000000, s6;
	s21 =	spop (v2sf)  }
0x197: {  	s16 =	sadd.s32 s16, s11;
	s7 =	smov.u32 @p2 s2;
	v59 =	vmov s28;
	s28 =	spop (v2sf)  }
0x198: {  	s16 =	ssub.s32 s16, s12;
	vm13 =	veq.s32 v59, v0;
	s12 =	sxor.u32 $0x80000000, s0;
	s11 =	spop (v2sf)  }
0x199: {  	p2 =	por p2, p2;
	p5 =	sgt.f32 s9, $0.0e+00;
	v10 =	vnsel vm13, $0x0, v28;
	v60 =	vmov s12;
	s2 =	spop (v2sf)  }
0x19a: {  	p6 =	slt.s32 s7, $0x0;
	p2 =	por p2, p2;
	v9 =	vnsel vm13, $0x0, v61;
	v63, _, _ =	vpop (xrf0);
	(xrf0) =	vadd.scan.msk.s32 $0xffff, v10;
	vm14 =	veq.s32 v60, v0;
	s9 =	sxor.u32 $0x80000000, s2  }
0x19b: {  	p2 =	por p2, p2;
	s15 =	smov.u32 @p1 s16;
	p6 =	por !p6, !p5;
	(v2sf) =	vpush v63, $0xF;
	(xrf0) =	vadd.scan.msk.s32 $0xffff, v9;
	v62 =	vnsel vm14, $0x0, v40;
	v61 =	vmov s9  }
0x19c: {  	s16 =	rddreg [dreg:$0x12];
	p1 =	por !p6, !p6;
	s5 =	ssub.s32 s24, s5;
	v6 =	vnsel vm14, $0x0, v6;
	(xrf0) =	vadd.scan.msk.s32 $0xffff, v62;
	vm15 =	veq.s32 v61, v0  }
0x19d: {  	s0 =	ssub.s32 s19, s0;
	s12 =	sadd.s32 s17, s16;
	s16 =	rddreg [dreg:$0xe];
	(xrf0) =	vadd.scan.msk.s32 $0xffff, v6;
	v6 =	vnsel vm15, $0x0, v45  }
0x19e: {  	s17 =	sadd.s32 s22, s8;
	s9 =	ssub.s32 s26, s13;
	s26 =	rddreg [dreg:$0x11];
	v7 =	vnsel vm15, $0x0, v7;
	(xrf0) =	vadd.scan.msk.s32 $0xffff, v6  }
0x19f: {  	s13 =	rddreg [dreg:$0xf];
	s7 =	smov.u32 @p1 s9;
	p5 =	sgt.f32 s26, $0.0e+00;
	(xrf0) =	vadd.scan.msk.s32 $0xffff, v7  }
0x1a0: {  	s22 =	rddreg [dreg:$0xc];
	s9 =	ssub.s32 s12, s13;
	p6 =	slt.s32 s7, $0x0;
	v6, _, _ =	vpop (xrf0)  }
0x1a1: {  	s15 =	smov.u32 @p4 s9;
	s9 =	sadd.s32 s18, s16;
	p5 =	por !p6, !p5;
	(v2sf) =	vpush v6, $0xF;
	v6, _, _ =	vpop (xrf0)  }
0x1a2: {  	p6 =	por p3, p3;
	s3 =	ssub.s32 s9, s3;
	p3 =	por !p5, !p5;
	(v2sf) =	vpush v6, $0xF;
	v6, _, _ =	vpop (xrf0)  }
0x1a3: {  	p6 =	por p6, p6;
	p5 =	sgt.f32 s1, $0.0e+00;
	s7 =	smov.u32 @p3 s5;
	(v2sf) =	vpush v6, $0xF;
	v6, _, _ =	vpop (xrf0)  }
0x1a4: {  	s1 =	ssub.s32 s17, s29;
	p4 =	por p6, p6;
	p6 =	slt.s32 s7, $0x0;
	(v2sf) =	vpush v6, $0xF;
	v6, _, _ =	vpop (xrf0)  }
0x1a5: {  	p3 =	por p3, p3;
	s15 =	smov.u32 @p4 s3;
	p4 =	por !p6, !p5;
	(v2sf) =	vpush v6, $0xF;
	v6, _, _ =	vpop (xrf0)  }
0x1a6: {  	s3 =	ssub.s32 s23, s6;
	p6 =	por p1, p1;
	p1 =	por !p4, !p4;
	(v2sf) =	vpush v6, $0xF  }
0x1a7: {  	p5 =	sgt.f32 s14, $0.0e+00;
	p6 =	por p6, p6;
	s7 =	smov.u32 @p1 s3  }
0x1a8: {  	s15 =	smov.u32 @p2 s1;
	p2 =	por p6, p6;
	p6 =	slt.s32 s7, $0x0  }
0x1a9: {  	s18 =	sadd.s32 s25, s30;
	p3 =	por p3, p3;
	p4 =	por !p6, !p5  }
0x1aa: {  	s23 =	spop (v2sf);
	s1 =	ssub.s32 s18, s21;
	p4 =	por !p4, !p4  }
0x1ab: {  	p1 =	por p1, p1;
	s7 =	smov.u32 @p4 s0;
	s0 =	sadd.s32 s22, s11  }
0x1ac: {  	s15 =	smov.u32 @p2 s1;
	p2 =	por p3, p3;
	s0 =	ssub.s32 s0, s23  }
0x1ad: {  	p5 =	sgt.f32 s28, $0.0e+00;
	s15 =	smov.u32 @p2 s0;
	s0 =	simm.s32 $0x12840  }
0x1ae: {  	p3 =	por p1, p1;
	p4 =	por p4, p4;
	p6 =	slt.s32 s7, $0x0;
	[tilespmem:s0+$0xFFFFFFC0] =	vst v4  }
0x1af: {  	s1 =	ssub.s32 s20, s2;
	p4 =	por p4, p4;
	p1 =	por !p6, !p5;
	[tilespmem:s0+$0x30] =	vst v4  }
0x1b0: {  	p2 =	por p3, p3;
	p1 =	por !p1, !p1;
	[tilespmem:s0+$0x20] =	vst v4;
	s24 =	spop (v2sf)  }
0x1b1: {  	[tilespmem:s0+$0x10] =	vst v4;
	p5 =	por p1, p1;
	s2 =	sadd.s32 s31, s24;
	s25 =	spop (v2sf)  }
0x1b2: {  	s30 =	rddreg [dreg:$0xd];
	s2 =	ssub.s32 s2, s25;
	s26 =	spop (v2sf)  }
0x1b3: {  	p6 =	por p5, p5;
	s15 =	smov.u32 @p2 s2;
	s28 =	spop (v2sf)  }
0x1b4: {  	p2 =	por p4, p4;
	s3 =	sadd.s32 s4, s26;
	s29 =	spop (v2sf)  }
0x1b5: {  	[tilespmem:s0+$0x0] =	vst v4;
	s2 =	ssub.s32 s3, s28;
	s3 =	sadd.s32 s30, s29;
	s31 =	spop (v2sf)  }
0x1b6: {  	[tilespmem:s0+$0xFFFFFFF0] =	vst v4;
	s15 =	smov.u32 @p2 s2;
	p2 =	por p6, p6;
	s2 =	ssub.s32 s3, s31  }
0x1b7: {  	s7 =	smov.u32 @p1 s1;
	s1 =	simm.s32 $0x0;
	[tilespmem:s0+$0xFFFFFFE0] =	vst v4;
	s15 =	smov.u32 @p2 s2  }
.LBB2_6:
0x1b8: {  	s1 =	sadd.s32 $0x8, s1;
	[tilespmem:s0+$0xFFFFFFD0] =	vst v4;
	s0 =	sadd.s32 $0x80, s0  }
0x1b9: {  	[tilespmem:s0+$0xFFFFFFC0] =	vst v4;
	p1 =	slt.u32 s1, $0x38  }
0x1ba: {  	[tilespmem:s0+$0x30] =	vst v4  }
.Ltmp2:
0x1bb: {  	[tilespmem:s0+$0x20] =	vst v4;
	(pc) =	sbr.rel @p1 .LBB2_6-.Ltmp2, $4  }
0x1bc: {  	[tilespmem:s0+$0x10] =	vst v4  }
0x1bd: {  	[tilespmem:s0+$0x0] =	vst v4  }
0x1be: {  	[tilespmem:s0+$0xFFFFFFF0] =	vst v4  }
0x1bf: {  	[tilespmem:s0+$0xFFFFFFE0] =	vst v4  }
0x1c0: {  	[tilespmem:s0+$0xFFFFFFD0] =	vst v4;
	s0 =	simm.s32 $0x0  }
0x1c1: {  	v6 =	vmov s7;
	s7 =	simm.s32 $0x0;
	s3 =	simm.s32 $0x1;
	s5 =	rddreg [dreg:$0x8]  }
.LBB2_8:
0x1c2: {  	s1 =	sshll.u32 s0, $0xA  }
0x1c3: {  	s1 =	sadd.s32 s1, s5  }
0x1c4: {  	[tilespmem:s7], [sflag:$0x1] =	stream.linear.gather [hbm4b:s1+s7], $0x2000, $0x38;
	[tilespmem:$0x12C80] =	vst v63  }
0x1c5: {  	_ =	swait.ge [sflag:s3], $0x2000  }
0x1c6: {  	[sflag:s3] =	ssyncset.done $0x0  }
0x1c7: {  	s31 =	simm.s32 $0x40;
	[sflag:s3] =	ssyncadd.s32 $0xFFFFE000  }
0x1c8: {  	v7 =	vld [tilespmem:s31+$0x30]  }
0x1c9: {  	v8 =	vld [tilespmem:s31+$0xFFFFFFD0]  }
0x1ca: {  	v9 =	vld [tilespmem:s31+$0xFFFFFFE0]  }
0x1cb: {  	v10 =	vld [tilespmem:s31+$0xFFFFFFF0]  }
0x1cc: {  	v11 =	vld [tilespmem:s31+$0x0]  }
0x1cd: {  	v12 =	vld [tilespmem:s31+$0x10]  }
0x1ce: {  	v13 =	vld [tilespmem:s31+$0x20]  }
0x1cf: {  	v14 =	vld [tilespmem:s31+$0xFFFFFFC0];
	_ =	sdelay $0x2  }
0x1d0: {  	vm0 =	vgt.s32 v7, $0x0;
	vm2 =	vgt.s32 v8, $0x0;
	vm3 =	vgt.s32 v9, $0x0  }
0x1d1: {  	vm4 =	vgt.s32 v10, $0x0;
	vm5 =	vgt.s32 v11, $0x0;
	vm6 =	vgt.s32 v12, $0x0  }
0x1d2: {  	vm7 =	vgt.s32 v13, $0x0;
	vm8 =	vgt.s32 v14, $0x0;
	v7 =	vnsel vm0, $0x0, v7  }
0x1d3: {  	v15 =	vnsel vm2, $0x0, v8;
	v16 =	vnsel vm3, $0x0, v9;
	v17 =	vnsel vm4, $0x0, v10  }
0x1d4: {  	v9 =	vnsel vm7, $0x0, v13;
	v8 =	vshrl.u32 v7, $0x14;
	v7 =	vshrl.u32 v7, $0xA  }
0x1d5: {  	v10 =	vshrl.u32 v15, $0x14;
	v13 =	vshrl.u32 v17, $0x14;
	vm1 =	veq.s32 v8, v6  }
0x1d6: {  	v18 =	vand.u32 $0x3FF, v7;
	v8 =	vnsel vm5, $0x0, v11;
	vm0 =	vmand vm0, vm1  }
0x1d7: {  	v7 =	vnsel vm6, $0x0, v12;
	v11 =	vnsel vm8, $0x0, v14;
	v12 =	vshrl.u32 v16, $0x14  }
0x1d8: {  	vm13 =	veq.s32 v10, v6;
	vm14 =	veq.s32 v13, v6;
	v13 =	vshrl.u32 v15, $0xA  }
0x1d9: {  	v14 =	vshrl.u32 v11, $0x14;
	v19 =	vshrl.u32 v8, $0x14;
	v20 =	vshrl.u32 v7, $0x14  }
0x1da: {  	vm15 =	veq.s32 v12, v6;
	v10 =	vshrl.u32 v11, $0xA;
	v12 =	vshrl.u32 v16, $0xA  }
0x1db: {  	vm11 =	veq.s32 v14, v6;
	v14 =	vshrl.u32 v9, $0x14;
	vm9 =	veq.s32 v19, v6  }
0x1dc: {  	s2 =	simm.s32 $0xC0;
	s1 =	simm.s32 $0x0;
	v11 =	vshrl.u32 v17, $0xA;
	vm12 =	veq.s32 v20, v6;
	vm10 =	veq.s32 v14, v6;
	[tilespmem:v18+s10+$0x0] =	vst.idx.add.s32.msk vm0, v5  }
.LBB2_9:
0x1dd: {  	v14 =	vld [tilespmem:s2+$0x30];
	s1 =	sadd.s32 $0x8, s1;
	v8 =	vshrl.u32 v8, $0xA;
	v7 =	vshrl.u32 v7, $0xA;
	v9 =	vshrl.u32 v9, $0xA  }
0x1de: {  	vm1 =	vmand vm8, vm11;
	vm0 =	vmand vm2, vm13;
	vm13 =	vmand vm3, vm15;
	v15 =	vld [tilespmem:s2+$0xFFFFFFD0];
	p1 =	slt.u32 s1, $0x1F8  }
0x1df: {  	vm8 =	vmand vm4, vm14;
	vm11 =	vmand vm5, vm9;
	vm9 =	vmand vm6, vm12;
	v16 =	vld [tilespmem:s2+$0xFFFFFFE0]  }
0x1e0: {  	v10 =	vand.u32 $0x3FF, v10;
	v13 =	vand.u32 $0x3FF, v13;
	vm10 =	vmand vm7, vm10;
	v17 =	vld [tilespmem:s2+$0xFFFFFFF0]  }
0x1e1: {  	v12 =	vand.u32 $0x3FF, v12;
	v11 =	vand.u32 $0x3FF, v11;
	v19 =	vand.u32 $0x3FF, v8;
	v18 =	vld [tilespmem:s2+$0x0]  }
0x1e2: {  	v21 =	vand.u32 $0x3FF, v7;
	v22 =	vand.u32 $0x3FF, v9;
	v20 =	vld [tilespmem:s2+$0x10];
	vm6 =	vgt.s32 v14, $0x0  }
0x1e3: {  	vm2 =	vgt.s32 v15, $0x0;
	v9 =	vld [tilespmem:s2+$0x20];
	v7 =	vnsel vm6, $0x0, v14  }
0x1e4: {  	v14 =	vld [tilespmem:s2+$0xFFFFFFC0];
	v15 =	vnsel vm2, $0x0, v15;
	vm3 =	vgt.s32 v16, $0x0;
	v8 =	vshrl.u32 v7, $0x14  }
0x1e5: {  	v16 =	vnsel vm3, $0x0, v16;
	vm4 =	vgt.s32 v17, $0x0;
	vm7 =	veq.s32 v8, v6;
	[tilespmem:v10+s10+$0x0] =	vst.idx.add.s32.msk vm1, v5  }
0x1e6: {  	v7 =	vshrl.u32 v7, $0xA;
	vm5 =	vgt.s32 v18, $0x0;
	vm1 =	vmand vm6, vm7;
	[tilespmem:v13+s10+$0x0] =	vst.idx.add.s32.msk vm0, v5  }
0x1e7: {  	v10 =	vand.u32 $0x3FF, v7;
	v17 =	vnsel vm4, $0x0, v17;
	vm6 =	vgt.s32 v20, $0x0;
	[tilespmem:v12+s10+$0x0] =	vst.idx.add.s32.msk vm13, v5  }
0x1e8: {  	v8 =	vnsel vm5, $0x0, v18;
	v7 =	vnsel vm6, $0x0, v20;
	vm7 =	vgt.s32 v9, $0x0;
	[tilespmem:v11+s10+$0x0] =	vst.idx.add.s32.msk vm8, v5  }
0x1e9: {  	v11 =	vshrl.u32 v15, $0x14;
	vm8 =	vgt.s32 v14, $0x0;
	v9 =	vnsel vm7, $0x0, v9;
	[tilespmem:v19+s10+$0x0] =	vst.idx.add.s32.msk vm11, v5  }
0x1ea: {  	v13 =	vshrl.u32 v16, $0x14;
	v12 =	vnsel vm8, $0x0, v14;
	v14 =	vshrl.u32 v17, $0x14;
	[tilespmem:v21+s10+$0x0] =	vst.idx.add.s32.msk vm9, v5  }
.Ltmp3:
0x1eb: {  	v19 =	vshrl.u32 v8, $0x14;
	v20 =	vshrl.u32 v7, $0x14;
	v18 =	vshrl.u32 v12, $0x14;
	[tilespmem:v22+s10+$0x0] =	vst.idx.add.s32.msk vm10, v5;
	(pc) =	sbr.rel @p1 .LBB2_9-.Ltmp3, $4  }
0x1ec: {  	vm13 =	veq.s32 v11, v6;
	v11 =	vshrl.u32 v9, $0x14;
	vm11 =	veq.s32 v18, v6;
	[tilespmem:v10+s10+$0x0] =	vst.idx.add.s32.msk vm1, v5  }
0x1ed: {  	vm15 =	veq.s32 v13, v6;
	vm9 =	veq.s32 v19, v6;
	vm14 =	veq.s32 v14, v6  }
0x1ee: {  	vm12 =	veq.s32 v20, v6;
	vm10 =	veq.s32 v11, v6;
	v10 =	vshrl.u32 v12, $0xA  }
0x1ef: {  	s2 =	sadd.s32 $0x80, s2;
	v13 =	vshrl.u32 v15, $0xA;
	v11 =	vshrl.u32 v17, $0xA;
	v12 =	vshrl.u32 v16, $0xA  }
0x1f0: {  	vm0 =	vmand vm8, vm11  }
0x1f1: {  	vm1 =	vmand vm2, vm13;
	v10 =	vand.u32 $0x3FF, v10  }
0x1f2: {  	vm2 =	vmand vm3, vm15;
	v13 =	vand.u32 $0x3FF, v13  }
0x1f3: {  	vm11 =	vmand vm4, vm14;
	v12 =	vand.u32 $0x3FF, v12  }
0x1f4: {  	v8 =	vshrl.u32 v8, $0xA;
	vm13 =	vmand vm5, vm9;
	v11 =	vand.u32 $0x3FF, v11  }
0x1f5: {  	v7 =	vshrl.u32 v7, $0xA;
	vm14 =	vmand vm6, vm12;
	v8 =	vand.u32 $0x3FF, v8  }
0x1f6: {  	v9 =	vshrl.u32 v9, $0xA;
	vm15 =	vmand vm7, vm10;
	s0 =	sadd.s32 $0x1, s0;
	v7 =	vand.u32 $0x3FF, v7;
	[tilespmem:v10+s10+$0x0] =	vst.idx.add.s32.msk vm0, v5  }
0x1f7: {  	v9 =	vand.u32 $0x3FF, v9;
	p1 =	sne.s32 s0, $0x10;
	[tilespmem:v13+s10+$0x0] =	vst.idx.add.s32.msk vm1, v5  }
.Ltmp4:
0x1f8: {  	[tilespmem:v12+s10+$0x0] =	vst.idx.add.s32.msk vm2, v5;
	(pc) =	sbr.rel @p1 .LBB2_8-.Ltmp4, $4  }
0x1f9: {  	[tilespmem:v11+s10+$0x0] =	vst.idx.add.s32.msk vm11, v5  }
0x1fa: {  	[tilespmem:v8+s10+$0x0] =	vst.idx.add.s32.msk vm13, v5  }
0x1fb: {  	[tilespmem:v7+s10+$0x0] =	vst.idx.add.s32.msk vm14, v5  }
0x1fc: {  	[tilespmem:v9+s10+$0x0] =	vst.idx.add.s32.msk vm15, v5  }
0x1fd: {  	s0 =	rddreg [dreg:$0x9];
	s1 =	simm.s32 $0x80;
	s2 =	simm.s32 $0x400  }
0x1fe: {  	[hbm4b:s0+s1] =	stream.strided.scatter [tilespmem:s10], [sflag:$0x1], $0x400, s2, s1, $0x38;
	[tilespmem:$0x12C80] =	vst v63  }
0x1ff: {  	vm0 =	vcmask $0x300;
	_ =	swait.ge [sflag:s3], $0x400  }
0x200: {  	vm15 =	vcmask $0x704;
	v6 =	vnsel vm0, $0x0, v6;
	[sflag:s3] =	ssyncset.done $0x0  }
0x201: {  	v6 =	vsel vm15, s15, v6;
	[sflag:s3] =	ssyncadd.s32 $0xFFFFFC00  }
0x202: {  	s0 =	simm.s32 @!p0 $0x0;
	s1 =	simm.s32 @!p0 $0x12C00;
	s2 =	rddreg [dreg:$0x7];
	[tilespmem:$0x12C00] =	vst v6  }
0x203: {  	[hbm4b:s2+s0] =	stream.linear.scatter @!p0 [tilespmem:s1], [sflag:$0x1], $0x80, $0x38;
	[tilespmem:$0x12C80] =	vst v63  }
0x204: {  	s0 =	simm.s32 @!p0 $0x1  }
0x205: {  	_ =	swait.ge @!p0 [sflag:s0], $0x80  }
0x206: {  	s30 =	rddreg [dreg:$0xb]  }
0x207: {  	s31 =	rddreg [dreg:$0xa];
	s2 =	sadd.s32 $0x1, s30  }
0x208: {  	p1 =	sne.s32 s2, s31  }
.Ltmp5:
0x209: {  	_ = 	snop;
	(pc) =	sbr.rel @p1 .LBB2_1-.Ltmp5, $3  }
0x20a: {  	_ =	sdelay $0x1  }
0x20b: {  	[sflag:s0] =	ssyncset.done @!p0 $0x0  }
0x20c: {  	[sflag:s0] =	ssyncadd.s32 @!p0 $0xFFFFFF80  }
0x20d: {  	_ =	sfence.sel $0x180000  }
0x20e: {  	[bflag:$0x0] =	sbarrier.arrive $0xFFFF  }
0x20f: {  	_ =	strace $0x9000004A  }
0x210: {  	s0 =	stileid.u32;
	[bflag:$0x2] =	sbarrier.arrive $0xFFFF  }
0x211: {  	p0 =	sne.s32 s0, $0x0;
	s0 =	rddreg [dreg:$0x2]  }
0x212: {  	s0 =	sadd.s32 @!p0 $0x100000, s0  }
0x213: {  	[sflag:s0] =	ssyncadd.tile.s32 @!p0 $0x1;
	_ =	shalt  }
.Lfunc_end2:
_tile_overlayer_lowered:
.L_overlay_start_2:
0x214: {  	(tag) =	ssettag $0x2  }
0x215: {  	s0 =	rddreg [dreg:$0x0];
	s2 =	stileid.u32  }
0x216: {  	s1 =	rddreg [dreg:$0x1];
	p0 =	sne.s32 s2, $0x0  }
0x217: {  	s3 =	rddreg [dreg:$0x2];
	[bflag:$0x3] =	sbarrier.arrive $0xFFFF;
	s2 =	simm.s32 @!p0 $0x1C01  }
0x218: {  	[timem:s3], [sflag:s2] =	dma.local @!p0 [hbm:s0], s1  }
0x219: {  	s0 =	simm.s32 @!p0 $0x1  }
0x21a: {  	_ =	swait.ge @!p0 [sflag:s0], s1  }
0x21b: {  	s1 =	ssub.s32 @!p0 $0x0, s1;
	[sflag:s0] =	ssyncset.done @!p0 $0x0  }
0x21c: {  	[sflag:s0] =	ssyncadd.s32 @!p0 s1  }
0x21d: {  	[bflag:$0x3] =	sbarrier.arrive $0xFFFF  }
0x21e: {  	_ =	shalt  }

</sc_bundles>
